<compile_context>
chip_gen: v7x
topology: tpu7x:2x2x1
jax: 0.10.2.dev20260603
libtpu: 0.0.44.dev20260713+nightly
codegen_flags: <defaults>
</compile_context>

<pallas_src>
import jax
import jax.numpy as jnp
from jax import lax
from jax.experimental import pallas as pl
from jax.experimental.pallas import tpu as pltpu
from jax.experimental.pallas import tpu_sc as plsc

_NUM_ENT = 1000000
_NUM_REL = 1000
_EMB = 64
_B = 16384
_MARGIN = 1.0
_C_REG = 1.0
_EPS2 = 1e-6

_NC, _NS = 2, 16
_NW = _NC * _NS
_PER_W = _B // _NW
_NG = _PER_W // 16


def _sc_gather_body(ent, hi3, ti3, gi3,
                    oh, ot, og,
                    hv, tv, gv, bufa, bufb, sema, semb, wsema, wsemb):
    wid = lax.axis_index("s") * _NC + lax.axis_index("c")
    base = wid * _PER_W
    pltpu.sync_copy(hi3.at[wid], hv)
    pltpu.sync_copy(ti3.at[wid], tv)
    pltpu.sync_copy(gi3.at[wid], gv)

    def issue16(iv, g, buf, sem):
        q = iv[g]
        for i in range(16):
            pltpu.async_copy(ent.at[q[i]], buf.at[i], sem)

    def drain_gather(buf, sem):
        pltpu.make_async_copy(ent.at[pl.ds(0, 16)], buf, sem).wait()

    def drain_write(out, buf, wsem):
        pltpu.make_async_copy(buf, out.at[pl.ds(base, 16)], wsem).wait()

    for iv, out in ((hv, oh), (tv, ot), (gv, og)):
        issue16(iv, 0, bufa, sema)

        def pair(p, iv=iv, out=out):
            issue16(iv, 2 * p + 1, bufb, semb)
            drain_gather(bufa, sema)
            pltpu.async_copy(
                bufa, out.at[pl.ds(base + p * 32, 16)], wsema)

            @pl.when(p < _NG // 2 - 1)
            def _():
                issue16(iv, 2 * p + 2, bufa, sema)

            drain_gather(bufb, semb)
            pltpu.async_copy(
                bufb, out.at[pl.ds(base + p * 32 + 16, 16)], wsemb)
            drain_write(out, bufa, wsema)
            drain_write(out, bufb, wsemb)

        pl.loop(0, _NG // 2)(pair)


def _sc_gather(entity_emb, h, t, g):
    mesh = plsc.VectorSubcoreMesh(core_axis_name="c", subcore_axis_name="s")
    row = jax.ShapeDtypeStruct((_B, _EMB), jnp.float32)
    f = pl.kernel(
        _sc_gather_body,
        out_type=[row, row, row],
        mesh=mesh,
        scratch_types=[
            pltpu.VMEM((_NG, 16), jnp.int32),
            pltpu.VMEM((_NG, 16), jnp.int32),
            pltpu.VMEM((_NG, 16), jnp.int32),
            pltpu.VMEM((16, _EMB), jnp.float32),
            pltpu.VMEM((16, _EMB), jnp.float32),
            pltpu.SemaphoreType.DMA,
            pltpu.SemaphoreType.DMA,
            pltpu.SemaphoreType.DMA,
            pltpu.SemaphoreType.DMA,
        ],
    )
    shape3 = (_NW, _NG, 16)
    return f(entity_emb,
             h.reshape(shape3), t.reshape(shape3), g.reshape(shape3))


_SCAN_ROWS = 25000


def _scan_body(ent_ref, acc_ref):
    i = pl.program_id(0)
    e = ent_ref[...]

    @pl.when(i == 0)
    def _():
        acc_ref[0, 0] = 0.0

    m = jnp.max(jnp.abs(e))

    @pl.when(m > 0.125)
    def _():
        nrm2 = jnp.sum(e * e, axis=1, keepdims=True)
        acc_ref[0, 0] += jnp.sum(jnp.maximum(jnp.sqrt(nrm2) - 1.0, 0.0))


def _ent_scan(entity_emb, lo, hi):
    nblk = (hi - lo) // _SCAN_ROWS
    blk0 = lo // _SCAN_ROWS
    return pl.pallas_call(
        _scan_body,
        grid=(nblk,),
        in_specs=[pl.BlockSpec((_SCAN_ROWS, _EMB), lambda i: (i + blk0, 0))],
        out_specs=pl.BlockSpec(memory_space=pltpu.SMEM),
        out_shape=jax.ShapeDtypeStruct((1, 1), jnp.float32),
        compiler_params=pltpu.CompilerParams(
            vmem_limit_bytes=64 * 1024 * 1024),
    )(entity_emb)


_FB = 2048


def _finish_body(h_ref, t_ref, g_ref, br_ref, rel_ref, nrm_ref, acc_ref,
                 acc2_ref, out_ref, msum_ref):
    i = pl.program_id(0)
    br = br_ref[...]
    onehot = (br == lax.broadcasted_iota(jnp.int32, (_FB, _NUM_REL), 1)
              ).astype(jnp.float32)
    r = jnp.dot(onehot, rel_ref[...], preferred_element_type=jnp.float32)
    n = jnp.dot(onehot, nrm_ref[...], preferred_element_type=jnp.float32)
    nn = jnp.maximum(jnp.sum(n * n, axis=1, keepdims=True), 1e-24)
    h = h_ref[...]
    t = t_ref[...]
    g = g_ref[...]
    hv = h - (jnp.sum(n * h, axis=1, keepdims=True) / nn) * n
    tv = t - (jnp.sum(n * t, axis=1, keepdims=True) / nn) * n
    gv = g - (jnp.sum(n * g, axis=1, keepdims=True) / nn) * n
    d1 = hv + r - tv
    d2 = hv + r - gv
    s1 = jnp.sqrt(jnp.sum(d1 * d1, axis=1, keepdims=True))
    s2 = jnp.sqrt(jnp.sum(d2 * d2, axis=1, keepdims=True))
    s = jnp.sum(jnp.maximum(s1 - s2 + _MARGIN, 0.0))

    @pl.when(i == 0)
    def _():
        msum_ref[0] = s

    @pl.when(i != 0)
    def _():
        msum_ref[0] += s

    @pl.when(i == pl.num_programs(0) - 1)
    def _():
        rw = rel_ref[...]
        nw = nrm_ref[...]
        dot = jnp.sum(rw * nw, axis=1, keepdims=True)
        rlen = jnp.sqrt(jnp.sum(rw * rw, axis=1, keepdims=True))
        orth = jnp.sum(jnp.maximum(dot / rlen - _EPS2, 0.0)) * (1.0 / _NUM_REL)
        out_ref[0, 0] = msum_ref[0] * (1.0 / _B) + _C_REG * (
            (acc_ref[0, 0] + acc2_ref[0, 0]) * (1.0 / _NUM_ENT) + orth)


def _finish(oh, ot, og, batch_r, relation_emb, norm_emb, acc, acc2):
    bspec = pl.BlockSpec((_FB, _EMB), lambda i: (i, 0))
    ispec = pl.BlockSpec((_FB, 1), lambda i: (i, 0))
    full = pl.BlockSpec((_NUM_REL, _EMB), lambda i: (0, 0))
    return pl.pallas_call(
        _finish_body,
        grid=(_B // _FB,),
        in_specs=[bspec] * 3 + [ispec, full, full]
        + [pl.BlockSpec(memory_space=pltpu.SMEM)] * 2,
        out_specs=pl.BlockSpec(memory_space=pltpu.SMEM),
        out_shape=jax.ShapeDtypeStruct((1, 1), jnp.float32),
        scratch_shapes=[pltpu.SMEM((1,), jnp.float32)],
    )(oh, ot, og, batch_r.reshape(_B, 1), relation_emb, norm_emb, acc, acc2)


def kernel(h, batch_r, t, neg_t_idx, entity_emb, relation_emb, norm_emb):
    h = h.astype(jnp.int32)
    batch_r = batch_r.astype(jnp.int32)
    t = t.astype(jnp.int32)
    g = neg_t_idx.astype(jnp.int32)
    oh, ot, og = _sc_gather(entity_emb, h, t, g)
    acc = _ent_scan(entity_emb, 0, 120000)
    acc2 = _ent_scan(entity_emb, 120000, _NUM_ENT)
    out = _finish(oh, ot, og, batch_r, relation_emb, norm_emb, acc, acc2)
    return out[0, 0]

# --- scband reference (transcript-rebuilt; emitter-appended) ---
"""Pipeline reference for scband-trans-h-13194139533621 (READ-ONLY COPY).

The authoritative reference and input builder live on the scoring server;
editing this copy changes nothing except your own understanding.
"""

import jax, jax.numpy as jnp
import numpy as np

NUM_ENT = 1000000
NUM_REL = 1000
EMB = 64
B = 16384
MARGIN = 1.0
C_REG = 1.0
EPS = 0.001


def _xavier(key, shape):
    std = (2.0 / (shape[0] + shape[1])) ** 0.5
    return jax.random.normal(key, shape, dtype=jnp.float32) * std


def setup_inputs(seed: int = 0):
    key = jax.random.key(seed)
    ks = jax.random.split(key, 7)
    h = jax.random.randint(ks[0], (B,), 0, NUM_ENT)
    batch_r = jax.random.randint(ks[1], (B,), 0, NUM_REL)
    t = jax.random.randint(ks[2], (B,), 0, NUM_ENT)
    neg_t_idx = jax.random.randint(ks[3], (B,), 1, NUM_ENT)
    entity_emb = _xavier(ks[4], (NUM_ENT, EMB))
    relation_emb = _xavier(ks[5], (NUM_REL, EMB))
    norm_emb = _xavier(ks[6], (NUM_REL, EMB))
    return {"h": h, "batch_r": batch_r, "t": t, "neg_t_idx": neg_t_idx,
            "entity_emb": entity_emb, "relation_emb": relation_emb, "norm_emb": norm_emb}


def _l2norm(x, axis=-1, keepdims=False):
    return jnp.sqrt(jnp.sum(x * x, axis=axis, keepdims=keepdims))


def _transfer(vector, norm):
    n = norm / jnp.maximum(_l2norm(norm, -1, True), 1e-12)
    return vector - jnp.sum(n * vector, axis=-1, keepdims=True) * n


def reference(h, batch_r, t, neg_t_idx, entity_emb, relation_emb, norm_emb):
    h_e = jnp.take(entity_emb, h.reshape(-1, 1), axis=0)
    t_e = jnp.take(entity_emb, t.reshape(-1, 1), axis=0)
    r = jnp.take(relation_emb, batch_r.reshape(-1, 1), axis=0)
    r_norm = jnp.take(norm_emb, batch_r.reshape(-1, 1), axis=0)
    h_v = _transfer(h_e, r_norm)
    t_v = _transfer(t_e, r_norm)
    neg_t = jnp.take(entity_emb, neg_t_idx.reshape(-1, 1), axis=0)
    neg_t_v = _transfer(neg_t, r_norm)
    score = _l2norm(h_v + r - t_v, -1).reshape(-1)
    neg_score = _l2norm(h_v + r - neg_t_v, -1).reshape(-1)
    margin_loss = jnp.mean(jax.nn.relu(score - neg_score + MARGIN))
    ew = jax.lax.stop_gradient(entity_emb)
    entity_loss = jnp.mean(jax.nn.relu(_l2norm(ew, -1) - 1.0))
    rw = jax.lax.stop_gradient(relation_emb)
    nw = jax.lax.stop_gradient(norm_emb)
    orth_loss = jnp.mean(jax.nn.relu(jnp.sum(rw * nw, axis=-1) / _l2norm(rw, -1) - EPS ** 2))
    return margin_loss + C_REG * (entity_loss + orth_loss)

if __name__ == "__main__":
    import jax
    _d = setup_inputs()
    print(jax.jit(kernel)(*tuple(_d.values())))

</pallas_src>

<mosaic_0001>
#map = affine_map<(d0, d1) -> (0, 0)>
#map1 = affine_map<(d0, d1) -> (0, 0, 0)>
module attributes {stable_mosaic.version = 14 : i64} {
  func.func @_sc_gather_body(%arg0: i32, %arg1: i32, %arg2: memref<1000000x64xf32, #tpu.memory_space<hbm>>, %arg3: memref<32x32x16xi32, #tpu.memory_space<hbm>>, %arg4: memref<32x32x16xi32, #tpu.memory_space<hbm>>, %arg5: memref<32x32x16xi32, #tpu.memory_space<hbm>>, %arg6: memref<16384x64xf32, #tpu.memory_space<hbm>>, %arg7: memref<16384x64xf32, #tpu.memory_space<hbm>>, %arg8: memref<16384x64xf32, #tpu.memory_space<hbm>>, %arg9: memref<32x16xi32, #tpu.memory_space<vmem>>, %arg10: memref<32x16xi32, #tpu.memory_space<vmem>>, %arg11: memref<32x16xi32, #tpu.memory_space<vmem>>, %arg12: memref<16x64xf32, #tpu.memory_space<vmem>>, %arg13: memref<16x64xf32, #tpu.memory_space<vmem>>, %arg14: memref<!tpu.dma_semaphore, #tpu.memory_space<semaphore_mem>>, %arg15: memref<!tpu.dma_semaphore, #tpu.memory_space<semaphore_mem>>, %arg16: memref<!tpu.dma_semaphore, #tpu.memory_space<semaphore_mem>>, %arg17: memref<!tpu.dma_semaphore, #tpu.memory_space<semaphore_mem>>) attributes {dimension_semantics = [#tpu.dimension_semantics<core_parallel>, #tpu.dimension_semantics<subcore_parallel>], iteration_bounds = array<i64: 2, 16>, scalar_prefetch = 0 : i64, scratch_operands = 9 : i64, tpu.core_type = #tpu.core_type<sc_vector_subcore>, window_params = [{transform_indices = #map}, {transform_indices = #map1}, {transform_indices = #map1}, {transform_indices = #map1}, {transform_indices = #map}, {transform_indices = #map}, {transform_indices = #map}]} {
    %mul3A = arith.constant 2 : i32
    %mul3A_0 = arith.muli %arg1, %mul3A : i32
    %add3A = arith.addi %mul3A_0, %arg0 : i32
    %mul3A_1 = arith.constant 512 : i32
    %mul3A_2 = arith.muli %add3A, %mul3A_1 : i32
    "tpu.region"() ({
      %run_scoped3A = tpu.sem_alloc : memref<!tpu.dma_semaphore, #tpu.memory_space<semaphore_mem>>
      %dma_start3A_748 = arith.constant 0 : i32
      %dma_start3A_749 = arith.constant 0 : i32
      %dma_start3A_750 = tpu.memref_slice %arg3[%add3A, %dma_start3A_748, %dma_start3A_749] : memref<32x32x16xi32, #tpu.memory_space<hbm>> -> memref<1x32x16xi32, #tpu.memory_space<hbm>>
      %dma_start3A_751 = tpu.memref_squeeze %dma_start3A_750 : memref<1x32x16xi32, #tpu.memory_space<hbm>> -> memref<32x16xi32, #tpu.memory_space<hbm>>
      %dma_start3A_752 = arith.constant 0 : i32
      %dma_start3A_753 = arith.constant 0 : i32
      %dma_start3A_754 = tpu.memref_slice %arg3[%add3A, %dma_start3A_752, %dma_start3A_753] : memref<32x32x16xi32, #tpu.memory_space<hbm>> -> memref<1x32x16xi32, #tpu.memory_space<hbm>>
      %dma_start3A_755 = tpu.memref_squeeze %dma_start3A_754 : memref<1x32x16xi32, #tpu.memory_space<hbm>> -> memref<32x16xi32, #tpu.memory_space<hbm>>
      tpu.enqueue_dma source(%dma_start3A_755 : memref<32x16xi32, #tpu.memory_space<hbm>>) target(%arg9 : memref<32x16xi32, #tpu.memory_space<vmem>>) target_semaphore(%run_scoped3A : memref<!tpu.dma_semaphore, #tpu.memory_space<semaphore_mem>>)
      %dma_wait3A = arith.constant 0 : i32
      %dma_wait3A_756 = arith.constant 0 : i32
      %dma_wait3A_757 = tpu.memref_slice %arg3[%add3A, %dma_wait3A, %dma_wait3A_756] : memref<32x32x16xi32, #tpu.memory_space<hbm>> -> memref<1x32x16xi32, #tpu.memory_space<hbm>>
      %dma_wait3A_758 = tpu.memref_squeeze %dma_wait3A_757 : memref<1x32x16xi32, #tpu.memory_space<hbm>> -> memref<32x16xi32, #tpu.memory_space<hbm>>
      %dma_wait3A_759 = arith.constant 0 : i32
      %dma_wait3A_760 = arith.constant 0 : i32
      %dma_wait3A_761 = tpu.memref_slice %arg3[%add3A, %dma_wait3A_759, %dma_wait3A_760] : memref<32x32x16xi32, #tpu.memory_space<hbm>> -> memref<1x32x16xi32, #tpu.memory_space<hbm>>
      %dma_wait3A_762 = tpu.memref_squeeze %dma_wait3A_761 : memref<1x32x16xi32, #tpu.memory_space<hbm>> -> memref<32x16xi32, #tpu.memory_space<hbm>>
      tpu.wait_dma2 semaphore(%run_scoped3A : memref<!tpu.dma_semaphore, #tpu.memory_space<semaphore_mem>>) src(%dma_wait3A_762 : memref<32x16xi32, #tpu.memory_space<hbm>>) dst(%arg9 : memref<32x16xi32, #tpu.memory_space<vmem>>)
      tpu.yield
    }) : () -> ()
    "tpu.region"() ({
      %run_scoped3A = tpu.sem_alloc : memref<!tpu.dma_semaphore, #tpu.memory_space<semaphore_mem>>
      %dma_start3A_748 = arith.constant 0 : i32
      %dma_start3A_749 = arith.constant 0 : i32
      %dma_start3A_750 = tpu.memref_slice %arg4[%add3A, %dma_start3A_748, %dma_start3A_749] : memref<32x32x16xi32, #tpu.memory_space<hbm>> -> memref<1x32x16xi32, #tpu.memory_space<hbm>>
      %dma_start3A_751 = tpu.memref_squeeze %dma_start3A_750 : memref<1x32x16xi32, #tpu.memory_space<hbm>> -> memref<32x16xi32, #tpu.memory_space<hbm>>
      %dma_start3A_752 = arith.constant 0 : i32
      %dma_start3A_753 = arith.constant 0 : i32
      %dma_start3A_754 = tpu.memref_slice %arg4[%add3A, %dma_start3A_752, %dma_start3A_753] : memref<32x32x16xi32, #tpu.memory_space<hbm>> -> memref<1x32x16xi32, #tpu.memory_space<hbm>>
      %dma_start3A_755 = tpu.memref_squeeze %dma_start3A_754 : memref<1x32x16xi32, #tpu.memory_space<hbm>> -> memref<32x16xi32, #tpu.memory_space<hbm>>
      tpu.enqueue_dma source(%dma_start3A_755 : memref<32x16xi32, #tpu.memory_space<hbm>>) target(%arg10 : memref<32x16xi32, #tpu.memory_space<vmem>>) target_semaphore(%run_scoped3A : memref<!tpu.dma_semaphore, #tpu.memory_space<semaphore_mem>>)
      %dma_wait3A = arith.constant 0 : i32
      %dma_wait3A_756 = arith.constant 0 : i32
      %dma_wait3A_757 = tpu.memref_slice %arg4[%add3A, %dma_wait3A, %dma_wait3A_756] : memref<32x32x16xi32, #tpu.memory_space<hbm>> -> memref<1x32x16xi32, #tpu.memory_space<hbm>>
      %dma_wait3A_758 = tpu.memref_squeeze %dma_wait3A_757 : memref<1x32x16xi32, #tpu.memory_space<hbm>> -> memref<32x16xi32, #tpu.memory_space<hbm>>
      %dma_wait3A_759 = arith.constant 0 : i32
      %dma_wait3A_760 = arith.constant 0 : i32
      %dma_wait3A_761 = tpu.memref_slice %arg4[%add3A, %dma_wait3A_759, %dma_wait3A_760] : memref<32x32x16xi32, #tpu.memory_space<hbm>> -> memref<1x32x16xi32, #tpu.memory_space<hbm>>
      %dma_wait3A_762 = tpu.memref_squeeze %dma_wait3A_761 : memref<1x32x16xi32, #tpu.memory_space<hbm>> -> memref<32x16xi32, #tpu.memory_space<hbm>>
      tpu.wait_dma2 semaphore(%run_scoped3A : memref<!tpu.dma_semaphore, #tpu.memory_space<semaphore_mem>>) src(%dma_wait3A_762 : memref<32x16xi32, #tpu.memory_space<hbm>>) dst(%arg10 : memref<32x16xi32, #tpu.memory_space<vmem>>)
      tpu.yield
    }) : () -> ()
    "tpu.region"() ({
      %run_scoped3A = tpu.sem_alloc : memref<!tpu.dma_semaphore, #tpu.memory_space<semaphore_mem>>
      %dma_start3A_748 = arith.constant 0 : i32
      %dma_start3A_749 = arith.constant 0 : i32
      %dma_start3A_750 = tpu.memref_slice %arg5[%add3A, %dma_start3A_748, %dma_start3A_749] : memref<32x32x16xi32, #tpu.memory_space<hbm>> -> memref<1x32x16xi32, #tpu.memory_space<hbm>>
      %dma_start3A_751 = tpu.memref_squeeze %dma_start3A_750 : memref<1x32x16xi32, #tpu.memory_space<hbm>> -> memref<32x16xi32, #tpu.memory_space<hbm>>
      %dma_start3A_752 = arith.constant 0 : i32
      %dma_start3A_753 = arith.constant 0 : i32
      %dma_start3A_754 = tpu.memref_slice %arg5[%add3A, %dma_start3A_752, %dma_start3A_753] : memref<32x32x16xi32, #tpu.memory_space<hbm>> -> memref<1x32x16xi32, #tpu.memory_space<hbm>>
      %dma_start3A_755 = tpu.memref_squeeze %dma_start3A_754 : memref<1x32x16xi32, #tpu.memory_space<hbm>> -> memref<32x16xi32, #tpu.memory_space<hbm>>
      tpu.enqueue_dma source(%dma_start3A_755 : memref<32x16xi32, #tpu.memory_space<hbm>>) target(%arg11 : memref<32x16xi32, #tpu.memory_space<vmem>>) target_semaphore(%run_scoped3A : memref<!tpu.dma_semaphore, #tpu.memory_space<semaphore_mem>>)
      %dma_wait3A = arith.constant 0 : i32
      %dma_wait3A_756 = arith.constant 0 : i32
      %dma_wait3A_757 = tpu.memref_slice %arg5[%add3A, %dma_wait3A, %dma_wait3A_756] : memref<32x32x16xi32, #tpu.memory_space<hbm>> -> memref<1x32x16xi32, #tpu.memory_space<hbm>>
      %dma_wait3A_758 = tpu.memref_squeeze %dma_wait3A_757 : memref<1x32x16xi32, #tpu.memory_space<hbm>> -> memref<32x16xi32, #tpu.memory_space<hbm>>
      %dma_wait3A_759 = arith.constant 0 : i32
      %dma_wait3A_760 = arith.constant 0 : i32
      %dma_wait3A_761 = tpu.memref_slice %arg5[%add3A, %dma_wait3A_759, %dma_wait3A_760] : memref<32x32x16xi32, #tpu.memory_space<hbm>> -> memref<1x32x16xi32, #tpu.memory_space<hbm>>
      %dma_wait3A_762 = tpu.memref_squeeze %dma_wait3A_761 : memref<1x32x16xi32, #tpu.memory_space<hbm>> -> memref<32x16xi32, #tpu.memory_space<hbm>>
      tpu.wait_dma2 semaphore(%run_scoped3A : memref<!tpu.dma_semaphore, #tpu.memory_space<semaphore_mem>>) src(%dma_wait3A_762 : memref<32x16xi32, #tpu.memory_space<hbm>>) dst(%arg11 : memref<32x16xi32, #tpu.memory_space<vmem>>)
      tpu.yield
    }) : () -> ()
    %get3A = arith.constant 0 : i32
    %get3A_3 = arith.index_cast %get3A : i32 to index
    %get3A_4 = arith.constant 0 : index
    %get3A_5 = tpu.vector_load %arg9[%get3A_3, %get3A_4] {strides = array<i32>} : memref<32x16xi32, #tpu.memory_space<vmem>>, vector<1x16xi32>,
    %get3A_6 = vector.shape_cast %get3A_5 : vector<1x16xi32> to vector<16xi32>
    %slice3A = vector.extract_strided_slice %get3A_6 {offsets = [0], sizes = [1], strides = [1]} : vector<16xi32> to vector<1xi32>
    %squeeze3A = vector.extract %slice3A[0] : i32 from vector<1xi32>
    %dma_start3A = arith.constant 0 : i32
    %dma_start3A_7 = arith.constant 0 : i32
    %dma_start3A_8 = tpu.memref_slice %arg12[%dma_start3A, %dma_start3A_7] : memref<16x64xf32, #tpu.memory_space<vmem>> -> memref<1x64xf32, #tpu.memory_space<vmem>>
    %dma_start3A_9 = tpu.memref_squeeze %dma_start3A_8 : memref<1x64xf32, #tpu.memory_space<vmem>> -> memref<64xf32, #tpu.memory_space<vmem>>
    %dma_start3A_10 = arith.constant 0 : i32
    %dma_start3A_11 = tpu.memref_slice %arg2[%squeeze3A, %dma_start3A_10] : memref<1000000x64xf32, #tpu.memory_space<hbm>> -> memref<1x64xf32, #tpu.memory_space<hbm>>
    %dma_start3A_12 = tpu.memref_squeeze %dma_start3A_11 : memref<1x64xf32, #tpu.memory_space<hbm>> -> memref<64xf32, #tpu.memory_space<hbm>>
    %dma_start3A_13 = arith.constant 0 : i32
    %dma_start3A_14 = tpu.memref_slice %arg12[%dma_start3A, %dma_start3A_13] : memref<16x64xf32, #tpu.memory_space<vmem>> -> memref<1x64xf32, #tpu.memory_space<vmem>>
    %dma_start3A_15 = tpu.memref_squeeze %dma_start3A_14 : memref<1x64xf32, #tpu.memory_space<vmem>> -> memref<64xf32, #tpu.memory_space<vmem>>
    %dma_start3A_16 = arith.constant 0 : i32
    %dma_start3A_17 = tpu.memref_slice %arg2[%squeeze3A, %dma_start3A_16] : memref<1000000x64xf32, #tpu.memory_space<hbm>> -> memref<1x64xf32, #tpu.memory_space<hbm>>
    %dma_start3A_18 = tpu.memref_squeeze %dma_start3A_17 : memref<1x64xf32, #tpu.memory_space<hbm>> -> memref<64xf32, #tpu.memory_space<hbm>>
    tpu.enqueue_dma source(%dma_start3A_18 : memref<64xf32, #tpu.memory_space<hbm>>) target(%dma_start3A_15 : memref<64xf32, #tpu.memory_space<vmem>>) target_semaphore(%arg14 : memref<!tpu.dma_semaphore, #tpu.memory_space<semaphore_mem>>)
    %slice3A_19 = vector.extract_strided_slice %get3A_6 {offsets = [1], sizes = [1], strides = [1]} : vector<16xi32> to vector<1xi32>
    %squeeze3A_20 = vector.extract %slice3A_19[0] : i32 from vector<1xi32>
    %dma_start3A_21 = arith.constant 1 : i32
    %dma_start3A_22 = arith.constant 0 : i32
    %dma_start3A_23 = tpu.memref_slice %arg12[%dma_start3A_21, %dma_start3A_22] : memref<16x64xf32, #tpu.memory_space<vmem>> -> memref<1x64xf32, #tpu.memory_space<vmem>>
    %dma_start3A_24 = tpu.memref_squeeze %dma_start3A_23 : memref<1x64xf32, #tpu.memory_space<vmem>> -> memref<64xf32, #tpu.memory_space<vmem>>
    %dma_start3A_25 = arith.constant 0 : i32
    %dma_start3A_26 = tpu.memref_slice %arg2[%squeeze3A_20, %dma_start3A_25] : memref<1000000x64xf32, #tpu.memory_space<hbm>> -> memref<1x64xf32, #tpu.memory_space<hbm>>
    %dma_start3A_27 = tpu.memref_squeeze %dma_start3A_26 : memref<1x64xf32, #tpu.memory_space<hbm>> -> memref<64xf32, #tpu.memory_space<hbm>>
    %dma_start3A_28 = arith.constant 0 : i32
    %dma_start3A_29 = tpu.memref_slice %arg12[%dma_start3A_21, %dma_start3A_28] : memref<16x64xf32, #tpu.memory_space<vmem>> -> memref<1x64xf32, #tpu.memory_space<vmem>>
    %dma_start3A_30 = tpu.memref_squeeze %dma_start3A_29 : memref<1x64xf32, #tpu.memory_space<vmem>> -> memref<64xf32, #tpu.memory_space<vmem>>
    %dma_start3A_31 = arith.constant 0 : i32
    %dma_start3A_32 = tpu.memref_slice %arg2[%squeeze3A_20, %dma_start3A_31] : memref<1000000x64xf32, #tpu.memory_space<hbm>> -> memref<1x64xf32, #tpu.memory_space<hbm>>
    %dma_start3A_33 = tpu.memref_squeeze %dma_start3A_32 : memref<1x64xf32, #tpu.memory_space<hbm>> -> memref<64xf32, #tpu.memory_space<hbm>>
    tpu.enqueue_dma source(%dma_start3A_33 : memref<64xf32, #tpu.memory_space<hbm>>) target(%dma_start3A_30 : memref<64xf32, #tpu.memory_space<vmem>>) target_semaphore(%arg14 : memref<!tpu.dma_semaphore, #tpu.memory_space<semaphore_mem>>)
    %slice3A_34 = vector.extract_strided_slice %get3A_6 {offsets = [2], sizes = [1], strides = [1]} : vector<16xi32> to vector<1xi32>
    %squeeze3A_35 = vector.extract %slice3A_34[0] : i32 from vector<1xi32>
    %dma_start3A_36 = arith.constant 2 : i32
    %dma_start3A_37 = arith.constant 0 : i32
    %dma_start3A_38 = tpu.memref_slice %arg12[%dma_start3A_36, %dma_start3A_37] : memref<16x64xf32, #tpu.memory_space<vmem>> -> memref<1x64xf32, #tpu.memory_space<vmem>>
    %dma_start3A_39 = tpu.memref_squeeze %dma_start3A_38 : memref<1x64xf32, #tpu.memory_space<vmem>> -> memref<64xf32, #tpu.memory_space<vmem>>
    %dma_start3A_40 = arith.constant 0 : i32
    %dma_start3A_41 = tpu.memref_slice %arg2[%squeeze3A_35, %dma_start3A_40] : memref<1000000x64xf32, #tpu.memory_space<hbm>> -> memref<1x64xf32, #tpu.memory_space<hbm>>
    %dma_start3A_42 = tpu.memref_squeeze %dma_start3A_41 : memref<1x64xf32, #tpu.memory_space<hbm>> -> memref<64xf32, #tpu.memory_space<hbm>>
    %dma_start3A_43 = arith.constant 0 : i32
    %dma_start3A_44 = tpu.memref_slice %arg12[%dma_start3A_36, %dma_start3A_43] : memref<16x64xf32, #tpu.memory_space<vmem>> -> memref<1x64xf32, #tpu.memory_space<vmem>>
    %dma_start3A_45 = tpu.memref_squeeze %dma_start3A_44 : memref<1x64xf32, #tpu.memory_space<vmem>> -> memref<64xf32, #tpu.memory_space<vmem>>
    %dma_start3A_46 = arith.constant 0 : i32
    %dma_start3A_47 = tpu.memref_slice %arg2[%squeeze3A_35, %dma_start3A_46] : memref<1000000x64xf32, #tpu.memory_space<hbm>> -> memref<1x64xf32, #tpu.memory_space<hbm>>
    %dma_start3A_48 = tpu.memref_squeeze %dma_start3A_47 : memref<1x64xf32, #tpu.memory_space<hbm>> -> memref<64xf32, #tpu.memory_space<hbm>>
    tpu.enqueue_dma source(%dma_start3A_48 : memref<64xf32, #tpu.memory_space<hbm>>) target(%dma_start3A_45 : memref<64xf32, #tpu.memory_space<vmem>>) target_semaphore(%arg14 : memref<!tpu.dma_semaphore, #tpu.memory_space<semaphore_mem>>)
    %slice3A_49 = vector.extract_strided_slice %get3A_6 {offsets = [3], sizes = [1], strides = [1]} : vector<16xi32> to vector<1xi32>
    %squeeze3A_50 = vector.extract %slice3A_49[0] : i32 from vector<1xi32>
    %dma_start3A_51 = arith.constant 3 : i32
    %dma_start3A_52 = arith.constant 0 : i32
    %dma_start3A_53 = tpu.memref_slice %arg12[%dma_start3A_51, %dma_start3A_52] : memref<16x64xf32, #tpu.memory_space<vmem>> -> memref<1x64xf32, #tpu.memory_space<vmem>>
    %dma_start3A_54 = tpu.memref_squeeze %dma_start3A_53 : memref<1x64xf32, #tpu.memory_space<vmem>> -> memref<64xf32, #tpu.memory_space<vmem>>
    %dma_start3A_55 = arith.constant 0 : i32
    %dma_start3A_56 = tpu.memref_slice %arg2[%squeeze3A_50, %dma_start3A_55] : memref<1000000x64xf32, #tpu.memory_space<hbm>> -> memref<1x64xf32, #tpu.memory_space<hbm>>
    %dma_start3A_57 = tpu.memref_squeeze %dma_start3A_56 : memref<1x64xf32, #tpu.memory_space<hbm>> -> memref<64xf32, #tpu.memory_space<hbm>>
    %dma_start3A_58 = arith.constant 0 : i32
    %dma_start3A_59 = tpu.memref_slice %arg12[%dma_start3A_51, %dma_start3A_58] : memref<16x64xf32, #tpu.memory_space<vmem>> -> memref<1x64xf32, #tpu.memory_space<vmem>>
    %dma_start3A_60 = tpu.memref_squeeze %dma_start3A_59 : memref<1x64xf32, #tpu.memory_space<vmem>> -> memref<64xf32, #tpu.memory_space<vmem>>
    %dma_start3A_61 = arith.constant 0 : i32
    %dma_start3A_62 = tpu.memref_slice %arg2[%squeeze3A_50, %dma_start3A_61] : memref<1000000x64xf32, #tpu.memory_space<hbm>> -> memref<1x64xf32, #tpu.memory_space<hbm>>
    %dma_start3A_63 = tpu.memref_squeeze %dma_start3A_62 : memref<1x64xf32, #tpu.memory_space<hbm>> -> memref<64xf32, #tpu.memory_space<hbm>>
    tpu.enqueue_dma source(%dma_start3A_63 : memref<64xf32, #tpu.memory_space<hbm>>) target(%dma_start3A_60 : memref<64xf32, #tpu.memory_space<vmem>>) target_semaphore(%arg14 : memref<!tpu.dma_semaphore, #tpu.memory_space<semaphore_mem>>)
    %slice3A_64 = vector.extract_strided_slice %get3A_6 {offsets = [4], sizes = [1], strides = [1]} : vector<16xi32> to vector<1xi32>
    %squeeze3A_65 = vector.extract %slice3A_64[0] : i32 from vector<1xi32>
    %dma_start3A_66 = arith.constant 4 : i32
    %dma_start3A_67 = arith.constant 0 : i32
    %dma_start3A_68 = tpu.memref_slice %arg12[%dma_start3A_66, %dma_start3A_67] : memref<16x64xf32, #tpu.memory_space<vmem>> -> memref<1x64xf32, #tpu.memory_space<vmem>>
    %dma_start3A_69 = tpu.memref_squeeze %dma_start3A_68 : memref<1x64xf32, #tpu.memory_space<vmem>> -> memref<64xf32, #tpu.memory_space<vmem>>
    %dma_start3A_70 = arith.constant 0 : i32
    %dma_start3A_71 = tpu.memref_slice %arg2[%squeeze3A_65, %dma_start3A_70] : memref<1000000x64xf32, #tpu.memory_space<hbm>> -> memref<1x64xf32, #tpu.memory_space<hbm>>
    %dma_start3A_72 = tpu.memref_squeeze %dma_start3A_71 : memref<1x64xf32, #tpu.memory_space<hbm>> -> memref<64xf32, #tpu.memory_space<hbm>>
    %dma_start3A_73 = arith.constant 0 : i32
    %dma_start3A_74 = tpu.memref_slice %arg12[%dma_start3A_66, %dma_start3A_73] : memref<16x64xf32, #tpu.memory_space<vmem>> -> memref<1x64xf32, #tpu.memory_space<vmem>>
    %dma_start3A_75 = tpu.memref_squeeze %dma_start3A_74 : memref<1x64xf32, #tpu.memory_space<vmem>> -> memref<64xf32, #tpu.memory_space<vmem>>
    %dma_start3A_76 = arith.constant 0 : i32
    %dma_start3A_77 = tpu.memref_slice %arg2[%squeeze3A_65, %dma_start3A_76] : memref<1000000x64xf32, #tpu.memory_space<hbm>> -> memref<1x64xf32, #tpu.memory_space<hbm>>
    %dma_start3A_78 = tpu.memref_squeeze %dma_start3A_77 : memref<1x64xf32, #tpu.memory_space<hbm>> -> memref<64xf32, #tpu.memory_space<hbm>>
    tpu.enqueue_dma source(%dma_start3A_78 : memref<64xf32, #tpu.memory_space<hbm>>) target(%dma_start3A_75 : memref<64xf32, #tpu.memory_space<vmem>>) target_semaphore(%arg14 : memref<!tpu.dma_semaphore, #tpu.memory_space<semaphore_mem>>)
    %slice3A_79 = vector.extract_strided_slice %get3A_6 {offsets = [5], sizes = [1], strides = [1]} : vector<16xi32> to vector<1xi32>
    %squeeze3A_80 = vector.extract %slice3A_79[0] : i32 from vector<1xi32>
    %dma_start3A_81 = arith.constant 5 : i32
    %dma_start3A_82 = arith.constant 0 : i32
    %dma_start3A_83 = tpu.memref_slice %arg12[%dma_start3A_81, %dma_start3A_82] : memref<16x64xf32, #tpu.memory_space<vmem>> -> memref<1x64xf32, #tpu.memory_space<vmem>>
    %dma_start3A_84 = tpu.memref_squeeze %dma_start3A_83 : memref<1x64xf32, #tpu.memory_space<vmem>> -> memref<64xf32, #tpu.memory_space<vmem>>
    %dma_start3A_85 = arith.constant 0 : i32
    %dma_start3A_86 = tpu.memref_slice %arg2[%squeeze3A_80, %dma_start3A_85] : memref<1000000x64xf32, #tpu.memory_space<hbm>> -> memref<1x64xf32, #tpu.memory_space<hbm>>
    %dma_start3A_87 = tpu.memref_squeeze %dma_start3A_86 : memref<1x64xf32, #tpu.memory_space<hbm>> -> memref<64xf32, #tpu.memory_space<hbm>>
    %dma_start3A_88 = arith.constant 0 : i32
    %dma_start3A_89 = tpu.memref_slice %arg12[%dma_start3A_81, %dma_start3A_88] : memref<16x64xf32, #tpu.memory_space<vmem>> -> memref<1x64xf32, #tpu.memory_space<vmem>>
    %dma_start3A_90 = tpu.memref_squeeze %dma_start3A_89 : memref<1x64xf32, #tpu.memory_space<vmem>> -> memref<64xf32, #tpu.memory_space<vmem>>
    %dma_start3A_91 = arith.constant 0 : i32
    %dma_start3A_92 = tpu.memref_slice %arg2[%squeeze3A_80, %dma_start3A_91] : memref<1000000x64xf32, #tpu.memory_space<hbm>> -> memref<1x64xf32, #tpu.memory_space<hbm>>
    %dma_start3A_93 = tpu.memref_squeeze %dma_start3A_92 : memref<1x64xf32, #tpu.memory_space<hbm>> -> memref<64xf32, #tpu.memory_space<hbm>>
    tpu.enqueue_dma source(%dma_start3A_93 : memref<64xf32, #tpu.memory_space<hbm>>) target(%dma_start3A_90 : memref<64xf32, #tpu.memory_space<vmem>>) target_semaphore(%arg14 : memref<!tpu.dma_semaphore, #tpu.memory_space<semaphore_mem>>)
    %slice3A_94 = vector.extract_strided_slice %get3A_6 {offsets = [6], sizes = [1], strides = [1]} : vector<16xi32> to vector<1xi32>
    %squeeze3A_95 = vector.extract %slice3A_94[0] : i32 from vector<1xi32>
    %dma_start3A_96 = arith.constant 6 : i32
    %dma_start3A_97 = arith.constant 0 : i32
    %dma_start3A_98 = tpu.memref_slice %arg12[%dma_start3A_96, %dma_start3A_97] : memref<16x64xf32, #tpu.memory_space<vmem>> -> memref<1x64xf32, #tpu.memory_space<vmem>>
    %dma_start3A_99 = tpu.memref_squeeze %dma_start3A_98 : memref<1x64xf32, #tpu.memory_space<vmem>> -> memref<64xf32, #tpu.memory_space<vmem>>
    %dma_start3A_100 = arith.constant 0 : i32
    %dma_start3A_101 = tpu.memref_slice %arg2[%squeeze3A_95, %dma_start3A_100] : memref<1000000x64xf32, #tpu.memory_space<hbm>> -> memref<1x64xf32, #tpu.memory_space<hbm>>
    %dma_start3A_102 = tpu.memref_squeeze %dma_start3A_101 : memref<1x64xf32, #tpu.memory_space<hbm>> -> memref<64xf32, #tpu.memory_space<hbm>>
    %dma_start3A_103 = arith.constant 0 : i32
    %dma_start3A_104 = tpu.memref_slice %arg12[%dma_start3A_96, %dma_start3A_103] : memref<16x64xf32, #tpu.memory_space<vmem>> -> memref<1x64xf32, #tpu.memory_space<vmem>>
    %dma_start3A_105 = tpu.memref_squeeze %dma_start3A_104 : memref<1x64xf32, #tpu.memory_space<vmem>> -> memref<64xf32, #tpu.memory_space<vmem>>
    %dma_start3A_106 = arith.constant 0 : i32
    %dma_start3A_107 = tpu.memref_slice %arg2[%squeeze3A_95, %dma_start3A_106] : memref<1000000x64xf32, #tpu.memory_space<hbm>> -> memref<1x64xf32, #tpu.memory_space<hbm>>
    %dma_start3A_108 = tpu.memref_squeeze %dma_start3A_107 : memref<1x64xf32, #tpu.memory_space<hbm>> -> memref<64xf32, #tpu.memory_space<hbm>>
    tpu.enqueue_dma source(%dma_start3A_108 : memref<64xf32, #tpu.memory_space<hbm>>) target(%dma_start3A_105 : memref<64xf32, #tpu.memory_space<vmem>>) target_semaphore(%arg14 : memref<!tpu.dma_semaphore, #tpu.memory_space<semaphore_mem>>)
    %slice3A_109 = vector.extract_strided_slice %get3A_6 {offsets = [7], sizes = [1], strides = [1]} : vector<16xi32> to vector<1xi32>
    %squeeze3A_110 = vector.extract %slice3A_109[0] : i32 from vector<1xi32>
    %dma_start3A_111 = arith.constant 7 : i32
    %dma_start3A_112 = arith.constant 0 : i32
    %dma_start3A_113 = tpu.memref_slice %arg12[%dma_start3A_111, %dma_start3A_112] : memref<16x64xf32, #tpu.memory_space<vmem>> -> memref<1x64xf32, #tpu.memory_space<vmem>>
    %dma_start3A_114 = tpu.memref_squeeze %dma_start3A_113 : memref<1x64xf32, #tpu.memory_space<vmem>> -> memref<64xf32, #tpu.memory_space<vmem>>
    %dma_start3A_115 = arith.constant 0 : i32
    %dma_start3A_116 = tpu.memref_slice %arg2[%squeeze3A_110, %dma_start3A_115] : memref<1000000x64xf32, #tpu.memory_space<hbm>> -> memref<1x64xf32, #tpu.memory_space<hbm>>
    %dma_start3A_117 = tpu.memref_squeeze %dma_start3A_116 : memref<1x64xf32, #tpu.memory_space<hbm>> -> memref<64xf32, #tpu.memory_space<hbm>>
    %dma_start3A_118 = arith.constant 0 : i32
    %dma_start3A_119 = tpu.memref_slice %arg12[%dma_start3A_111, %dma_start3A_118] : memref<16x64xf32, #tpu.memory_space<vmem>> -> memref<1x64xf32, #tpu.memory_space<vmem>>
    %dma_start3A_120 = tpu.memref_squeeze %dma_start3A_119 : memref<1x64xf32, #tpu.memory_space<vmem>> -> memref<64xf32, #tpu.memory_space<vmem>>
    %dma_start3A_121 = arith.constant 0 : i32
    %dma_start3A_122 = tpu.memref_slice %arg2[%squeeze3A_110, %dma_start3A_121] : memref<1000000x64xf32, #tpu.memory_space<hbm>> -> memref<1x64xf32, #tpu.memory_space<hbm>>
    %dma_start3A_123 = tpu.memref_squeeze %dma_start3A_122 : memref<1x64xf32, #tpu.memory_space<hbm>> -> memref<64xf32, #tpu.memory_space<hbm>>
    tpu.enqueue_dma source(%dma_start3A_123 : memref<64xf32, #tpu.memory_space<hbm>>) target(%dma_start3A_120 : memref<64xf32, #tpu.memory_space<vmem>>) target_semaphore(%arg14 : memref<!tpu.dma_semaphore, #tpu.memory_space<semaphore_mem>>)
    %slice3A_124 = vector.extract_strided_slice %get3A_6 {offsets = [8], sizes = [1], strides = [1]} : vector<16xi32> to vector<1xi32>
    %squeeze3A_125 = vector.extract %slice3A_124[0] : i32 from vector<1xi32>
    %dma_start3A_126 = arith.constant 8 : i32
    %dma_start3A_127 = arith.constant 0 : i32
    %dma_start3A_128 = tpu.memref_slice %arg12[%dma_start3A_126, %dma_start3A_127] : memref<16x64xf32, #tpu.memory_space<vmem>> -> memref<1x64xf32, #tpu.memory_space<vmem>>
    %dma_start3A_129 = tpu.memref_squeeze %dma_start3A_128 : memref<1x64xf32, #tpu.memory_space<vmem>> -> memref<64xf32, #tpu.memory_space<vmem>>
    %dma_start3A_130 = arith.constant 0 : i32
    %dma_start3A_131 = tpu.memref_slice %arg2[%squeeze3A_125, %dma_start3A_130] : memref<1000000x64xf32, #tpu.memory_space<hbm>> -> memref<1x64xf32, #tpu.memory_space<hbm>>
    %dma_start3A_132 = tpu.memref_squeeze %dma_start3A_131 : memref<1x64xf32, #tpu.memory_space<hbm>> -> memref<64xf32, #tpu.memory_space<hbm>>
    %dma_start3A_133 = arith.constant 0 : i32
    %dma_start3A_134 = tpu.memref_slice %arg12[%dma_start3A_126, %dma_start3A_133] : memref<16x64xf32, #tpu.memory_space<vmem>> -> memref<1x64xf32, #tpu.memory_space<vmem>>
    %dma_start3A_135 = tpu.memref_squeeze %dma_start3A_134 : memref<1x64xf32, #tpu.memory_space<vmem>> -> memref<64xf32, #tpu.memory_space<vmem>>
    %dma_start3A_136 = arith.constant 0 : i32
    %dma_start3A_137 = tpu.memref_slice %arg2[%squeeze3A_125, %dma_start3A_136] : memref<1000000x64xf32, #tpu.memory_space<hbm>> -> memref<1x64xf32, #tpu.memory_space<hbm>>
    %dma_start3A_138 = tpu.memref_squeeze %dma_start3A_137 : memref<1x64xf32, #tpu.memory_space<hbm>> -> memref<64xf32, #tpu.memory_space<hbm>>
    tpu.enqueue_dma source(%dma_start3A_138 : memref<64xf32, #tpu.memory_space<hbm>>) target(%dma_start3A_135 : memref<64xf32, #tpu.memory_space<vmem>>) target_semaphore(%arg14 : memref<!tpu.dma_semaphore, #tpu.memory_space<semaphore_mem>>)
    %slice3A_139 = vector.extract_strided_slice %get3A_6 {offsets = [9], sizes = [1], strides = [1]} : vector<16xi32> to vector<1xi32>
    %squeeze3A_140 = vector.extract %slice3A_139[0] : i32 from vector<1xi32>
    %dma_start3A_141 = arith.constant 9 : i32
    %dma_start3A_142 = arith.constant 0 : i32
    %dma_start3A_143 = tpu.memref_slice %arg12[%dma_start3A_141, %dma_start3A_142] : memref<16x64xf32, #tpu.memory_space<vmem>> -> memref<1x64xf32, #tpu.memory_space<vmem>>
    %dma_start3A_144 = tpu.memref_squeeze %dma_start3A_143 : memref<1x64xf32, #tpu.memory_space<vmem>> -> memref<64xf32, #tpu.memory_space<vmem>>
    %dma_start3A_145 = arith.constant 0 : i32
    %dma_start3A_146 = tpu.memref_slice %arg2[%squeeze3A_140, %dma_start3A_145] : memref<1000000x64xf32, #tpu.memory_space<hbm>> -> memref<1x64xf32, #tpu.memory_space<hbm>>
    %dma_start3A_147 = tpu.memref_squeeze %dma_start3A_146 : memref<1x64xf32, #tpu.memory_space<hbm>> -> memref<64xf32, #tpu.memory_space<hbm>>
    %dma_start3A_148 = arith.constant 0 : i32
    %dma_start3A_149 = tpu.memref_slice %arg12[%dma_start3A_141, %dma_start3A_148] : memref<16x64xf32, #tpu.memory_space<vmem>> -> memref<1x64xf32, #tpu.memory_space<vmem>>
    %dma_start3A_150 = tpu.memref_squeeze %dma_start3A_149 : memref<1x64xf32, #tpu.memory_space<vmem>> -> memref<64xf32, #tpu.memory_space<vmem>>
    %dma_start3A_151 = arith.constant 0 : i32
    %dma_start3A_152 = tpu.memref_slice %arg2[%squeeze3A_140, %dma_start3A_151] : memref<1000000x64xf32, #tpu.memory_space<hbm>> -> memref<1x64xf32, #tpu.memory_space<hbm>>
    %dma_start3A_153 = tpu.memref_squeeze %dma_start3A_152 : memref<1x64xf32, #tpu.memory_space<hbm>> -> memref<64xf32, #tpu.memory_space<hbm>>
    tpu.enqueue_dma source(%dma_start3A_153 : memref<64xf32, #tpu.memory_space<hbm>>) target(%dma_start3A_150 : memref<64xf32, #tpu.memory_space<vmem>>) target_semaphore(%arg14 : memref<!tpu.dma_semaphore, #tpu.memory_space<semaphore_mem>>)
    %slice3A_154 = vector.extract_strided_slice %get3A_6 {offsets = [10], sizes = [1], strides = [1]} : vector<16xi32> to vector<1xi32>
    %squeeze3A_155 = vector.extract %slice3A_154[0] : i32 from vector<1xi32>
    %dma_start3A_156 = arith.constant 10 : i32
    %dma_start3A_157 = arith.constant 0 : i32
    %dma_start3A_158 = tpu.memref_slice %arg12[%dma_start3A_156, %dma_start3A_157] : memref<16x64xf32, #tpu.memory_space<vmem>> -> memref<1x64xf32, #tpu.memory_space<vmem>>
    %dma_start3A_159 = tpu.memref_squeeze %dma_start3A_158 : memref<1x64xf32, #tpu.memory_space<vmem>> -> memref<64xf32, #tpu.memory_space<vmem>>
    %dma_start3A_160 = arith.constant 0 : i32
    %dma_start3A_161 = tpu.memref_slice %arg2[%squeeze3A_155, %dma_start3A_160] : memref<1000000x64xf32, #tpu.memory_space<hbm>> -> memref<1x64xf32, #tpu.memory_space<hbm>>
    %dma_start3A_162 = tpu.memref_squeeze %dma_start3A_161 : memref<1x64xf32, #tpu.memory_space<hbm>> -> memref<64xf32, #tpu.memory_space<hbm>>
    %dma_start3A_163 = arith.constant 0 : i32
    %dma_start3A_164 = tpu.memref_slice %arg12[%dma_start3A_156, %dma_start3A_163] : memref<16x64xf32, #tpu.memory_space<vmem>> -> memref<1x64xf32, #tpu.memory_space<vmem>>
    %dma_start3A_165 = tpu.memref_squeeze %dma_start3A_164 : memref<1x64xf32, #tpu.memory_space<vmem>> -> memref<64xf32, #tpu.memory_space<vmem>>
    %dma_start3A_166 = arith.constant 0 : i32
    %dma_start3A_167 = tpu.memref_slice %arg2[%squeeze3A_155, %dma_start3A_166] : memref<1000000x64xf32, #tpu.memory_space<hbm>> -> memref<1x64xf32, #tpu.memory_space<hbm>>
    %dma_start3A_168 = tpu.memref_squeeze %dma_start3A_167 : memref<1x64xf32, #tpu.memory_space<hbm>> -> memref<64xf32, #tpu.memory_space<hbm>>
    tpu.enqueue_dma source(%dma_start3A_168 : memref<64xf32, #tpu.memory_space<hbm>>) target(%dma_start3A_165 : memref<64xf32, #tpu.memory_space<vmem>>) target_semaphore(%arg14 : memref<!tpu.dma_semaphore, #tpu.memory_space<semaphore_mem>>)
    %slice3A_169 = vector.extract_strided_slice %get3A_6 {offsets = [11], sizes = [1], strides = [1]} : vector<16xi32> to vector<1xi32>
    %squeeze3A_170 = vector.extract %slice3A_169[0] : i32 from vector<1xi32>
    %dma_start3A_171 = arith.constant 11 : i32
    %dma_start3A_172 = arith.constant 0 : i32
    %dma_start3A_173 = tpu.memref_slice %arg12[%dma_start3A_171, %dma_start3A_172] : memref<16x64xf32, #tpu.memory_space<vmem>> -> memref<1x64xf32, #tpu.memory_space<vmem>>
    %dma_start3A_174 = tpu.memref_squeeze %dma_start3A_173 : memref<1x64xf32, #tpu.memory_space<vmem>> -> memref<64xf32, #tpu.memory_space<vmem>>
    %dma_start3A_175 = arith.constant 0 : i32
    %dma_start3A_176 = tpu.memref_slice %arg2[%squeeze3A_170, %dma_start3A_175] : memref<1000000x64xf32, #tpu.memory_space<hbm>> -> memref<1x64xf32, #tpu.memory_space<hbm>>
    %dma_start3A_177 = tpu.memref_squeeze %dma_start3A_176 : memref<1x64xf32, #tpu.memory_space<hbm>> -> memref<64xf32, #tpu.memory_space<hbm>>
    %dma_start3A_178 = arith.constant 0 : i32
    %dma_start3A_179 = tpu.memref_slice %arg12[%dma_start3A_171, %dma_start3A_178] : memref<16x64xf32, #tpu.memory_space<vmem>> -> memref<1x64xf32, #tpu.memory_space<vmem>>
    %dma_start3A_180 = tpu.memref_squeeze %dma_start3A_179 : memref<1x64xf32, #tpu.memory_space<vmem>> -> memref<64xf32, #tpu.memory_space<vmem>>
    %dma_start3A_181 = arith.constant 0 : i32
    %dma_start3A_182 = tpu.memref_slice %arg2[%squeeze3A_170, %dma_start3A_181] : memref<1000000x64xf32, #tpu.memory_space<hbm>> -> memref<1x64xf32, #tpu.memory_space<hbm>>
    %dma_start3A_183 = tpu.memref_squeeze %dma_start3A_182 : memref<1x64xf32, #tpu.memory_space<hbm>> -> memref<64xf32, #tpu.memory_space<hbm>>
    tpu.enqueue_dma source(%dma_start3A_183 : memref<64xf32, #tpu.memory_space<hbm>>) target(%dma_start3A_180 : memref<64xf32, #tpu.memory_space<vmem>>) target_semaphore(%arg14 : memref<!tpu.dma_semaphore, #tpu.memory_space<semaphore_mem>>)
    %slice3A_184 = vector.extract_strided_slice %get3A_6 {offsets = [12], sizes = [1], strides = [1]} : vector<16xi32> to vector<1xi32>
    %squeeze3A_185 = vector.extract %slice3A_184[0] : i32 from vector<1xi32>
    %dma_start3A_186 = arith.constant 12 : i32
    %dma_start3A_187 = arith.constant 0 : i32
    %dma_start3A_188 = tpu.memref_slice %arg12[%dma_start3A_186, %dma_start3A_187] : memref<16x64xf32, #tpu.memory_space<vmem>> -> memref<1x64xf32, #tpu.memory_space<vmem>>
    %dma_start3A_189 = tpu.memref_squeeze %dma_start3A_188 : memref<1x64xf32, #tpu.memory_space<vmem>> -> memref<64xf32, #tpu.memory_space<vmem>>
    %dma_start3A_190 = arith.constant 0 : i32
    %dma_start3A_191 = tpu.memref_slice %arg2[%squeeze3A_185, %dma_start3A_190] : memref<1000000x64xf32, #tpu.memory_space<hbm>> -> memref<1x64xf32, #tpu.memory_space<hbm>>
    %dma_start3A_192 = tpu.memref_squeeze %dma_start3A_191 : memref<1x64xf32, #tpu.memory_space<hbm>> -> memref<64xf32, #tpu.memory_space<hbm>>
    %dma_start3A_193 = arith.constant 0 : i32
    %dma_start3A_194 = tpu.memref_slice %arg12[%dma_start3A_186, %dma_start3A_193] : memref<16x64xf32, #tpu.memory_space<vmem>> -> memref<1x64xf32, #tpu.memory_space<vmem>>
    %dma_start3A_195 = tpu.memref_squeeze %dma_start3A_194 : memref<1x64xf32, #tpu.memory_space<vmem>> -> memref<64xf32, #tpu.memory_space<vmem>>
    %dma_start3A_196 = arith.constant 0 : i32
    %dma_start3A_197 = tpu.memref_slice %arg2[%squeeze3A_185, %dma_start3A_196] : memref<1000000x64xf32, #tpu.memory_space<hbm>> -> memref<1x64xf32, #tpu.memory_space<hbm>>
    %dma_start3A_198 = tpu.memref_squeeze %dma_start3A_197 : memref<1x64xf32, #tpu.memory_space<hbm>> -> memref<64xf32, #tpu.memory_space<hbm>>
    tpu.enqueue_dma source(%dma_start3A_198 : memref<64xf32, #tpu.memory_space<hbm>>) target(%dma_start3A_195 : memref<64xf32, #tpu.memory_space<vmem>>) target_semaphore(%arg14 : memref<!tpu.dma_semaphore, #tpu.memory_space<semaphore_mem>>)
    %slice3A_199 = vector.extract_strided_slice %get3A_6 {offsets = [13], sizes = [1], strides = [1]} : vector<16xi32> to vector<1xi32>
    %squeeze3A_200 = vector.extract %slice3A_199[0] : i32 from vector<1xi32>
    %dma_start3A_201 = arith.constant 13 : i32
    %dma_start3A_202 = arith.constant 0 : i32
    %dma_start3A_203 = tpu.memref_slice %arg12[%dma_start3A_201, %dma_start3A_202] : memref<16x64xf32, #tpu.memory_space<vmem>> -> memref<1x64xf32, #tpu.memory_space<vmem>>
    %dma_start3A_204 = tpu.memref_squeeze %dma_start3A_203 : memref<1x64xf32, #tpu.memory_space<vmem>> -> memref<64xf32, #tpu.memory_space<vmem>>
    %dma_start3A_205 = arith.constant 0 : i32
    %dma_start3A_206 = tpu.memref_slice %arg2[%squeeze3A_200, %dma_start3A_205] : memref<1000000x64xf32, #tpu.memory_space<hbm>> -> memref<1x64xf32, #tpu.memory_space<hbm>>
    %dma_start3A_207 = tpu.memref_squeeze %dma_start3A_206 : memref<1x64xf32, #tpu.memory_space<hbm>> -> memref<64xf32, #tpu.memory_space<hbm>>
    %dma_start3A_208 = arith.constant 0 : i32
    %dma_start3A_209 = tpu.memref_slice %arg12[%dma_start3A_201, %dma_start3A_208] : memref<16x64xf32, #tpu.memory_space<vmem>> -> memref<1x64xf32, #tpu.memory_space<vmem>>
    %dma_start3A_210 = tpu.memref_squeeze %dma_start3A_209 : memref<1x64xf32, #tpu.memory_space<vmem>> -> memref<64xf32, #tpu.memory_space<vmem>>
    %dma_start3A_211 = arith.constant 0 : i32
    %dma_start3A_212 = tpu.memref_slice %arg2[%squeeze3A_200, %dma_start3A_211] : memref<1000000x64xf32, #tpu.memory_space<hbm>> -> memref<1x64xf32, #tpu.memory_space<hbm>>
    %dma_start3A_213 = tpu.memref_squeeze %dma_start3A_212 : memref<1x64xf32, #tpu.memory_space<hbm>> -> memref<64xf32, #tpu.memory_space<hbm>>
    tpu.enqueue_dma source(%dma_start3A_213 : memref<64xf32, #tpu.memory_space<hbm>>) target(%dma_start3A_210 : memref<64xf32, #tpu.memory_space<vmem>>) target_semaphore(%arg14 : memref<!tpu.dma_semaphore, #tpu.memory_space<semaphore_mem>>)
    %slice3A_214 = vector.extract_strided_slice %get3A_6 {offsets = [14], sizes = [1], strides = [1]} : vector<16xi32> to vector<1xi32>
    %squeeze3A_215 = vector.extract %slice3A_214[0] : i32 from vector<1xi32>
    %dma_start3A_216 = arith.constant 14 : i32
    %dma_start3A_217 = arith.constant 0 : i32
    %dma_start3A_218 = tpu.memref_slice %arg12[%dma_start3A_216, %dma_start3A_217] : memref<16x64xf32, #tpu.memory_space<vmem>> -> memref<1x64xf32, #tpu.memory_space<vmem>>
    %dma_start3A_219 = tpu.memref_squeeze %dma_start3A_218 : memref<1x64xf32, #tpu.memory_space<vmem>> -> memref<64xf32, #tpu.memory_space<vmem>>
    %dma_start3A_220 = arith.constant 0 : i32
    %dma_start3A_221 = tpu.memref_slice %arg2[%squeeze3A_215, %dma_start3A_220] : memref<1000000x64xf32, #tpu.memory_space<hbm>> -> memref<1x64xf32, #tpu.memory_space<hbm>>
    %dma_start3A_222 = tpu.memref_squeeze %dma_start3A_221 : memref<1x64xf32, #tpu.memory_space<hbm>> -> memref<64xf32, #tpu.memory_space<hbm>>
    %dma_start3A_223 = arith.constant 0 : i32
    %dma_start3A_224 = tpu.memref_slice %arg12[%dma_start3A_216, %dma_start3A_223] : memref<16x64xf32, #tpu.memory_space<vmem>> -> memref<1x64xf32, #tpu.memory_space<vmem>>
    %dma_start3A_225 = tpu.memref_squeeze %dma_start3A_224 : memref<1x64xf32, #tpu.memory_space<vmem>> -> memref<64xf32, #tpu.memory_space<vmem>>
    %dma_start3A_226 = arith.constant 0 : i32
    %dma_start3A_227 = tpu.memref_slice %arg2[%squeeze3A_215, %dma_start3A_226] : memref<1000000x64xf32, #tpu.memory_space<hbm>> -> memref<1x64xf32, #tpu.memory_space<hbm>>
    %dma_start3A_228 = tpu.memref_squeeze %dma_start3A_227 : memref<1x64xf32, #tpu.memory_space<hbm>> -> memref<64xf32, #tpu.memory_space<hbm>>
    tpu.enqueue_dma source(%dma_start3A_228 : memref<64xf32, #tpu.memory_space<hbm>>) target(%dma_start3A_225 : memref<64xf32, #tpu.memory_space<vmem>>) target_semaphore(%arg14 : memref<!tpu.dma_semaphore, #tpu.memory_space<semaphore_mem>>)
    %slice3A_229 = vector.extract_strided_slice %get3A_6 {offsets = [15], sizes = [1], strides = [1]} : vector<16xi32> to vector<1xi32>
    %squeeze3A_230 = vector.extract %slice3A_229[0] : i32 from vector<1xi32>
    %dma_start3A_231 = arith.constant 15 : i32
    %dma_start3A_232 = arith.constant 0 : i32
    %dma_start3A_233 = tpu.memref_slice %arg12[%dma_start3A_231, %dma_start3A_232] : memref<16x64xf32, #tpu.memory_space<vmem>> -> memref<1x64xf32, #tpu.memory_space<vmem>>
    %dma_start3A_234 = tpu.memref_squeeze %dma_start3A_233 : memref<1x64xf32, #tpu.memory_space<vmem>> -> memref<64xf32, #tpu.memory_space<vmem>>
    %dma_start3A_235 = arith.constant 0 : i32
    %dma_start3A_236 = tpu.memref_slice %arg2[%squeeze3A_230, %dma_start3A_235] : memref<1000000x64xf32, #tpu.memory_space<hbm>> -> memref<1x64xf32, #tpu.memory_space<hbm>>
    %dma_start3A_237 = tpu.memref_squeeze %dma_start3A_236 : memref<1x64xf32, #tpu.memory_space<hbm>> -> memref<64xf32, #tpu.memory_space<hbm>>
    %dma_start3A_238 = arith.constant 0 : i32
    %dma_start3A_239 = tpu.memref_slice %arg12[%dma_start3A_231, %dma_start3A_238] : memref<16x64xf32, #tpu.memory_space<vmem>> -> memref<1x64xf32, #tpu.memory_space<vmem>>
    %dma_start3A_240 = tpu.memref_squeeze %dma_start3A_239 : memref<1x64xf32, #tpu.memory_space<vmem>> -> memref<64xf32, #tpu.memory_space<vmem>>
    %dma_start3A_241 = arith.constant 0 : i32
    %dma_start3A_242 = tpu.memref_slice %arg2[%squeeze3A_230, %dma_start3A_241] : memref<1000000x64xf32, #tpu.memory_space<hbm>> -> memref<1x64xf32, #tpu.memory_space<hbm>>
    %dma_start3A_243 = tpu.memref_squeeze %dma_start3A_242 : memref<1x64xf32, #tpu.memory_space<hbm>> -> memref<64xf32, #tpu.memory_space<hbm>>
    tpu.enqueue_dma source(%dma_start3A_243 : memref<64xf32, #tpu.memory_space<hbm>>) target(%dma_start3A_240 : memref<64xf32, #tpu.memory_space<vmem>>) target_semaphore(%arg14 : memref<!tpu.dma_semaphore, #tpu.memory_space<semaphore_mem>>)
    %scan3A = arith.constant 0 : i32
    %scan3A_244 = arith.constant 16 : i32
    %scan3A_245 = arith.addi %scan3A, %scan3A_244 : i32
    %scan3A_246 = arith.constant 1 : i32
    scf.for %scan3A_748 = %scan3A to %scan3A_245 step %scan3A_246  : i32 {
      %mul3A_749 = arith.constant 1 : i32
      %mul3A_750 = arith.muli %scan3A_748, %mul3A_749 : i32
      %add3A_751 = arith.constant 0 : i32
      %add3A_752 = arith.addi %add3A_751, %mul3A_750 : i32
      %mul3A_753 = arith.constant 2 : i32
      %mul3A_754 = arith.muli %mul3A_753, %add3A_752 : i32
      %add3A_755 = arith.constant 1 : i32
      %add3A_756 = arith.addi %mul3A_754, %add3A_755 : i32
      %get3A_757 = arith.index_cast %add3A_756 : i32 to index
      %get3A_758 = arith.constant 0 : index
      %get3A_759 = tpu.vector_load %arg9[%get3A_757, %get3A_758] {strides = array<i32>} : memref<32x16xi32, #tpu.memory_space<vmem>>, vector<1x16xi32>,
      %get3A_760 = vector.shape_cast %get3A_759 : vector<1x16xi32> to vector<16xi32>
      %slice3A_761 = vector.extract_strided_slice %get3A_760 {offsets = [0], sizes = [1], strides = [1]} : vector<16xi32> to vector<1xi32>
      %squeeze3A_762 = vector.extract %slice3A_761[0] : i32 from vector<1xi32>
      %dma_start3A_763 = arith.constant 0 : i32
      %dma_start3A_764 = arith.constant 0 : i32
      %dma_start3A_765 = tpu.memref_slice %arg13[%dma_start3A_763, %dma_start3A_764] : memref<16x64xf32, #tpu.memory_space<vmem>> -> memref<1x64xf32, #tpu.memory_space<vmem>>
      %dma_start3A_766 = tpu.memref_squeeze %dma_start3A_765 : memref<1x64xf32, #tpu.memory_space<vmem>> -> memref<64xf32, #tpu.memory_space<vmem>>
      %dma_start3A_767 = arith.constant 0 : i32
      %dma_start3A_768 = tpu.memref_slice %arg2[%squeeze3A_762, %dma_start3A_767] : memref<1000000x64xf32, #tpu.memory_space<hbm>> -> memref<1x64xf32, #tpu.memory_space<hbm>>
      %dma_start3A_769 = tpu.memref_squeeze %dma_start3A_768 : memref<1x64xf32, #tpu.memory_space<hbm>> -> memref<64xf32, #tpu.memory_space<hbm>>
      %dma_start3A_770 = arith.constant 0 : i32
      %dma_start3A_771 = tpu.memref_slice %arg13[%dma_start3A_763, %dma_start3A_770] : memref<16x64xf32, #tpu.memory_space<vmem>> -> memref<1x64xf32, #tpu.memory_space<vmem>>
      %dma_start3A_772 = tpu.memref_squeeze %dma_start3A_771 : memref<1x64xf32, #tpu.memory_space<vmem>> -> memref<64xf32, #tpu.memory_space<vmem>>
      %dma_start3A_773 = arith.constant 0 : i32
      %dma_start3A_774 = tpu.memref_slice %arg2[%squeeze3A_762, %dma_start3A_773] : memref<1000000x64xf32, #tpu.memory_space<hbm>> -> memref<1x64xf32, #tpu.memory_space<hbm>>
      %dma_start3A_775 = tpu.memref_squeeze %dma_start3A_774 : memref<1x64xf32, #tpu.memory_space<hbm>> -> memref<64xf32, #tpu.memory_space<hbm>>
      tpu.enqueue_dma source(%dma_start3A_775 : memref<64xf32, #tpu.memory_space<hbm>>) target(%dma_start3A_772 : memref<64xf32, #tpu.memory_space<vmem>>) target_semaphore(%arg15 : memref<!tpu.dma_semaphore, #tpu.memory_space<semaphore_mem>>)
      %slice3A_776 = vector.extract_strided_slice %get3A_760 {offsets = [1], sizes = [1], strides = [1]} : vector<16xi32> to vector<1xi32>
      %squeeze3A_777 = vector.extract %slice3A_776[0] : i32 from vector<1xi32>
      %dma_start3A_778 = arith.constant 1 : i32
      %dma_start3A_779 = arith.constant 0 : i32
      %dma_start3A_780 = tpu.memref_slice %arg13[%dma_start3A_778, %dma_start3A_779] : memref<16x64xf32, #tpu.memory_space<vmem>> -> memref<1x64xf32, #tpu.memory_space<vmem>>
      %dma_start3A_781 = tpu.memref_squeeze %dma_start3A_780 : memref<1x64xf32, #tpu.memory_space<vmem>> -> memref<64xf32, #tpu.memory_space<vmem>>
      %dma_start3A_782 = arith.constant 0 : i32
      %dma_start3A_783 = tpu.memref_slice %arg2[%squeeze3A_777, %dma_start3A_782] : memref<1000000x64xf32, #tpu.memory_space<hbm>> -> memref<1x64xf32, #tpu.memory_space<hbm>>
      %dma_start3A_784 = tpu.memref_squeeze %dma_start3A_783 : memref<1x64xf32, #tpu.memory_space<hbm>> -> memref<64xf32, #tpu.memory_space<hbm>>
      %dma_start3A_785 = arith.constant 0 : i32
      %dma_start3A_786 = tpu.memref_slice %arg13[%dma_start3A_778, %dma_start3A_785] : memref<16x64xf32, #tpu.memory_space<vmem>> -> memref<1x64xf32, #tpu.memory_space<vmem>>
      %dma_start3A_787 = tpu.memref_squeeze %dma_start3A_786 : memref<1x64xf32, #tpu.memory_space<vmem>> -> memref<64xf32, #tpu.memory_space<vmem>>
      %dma_start3A_788 = arith.constant 0 : i32
      %dma_start3A_789 = tpu.memref_slice %arg2[%squeeze3A_777, %dma_start3A_788] : memref<1000000x64xf32, #tpu.memory_space<hbm>> -> memref<1x64xf32, #tpu.memory_space<hbm>>
      %dma_start3A_790 = tpu.memref_squeeze %dma_start3A_789 : memref<1x64xf32, #tpu.memory_space<hbm>> -> memref<64xf32, #tpu.memory_space<hbm>>
      tpu.enqueue_dma source(%dma_start3A_790 : memref<64xf32, #tpu.memory_space<hbm>>) target(%dma_start3A_787 : memref<64xf32, #tpu.memory_space<vmem>>) target_semaphore(%arg15 : memref<!tpu.dma_semaphore, #tpu.memory_space<semaphore_mem>>)
      %slice3A_791 = vector.extract_strided_slice %get3A_760 {offsets = [2], sizes = [1], strides = [1]} : vector<16xi32> to vector<1xi32>
      %squeeze3A_792 = vector.extract %slice3A_791[0] : i32 from vector<1xi32>
      %dma_start3A_793 = arith.constant 2 : i32
      %dma_start3A_794 = arith.constant 0 : i32
      %dma_start3A_795 = tpu.memref_slice %arg13[%dma_start3A_793, %dma_start3A_794] : memref<16x64xf32, #tpu.memory_space<vmem>> -> memref<1x64xf32, #tpu.memory_space<vmem>>
      %dma_start3A_796 = tpu.memref_squeeze %dma_start3A_795 : memref<1x64xf32, #tpu.memory_space<vmem>> -> memref<64xf32, #tpu.memory_space<vmem>>
      %dma_start3A_797 = arith.constant 0 : i32
      %dma_start3A_798 = tpu.memref_slice %arg2[%squeeze3A_792, %dma_start3A_797] : memref<1000000x64xf32, #tpu.memory_space<hbm>> -> memref<1x64xf32, #tpu.memory_space<hbm>>
      %dma_start3A_799 = tpu.memref_squeeze %dma_start3A_798 : memref<1x64xf32, #tpu.memory_space<hbm>> -> memref<64xf32, #tpu.memory_space<hbm>>
      %dma_start3A_800 = arith.constant 0 : i32
      %dma_start3A_801 = tpu.memref_slice %arg13[%dma_start3A_793, %dma_start3A_800] : memref<16x64xf32, #tpu.memory_space<vmem>> -> memref<1x64xf32, #tpu.memory_space<vmem>>
      %dma_start3A_802 = tpu.memref_squeeze %dma_start3A_801 : memref<1x64xf32, #tpu.memory_space<vmem>> -> memref<64xf32, #tpu.memory_space<vmem>>
      %dma_start3A_803 = arith.constant 0 : i32
      %dma_start3A_804 = tpu.memref_slice %arg2[%squeeze3A_792, %dma_start3A_803] : memref<1000000x64xf32, #tpu.memory_space<hbm>> -> memref<1x64xf32, #tpu.memory_space<hbm>>
      %dma_start3A_805 = tpu.memref_squeeze %dma_start3A_804 : memref<1x64xf32, #tpu.memory_space<hbm>> -> memref<64xf32, #tpu.memory_space<hbm>>
      tpu.enqueue_dma source(%dma_start3A_805 : memref<64xf32, #tpu.memory_space<hbm>>) target(%dma_start3A_802 : memref<64xf32, #tpu.memory_space<vmem>>) target_semaphore(%arg15 : memref<!tpu.dma_semaphore, #tpu.memory_space<semaphore_mem>>)
      %slice3A_806 = vector.extract_strided_slice %get3A_760 {offsets = [3], sizes = [1], strides = [1]} : vector<16xi32> to vector<1xi32>
      %squeeze3A_807 = vector.extract %slice3A_806[0] : i32 from vector<1xi32>
      %dma_start3A_808 = arith.constant 3 : i32
      %dma_start3A_809 = arith.constant 0 : i32
      %dma_start3A_810 = tpu.memref_slice %arg13[%dma_start3A_808, %dma_start3A_809] : memref<16x64xf32, #tpu.memory_space<vmem>> -> memref<1x64xf32, #tpu.memory_space<vmem>>
      %dma_start3A_811 = tpu.memref_squeeze %dma_start3A_810 : memref<1x64xf32, #tpu.memory_space<vmem>> -> memref<64xf32, #tpu.memory_space<vmem>>
      %dma_start3A_812 = arith.constant 0 : i32
      %dma_start3A_813 = tpu.memref_slice %arg2[%squeeze3A_807, %dma_start3A_812] : memref<1000000x64xf32, #tpu.memory_space<hbm>> -> memref<1x64xf32, #tpu.memory_space<hbm>>
      %dma_start3A_814 = tpu.memref_squeeze %dma_start3A_813 : memref<1x64xf32, #tpu.memory_space<hbm>> -> memref<64xf32, #tpu.memory_space<hbm>>
      %dma_start3A_815 = arith.constant 0 : i32
      %dma_start3A_816 = tpu.memref_slice %arg13[%dma_start3A_808, %dma_start3A_815] : memref<16x64xf32, #tpu.memory_space<vmem>> -> memref<1x64xf32, #tpu.memory_space<vmem>>
      %dma_start3A_817 = tpu.memref_squeeze %dma_start3A_816 : memref<1x64xf32, #tpu.memory_space<vmem>> -> memref<64xf32, #tpu.memory_space<vmem>>
      %dma_start3A_818 = arith.constant 0 : i32
      %dma_start3A_819 = tpu.memref_slice %arg2[%squeeze3A_807, %dma_start3A_818] : memref<1000000x64xf32, #tpu.memory_space<hbm>> -> memref<1x64xf32, #tpu.memory_space<hbm>>
      %dma_start3A_820 = tpu.memref_squeeze %dma_start3A_819 : memref<1x64xf32, #tpu.memory_space<hbm>> -> memref<64xf32, #tpu.memory_space<hbm>>
      tpu.enqueue_dma source(%dma_start3A_820 : memref<64xf32, #tpu.memory_space<hbm>>) target(%dma_start3A_817 : memref<64xf32, #tpu.memory_space<vmem>>) target_semaphore(%arg15 : memref<!tpu.dma_semaphore, #tpu.memory_space<semaphore_mem>>)
      %slice3A_821 = vector.extract_strided_slice %get3A_760 {offsets = [4], sizes = [1], strides = [1]} : vector<16xi32> to vector<1xi32>
      %squeeze3A_822 = vector.extract %slice3A_821[0] : i32 from vector<1xi32>
      %dma_start3A_823 = arith.constant 4 : i32
      %dma_start3A_824 = arith.constant 0 : i32
      %dma_start3A_825 = tpu.memref_slice %arg13[%dma_start3A_823, %dma_start3A_824] : memref<16x64xf32, #tpu.memory_space<vmem>> -> memref<1x64xf32, #tpu.memory_space<vmem>>
      %dma_start3A_826 = tpu.memref_squeeze %dma_start3A_825 : memref<1x64xf32, #tpu.memory_space<vmem>> -> memref<64xf32, #tpu.memory_space<vmem>>
      %dma_start3A_827 = arith.constant 0 : i32
      %dma_start3A_828 = tpu.memref_slice %arg2[%squeeze3A_822, %dma_start3A_827] : memref<1000000x64xf32, #tpu.memory_space<hbm>> -> memref<1x64xf32, #tpu.memory_space<hbm>>
      %dma_start3A_829 = tpu.memref_squeeze %dma_start3A_828 : memref<1x64xf32, #tpu.memory_space<hbm>> -> memref<64xf32, #tpu.memory_space<hbm>>
      %dma_start3A_830 = arith.constant 0 : i32
      %dma_start3A_831 = tpu.memref_slice %arg13[%dma_start3A_823, %dma_start3A_830] : memref<16x64xf32, #tpu.memory_space<vmem>> -> memref<1x64xf32, #tpu.memory_space<vmem>>
      %dma_start3A_832 = tpu.memref_squeeze %dma_start3A_831 : memref<1x64xf32, #tpu.memory_space<vmem>> -> memref<64xf32, #tpu.memory_space<vmem>>
      %dma_start3A_833 = arith.constant 0 : i32
      %dma_start3A_834 = tpu.memref_slice %arg2[%squeeze3A_822, %dma_start3A_833] : memref<1000000x64xf32, #tpu.memory_space<hbm>> -> memref<1x64xf32, #tpu.memory_space<hbm>>
      %dma_start3A_835 = tpu.memref_squeeze %dma_start3A_834 : memref<1x64xf32, #tpu.memory_space<hbm>> -> memref<64xf32, #tpu.memory_space<hbm>>
      tpu.enqueue_dma source(%dma_start3A_835 : memref<64xf32, #tpu.memory_space<hbm>>) target(%dma_start3A_832 : memref<64xf32, #tpu.memory_space<vmem>>) target_semaphore(%arg15 : memref<!tpu.dma_semaphore, #tpu.memory_space<semaphore_mem>>)
      %slice3A_836 = vector.extract_strided_slice %get3A_760 {offsets = [5], sizes = [1], strides = [1]} : vector<16xi32> to vector<1xi32>
      %squeeze3A_837 = vector.extract %slice3A_836[0] : i32 from vector<1xi32>
      %dma_start3A_838 = arith.constant 5 : i32
      %dma_start3A_839 = arith.constant 0 : i32
      %dma_start3A_840 = tpu.memref_slice %arg13[%dma_start3A_838, %dma_start3A_839] : memref<16x64xf32, #tpu.memory_space<vmem>> -> memref<1x64xf32, #tpu.memory_space<vmem>>
      %dma_start3A_841 = tpu.memref_squeeze %dma_start3A_840 : memref<1x64xf32, #tpu.memory_space<vmem>> -> memref<64xf32, #tpu.memory_space<vmem>>
      %dma_start3A_842 = arith.constant 0 : i32
      %dma_start3A_843 = tpu.memref_slice %arg2[%squeeze3A_837, %dma_start3A_842] : memref<1000000x64xf32, #tpu.memory_space<hbm>> -> memref<1x64xf32, #tpu.memory_space<hbm>>
      %dma_start3A_844 = tpu.memref_squeeze %dma_start3A_843 : memref<1x64xf32, #tpu.memory_space<hbm>> -> memref<64xf32, #tpu.memory_space<hbm>>
      %dma_start3A_845 = arith.constant 0 : i32
      %dma_start3A_846 = tpu.memref_slice %arg13[%dma_start3A_838, %dma_start3A_845] : memref<16x64xf32, #tpu.memory_space<vmem>> -> memref<1x64xf32, #tpu.memory_space<vmem>>
      %dma_start3A_847 = tpu.memref_squeeze %dma_start3A_846 : memref<1x64xf32, #tpu.memory_space<vmem>> -> memref<64xf32, #tpu.memory_space<vmem>>
      %dma_start3A_848 = arith.constant 0 : i32
      %dma_start3A_849 = tpu.memref_slice %arg2[%squeeze3A_837, %dma_start3A_848] : memref<1000000x64xf32, #tpu.memory_space<hbm>> -> memref<1x64xf32, #tpu.memory_space<hbm>>
      %dma_start3A_850 = tpu.memref_squeeze %dma_start3A_849 : memref<1x64xf32, #tpu.memory_space<hbm>> -> memref<64xf32, #tpu.memory_space<hbm>>
      tpu.enqueue_dma source(%dma_start3A_850 : memref<64xf32, #tpu.memory_space<hbm>>) target(%dma_start3A_847 : memref<64xf32, #tpu.memory_space<vmem>>) target_semaphore(%arg15 : memref<!tpu.dma_semaphore, #tpu.memory_space<semaphore_mem>>)
      %slice3A_851 = vector.extract_strided_slice %get3A_760 {offsets = [6], sizes = [1], strides = [1]} : vector<16xi32> to vector<1xi32>
      %squeeze3A_852 = vector.extract %slice3A_851[0] : i32 from vector<1xi32>
      %dma_start3A_853 = arith.constant 6 : i32
      %dma_start3A_854 = arith.constant 0 : i32
      %dma_start3A_855 = tpu.memref_slice %arg13[%dma_start3A_853, %dma_start3A_854] : memref<16x64xf32, #tpu.memory_space<vmem>> -> memref<1x64xf32, #tpu.memory_space<vmem>>
      %dma_start3A_856 = tpu.memref_squeeze %dma_start3A_855 : memref<1x64xf32, #tpu.memory_space<vmem>> -> memref<64xf32, #tpu.memory_space<vmem>>
      %dma_start3A_857 = arith.constant 0 : i32
      %dma_start3A_858 = tpu.memref_slice %arg2[%squeeze3A_852, %dma_start3A_857] : memref<1000000x64xf32, #tpu.memory_space<hbm>> -> memref<1x64xf32, #tpu.memory_space<hbm>>
      %dma_start3A_859 = tpu.memref_squeeze %dma_start3A_858 : memref<1x64xf32, #tpu.memory_space<hbm>> -> memref<64xf32, #tpu.memory_space<hbm>>
      %dma_start3A_860 = arith.constant 0 : i32
      %dma_start3A_861 = tpu.memref_slice %arg13[%dma_start3A_853, %dma_start3A_860] : memref<16x64xf32, #tpu.memory_space<vmem>> -> memref<1x64xf32, #tpu.memory_space<vmem>>
      %dma_start3A_862 = tpu.memref_squeeze %dma_start3A_861 : memref<1x64xf32, #tpu.memory_space<vmem>> -> memref<64xf32, #tpu.memory_space<vmem>>
      %dma_start3A_863 = arith.constant 0 : i32
      %dma_start3A_864 = tpu.memref_slice %arg2[%squeeze3A_852, %dma_start3A_863] : memref<1000000x64xf32, #tpu.memory_space<hbm>> -> memref<1x64xf32, #tpu.memory_space<hbm>>
      %dma_start3A_865 = tpu.memref_squeeze %dma_start3A_864 : memref<1x64xf32, #tpu.memory_space<hbm>> -> memref<64xf32, #tpu.memory_space<hbm>>
      tpu.enqueue_dma source(%dma_start3A_865 : memref<64xf32, #tpu.memory_space<hbm>>) target(%dma_start3A_862 : memref<64xf32, #tpu.memory_space<vmem>>) target_semaphore(%arg15 : memref<!tpu.dma_semaphore, #tpu.memory_space<semaphore_mem>>)
      %slice3A_866 = vector.extract_strided_slice %get3A_760 {offsets = [7], sizes = [1], strides = [1]} : vector<16xi32> to vector<1xi32>
      %squeeze3A_867 = vector.extract %slice3A_866[0] : i32 from vector<1xi32>
      %dma_start3A_868 = arith.constant 7 : i32
      %dma_start3A_869 = arith.constant 0 : i32
      %dma_start3A_870 = tpu.memref_slice %arg13[%dma_start3A_868, %dma_start3A_869] : memref<16x64xf32, #tpu.memory_space<vmem>> -> memref<1x64xf32, #tpu.memory_space<vmem>>
      %dma_start3A_871 = tpu.memref_squeeze %dma_start3A_870 : memref<1x64xf32, #tpu.memory_space<vmem>> -> memref<64xf32, #tpu.memory_space<vmem>>
      %dma_start3A_872 = arith.constant 0 : i32
      %dma_start3A_873 = tpu.memref_slice %arg2[%squeeze3A_867, %dma_start3A_872] : memref<1000000x64xf32, #tpu.memory_space<hbm>> -> memref<1x64xf32, #tpu.memory_space<hbm>>
      %dma_start3A_874 = tpu.memref_squeeze %dma_start3A_873 : memref<1x64xf32, #tpu.memory_space<hbm>> -> memref<64xf32, #tpu.memory_space<hbm>>
      %dma_start3A_875 = arith.constant 0 : i32
      %dma_start3A_876 = tpu.memref_slice %arg13[%dma_start3A_868, %dma_start3A_875] : memref<16x64xf32, #tpu.memory_space<vmem>> -> memref<1x64xf32, #tpu.memory_space<vmem>>
      %dma_start3A_877 = tpu.memref_squeeze %dma_start3A_876 : memref<1x64xf32, #tpu.memory_space<vmem>> -> memref<64xf32, #tpu.memory_space<vmem>>
      %dma_start3A_878 = arith.constant 0 : i32
      %dma_start3A_879 = tpu.memref_slice %arg2[%squeeze3A_867, %dma_start3A_878] : memref<1000000x64xf32, #tpu.memory_space<hbm>> -> memref<1x64xf32, #tpu.memory_space<hbm>>
      %dma_start3A_880 = tpu.memref_squeeze %dma_start3A_879 : memref<1x64xf32, #tpu.memory_space<hbm>> -> memref<64xf32, #tpu.memory_space<hbm>>
      tpu.enqueue_dma source(%dma_start3A_880 : memref<64xf32, #tpu.memory_space<hbm>>) target(%dma_start3A_877 : memref<64xf32, #tpu.memory_space<vmem>>) target_semaphore(%arg15 : memref<!tpu.dma_semaphore, #tpu.memory_space<semaphore_mem>>)
      %slice3A_881 = vector.extract_strided_slice %get3A_760 {offsets = [8], sizes = [1], strides = [1]} : vector<16xi32> to vector<1xi32>
      %squeeze3A_882 = vector.extract %slice3A_881[0] : i32 from vector<1xi32>
      %dma_start3A_883 = arith.constant 8 : i32
      %dma_start3A_884 = arith.constant 0 : i32
      %dma_start3A_885 = tpu.memref_slice %arg13[%dma_start3A_883, %dma_start3A_884] : memref<16x64xf32, #tpu.memory_space<vmem>> -> memref<1x64xf32, #tpu.memory_space<vmem>>
      %dma_start3A_886 = tpu.memref_squeeze %dma_start3A_885 : memref<1x64xf32, #tpu.memory_space<vmem>> -> memref<64xf32, #tpu.memory_space<vmem>>
      %dma_start3A_887 = arith.constant 0 : i32
      %dma_start3A_888 = tpu.memref_slice %arg2[%squeeze3A_882, %dma_start3A_887] : memref<1000000x64xf32, #tpu.memory_space<hbm>> -> memref<1x64xf32, #tpu.memory_space<hbm>>
      %dma_start3A_889 = tpu.memref_squeeze %dma_start3A_888 : memref<1x64xf32, #tpu.memory_space<hbm>> -> memref<64xf32, #tpu.memory_space<hbm>>
      %dma_start3A_890 = arith.constant 0 : i32
      %dma_start3A_891 = tpu.memref_slice %arg13[%dma_start3A_883, %dma_start3A_890] : memref<16x64xf32, #tpu.memory_space<vmem>> -> memref<1x64xf32, #tpu.memory_space<vmem>>
      %dma_start3A_892 = tpu.memref_squeeze %dma_start3A_891 : memref<1x64xf32, #tpu.memory_space<vmem>> -> memref<64xf32, #tpu.memory_space<vmem>>
      %dma_start3A_893 = arith.constant 0 : i32
      %dma_start3A_894 = tpu.memref_slice %arg2[%squeeze3A_882, %dma_start3A_893] : memref<1000000x64xf32, #tpu.memory_space<hbm>> -> memref<1x64xf32, #tpu.memory_space<hbm>>
      %dma_start3A_895 = tpu.memref_squeeze %dma_start3A_894 : memref<1x64xf32, #tpu.memory_space<hbm>> -> memref<64xf32, #tpu.memory_space<hbm>>
      tpu.enqueue_dma source(%dma_start3A_895 : memref<64xf32, #tpu.memory_space<hbm>>) target(%dma_start3A_892 : memref<64xf32, #tpu.memory_space<vmem>>) target_semaphore(%arg15 : memref<!tpu.dma_semaphore, #tpu.memory_space<semaphore_mem>>)
      %slice3A_896 = vector.extract_strided_slice %get3A_760 {offsets = [9], sizes = [1], strides = [1]} : vector<16xi32> to vector<1xi32>
      %squeeze3A_897 = vector.extract %slice3A_896[0] : i32 from vector<1xi32>
      %dma_start3A_898 = arith.constant 9 : i32
      %dma_start3A_899 = arith.constant 0 : i32
      %dma_start3A_900 = tpu.memref_slice %arg13[%dma_start3A_898, %dma_start3A_899] : memref<16x64xf32, #tpu.memory_space<vmem>> -> memref<1x64xf32, #tpu.memory_space<vmem>>
      %dma_start3A_901 = tpu.memref_squeeze %dma_start3A_900 : memref<1x64xf32, #tpu.memory_space<vmem>> -> memref<64xf32, #tpu.memory_space<vmem>>
      %dma_start3A_902 = arith.constant 0 : i32
      %dma_start3A_903 = tpu.memref_slice %arg2[%squeeze3A_897, %dma_start3A_902] : memref<1000000x64xf32, #tpu.memory_space<hbm>> -> memref<1x64xf32, #tpu.memory_space<hbm>>
      %dma_start3A_904 = tpu.memref_squeeze %dma_start3A_903 : memref<1x64xf32, #tpu.memory_space<hbm>> -> memref<64xf32, #tpu.memory_space<hbm>>
      %dma_start3A_905 = arith.constant 0 : i32
      %dma_start3A_906 = tpu.memref_slice %arg13[%dma_start3A_898, %dma_start3A_905] : memref<16x64xf32, #tpu.memory_space<vmem>> -> memref<1x64xf32, #tpu.memory_space<vmem>>
      %dma_start3A_907 = tpu.memref_squeeze %dma_start3A_906 : memref<1x64xf32, #tpu.memory_space<vmem>> -> memref<64xf32, #tpu.memory_space<vmem>>
      %dma_start3A_908 = arith.constant 0 : i32
      %dma_start3A_909 = tpu.memref_slice %arg2[%squeeze3A_897, %dma_start3A_908] : memref<1000000x64xf32, #tpu.memory_space<hbm>> -> memref<1x64xf32, #tpu.memory_space<hbm>>
      %dma_start3A_910 = tpu.memref_squeeze %dma_start3A_909 : memref<1x64xf32, #tpu.memory_space<hbm>> -> memref<64xf32, #tpu.memory_space<hbm>>
      tpu.enqueue_dma source(%dma_start3A_910 : memref<64xf32, #tpu.memory_space<hbm>>) target(%dma_start3A_907 : memref<64xf32, #tpu.memory_space<vmem>>) target_semaphore(%arg15 : memref<!tpu.dma_semaphore, #tpu.memory_space<semaphore_mem>>)
      %slice3A_911 = vector.extract_strided_slice %get3A_760 {offsets = [10], sizes = [1], strides = [1]} : vector<16xi32> to vector<1xi32>
      %squeeze3A_912 = vector.extract %slice3A_911[0] : i32 from vector<1xi32>
      %dma_start3A_913 = arith.constant 10 : i32
      %dma_start3A_914 = arith.constant 0 : i32
      %dma_start3A_915 = tpu.memref_slice %arg13[%dma_start3A_913, %dma_start3A_914] : memref<16x64xf32, #tpu.memory_space<vmem>> -> memref<1x64xf32, #tpu.memory_space<vmem>>
      %dma_start3A_916 = tpu.memref_squeeze %dma_start3A_915 : memref<1x64xf32, #tpu.memory_space<vmem>> -> memref<64xf32, #tpu.memory_space<vmem>>
      %dma_start3A_917 = arith.constant 0 : i32
      %dma_start3A_918 = tpu.memref_slice %arg2[%squeeze3A_912, %dma_start3A_917] : memref<1000000x64xf32, #tpu.memory_space<hbm>> -> memref<1x64xf32, #tpu.memory_space<hbm>>
      %dma_start3A_919 = tpu.memref_squeeze %dma_start3A_918 : memref<1x64xf32, #tpu.memory_space<hbm>> -> memref<64xf32, #tpu.memory_space<hbm>>
      %dma_start3A_920 = arith.constant 0 : i32
      %dma_start3A_921 = tpu.memref_slice %arg13[%dma_start3A_913, %dma_start3A_920] : memref<16x64xf32, #tpu.memory_space<vmem>> -> memref<1x64xf32, #tpu.memory_space<vmem>>
      %dma_start3A_922 = tpu.memref_squeeze %dma_start3A_921 : memref<1x64xf32, #tpu.memory_space<vmem>> -> memref<64xf32, #tpu.memory_space<vmem>>
      %dma_start3A_923 = arith.constant 0 : i32
      %dma_start3A_924 = tpu.memref_slice %arg2[%squeeze3A_912, %dma_start3A_923] : memref<1000000x64xf32, #tpu.memory_space<hbm>> -> memref<1x64xf32, #tpu.memory_space<hbm>>
      %dma_start3A_925 = tpu.memref_squeeze %dma_start3A_924 : memref<1x64xf32, #tpu.memory_space<hbm>> -> memref<64xf32, #tpu.memory_space<hbm>>
      tpu.enqueue_dma source(%dma_start3A_925 : memref<64xf32, #tpu.memory_space<hbm>>) target(%dma_start3A_922 : memref<64xf32, #tpu.memory_space<vmem>>) target_semaphore(%arg15 : memref<!tpu.dma_semaphore, #tpu.memory_space<semaphore_mem>>)
      %slice3A_926 = vector.extract_strided_slice %get3A_760 {offsets = [11], sizes = [1], strides = [1]} : vector<16xi32> to vector<1xi32>
      %squeeze3A_927 = vector.extract %slice3A_926[0] : i32 from vector<1xi32>
      %dma_start3A_928 = arith.constant 11 : i32
      %dma_start3A_929 = arith.constant 0 : i32
      %dma_start3A_930 = tpu.memref_slice %arg13[%dma_start3A_928, %dma_start3A_929] : memref<16x64xf32, #tpu.memory_space<vmem>> -> memref<1x64xf32, #tpu.memory_space<vmem>>
      %dma_start3A_931 = tpu.memref_squeeze %dma_start3A_930 : memref<1x64xf32, #tpu.memory_space<vmem>> -> memref<64xf32, #tpu.memory_space<vmem>>
      %dma_start3A_932 = arith.constant 0 : i32
      %dma_start3A_933 = tpu.memref_slice %arg2[%squeeze3A_927, %dma_start3A_932] : memref<1000000x64xf32, #tpu.memory_space<hbm>> -> memref<1x64xf32, #tpu.memory_space<hbm>>
      %dma_start3A_934 = tpu.memref_squeeze %dma_start3A_933 : memref<1x64xf32, #tpu.memory_space<hbm>> -> memref<64xf32, #tpu.memory_space<hbm>>
      %dma_start3A_935 = arith.constant 0 : i32
      %dma_start3A_936 = tpu.memref_slice %arg13[%dma_start3A_928, %dma_start3A_935] : memref<16x64xf32, #tpu.memory_space<vmem>> -> memref<1x64xf32, #tpu.memory_space<vmem>>
      %dma_start3A_937 = tpu.memref_squeeze %dma_start3A_936 : memref<1x64xf32, #tpu.memory_space<vmem>> -> memref<64xf32, #tpu.memory_space<vmem>>
      %dma_start3A_938 = arith.constant 0 : i32
      %dma_start3A_939 = tpu.memref_slice %arg2[%squeeze3A_927, %dma_start3A_938] : memref<1000000x64xf32, #tpu.memory_space<hbm>> -> memref<1x64xf32, #tpu.memory_space<hbm>>
      %dma_start3A_940 = tpu.memref_squeeze %dma_start3A_939 : memref<1x64xf32, #tpu.memory_space<hbm>> -> memref<64xf32, #tpu.memory_space<hbm>>
      tpu.enqueue_dma source(%dma_start3A_940 : memref<64xf32, #tpu.memory_space<hbm>>) target(%dma_start3A_937 : memref<64xf32, #tpu.memory_space<vmem>>) target_semaphore(%arg15 : memref<!tpu.dma_semaphore, #tpu.memory_space<semaphore_mem>>)
      %slice3A_941 = vector.extract_strided_slice %get3A_760 {offsets = [12], sizes = [1], strides = [1]} : vector<16xi32> to vector<1xi32>
      %squeeze3A_942 = vector.extract %slice3A_941[0] : i32 from vector<1xi32>
      %dma_start3A_943 = arith.constant 12 : i32
      %dma_start3A_944 = arith.constant 0 : i32
      %dma_start3A_945 = tpu.memref_slice %arg13[%dma_start3A_943, %dma_start3A_944] : memref<16x64xf32, #tpu.memory_space<vmem>> -> memref<1x64xf32, #tpu.memory_space<vmem>>
      %dma_start3A_946 = tpu.memref_squeeze %dma_start3A_945 : memref<1x64xf32, #tpu.memory_space<vmem>> -> memref<64xf32, #tpu.memory_space<vmem>>
      %dma_start3A_947 = arith.constant 0 : i32
      %dma_start3A_948 = tpu.memref_slice %arg2[%squeeze3A_942, %dma_start3A_947] : memref<1000000x64xf32, #tpu.memory_space<hbm>> -> memref<1x64xf32, #tpu.memory_space<hbm>>
      %dma_start3A_949 = tpu.memref_squeeze %dma_start3A_948 : memref<1x64xf32, #tpu.memory_space<hbm>> -> memref<64xf32, #tpu.memory_space<hbm>>
      %dma_start3A_950 = arith.constant 0 : i32
      %dma_start3A_951 = tpu.memref_slice %arg13[%dma_start3A_943, %dma_start3A_950] : memref<16x64xf32, #tpu.memory_space<vmem>> -> memref<1x64xf32, #tpu.memory_space<vmem>>
      %dma_start3A_952 = tpu.memref_squeeze %dma_start3A_951 : memref<1x64xf32, #tpu.memory_space<vmem>> -> memref<64xf32, #tpu.memory_space<vmem>>
      %dma_start3A_953 = arith.constant 0 : i32
      %dma_start3A_954 = tpu.memref_slice %arg2[%squeeze3A_942, %dma_start3A_953] : memref<1000000x64xf32, #tpu.memory_space<hbm>> -> memref<1x64xf32, #tpu.memory_space<hbm>>
      %dma_start3A_955 = tpu.memref_squeeze %dma_start3A_954 : memref<1x64xf32, #tpu.memory_space<hbm>> -> memref<64xf32, #tpu.memory_space<hbm>>
      tpu.enqueue_dma source(%dma_start3A_955 : memref<64xf32, #tpu.memory_space<hbm>>) target(%dma_start3A_952 : memref<64xf32, #tpu.memory_space<vmem>>) target_semaphore(%arg15 : memref<!tpu.dma_semaphore, #tpu.memory_space<semaphore_mem>>)
      %slice3A_956 = vector.extract_strided_slice %get3A_760 {offsets = [13], sizes = [1], strides = [1]} : vector<16xi32> to vector<1xi32>
      %squeeze3A_957 = vector.extract %slice3A_956[0] : i32 from vector<1xi32>
      %dma_start3A_958 = arith.constant 13 : i32
      %dma_start3A_959 = arith.constant 0 : i32
      %dma_start3A_960 = tpu.memref_slice %arg13[%dma_start3A_958, %dma_start3A_959] : memref<16x64xf32, #tpu.memory_space<vmem>> -> memref<1x64xf32, #tpu.memory_space<vmem>>
      %dma_start3A_961 = tpu.memref_squeeze %dma_start3A_960 : memref<1x64xf32, #tpu.memory_space<vmem>> -> memref<64xf32, #tpu.memory_space<vmem>>
      %dma_start3A_962 = arith.constant 0 : i32
      %dma_start3A_963 = tpu.memref_slice %arg2[%squeeze3A_957, %dma_start3A_962] : memref<1000000x64xf32, #tpu.memory_space<hbm>> -> memref<1x64xf32, #tpu.memory_space<hbm>>
      %dma_start3A_964 = tpu.memref_squeeze %dma_start3A_963 : memref<1x64xf32, #tpu.memory_space<hbm>> -> memref<64xf32, #tpu.memory_space<hbm>>
      %dma_start3A_965 = arith.constant 0 : i32
      %dma_start3A_966 = tpu.memref_slice %arg13[%dma_start3A_958, %dma_start3A_965] : memref<16x64xf32, #tpu.memory_space<vmem>> -> memref<1x64xf32, #tpu.memory_space<vmem>>
      %dma_start3A_967 = tpu.memref_squeeze %dma_start3A_966 : memref<1x64xf32, #tpu.memory_space<vmem>> -> memref<64xf32, #tpu.memory_space<vmem>>
      %dma_start3A_968 = arith.constant 0 : i32
      %dma_start3A_969 = tpu.memref_slice %arg2[%squeeze3A_957, %dma_start3A_968] : memref<1000000x64xf32, #tpu.memory_space<hbm>> -> memref<1x64xf32, #tpu.memory_space<hbm>>
      %dma_start3A_970 = tpu.memref_squeeze %dma_start3A_969 : memref<1x64xf32, #tpu.memory_space<hbm>> -> memref<64xf32, #tpu.memory_space<hbm>>
      tpu.enqueue_dma source(%dma_start3A_970 : memref<64xf32, #tpu.memory_space<hbm>>) target(%dma_start3A_967 : memref<64xf32, #tpu.memory_space<vmem>>) target_semaphore(%arg15 : memref<!tpu.dma_semaphore, #tpu.memory_space<semaphore_mem>>)
      %slice3A_971 = vector.extract_strided_slice %get3A_760 {offsets = [14], sizes = [1], strides = [1]} : vector<16xi32> to vector<1xi32>
      %squeeze3A_972 = vector.extract %slice3A_971[0] : i32 from vector<1xi32>
      %dma_start3A_973 = arith.constant 14 : i32
      %dma_start3A_974 = arith.constant 0 : i32
      %dma_start3A_975 = tpu.memref_slice %arg13[%dma_start3A_973, %dma_start3A_974] : memref<16x64xf32, #tpu.memory_space<vmem>> -> memref<1x64xf32, #tpu.memory_space<vmem>>
      %dma_start3A_976 = tpu.memref_squeeze %dma_start3A_975 : memref<1x64xf32, #tpu.memory_space<vmem>> -> memref<64xf32, #tpu.memory_space<vmem>>
      %dma_start3A_977 = arith.constant 0 : i32
      %dma_start3A_978 = tpu.memref_slice %arg2[%squeeze3A_972, %dma_start3A_977] : memref<1000000x64xf32, #tpu.memory_space<hbm>> -> memref<1x64xf32, #tpu.memory_space<hbm>>
      %dma_start3A_979 = tpu.memref_squeeze %dma_start3A_978 : memref<1x64xf32, #tpu.memory_space<hbm>> -> memref<64xf32, #tpu.memory_space<hbm>>
      %dma_start3A_980 = arith.constant 0 : i32
      %dma_start3A_981 = tpu.memref_slice %arg13[%dma_start3A_973, %dma_start3A_980] : memref<16x64xf32, #tpu.memory_space<vmem>> -> memref<1x64xf32, #tpu.memory_space<vmem>>
      %dma_start3A_982 = tpu.memref_squeeze %dma_start3A_981 : memref<1x64xf32, #tpu.memory_space<vmem>> -> memref<64xf32, #tpu.memory_space<vmem>>
      %dma_start3A_983 = arith.constant 0 : i32
      %dma_start3A_984 = tpu.memref_slice %arg2[%squeeze3A_972, %dma_start3A_983] : memref<1000000x64xf32, #tpu.memory_space<hbm>> -> memref<1x64xf32, #tpu.memory_space<hbm>>
      %dma_start3A_985 = tpu.memref_squeeze %dma_start3A_984 : memref<1x64xf32, #tpu.memory_space<hbm>> -> memref<64xf32, #tpu.memory_space<hbm>>
      tpu.enqueue_dma source(%dma_start3A_985 : memref<64xf32, #tpu.memory_space<hbm>>) target(%dma_start3A_982 : memref<64xf32, #tpu.memory_space<vmem>>) target_semaphore(%arg15 : memref<!tpu.dma_semaphore, #tpu.memory_space<semaphore_mem>>)
      %slice3A_986 = vector.extract_strided_slice %get3A_760 {offsets = [15], sizes = [1], strides = [1]} : vector<16xi32> to vector<1xi32>
      %squeeze3A_987 = vector.extract %slice3A_986[0] : i32 from vector<1xi32>
      %dma_start3A_988 = arith.constant 15 : i32
      %dma_start3A_989 = arith.constant 0 : i32
      %dma_start3A_990 = tpu.memref_slice %arg13[%dma_start3A_988, %dma_start3A_989] : memref<16x64xf32, #tpu.memory_space<vmem>> -> memref<1x64xf32, #tpu.memory_space<vmem>>
      %dma_start3A_991 = tpu.memref_squeeze %dma_start3A_990 : memref<1x64xf32, #tpu.memory_space<vmem>> -> memref<64xf32, #tpu.memory_space<vmem>>
      %dma_start3A_992 = arith.constant 0 : i32
      %dma_start3A_993 = tpu.memref_slice %arg2[%squeeze3A_987, %dma_start3A_992] : memref<1000000x64xf32, #tpu.memory_space<hbm>> -> memref<1x64xf32, #tpu.memory_space<hbm>>
      %dma_start3A_994 = tpu.memref_squeeze %dma_start3A_993 : memref<1x64xf32, #tpu.memory_space<hbm>> -> memref<64xf32, #tpu.memory_space<hbm>>
      %dma_start3A_995 = arith.constant 0 : i32
      %dma_start3A_996 = tpu.memref_slice %arg13[%dma_start3A_988, %dma_start3A_995] : memref<16x64xf32, #tpu.memory_space<vmem>> -> memref<1x64xf32, #tpu.memory_space<vmem>>
      %dma_start3A_997 = tpu.memref_squeeze %dma_start3A_996 : memref<1x64xf32, #tpu.memory_space<vmem>> -> memref<64xf32, #tpu.memory_space<vmem>>
      %dma_start3A_998 = arith.constant 0 : i32
      %dma_start3A_999 = tpu.memref_slice %arg2[%squeeze3A_987, %dma_start3A_998] : memref<1000000x64xf32, #tpu.memory_space<hbm>> -> memref<1x64xf32, #tpu.memory_space<hbm>>
      %dma_start3A_1000 = tpu.memref_squeeze %dma_start3A_999 : memref<1x64xf32, #tpu.memory_space<hbm>> -> memref<64xf32, #tpu.memory_space<hbm>>
      tpu.enqueue_dma source(%dma_start3A_1000 : memref<64xf32, #tpu.memory_space<hbm>>) target(%dma_start3A_997 : memref<64xf32, #tpu.memory_space<vmem>>) target_semaphore(%arg15 : memref<!tpu.dma_semaphore, #tpu.memory_space<semaphore_mem>>)
      %dma_wait3A = arith.constant 0 : i32
      %dma_wait3A_1001 = arith.constant 0 : i32
      %dma_wait3A_1002 = tpu.memref_slice %arg2[%dma_wait3A, %dma_wait3A_1001] : memref<1000000x64xf32, #tpu.memory_space<hbm>> -> memref<16x64xf32, #tpu.memory_space<hbm>>
      %dma_wait3A_1003 = arith.constant 0 : i32
      %dma_wait3A_1004 = arith.constant 0 : i32
      %dma_wait3A_1005 = tpu.memref_slice %arg2[%dma_wait3A_1003, %dma_wait3A_1004] : memref<1000000x64xf32, #tpu.memory_space<hbm>> -> memref<16x64xf32, #tpu.memory_space<hbm>>
      tpu.wait_dma2 semaphore(%arg14 : memref<!tpu.dma_semaphore, #tpu.memory_space<semaphore_mem>>) src(%dma_wait3A_1005 : memref<16x64xf32, #tpu.memory_space<hbm>>) dst(%arg12 : memref<16x64xf32, #tpu.memory_space<vmem>>)
      %mul3A_1006 = arith.constant 32 : i32
      %mul3A_1007 = arith.muli %add3A_752, %mul3A_1006 : i32
      %add3A_1008 = arith.addi %mul3A_2, %mul3A_1007 : i32
      %dma_start3A_1009 = arith.constant 0 : i32
      %dma_start3A_1010 = tpu.memref_slice %arg6[%add3A_1008, %dma_start3A_1009] : memref<16384x64xf32, #tpu.memory_space<hbm>> -> memref<16x64xf32, #tpu.memory_space<hbm>>
      %dma_start3A_1011 = arith.constant 0 : i32
      %dma_start3A_1012 = tpu.memref_slice %arg6[%add3A_1008, %dma_start3A_1011] : memref<16384x64xf32, #tpu.memory_space<hbm>> -> memref<16x64xf32, #tpu.memory_space<hbm>>
      tpu.enqueue_dma source(%arg12 : memref<16x64xf32, #tpu.memory_space<vmem>>) target(%dma_start3A_1012 : memref<16x64xf32, #tpu.memory_space<hbm>>) target_semaphore(%arg16 : memref<!tpu.dma_semaphore, #tpu.memory_space<semaphore_mem>>)
      %lt3A = arith.constant 15 : i32
      %lt3A_1013 = arith.cmpi slt, %add3A_752, %lt3A : i32
      %convert_element_type3A = arith.extui %lt3A_1013 : i1 to i32
      %cond3A = arith.constant 0 : i32
      %cond3A_1014 = arith.cmpi ne, %convert_element_type3A, %cond3A : i32
      scf.if %cond3A_1014 {
        %mul3A_1038 = arith.constant 2 : i32
        %mul3A_1039 = arith.muli %mul3A_1038, %add3A_752 : i32
        %add3A_1040 = arith.constant 2 : i32
        %add3A_1041 = arith.addi %mul3A_1039, %add3A_1040 : i32
        %get3A_1042 = arith.index_cast %add3A_1041 : i32 to index
        %get3A_1043 = arith.constant 0 : index
        %get3A_1044 = tpu.vector_load %arg9[%get3A_1042, %get3A_1043] {strides = array<i32>} : memref<32x16xi32, #tpu.memory_space<vmem>>, vector<1x16xi32>,
        %get3A_1045 = vector.shape_cast %get3A_1044 : vector<1x16xi32> to vector<16xi32>
        %slice3A_1046 = vector.extract_strided_slice %get3A_1045 {offsets = [0], sizes = [1], strides = [1]} : vector<16xi32> to vector<1xi32>
        %squeeze3A_1047 = vector.extract %slice3A_1046[0] : i32 from vector<1xi32>
        %dma_start3A_1048 = arith.constant 0 : i32
        %dma_start3A_1049 = arith.constant 0 : i32
        %dma_start3A_1050 = tpu.memref_slice %arg12[%dma_start3A_1048, %dma_start3A_1049] : memref<16x64xf32, #tpu.memory_space<vmem>> -> memref<1x64xf32, #tpu.memory_space<vmem>>
        %dma_start3A_1051 = tpu.memref_squeeze %dma_start3A_1050 : memref<1x64xf32, #tpu.memory_space<vmem>> -> memref<64xf32, #tpu.memory_space<vmem>>
        %dma_start3A_1052 = arith.constant 0 : i32
        %dma_start3A_1053 = tpu.memref_slice %arg2[%squeeze3A_1047, %dma_start3A_1052] : memref<1000000x64xf32, #tpu.memory_space<hbm>> -> memref<1x64xf32, #tpu.memory_space<hbm>>
        %dma_start3A_1054 = tpu.memref_squeeze %dma_start3A_1053 : memref<1x64xf32, #tpu.memory_space<hbm>> -> memref<64xf32, #tpu.memory_space<hbm>>
        %dma_start3A_1055 = arith.constant 0 : i32
        %dma_start3A_1056 = tpu.memref_slice %arg12[%dma_start3A_1048, %dma_start3A_1055] : memref<16x64xf32, #tpu.memory_space<vmem>> -> memref<1x64xf32, #tpu.memory_space<vmem>>
        %dma_start3A_1057 = tpu.memref_squeeze %dma_start3A_1056 : memref<1x64xf32, #tpu.memory_space<vmem>> -> memref<64xf32, #tpu.memory_space<vmem>>
        %dma_start3A_1058 = arith.constant 0 : i32
        %dma_start3A_1059 = tpu.memref_slice %arg2[%squeeze3A_1047, %dma_start3A_1058] : memref<1000000x64xf32, #tpu.memory_space<hbm>> -> memref<1x64xf32, #tpu.memory_space<hbm>>
        %dma_start3A_1060 = tpu.memref_squeeze %dma_start3A_1059 : memref<1x64xf32, #tpu.memory_space<hbm>> -> memref<64xf32, #tpu.memory_space<hbm>>
        tpu.enqueue_dma source(%dma_start3A_1060 : memref<64xf32, #tpu.memory_space<hbm>>) target(%dma_start3A_1057 : memref<64xf32, #tpu.memory_space<vmem>>) target_semaphore(%arg14 : memref<!tpu.dma_semaphore, #tpu.memory_space<semaphore_mem>>)
        %slice3A_1061 = vector.extract_strided_slice %get3A_1045 {offsets = [1], sizes = [1], strides = [1]} : vector<16xi32> to vector<1xi32>
        %squeeze3A_1062 = vector.extract %slice3A_1061[0] : i32 from vector<1xi32>
        %dma_start3A_1063 = arith.constant 1 : i32
        %dma_start3A_1064 = arith.constant 0 : i32
        %dma_start3A_1065 = tpu.memref_slice %arg12[%dma_start3A_1063, %dma_start3A_1064] : memref<16x64xf32, #tpu.memory_space<vmem>> -> memref<1x64xf32, #tpu.memory_space<vmem>>
        %dma_start3A_1066 = tpu.memref_squeeze %dma_start3A_1065 : memref<1x64xf32, #tpu.memory_space<vmem>> -> memref<64xf32, #tpu.memory_space<vmem>>
        %dma_start3A_1067 = arith.constant 0 : i32
        %dma_start3A_1068 = tpu.memref_slice %arg2[%squeeze3A_1062, %dma_start3A_1067] : memref<1000000x64xf32, #tpu.memory_space<hbm>> -> memref<1x64xf32, #tpu.memory_space<hbm>>
        %dma_start3A_1069 = tpu.memref_squeeze %dma_start3A_1068 : memref<1x64xf32, #tpu.memory_space<hbm>> -> memref<64xf32, #tpu.memory_space<hbm>>
        %dma_start3A_1070 = arith.constant 0 : i32
        %dma_start3A_1071 = tpu.memref_slice %arg12[%dma_start3A_1063, %dma_start3A_1070] : memref<16x64xf32, #tpu.memory_space<vmem>> -> memref<1x64xf32, #tpu.memory_space<vmem>>
        %dma_start3A_1072 = tpu.memref_squeeze %dma_start3A_1071 : memref<1x64xf32, #tpu.memory_space<vmem>> -> memref<64xf32, #tpu.memory_space<vmem>>
        %dma_start3A_1073 = arith.constant 0 : i32
        %dma_start3A_1074 = tpu.memref_slice %arg2[%squeeze3A_1062, %dma_start3A_1073] : memref<1000000x64xf32, #tpu.memory_space<hbm>> -> memref<1x64xf32, #tpu.memory_space<hbm>>
        %dma_start3A_1075 = tpu.memref_squeeze %dma_start3A_1074 : memref<1x64xf32, #tpu.memory_space<hbm>> -> memref<64xf32, #tpu.memory_space<hbm>>
        tpu.enqueue_dma source(%dma_start3A_1075 : memref<64xf32, #tpu.memory_space<hbm>>) target(%dma_start3A_1072 : memref<64xf32, #tpu.memory_space<vmem>>) target_semaphore(%arg14 : memref<!tpu.dma_semaphore, #tpu.memory_space<semaphore_mem>>)
        %slice3A_1076 = vector.extract_strided_slice %get3A_1045 {offsets = [2], sizes = [1], strides = [1]} : vector<16xi32> to vector<1xi32>
        %squeeze3A_1077 = vector.extract %slice3A_1076[0] : i32 from vector<1xi32>
        %dma_start3A_1078 = arith.constant 2 : i32
        %dma_start3A_1079 = arith.constant 0 : i32
        %dma_start3A_1080 = tpu.memref_slice %arg12[%dma_start3A_1078, %dma_start3A_1079] : memref<16x64xf32, #tpu.memory_space<vmem>> -> memref<1x64xf32, #tpu.memory_space<vmem>>
        %dma_start3A_1081 = tpu.memref_squeeze %dma_start3A_1080 : memref<1x64xf32, #tpu.memory_space<vmem>> -> memref<64xf32, #tpu.memory_space<vmem>>
        %dma_start3A_1082 = arith.constant 0 : i32
        %dma_start3A_1083 = tpu.memref_slice %arg2[%squeeze3A_1077, %dma_start3A_1082] : memref<1000000x64xf32, #tpu.memory_space<hbm>> -> memref<1x64xf32, #tpu.memory_space<hbm>>
        %dma_start3A_1084 = tpu.memref_squeeze %dma_start3A_1083 : memref<1x64xf32, #tpu.memory_space<hbm>> -> memref<64xf32, #tpu.memory_space<hbm>>
        %dma_start3A_1085 = arith.constant 0 : i32
        %dma_start3A_1086 = tpu.memref_slice %arg12[%dma_start3A_1078, %dma_start3A_1085] : memref<16x64xf32, #tpu.memory_space<vmem>> -> memref<1x64xf32, #tpu.memory_space<vmem>>
        %dma_start3A_1087 = tpu.memref_squeeze %dma_start3A_1086 : memref<1x64xf32, #tpu.memory_space<vmem>> -> memref<64xf32, #tpu.memory_space<vmem>>
        %dma_start3A_1088 = arith.constant 0 : i32
        %dma_start3A_1089 = tpu.memref_slice %arg2[%squeeze3A_1077, %dma_start3A_1088] : memref<1000000x64xf32, #tpu.memory_space<hbm>> -> memref<1x64xf32, #tpu.memory_space<hbm>>
        %dma_start3A_1090 = tpu.memref_squeeze %dma_start3A_1089 : memref<1x64xf32, #tpu.memory_space<hbm>> -> memref<64xf32, #tpu.memory_space<hbm>>
        tpu.enqueue_dma source(%dma_start3A_1090 : memref<64xf32, #tpu.memory_space<hbm>>) target(%dma_start3A_1087 : memref<64xf32, #tpu.memory_space<vmem>>) target_semaphore(%arg14 : memref<!tpu.dma_semaphore, #tpu.memory_space<semaphore_mem>>)
        %slice3A_1091 = vector.extract_strided_slice %get3A_1045 {offsets = [3], sizes = [1], strides = [1]} : vector<16xi32> to vector<1xi32>
        %squeeze3A_1092 = vector.extract %slice3A_1091[0] : i32 from vector<1xi32>
        %dma_start3A_1093 = arith.constant 3 : i32
        %dma_start3A_1094 = arith.constant 0 : i32
        %dma_start3A_1095 = tpu.memref_slice %arg12[%dma_start3A_1093, %dma_start3A_1094] : memref<16x64xf32, #tpu.memory_space<vmem>> -> memref<1x64xf32, #tpu.memory_space<vmem>>
        %dma_start3A_1096 = tpu.memref_squeeze %dma_start3A_1095 : memref<1x64xf32, #tpu.memory_space<vmem>> -> memref<64xf32, #tpu.memory_space<vmem>>
        %dma_start3A_1097 = arith.constant 0 : i32
        %dma_start3A_1098 = tpu.memref_slice %arg2[%squeeze3A_1092, %dma_start3A_1097] : memref<1000000x64xf32, #tpu.memory_space<hbm>> -> memref<1x64xf32, #tpu.memory_space<hbm>>
        %dma_start3A_1099 = tpu.memref_squeeze %dma_start3A_1098 : memref<1x64xf32, #tpu.memory_space<hbm>> -> memref<64xf32, #tpu.memory_space<hbm>>
        %dma_start3A_1100 = arith.constant 0 : i32
        %dma_start3A_1101 = tpu.memref_slice %arg12[%dma_start3A_1093, %dma_start3A_1100] : memref<16x64xf32, #tpu.memory_space<vmem>> -> memref<1x64xf32, #tpu.memory_space<vmem>>
        %dma_start3A_1102 = tpu.memref_squeeze %dma_start3A_1101 : memref<1x64xf32, #tpu.memory_space<vmem>> -> memref<64xf32, #tpu.memory_space<vmem>>
        %dma_start3A_1103 = arith.constant 0 : i32
        %dma_start3A_1104 = tpu.memref_slice %arg2[%squeeze3A_1092, %dma_start3A_1103] : memref<1000000x64xf32, #tpu.memory_space<hbm>> -> memref<1x64xf32, #tpu.memory_space<hbm>>
        %dma_start3A_1105 = tpu.memref_squeeze %dma_start3A_1104 : memref<1x64xf32, #tpu.memory_space<hbm>> -> memref<64xf32, #tpu.memory_space<hbm>>
        tpu.enqueue_dma source(%dma_start3A_1105 : memref<64xf32, #tpu.memory_space<hbm>>) target(%dma_start3A_1102 : memref<64xf32, #tpu.memory_space<vmem>>) target_semaphore(%arg14 : memref<!tpu.dma_semaphore, #tpu.memory_space<semaphore_mem>>)
        %slice3A_1106 = vector.extract_strided_slice %get3A_1045 {offsets = [4], sizes = [1], strides = [1]} : vector<16xi32> to vector<1xi32>
        %squeeze3A_1107 = vector.extract %slice3A_1106[0] : i32 from vector<1xi32>
        %dma_start3A_1108 = arith.constant 4 : i32
        %dma_start3A_1109 = arith.constant 0 : i32
        %dma_start3A_1110 = tpu.memref_slice %arg12[%dma_start3A_1108, %dma_start3A_1109] : memref<16x64xf32, #tpu.memory_space<vmem>> -> memref<1x64xf32, #tpu.memory_space<vmem>>
        %dma_start3A_1111 = tpu.memref_squeeze %dma_start3A_1110 : memref<1x64xf32, #tpu.memory_space<vmem>> -> memref<64xf32, #tpu.memory_space<vmem>>
        %dma_start3A_1112 = arith.constant 0 : i32
        %dma_start3A_1113 = tpu.memref_slice %arg2[%squeeze3A_1107, %dma_start3A_1112] : memref<1000000x64xf32, #tpu.memory_space<hbm>> -> memref<1x64xf32, #tpu.memory_space<hbm>>
        %dma_start3A_1114 = tpu.memref_squeeze %dma_start3A_1113 : memref<1x64xf32, #tpu.memory_space<hbm>> -> memref<64xf32, #tpu.memory_space<hbm>>
        %dma_start3A_1115 = arith.constant 0 : i32
        %dma_start3A_1116 = tpu.memref_slice %arg12[%dma_start3A_1108, %dma_start3A_1115] : memref<16x64xf32, #tpu.memory_space<vmem>> -> memref<1x64xf32, #tpu.memory_space<vmem>>
        %dma_start3A_1117 = tpu.memref_squeeze %dma_start3A_1116 : memref<1x64xf32, #tpu.memory_space<vmem>> -> memref<64xf32, #tpu.memory_space<vmem>>
        %dma_start3A_1118 = arith.constant 0 : i32
        %dma_start3A_1119 = tpu.memref_slice %arg2[%squeeze3A_1107, %dma_start3A_1118] : memref<1000000x64xf32, #tpu.memory_space<hbm>> -> memref<1x64xf32, #tpu.memory_space<hbm>>
        %dma_start3A_1120 = tpu.memref_squeeze %dma_start3A_1119 : memref<1x64xf32, #tpu.memory_space<hbm>> -> memref<64xf32, #tpu.memory_space<hbm>>
        tpu.enqueue_dma source(%dma_start3A_1120 : memref<64xf32, #tpu.memory_space<hbm>>) target(%dma_start3A_1117 : memref<64xf32, #tpu.memory_space<vmem>>) target_semaphore(%arg14 : memref<!tpu.dma_semaphore, #tpu.memory_space<semaphore_mem>>)
        %slice3A_1121 = vector.extract_strided_slice %get3A_1045 {offsets = [5], sizes = [1], strides = [1]} : vector<16xi32> to vector<1xi32>
        %squeeze3A_1122 = vector.extract %slice3A_1121[0] : i32 from vector<1xi32>
        %dma_start3A_1123 = arith.constant 5 : i32
        %dma_start3A_1124 = arith.constant 0 : i32
        %dma_start3A_1125 = tpu.memref_slice %arg12[%dma_start3A_1123, %dma_start3A_1124] : memref<16x64xf32, #tpu.memory_space<vmem>> -> memref<1x64xf32, #tpu.memory_space<vmem>>
        %dma_start3A_1126 = tpu.memref_squeeze %dma_start3A_1125 : memref<1x64xf32, #tpu.memory_space<vmem>> -> memref<64xf32, #tpu.memory_space<vmem>>
        %dma_start3A_1127 = arith.constant 0 : i32
        %dma_start3A_1128 = tpu.memref_slice %arg2[%squeeze3A_1122, %dma_start3A_1127] : memref<1000000x64xf32, #tpu.memory_space<hbm>> -> memref<1x64xf32, #tpu.memory_space<hbm>>
        %dma_start3A_1129 = tpu.memref_squeeze %dma_start3A_1128 : memref<1x64xf32, #tpu.memory_space<hbm>> -> memref<64xf32, #tpu.memory_space<hbm>>
        %dma_start3A_1130 = arith.constant 0 : i32
        %dma_start3A_1131 = tpu.memref_slice %arg12[%dma_start3A_1123, %dma_start3A_1130] : memref<16x64xf32, #tpu.memory_space<vmem>> -> memref<1x64xf32, #tpu.memory_space<vmem>>
        %dma_start3A_1132 = tpu.memref_squeeze %dma_start3A_1131 : memref<1x64xf32, #tpu.memory_space<vmem>> -> memref<64xf32, #tpu.memory_space<vmem>>
        %dma_start3A_1133 = arith.constant 0 : i32
        %dma_start3A_1134 = tpu.memref_slice %arg2[%squeeze3A_1122, %dma_start3A_1133] : memref<1000000x64xf32, #tpu.memory_space<hbm>> -> memref<1x64xf32, #tpu.memory_space<hbm>>
        %dma_start3A_1135 = tpu.memref_squeeze %dma_start3A_1134 : memref<1x64xf32, #tpu.memory_space<hbm>> -> memref<64xf32, #tpu.memory_space<hbm>>
        tpu.enqueue_dma source(%dma_start3A_1135 : memref<64xf32, #tpu.memory_space<hbm>>) target(%dma_start3A_1132 : memref<64xf32, #tpu.memory_space<vmem>>) target_semaphore(%arg14 : memref<!tpu.dma_semaphore, #tpu.memory_space<semaphore_mem>>)
        %slice3A_1136 = vector.extract_strided_slice %get3A_1045 {offsets = [6], sizes = [1], strides = [1]} : vector<16xi32> to vector<1xi32>
        %squeeze3A_1137 = vector.extract %slice3A_1136[0] : i32 from vector<1xi32>
        %dma_start3A_1138 = arith.constant 6 : i32
        %dma_start3A_1139 = arith.constant 0 : i32
        %dma_start3A_1140 = tpu.memref_slice %arg12[%dma_start3A_1138, %dma_start3A_1139] : memref<16x64xf32, #tpu.memory_space<vmem>> -> memref<1x64xf32, #tpu.memory_space<vmem>>
        %dma_start3A_1141 = tpu.memref_squeeze %dma_start3A_1140 : memref<1x64xf32, #tpu.memory_space<vmem>> -> memref<64xf32, #tpu.memory_space<vmem>>
        %dma_start3A_1142 = arith.constant 0 : i32
        %dma_start3A_1143 = tpu.memref_slice %arg2[%squeeze3A_1137, %dma_start3A_1142] : memref<1000000x64xf32, #tpu.memory_space<hbm>> -> memref<1x64xf32, #tpu.memory_space<hbm>>
        %dma_start3A_1144 = tpu.memref_squeeze %dma_start3A_1143 : memref<1x64xf32, #tpu.memory_space<hbm>> -> memref<64xf32, #tpu.memory_space<hbm>>
        %dma_start3A_1145 = arith.constant 0 : i32
        %dma_start3A_1146 = tpu.memref_slice %arg12[%dma_start3A_1138, %dma_start3A_1145] : memref<16x64xf32, #tpu.memory_space<vmem>> -> memref<1x64xf32, #tpu.memory_space<vmem>>
        %dma_start3A_1147 = tpu.memref_squeeze %dma_start3A_1146 : memref<1x64xf32, #tpu.memory_space<vmem>> -> memref<64xf32, #tpu.memory_space<vmem>>
        %dma_start3A_1148 = arith.constant 0 : i32
        %dma_start3A_1149 = tpu.memref_slice %arg2[%squeeze3A_1137, %dma_start3A_1148] : memref<1000000x64xf32, #tpu.memory_space<hbm>> -> memref<1x64xf32, #tpu.memory_space<hbm>>
        %dma_start3A_1150 = tpu.memref_squeeze %dma_start3A_1149 : memref<1x64xf32, #tpu.memory_space<hbm>> -> memref<64xf32, #tpu.memory_space<hbm>>
        tpu.enqueue_dma source(%dma_start3A_1150 : memref<64xf32, #tpu.memory_space<hbm>>) target(%dma_start3A_1147 : memref<64xf32, #tpu.memory_space<vmem>>) target_semaphore(%arg14 : memref<!tpu.dma_semaphore, #tpu.memory_space<semaphore_mem>>)
        %slice3A_1151 = vector.extract_strided_slice %get3A_1045 {offsets = [7], sizes = [1], strides = [1]} : vector<16xi32> to vector<1xi32>
        %squeeze3A_1152 = vector.extract %slice3A_1151[0] : i32 from vector<1xi32>
        %dma_start3A_1153 = arith.constant 7 : i32
        %dma_start3A_1154 = arith.constant 0 : i32
        %dma_start3A_1155 = tpu.memref_slice %arg12[%dma_start3A_1153, %dma_start3A_1154] : memref<16x64xf32, #tpu.memory_space<vmem>> -> memref<1x64xf32, #tpu.memory_space<vmem>>
        %dma_start3A_1156 = tpu.memref_squeeze %dma_start3A_1155 : memref<1x64xf32, #tpu.memory_space<vmem>> -> memref<64xf32, #tpu.memory_space<vmem>>
        %dma_start3A_1157 = arith.constant 0 : i32
        %dma_start3A_1158 = tpu.memref_slice %arg2[%squeeze3A_1152, %dma_start3A_1157] : memref<1000000x64xf32, #tpu.memory_space<hbm>> -> memref<1x64xf32, #tpu.memory_space<hbm>>
        %dma_start3A_1159 = tpu.memref_squeeze %dma_start3A_1158 : memref<1x64xf32, #tpu.memory_space<hbm>> -> memref<64xf32, #tpu.memory_space<hbm>>
        %dma_start3A_1160 = arith.constant 0 : i32
        %dma_start3A_1161 = tpu.memref_slice %arg12[%dma_start3A_1153, %dma_start3A_1160] : memref<16x64xf32, #tpu.memory_space<vmem>> -> memref<1x64xf32, #tpu.memory_space<vmem>>
        %dma_start3A_1162 = tpu.memref_squeeze %dma_start3A_1161 : memref<1x64xf32, #tpu.memory_space<vmem>> -> memref<64xf32, #tpu.memory_space<vmem>>
        %dma_start3A_1163 = arith.constant 0 : i32
        %dma_start3A_1164 = tpu.memref_slice %arg2[%squeeze3A_1152, %dma_start3A_1163] : memref<1000000x64xf32, #tpu.memory_space<hbm>> -> memref<1x64xf32, #tpu.memory_space<hbm>>
        %dma_start3A_1165 = tpu.memref_squeeze %dma_start3A_1164 : memref<1x64xf32, #tpu.memory_space<hbm>> -> memref<64xf32, #tpu.memory_space<hbm>>
        tpu.enqueue_dma source(%dma_start3A_1165 : memref<64xf32, #tpu.memory_space<hbm>>) target(%dma_start3A_1162 : memref<64xf32, #tpu.memory_space<vmem>>) target_semaphore(%arg14 : memref<!tpu.dma_semaphore, #tpu.memory_space<semaphore_mem>>)
        %slice3A_1166 = vector.extract_strided_slice %get3A_1045 {offsets = [8], sizes = [1], strides = [1]} : vector<16xi32> to vector<1xi32>
        %squeeze3A_1167 = vector.extract %slice3A_1166[0] : i32 from vector<1xi32>
        %dma_start3A_1168 = arith.constant 8 : i32
        %dma_start3A_1169 = arith.constant 0 : i32
        %dma_start3A_1170 = tpu.memref_slice %arg12[%dma_start3A_1168, %dma_start3A_1169] : memref<16x64xf32, #tpu.memory_space<vmem>> -> memref<1x64xf32, #tpu.memory_space<vmem>>
        %dma_start3A_1171 = tpu.memref_squeeze %dma_start3A_1170 : memref<1x64xf32, #tpu.memory_space<vmem>> -> memref<64xf32, #tpu.memory_space<vmem>>
        %dma_start3A_1172 = arith.constant 0 : i32
        %dma_start3A_1173 = tpu.memref_slice %arg2[%squeeze3A_1167, %dma_start3A_1172] : memref<1000000x64xf32, #tpu.memory_space<hbm>> -> memref<1x64xf32, #tpu.memory_space<hbm>>
        %dma_start3A_1174 = tpu.memref_squeeze %dma_start3A_1173 : memref<1x64xf32, #tpu.memory_space<hbm>> -> memref<64xf32, #tpu.memory_space<hbm>>
        %dma_start3A_1175 = arith.constant 0 : i32
        %dma_start3A_1176 = tpu.memref_slice %arg12[%dma_start3A_1168, %dma_start3A_1175] : memref<16x64xf32, #tpu.memory_space<vmem>> -> memref<1x64xf32, #tpu.memory_space<vmem>>
        %dma_start3A_1177 = tpu.memref_squeeze %dma_start3A_1176 : memref<1x64xf32, #tpu.memory_space<vmem>> -> memref<64xf32, #tpu.memory_space<vmem>>
        %dma_start3A_1178 = arith.constant 0 : i32
        %dma_start3A_1179 = tpu.memref_slice %arg2[%squeeze3A_1167, %dma_start3A_1178] : memref<1000000x64xf32, #tpu.memory_space<hbm>> -> memref<1x64xf32, #tpu.memory_space<hbm>>
        %dma_start3A_1180 = tpu.memref_squeeze %dma_start3A_1179 : memref<1x64xf32, #tpu.memory_space<hbm>> -> memref<64xf32, #tpu.memory_space<hbm>>
        tpu.enqueue_dma source(%dma_start3A_1180 : memref<64xf32, #tpu.memory_space<hbm>>) target(%dma_start3A_1177 : memref<64xf32, #tpu.memory_space<vmem>>) target_semaphore(%arg14 : memref<!tpu.dma_semaphore, #tpu.memory_space<semaphore_mem>>)
        %slice3A_1181 = vector.extract_strided_slice %get3A_1045 {offsets = [9], sizes = [1], strides = [1]} : vector<16xi32> to vector<1xi32>
        %squeeze3A_1182 = vector.extract %slice3A_1181[0] : i32 from vector<1xi32>
        %dma_start3A_1183 = arith.constant 9 : i32
        %dma_start3A_1184 = arith.constant 0 : i32
        %dma_start3A_1185 = tpu.memref_slice %arg12[%dma_start3A_1183, %dma_start3A_1184] : memref<16x64xf32, #tpu.memory_space<vmem>> -> memref<1x64xf32, #tpu.memory_space<vmem>>
        %dma_start3A_1186 = tpu.memref_squeeze %dma_start3A_1185 : memref<1x64xf32, #tpu.memory_space<vmem>> -> memref<64xf32, #tpu.memory_space<vmem>>
        %dma_start3A_1187 = arith.constant 0 : i32
        %dma_start3A_1188 = tpu.memref_slice %arg2[%squeeze3A_1182, %dma_start3A_1187] : memref<1000000x64xf32, #tpu.memory_space<hbm>> -> memref<1x64xf32, #tpu.memory_space<hbm>>
        %dma_start3A_1189 = tpu.memref_squeeze %dma_start3A_1188 : memref<1x64xf32, #tpu.memory_space<hbm>> -> memref<64xf32, #tpu.memory_space<hbm>>
        %dma_start3A_1190 = arith.constant 0 : i32
        %dma_start3A_1191 = tpu.memref_slice %arg12[%dma_start3A_1183, %dma_start3A_1190] : memref<16x64xf32, #tpu.memory_space<vmem>> -> memref<1x64xf32, #tpu.memory_space<vmem>>
        %dma_start3A_1192 = tpu.memref_squeeze %dma_start3A_1191 : memref<1x64xf32, #tpu.memory_space<vmem>> -> memref<64xf32, #tpu.memory_space<vmem>>
        %dma_start3A_1193 = arith.constant 0 : i32
        %dma_start3A_1194 = tpu.memref_slice %arg2[%squeeze3A_1182, %dma_start3A_1193] : memref<1000000x64xf32, #tpu.memory_space<hbm>> -> memref<1x64xf32, #tpu.memory_space<hbm>>
        %dma_start3A_1195 = tpu.memref_squeeze %dma_start3A_1194 : memref<1x64xf32, #tpu.memory_space<hbm>> -> memref<64xf32, #tpu.memory_space<hbm>>
        tpu.enqueue_dma source(%dma_start3A_1195 : memref<64xf32, #tpu.memory_space<hbm>>) target(%dma_start3A_1192 : memref<64xf32, #tpu.memory_space<vmem>>) target_semaphore(%arg14 : memref<!tpu.dma_semaphore, #tpu.memory_space<semaphore_mem>>)
        %slice3A_1196 = vector.extract_strided_slice %get3A_1045 {offsets = [10], sizes = [1], strides = [1]} : vector<16xi32> to vector<1xi32>
        %squeeze3A_1197 = vector.extract %slice3A_1196[0] : i32 from vector<1xi32>
        %dma_start3A_1198 = arith.constant 10 : i32
        %dma_start3A_1199 = arith.constant 0 : i32
        %dma_start3A_1200 = tpu.memref_slice %arg12[%dma_start3A_1198, %dma_start3A_1199] : memref<16x64xf32, #tpu.memory_space<vmem>> -> memref<1x64xf32, #tpu.memory_space<vmem>>
        %dma_start3A_1201 = tpu.memref_squeeze %dma_start3A_1200 : memref<1x64xf32, #tpu.memory_space<vmem>> -> memref<64xf32, #tpu.memory_space<vmem>>
        %dma_start3A_1202 = arith.constant 0 : i32
        %dma_start3A_1203 = tpu.memref_slice %arg2[%squeeze3A_1197, %dma_start3A_1202] : memref<1000000x64xf32, #tpu.memory_space<hbm>> -> memref<1x64xf32, #tpu.memory_space<hbm>>
        %dma_start3A_1204 = tpu.memref_squeeze %dma_start3A_1203 : memref<1x64xf32, #tpu.memory_space<hbm>> -> memref<64xf32, #tpu.memory_space<hbm>>
        %dma_start3A_1205 = arith.constant 0 : i32
        %dma_start3A_1206 = tpu.memref_slice %arg12[%dma_start3A_1198, %dma_start3A_1205] : memref<16x64xf32, #tpu.memory_space<vmem>> -> memref<1x64xf32, #tpu.memory_space<vmem>>
        %dma_start3A_1207 = tpu.memref_squeeze %dma_start3A_1206 : memref<1x64xf32, #tpu.memory_space<vmem>> -> memref<64xf32, #tpu.memory_space<vmem>>
        %dma_start3A_1208 = arith.constant 0 : i32
        %dma_start3A_1209 = tpu.memref_slice %arg2[%squeeze3A_1197, %dma_start3A_1208] : memref<1000000x64xf32, #tpu.memory_space<hbm>> -> memref<1x64xf32, #tpu.memory_space<hbm>>
        %dma_start3A_1210 = tpu.memref_squeeze %dma_start3A_1209 : memref<1x64xf32, #tpu.memory_space<hbm>> -> memref<64xf32, #tpu.memory_space<hbm>>
        tpu.enqueue_dma source(%dma_start3A_1210 : memref<64xf32, #tpu.memory_space<hbm>>) target(%dma_start3A_1207 : memref<64xf32, #tpu.memory_space<vmem>>) target_semaphore(%arg14 : memref<!tpu.dma_semaphore, #tpu.memory_space<semaphore_mem>>)
        %slice3A_1211 = vector.extract_strided_slice %get3A_1045 {offsets = [11], sizes = [1], strides = [1]} : vector<16xi32> to vector<1xi32>
        %squeeze3A_1212 = vector.extract %slice3A_1211[0] : i32 from vector<1xi32>
        %dma_start3A_1213 = arith.constant 11 : i32
        %dma_start3A_1214 = arith.constant 0 : i32
        %dma_start3A_1215 = tpu.memref_slice %arg12[%dma_start3A_1213, %dma_start3A_1214] : memref<16x64xf32, #tpu.memory_space<vmem>> -> memref<1x64xf32, #tpu.memory_space<vmem>>
        %dma_start3A_1216 = tpu.memref_squeeze %dma_start3A_1215 : memref<1x64xf32, #tpu.memory_space<vmem>> -> memref<64xf32, #tpu.memory_space<vmem>>
        %dma_start3A_1217 = arith.constant 0 : i32
        %dma_start3A_1218 = tpu.memref_slice %arg2[%squeeze3A_1212, %dma_start3A_1217] : memref<1000000x64xf32, #tpu.memory_space<hbm>> -> memref<1x64xf32, #tpu.memory_space<hbm>>
        %dma_start3A_1219 = tpu.memref_squeeze %dma_start3A_1218 : memref<1x64xf32, #tpu.memory_space<hbm>> -> memref<64xf32, #tpu.memory_space<hbm>>
        %dma_start3A_1220 = arith.constant 0 : i32
        %dma_start3A_1221 = tpu.memref_slice %arg12[%dma_start3A_1213, %dma_start3A_1220] : memref<16x64xf32, #tpu.memory_space<vmem>> -> memref<1x64xf32, #tpu.memory_space<vmem>>
        %dma_start3A_1222 = tpu.memref_squeeze %dma_start3A_1221 : memref<1x64xf32, #tpu.memory_space<vmem>> -> memref<64xf32, #tpu.memory_space<vmem>>
        %dma_start3A_1223 = arith.constant 0 : i32
        %dma_start3A_1224 = tpu.memref_slice %arg2[%squeeze3A_1212, %dma_start3A_1223] : memref<1000000x64xf32, #tpu.memory_space<hbm>> -> memref<1x64xf32, #tpu.memory_space<hbm>>
        %dma_start3A_1225 = tpu.memref_squeeze %dma_start3A_1224 : memref<1x64xf32, #tpu.memory_space<hbm>> -> memref<64xf32, #tpu.memory_space<hbm>>
        tpu.enqueue_dma source(%dma_start3A_1225 : memref<64xf32, #tpu.memory_space<hbm>>) target(%dma_start3A_1222 : memref<64xf32, #tpu.memory_space<vmem>>) target_semaphore(%arg14 : memref<!tpu.dma_semaphore, #tpu.memory_space<semaphore_mem>>)
        %slice3A_1226 = vector.extract_strided_slice %get3A_1045 {offsets = [12], sizes = [1], strides = [1]} : vector<16xi32> to vector<1xi32>
        %squeeze3A_1227 = vector.extract %slice3A_1226[0] : i32 from vector<1xi32>
        %dma_start3A_1228 = arith.constant 12 : i32
        %dma_start3A_1229 = arith.constant 0 : i32
        %dma_start3A_1230 = tpu.memref_slice %arg12[%dma_start3A_1228, %dma_start3A_1229] : memref<16x64xf32, #tpu.memory_space<vmem>> -> memref<1x64xf32, #tpu.memory_space<vmem>>
        %dma_start3A_1231 = tpu.memref_squeeze %dma_start3A_1230 : memref<1x64xf32, #tpu.memory_space<vmem>> -> memref<64xf32, #tpu.memory_space<vmem>>
        %dma_start3A_1232 = arith.constant 0 : i32
        %dma_start3A_1233 = tpu.memref_slice %arg2[%squeeze3A_1227, %dma_start3A_1232] : memref<1000000x64xf32, #tpu.memory_space<hbm>> -> memref<1x64xf32, #tpu.memory_space<hbm>>
        %dma_start3A_1234 = tpu.memref_squeeze %dma_start3A_1233 : memref<1x64xf32, #tpu.memory_space<hbm>> -> memref<64xf32, #tpu.memory_space<hbm>>
        %dma_start3A_1235 = arith.constant 0 : i32
        %dma_start3A_1236 = tpu.memref_slice %arg12[%dma_start3A_1228, %dma_start3A_1235] : memref<16x64xf32, #tpu.memory_space<vmem>> -> memref<1x64xf32, #tpu.memory_space<vmem>>
        %dma_start3A_1237 = tpu.memref_squeeze %dma_start3A_1236 : memref<1x64xf32, #tpu.memory_space<vmem>> -> memref<64xf32, #tpu.memory_space<vmem>>
        %dma_start3A_1238 = arith.constant 0 : i32
        %dma_start3A_1239 = tpu.memref_slice %arg2[%squeeze3A_1227, %dma_start3A_1238] : memref<1000000x64xf32, #tpu.memory_space<hbm>> -> memref<1x64xf32, #tpu.memory_space<hbm>>
        %dma_start3A_1240 = tpu.memref_squeeze %dma_start3A_1239 : memref<1x64xf32, #tpu.memory_space<hbm>> -> memref<64xf32, #tpu.memory_space<hbm>>
        tpu.enqueue_dma source(%dma_start3A_1240 : memref<64xf32, #tpu.memory_space<hbm>>) target(%dma_start3A_1237 : memref<64xf32, #tpu.memory_space<vmem>>) target_semaphore(%arg14 : memref<!tpu.dma_semaphore, #tpu.memory_space<semaphore_mem>>)
        %slice3A_1241 = vector.extract_strided_slice %get3A_1045 {offsets = [13], sizes = [1], strides = [1]} : vector<16xi32> to vector<1xi32>
        %squeeze3A_1242 = vector.extract %slice3A_1241[0] : i32 from vector<1xi32>
        %dma_start3A_1243 = arith.constant 13 : i32
        %dma_start3A_1244 = arith.constant 0 : i32
        %dma_start3A_1245 = tpu.memref_slice %arg12[%dma_start3A_1243, %dma_start3A_1244] : memref<16x64xf32, #tpu.memory_space<vmem>> -> memref<1x64xf32, #tpu.memory_space<vmem>>
        %dma_start3A_1246 = tpu.memref_squeeze %dma_start3A_1245 : memref<1x64xf32, #tpu.memory_space<vmem>> -> memref<64xf32, #tpu.memory_space<vmem>>
        %dma_start3A_1247 = arith.constant 0 : i32
        %dma_start3A_1248 = tpu.memref_slice %arg2[%squeeze3A_1242, %dma_start3A_1247] : memref<1000000x64xf32, #tpu.memory_space<hbm>> -> memref<1x64xf32, #tpu.memory_space<hbm>>
        %dma_start3A_1249 = tpu.memref_squeeze %dma_start3A_1248 : memref<1x64xf32, #tpu.memory_space<hbm>> -> memref<64xf32, #tpu.memory_space<hbm>>
        %dma_start3A_1250 = arith.constant 0 : i32
        %dma_start3A_1251 = tpu.memref_slice %arg12[%dma_start3A_1243, %dma_start3A_1250] : memref<16x64xf32, #tpu.memory_space<vmem>> -> memref<1x64xf32, #tpu.memory_space<vmem>>
        %dma_start3A_1252 = tpu.memref_squeeze %dma_start3A_1251 : memref<1x64xf32, #tpu.memory_space<vmem>> -> memref<64xf32, #tpu.memory_space<vmem>>
        %dma_start3A_1253 = arith.constant 0 : i32
        %dma_start3A_1254 = tpu.memref_slice %arg2[%squeeze3A_1242, %dma_start3A_1253] : memref<1000000x64xf32, #tpu.memory_space<hbm>> -> memref<1x64xf32, #tpu.memory_space<hbm>>
        %dma_start3A_1255 = tpu.memref_squeeze %dma_start3A_1254 : memref<1x64xf32, #tpu.memory_space<hbm>> -> memref<64xf32, #tpu.memory_space<hbm>>
        tpu.enqueue_dma source(%dma_start3A_1255 : memref<64xf32, #tpu.memory_space<hbm>>) target(%dma_start3A_1252 : memref<64xf32, #tpu.memory_space<vmem>>) target_semaphore(%arg14 : memref<!tpu.dma_semaphore, #tpu.memory_space<semaphore_mem>>)
        %slice3A_1256 = vector.extract_strided_slice %get3A_1045 {offsets = [14], sizes = [1], strides = [1]} : vector<16xi32> to vector<1xi32>
        %squeeze3A_1257 = vector.extract %slice3A_1256[0] : i32 from vector<1xi32>
        %dma_start3A_1258 = arith.constant 14 : i32
        %dma_start3A_1259 = arith.constant 0 : i32
        %dma_start3A_1260 = tpu.memref_slice %arg12[%dma_start3A_1258, %dma_start3A_1259] : memref<16x64xf32, #tpu.memory_space<vmem>> -> memref<1x64xf32, #tpu.memory_space<vmem>>
        %dma_start3A_1261 = tpu.memref_squeeze %dma_start3A_1260 : memref<1x64xf32, #tpu.memory_space<vmem>> -> memref<64xf32, #tpu.memory_space<vmem>>
        %dma_start3A_1262 = arith.constant 0 : i32
        %dma_start3A_1263 = tpu.memref_slice %arg2[%squeeze3A_1257, %dma_start3A_1262] : memref<1000000x64xf32, #tpu.memory_space<hbm>> -> memref<1x64xf32, #tpu.memory_space<hbm>>
        %dma_start3A_1264 = tpu.memref_squeeze %dma_start3A_1263 : memref<1x64xf32, #tpu.memory_space<hbm>> -> memref<64xf32, #tpu.memory_space<hbm>>
        %dma_start3A_1265 = arith.constant 0 : i32
        %dma_start3A_1266 = tpu.memref_slice %arg12[%dma_start3A_1258, %dma_start3A_1265] : memref<16x64xf32, #tpu.memory_space<vmem>> -> memref<1x64xf32, #tpu.memory_space<vmem>>
        %dma_start3A_1267 = tpu.memref_squeeze %dma_start3A_1266 : memref<1x64xf32, #tpu.memory_space<vmem>> -> memref<64xf32, #tpu.memory_space<vmem>>
        %dma_start3A_1268 = arith.constant 0 : i32
        %dma_start3A_1269 = tpu.memref_slice %arg2[%squeeze3A_1257, %dma_start3A_1268] : memref<1000000x64xf32, #tpu.memory_space<hbm>> -> memref<1x64xf32, #tpu.memory_space<hbm>>
        %dma_start3A_1270 = tpu.memref_squeeze %dma_start3A_1269 : memref<1x64xf32, #tpu.memory_space<hbm>> -> memref<64xf32, #tpu.memory_space<hbm>>
        tpu.enqueue_dma source(%dma_start3A_1270 : memref<64xf32, #tpu.memory_space<hbm>>) target(%dma_start3A_1267 : memref<64xf32, #tpu.memory_space<vmem>>) target_semaphore(%arg14 : memref<!tpu.dma_semaphore, #tpu.memory_space<semaphore_mem>>)
        %slice3A_1271 = vector.extract_strided_slice %get3A_1045 {offsets = [15], sizes = [1], strides = [1]} : vector<16xi32> to vector<1xi32>
        %squeeze3A_1272 = vector.extract %slice3A_1271[0] : i32 from vector<1xi32>
        %dma_start3A_1273 = arith.constant 15 : i32
        %dma_start3A_1274 = arith.constant 0 : i32
        %dma_start3A_1275 = tpu.memref_slice %arg12[%dma_start3A_1273, %dma_start3A_1274] : memref<16x64xf32, #tpu.memory_space<vmem>> -> memref<1x64xf32, #tpu.memory_space<vmem>>
        %dma_start3A_1276 = tpu.memref_squeeze %dma_start3A_1275 : memref<1x64xf32, #tpu.memory_space<vmem>> -> memref<64xf32, #tpu.memory_space<vmem>>
        %dma_start3A_1277 = arith.constant 0 : i32
        %dma_start3A_1278 = tpu.memref_slice %arg2[%squeeze3A_1272, %dma_start3A_1277] : memref<1000000x64xf32, #tpu.memory_space<hbm>> -> memref<1x64xf32, #tpu.memory_space<hbm>>
        %dma_start3A_1279 = tpu.memref_squeeze %dma_start3A_1278 : memref<1x64xf32, #tpu.memory_space<hbm>> -> memref<64xf32, #tpu.memory_space<hbm>>
        %dma_start3A_1280 = arith.constant 0 : i32
        %dma_start3A_1281 = tpu.memref_slice %arg12[%dma_start3A_1273, %dma_start3A_1280] : memref<16x64xf32, #tpu.memory_space<vmem>> -> memref<1x64xf32, #tpu.memory_space<vmem>>
        %dma_start3A_1282 = tpu.memref_squeeze %dma_start3A_1281 : memref<1x64xf32, #tpu.memory_space<vmem>> -> memref<64xf32, #tpu.memory_space<vmem>>
        %dma_start3A_1283 = arith.constant 0 : i32
        %dma_start3A_1284 = tpu.memref_slice %arg2[%squeeze3A_1272, %dma_start3A_1283] : memref<1000000x64xf32, #tpu.memory_space<hbm>> -> memref<1x64xf32, #tpu.memory_space<hbm>>
        %dma_start3A_1285 = tpu.memref_squeeze %dma_start3A_1284 : memref<1x64xf32, #tpu.memory_space<hbm>> -> memref<64xf32, #tpu.memory_space<hbm>>
        tpu.enqueue_dma source(%dma_start3A_1285 : memref<64xf32, #tpu.memory_space<hbm>>) target(%dma_start3A_1282 : memref<64xf32, #tpu.memory_space<vmem>>) target_semaphore(%arg14 : memref<!tpu.dma_semaphore, #tpu.memory_space<semaphore_mem>>)
      } else {
      }
      %dma_wait3A_1015 = arith.constant 0 : i32
      %dma_wait3A_1016 = arith.constant 0 : i32
      %dma_wait3A_1017 = tpu.memref_slice %arg2[%dma_wait3A_1015, %dma_wait3A_1016] : memref<1000000x64xf32, #tpu.memory_space<hbm>> -> memref<16x64xf32, #tpu.memory_space<hbm>>
      %dma_wait3A_1018 = arith.constant 0 : i32
      %dma_wait3A_1019 = arith.constant 0 : i32
      %dma_wait3A_1020 = tpu.memref_slice %arg2[%dma_wait3A_1018, %dma_wait3A_1019] : memref<1000000x64xf32, #tpu.memory_space<hbm>> -> memref<16x64xf32, #tpu.memory_space<hbm>>
      tpu.wait_dma2 semaphore(%arg15 : memref<!tpu.dma_semaphore, #tpu.memory_space<semaphore_mem>>) src(%dma_wait3A_1020 : memref<16x64xf32, #tpu.memory_space<hbm>>) dst(%arg13 : memref<16x64xf32, #tpu.memory_space<vmem>>)
      %mul3A_1021 = arith.constant 32 : i32
      %mul3A_1022 = arith.muli %add3A_752, %mul3A_1021 : i32
      %add3A_1023 = arith.addi %mul3A_2, %mul3A_1022 : i32
      %add3A_1024 = arith.constant 16 : i32
      %add3A_1025 = arith.addi %add3A_1023, %add3A_1024 : i32
      %dma_start3A_1026 = arith.constant 0 : i32
      %dma_start3A_1027 = tpu.memref_slice %arg6[%add3A_1025, %dma_start3A_1026] : memref<16384x64xf32, #tpu.memory_space<hbm>> -> memref<16x64xf32, #tpu.memory_space<hbm>>
      %dma_start3A_1028 = arith.constant 0 : i32
      %dma_start3A_1029 = tpu.memref_slice %arg6[%add3A_1025, %dma_start3A_1028] : memref<16384x64xf32, #tpu.memory_space<hbm>> -> memref<16x64xf32, #tpu.memory_space<hbm>>
      tpu.enqueue_dma source(%arg13 : memref<16x64xf32, #tpu.memory_space<vmem>>) target(%dma_start3A_1029 : memref<16x64xf32, #tpu.memory_space<hbm>>) target_semaphore(%arg17 : memref<!tpu.dma_semaphore, #tpu.memory_space<semaphore_mem>>)
      %dma_wait3A_1030 = arith.constant 0 : i32
      %dma_wait3A_1031 = tpu.memref_slice %arg6[%mul3A_2, %dma_wait3A_1030] : memref<16384x64xf32, #tpu.memory_space<hbm>> -> memref<16x64xf32, #tpu.memory_space<hbm>>
      %dma_wait3A_1032 = arith.constant 0 : i32
      %dma_wait3A_1033 = tpu.memref_slice %arg6[%mul3A_2, %dma_wait3A_1032] : memref<16384x64xf32, #tpu.memory_space<hbm>> -> memref<16x64xf32, #tpu.memory_space<hbm>>
      tpu.wait_dma2 semaphore(%arg16 : memref<!tpu.dma_semaphore, #tpu.memory_space<semaphore_mem>>) src(%arg12 : memref<16x64xf32, #tpu.memory_space<vmem>>) dst(%dma_wait3A_1033 : memref<16x64xf32, #tpu.memory_space<hbm>>)
      %dma_wait3A_1034 = arith.constant 0 : i32
      %dma_wait3A_1035 = tpu.memref_slice %arg6[%mul3A_2, %dma_wait3A_1034] : memref<16384x64xf32, #tpu.memory_space<hbm>> -> memref<16x64xf32, #tpu.memory_space<hbm>>
      %dma_wait3A_1036 = arith.constant 0 : i32
      %dma_wait3A_1037 = tpu.memref_slice %arg6[%mul3A_2, %dma_wait3A_1036] : memref<16384x64xf32, #tpu.memory_space<hbm>> -> memref<16x64xf32, #tpu.memory_space<hbm>>
      tpu.wait_dma2 semaphore(%arg17 : memref<!tpu.dma_semaphore, #tpu.memory_space<semaphore_mem>>) src(%arg13 : memref<16x64xf32, #tpu.memory_space<vmem>>) dst(%dma_wait3A_1037 : memref<16x64xf32, #tpu.memory_space<hbm>>)
    }
    %scan3A_247 = arith.constant 16 : i32
    %get3A_248 = arith.constant 0 : i32
    %get3A_249 = arith.index_cast %get3A_248 : i32 to index
    %get3A_250 = arith.constant 0 : index
    %get3A_251 = tpu.vector_load %arg10[%get3A_249, %get3A_250] {strides = array<i32>} : memref<32x16xi32, #tpu.memory_space<vmem>>, vector<1x16xi32>,
    %get3A_252 = vector.shape_cast %get3A_251 : vector<1x16xi32> to vector<16xi32>
    %slice3A_253 = vector.extract_strided_slice %get3A_252 {offsets = [0], sizes = [1], strides = [1]} : vector<16xi32> to vector<1xi32>
    %squeeze3A_254 = vector.extract %slice3A_253[0] : i32 from vector<1xi32>
    %dma_start3A_255 = arith.constant 0 : i32
    %dma_start3A_256 = arith.constant 0 : i32
    %dma_start3A_257 = tpu.memref_slice %arg12[%dma_start3A_255, %dma_start3A_256] : memref<16x64xf32, #tpu.memory_space<vmem>> -> memref<1x64xf32, #tpu.memory_space<vmem>>
    %dma_start3A_258 = tpu.memref_squeeze %dma_start3A_257 : memref<1x64xf32, #tpu.memory_space<vmem>> -> memref<64xf32, #tpu.memory_space<vmem>>
    %dma_start3A_259 = arith.constant 0 : i32
    %dma_start3A_260 = tpu.memref_slice %arg2[%squeeze3A_254, %dma_start3A_259] : memref<1000000x64xf32, #tpu.memory_space<hbm>> -> memref<1x64xf32, #tpu.memory_space<hbm>>
    %dma_start3A_261 = tpu.memref_squeeze %dma_start3A_260 : memref<1x64xf32, #tpu.memory_space<hbm>> -> memref<64xf32, #tpu.memory_space<hbm>>
    %dma_start3A_262 = arith.constant 0 : i32
    %dma_start3A_263 = tpu.memref_slice %arg12[%dma_start3A_255, %dma_start3A_262] : memref<16x64xf32, #tpu.memory_space<vmem>> -> memref<1x64xf32, #tpu.memory_space<vmem>>
    %dma_start3A_264 = tpu.memref_squeeze %dma_start3A_263 : memref<1x64xf32, #tpu.memory_space<vmem>> -> memref<64xf32, #tpu.memory_space<vmem>>
    %dma_start3A_265 = arith.constant 0 : i32
    %dma_start3A_266 = tpu.memref_slice %arg2[%squeeze3A_254, %dma_start3A_265] : memref<1000000x64xf32, #tpu.memory_space<hbm>> -> memref<1x64xf32, #tpu.memory_space<hbm>>
    %dma_start3A_267 = tpu.memref_squeeze %dma_start3A_266 : memref<1x64xf32, #tpu.memory_space<hbm>> -> memref<64xf32, #tpu.memory_space<hbm>>
    tpu.enqueue_dma source(%dma_start3A_267 : memref<64xf32, #tpu.memory_space<hbm>>) target(%dma_start3A_264 : memref<64xf32, #tpu.memory_space<vmem>>) target_semaphore(%arg14 : memref<!tpu.dma_semaphore, #tpu.memory_space<semaphore_mem>>)
    %slice3A_268 = vector.extract_strided_slice %get3A_252 {offsets = [1], sizes = [1], strides = [1]} : vector<16xi32> to vector<1xi32>
    %squeeze3A_269 = vector.extract %slice3A_268[0] : i32 from vector<1xi32>
    %dma_start3A_270 = arith.constant 1 : i32
    %dma_start3A_271 = arith.constant 0 : i32
    %dma_start3A_272 = tpu.memref_slice %arg12[%dma_start3A_270, %dma_start3A_271] : memref<16x64xf32, #tpu.memory_space<vmem>> -> memref<1x64xf32, #tpu.memory_space<vmem>>
    %dma_start3A_273 = tpu.memref_squeeze %dma_start3A_272 : memref<1x64xf32, #tpu.memory_space<vmem>> -> memref<64xf32, #tpu.memory_space<vmem>>
    %dma_start3A_274 = arith.constant 0 : i32
    %dma_start3A_275 = tpu.memref_slice %arg2[%squeeze3A_269, %dma_start3A_274] : memref<1000000x64xf32, #tpu.memory_space<hbm>> -> memref<1x64xf32, #tpu.memory_space<hbm>>
    %dma_start3A_276 = tpu.memref_squeeze %dma_start3A_275 : memref<1x64xf32, #tpu.memory_space<hbm>> -> memref<64xf32, #tpu.memory_space<hbm>>
    %dma_start3A_277 = arith.constant 0 : i32
    %dma_start3A_278 = tpu.memref_slice %arg12[%dma_start3A_270, %dma_start3A_277] : memref<16x64xf32, #tpu.memory_space<vmem>> -> memref<1x64xf32, #tpu.memory_space<vmem>>
    %dma_start3A_279 = tpu.memref_squeeze %dma_start3A_278 : memref<1x64xf32, #tpu.memory_space<vmem>> -> memref<64xf32, #tpu.memory_space<vmem>>
    %dma_start3A_280 = arith.constant 0 : i32
    %dma_start3A_281 = tpu.memref_slice %arg2[%squeeze3A_269, %dma_start3A_280] : memref<1000000x64xf32, #tpu.memory_space<hbm>> -> memref<1x64xf32, #tpu.memory_space<hbm>>
    %dma_start3A_282 = tpu.memref_squeeze %dma_start3A_281 : memref<1x64xf32, #tpu.memory_space<hbm>> -> memref<64xf32, #tpu.memory_space<hbm>>
    tpu.enqueue_dma source(%dma_start3A_282 : memref<64xf32, #tpu.memory_space<hbm>>) target(%dma_start3A_279 : memref<64xf32, #tpu.memory_space<vmem>>) target_semaphore(%arg14 : memref<!tpu.dma_semaphore, #tpu.memory_space<semaphore_mem>>)
    %slice3A_283 = vector.extract_strided_slice %get3A_252 {offsets = [2], sizes = [1], strides = [1]} : vector<16xi32> to vector<1xi32>
    %squeeze3A_284 = vector.extract %slice3A_283[0] : i32 from vector<1xi32>
    %dma_start3A_285 = arith.constant 2 : i32
    %dma_start3A_286 = arith.constant 0 : i32
    %dma_start3A_287 = tpu.memref_slice %arg12[%dma_start3A_285, %dma_start3A_286] : memref<16x64xf32, #tpu.memory_space<vmem>> -> memref<1x64xf32, #tpu.memory_space<vmem>>
    %dma_start3A_288 = tpu.memref_squeeze %dma_start3A_287 : memref<1x64xf32, #tpu.memory_space<vmem>> -> memref<64xf32, #tpu.memory_space<vmem>>
    %dma_start3A_289 = arith.constant 0 : i32
    %dma_start3A_290 = tpu.memref_slice %arg2[%squeeze3A_284, %dma_start3A_289] : memref<1000000x64xf32, #tpu.memory_space<hbm>> -> memref<1x64xf32, #tpu.memory_space<hbm>>
    %dma_start3A_291 = tpu.memref_squeeze %dma_start3A_290 : memref<1x64xf32, #tpu.memory_space<hbm>> -> memref<64xf32, #tpu.memory_space<hbm>>
    %dma_start3A_292 = arith.constant 0 : i32
    %dma_start3A_293 = tpu.memref_slice %arg12[%dma_start3A_285, %dma_start3A_292] : memref<16x64xf32, #tpu.memory_space<vmem>> -> memref<1x64xf32, #tpu.memory_space<vmem>>
    %dma_start3A_294 = tpu.memref_squeeze %dma_start3A_293 : memref<1x64xf32, #tpu.memory_space<vmem>> -> memref<64xf32, #tpu.memory_space<vmem>>
    %dma_start3A_295 = arith.constant 0 : i32
    %dma_start3A_296 = tpu.memref_slice %arg2[%squeeze3A_284, %dma_start3A_295] : memref<1000000x64xf32, #tpu.memory_space<hbm>> -> memref<1x64xf32, #tpu.memory_space<hbm>>
    %dma_start3A_297 = tpu.memref_squeeze %dma_start3A_296 : memref<1x64xf32, #tpu.memory_space<hbm>> -> memref<64xf32, #tpu.memory_space<hbm>>
    tpu.enqueue_dma source(%dma_start3A_297 : memref<64xf32, #tpu.memory_space<hbm>>) target(%dma_start3A_294 : memref<64xf32, #tpu.memory_space<vmem>>) target_semaphore(%arg14 : memref<!tpu.dma_semaphore, #tpu.memory_space<semaphore_mem>>)
    %slice3A_298 = vector.extract_strided_slice %get3A_252 {offsets = [3], sizes = [1], strides = [1]} : vector<16xi32> to vector<1xi32>
    %squeeze3A_299 = vector.extract %slice3A_298[0] : i32 from vector<1xi32>
    %dma_start3A_300 = arith.constant 3 : i32
    %dma_start3A_301 = arith.constant 0 : i32
    %dma_start3A_302 = tpu.memref_slice %arg12[%dma_start3A_300, %dma_start3A_301] : memref<16x64xf32, #tpu.memory_space<vmem>> -> memref<1x64xf32, #tpu.memory_space<vmem>>
    %dma_start3A_303 = tpu.memref_squeeze %dma_start3A_302 : memref<1x64xf32, #tpu.memory_space<vmem>> -> memref<64xf32, #tpu.memory_space<vmem>>
    %dma_start3A_304 = arith.constant 0 : i32
    %dma_start3A_305 = tpu.memref_slice %arg2[%squeeze3A_299, %dma_start3A_304] : memref<1000000x64xf32, #tpu.memory_space<hbm>> -> memref<1x64xf32, #tpu.memory_space<hbm>>
    %dma_start3A_306 = tpu.memref_squeeze %dma_start3A_305 : memref<1x64xf32, #tpu.memory_space<hbm>> -> memref<64xf32, #tpu.memory_space<hbm>>
    %dma_start3A_307 = arith.constant 0 : i32
    %dma_start3A_308 = tpu.memref_slice %arg12[%dma_start3A_300, %dma_start3A_307] : memref<16x64xf32, #tpu.memory_space<vmem>> -> memref<1x64xf32, #tpu.memory_space<vmem>>
    %dma_start3A_309 = tpu.memref_squeeze %dma_start3A_308 : memref<1x64xf32, #tpu.memory_space<vmem>> -> memref<64xf32, #tpu.memory_space<vmem>>
    %dma_start3A_310 = arith.constant 0 : i32
    %dma_start3A_311 = tpu.memref_slice %arg2[%squeeze3A_299, %dma_start3A_310] : memref<1000000x64xf32, #tpu.memory_space<hbm>> -> memref<1x64xf32, #tpu.memory_space<hbm>>
    %dma_start3A_312 = tpu.memref_squeeze %dma_start3A_311 : memref<1x64xf32, #tpu.memory_space<hbm>> -> memref<64xf32, #tpu.memory_space<hbm>>
    tpu.enqueue_dma source(%dma_start3A_312 : memref<64xf32, #tpu.memory_space<hbm>>) target(%dma_start3A_309 : memref<64xf32, #tpu.memory_space<vmem>>) target_semaphore(%arg14 : memref<!tpu.dma_semaphore, #tpu.memory_space<semaphore_mem>>)
    %slice3A_313 = vector.extract_strided_slice %get3A_252 {offsets = [4], sizes = [1], strides = [1]} : vector<16xi32> to vector<1xi32>
    %squeeze3A_314 = vector.extract %slice3A_313[0] : i32 from vector<1xi32>
    %dma_start3A_315 = arith.constant 4 : i32
    %dma_start3A_316 = arith.constant 0 : i32
    %dma_start3A_317 = tpu.memref_slice %arg12[%dma_start3A_315, %dma_start3A_316] : memref<16x64xf32, #tpu.memory_space<vmem>> -> memref<1x64xf32, #tpu.memory_space<vmem>>
    %dma_start3A_318 = tpu.memref_squeeze %dma_start3A_317 : memref<1x64xf32, #tpu.memory_space<vmem>> -> memref<64xf32, #tpu.memory_space<vmem>>
    %dma_start3A_319 = arith.constant 0 : i32
    %dma_start3A_320 = tpu.memref_slice %arg2[%squeeze3A_314, %dma_start3A_319] : memref<1000000x64xf32, #tpu.memory_space<hbm>> -> memref<1x64xf32, #tpu.memory_space<hbm>>
    %dma_start3A_321 = tpu.memref_squeeze %dma_start3A_320 : memref<1x64xf32, #tpu.memory_space<hbm>> -> memref<64xf32, #tpu.memory_space<hbm>>
    %dma_start3A_322 = arith.constant 0 : i32
    %dma_start3A_323 = tpu.memref_slice %arg12[%dma_start3A_315, %dma_start3A_322] : memref<16x64xf32, #tpu.memory_space<vmem>> -> memref<1x64xf32, #tpu.memory_space<vmem>>
    %dma_start3A_324 = tpu.memref_squeeze %dma_start3A_323 : memref<1x64xf32, #tpu.memory_space<vmem>> -> memref<64xf32, #tpu.memory_space<vmem>>
    %dma_start3A_325 = arith.constant 0 : i32
    %dma_start3A_326 = tpu.memref_slice %arg2[%squeeze3A_314, %dma_start3A_325] : memref<1000000x64xf32, #tpu.memory_space<hbm>> -> memref<1x64xf32, #tpu.memory_space<hbm>>
    %dma_start3A_327 = tpu.memref_squeeze %dma_start3A_326 : memref<1x64xf32, #tpu.memory_space<hbm>> -> memref<64xf32, #tpu.memory_space<hbm>>
    tpu.enqueue_dma source(%dma_start3A_327 : memref<64xf32, #tpu.memory_space<hbm>>) target(%dma_start3A_324 : memref<64xf32, #tpu.memory_space<vmem>>) target_semaphore(%arg14 : memref<!tpu.dma_semaphore, #tpu.memory_space<semaphore_mem>>)
    %slice3A_328 = vector.extract_strided_slice %get3A_252 {offsets = [5], sizes = [1], strides = [1]} : vector<16xi32> to vector<1xi32>
    %squeeze3A_329 = vector.extract %slice3A_328[0] : i32 from vector<1xi32>
    %dma_start3A_330 = arith.constant 5 : i32
    %dma_start3A_331 = arith.constant 0 : i32
    %dma_start3A_332 = tpu.memref_slice %arg12[%dma_start3A_330, %dma_start3A_331] : memref<16x64xf32, #tpu.memory_space<vmem>> -> memref<1x64xf32, #tpu.memory_space<vmem>>
    %dma_start3A_333 = tpu.memref_squeeze %dma_start3A_332 : memref<1x64xf32, #tpu.memory_space<vmem>> -> memref<64xf32, #tpu.memory_space<vmem>>
    %dma_start3A_334 = arith.constant 0 : i32
    %dma_start3A_335 = tpu.memref_slice %arg2[%squeeze3A_329, %dma_start3A_334] : memref<1000000x64xf32, #tpu.memory_space<hbm>> -> memref<1x64xf32, #tpu.memory_space<hbm>>
    %dma_start3A_336 = tpu.memref_squeeze %dma_start3A_335 : memref<1x64xf32, #tpu.memory_space<hbm>> -> memref<64xf32, #tpu.memory_space<hbm>>
    %dma_start3A_337 = arith.constant 0 : i32
    %dma_start3A_338 = tpu.memref_slice %arg12[%dma_start3A_330, %dma_start3A_337] : memref<16x64xf32, #tpu.memory_space<vmem>> -> memref<1x64xf32, #tpu.memory_space<vmem>>
    %dma_start3A_339 = tpu.memref_squeeze %dma_start3A_338 : memref<1x64xf32, #tpu.memory_space<vmem>> -> memref<64xf32, #tpu.memory_space<vmem>>
    %dma_start3A_340 = arith.constant 0 : i32
    %dma_start3A_341 = tpu.memref_slice %arg2[%squeeze3A_329, %dma_start3A_340] : memref<1000000x64xf32, #tpu.memory_space<hbm>> -> memref<1x64xf32, #tpu.memory_space<hbm>>
    %dma_start3A_342 = tpu.memref_squeeze %dma_start3A_341 : memref<1x64xf32, #tpu.memory_space<hbm>> -> memref<64xf32, #tpu.memory_space<hbm>>
    tpu.enqueue_dma source(%dma_start3A_342 : memref<64xf32, #tpu.memory_space<hbm>>) target(%dma_start3A_339 : memref<64xf32, #tpu.memory_space<vmem>>) target_semaphore(%arg14 : memref<!tpu.dma_semaphore, #tpu.memory_space<semaphore_mem>>)
    %slice3A_343 = vector.extract_strided_slice %get3A_252 {offsets = [6], sizes = [1], strides = [1]} : vector<16xi32> to vector<1xi32>
    %squeeze3A_344 = vector.extract %slice3A_343[0] : i32 from vector<1xi32>
    %dma_start3A_345 = arith.constant 6 : i32
    %dma_start3A_346 = arith.constant 0 : i32
    %dma_start3A_347 = tpu.memref_slice %arg12[%dma_start3A_345, %dma_start3A_346] : memref<16x64xf32, #tpu.memory_space<vmem>> -> memref<1x64xf32, #tpu.memory_space<vmem>>
    %dma_start3A_348 = tpu.memref_squeeze %dma_start3A_347 : memref<1x64xf32, #tpu.memory_space<vmem>> -> memref<64xf32, #tpu.memory_space<vmem>>
    %dma_start3A_349 = arith.constant 0 : i32
    %dma_start3A_350 = tpu.memref_slice %arg2[%squeeze3A_344, %dma_start3A_349] : memref<1000000x64xf32, #tpu.memory_space<hbm>> -> memref<1x64xf32, #tpu.memory_space<hbm>>
    %dma_start3A_351 = tpu.memref_squeeze %dma_start3A_350 : memref<1x64xf32, #tpu.memory_space<hbm>> -> memref<64xf32, #tpu.memory_space<hbm>>
    %dma_start3A_352 = arith.constant 0 : i32
    %dma_start3A_353 = tpu.memref_slice %arg12[%dma_start3A_345, %dma_start3A_352] : memref<16x64xf32, #tpu.memory_space<vmem>> -> memref<1x64xf32, #tpu.memory_space<vmem>>
    %dma_start3A_354 = tpu.memref_squeeze %dma_start3A_353 : memref<1x64xf32, #tpu.memory_space<vmem>> -> memref<64xf32, #tpu.memory_space<vmem>>
    %dma_start3A_355 = arith.constant 0 : i32
    %dma_start3A_356 = tpu.memref_slice %arg2[%squeeze3A_344, %dma_start3A_355] : memref<1000000x64xf32, #tpu.memory_space<hbm>> -> memref<1x64xf32, #tpu.memory_space<hbm>>
    %dma_start3A_357 = tpu.memref_squeeze %dma_start3A_356 : memref<1x64xf32, #tpu.memory_space<hbm>> -> memref<64xf32, #tpu.memory_space<hbm>>
    tpu.enqueue_dma source(%dma_start3A_357 : memref<64xf32, #tpu.memory_space<hbm>>) target(%dma_start3A_354 : memref<64xf32, #tpu.memory_space<vmem>>) target_semaphore(%arg14 : memref<!tpu.dma_semaphore, #tpu.memory_space<semaphore_mem>>)
    %slice3A_358 = vector.extract_strided_slice %get3A_252 {offsets = [7], sizes = [1], strides = [1]} : vector<16xi32> to vector<1xi32>
    %squeeze3A_359 = vector.extract %slice3A_358[0] : i32 from vector<1xi32>
    %dma_start3A_360 = arith.constant 7 : i32
    %dma_start3A_361 = arith.constant 0 : i32
    %dma_start3A_362 = tpu.memref_slice %arg12[%dma_start3A_360, %dma_start3A_361] : memref<16x64xf32, #tpu.memory_space<vmem>> -> memref<1x64xf32, #tpu.memory_space<vmem>>
    %dma_start3A_363 = tpu.memref_squeeze %dma_start3A_362 : memref<1x64xf32, #tpu.memory_space<vmem>> -> memref<64xf32, #tpu.memory_space<vmem>>
    %dma_start3A_364 = arith.constant 0 : i32
    %dma_start3A_365 = tpu.memref_slice %arg2[%squeeze3A_359, %dma_start3A_364] : memref<1000000x64xf32, #tpu.memory_space<hbm>> -> memref<1x64xf32, #tpu.memory_space<hbm>>
    %dma_start3A_366 = tpu.memref_squeeze %dma_start3A_365 : memref<1x64xf32, #tpu.memory_space<hbm>> -> memref<64xf32, #tpu.memory_space<hbm>>
    %dma_start3A_367 = arith.constant 0 : i32
    %dma_start3A_368 = tpu.memref_slice %arg12[%dma_start3A_360, %dma_start3A_367] : memref<16x64xf32, #tpu.memory_space<vmem>> -> memref<1x64xf32, #tpu.memory_space<vmem>>
    %dma_start3A_369 = tpu.memref_squeeze %dma_start3A_368 : memref<1x64xf32, #tpu.memory_space<vmem>> -> memref<64xf32, #tpu.memory_space<vmem>>
    %dma_start3A_370 = arith.constant 0 : i32
    %dma_start3A_371 = tpu.memref_slice %arg2[%squeeze3A_359, %dma_start3A_370] : memref<1000000x64xf32, #tpu.memory_space<hbm>> -> memref<1x64xf32, #tpu.memory_space<hbm>>
    %dma_start3A_372 = tpu.memref_squeeze %dma_start3A_371 : memref<1x64xf32, #tpu.memory_space<hbm>> -> memref<64xf32, #tpu.memory_space<hbm>>
    tpu.enqueue_dma source(%dma_start3A_372 : memref<64xf32, #tpu.memory_space<hbm>>) target(%dma_start3A_369 : memref<64xf32, #tpu.memory_space<vmem>>) target_semaphore(%arg14 : memref<!tpu.dma_semaphore, #tpu.memory_space<semaphore_mem>>)
    %slice3A_373 = vector.extract_strided_slice %get3A_252 {offsets = [8], sizes = [1], strides = [1]} : vector<16xi32> to vector<1xi32>
    %squeeze3A_374 = vector.extract %slice3A_373[0] : i32 from vector<1xi32>
    %dma_start3A_375 = arith.constant 8 : i32
    %dma_start3A_376 = arith.constant 0 : i32
    %dma_start3A_377 = tpu.memref_slice %arg12[%dma_start3A_375, %dma_start3A_376] : memref<16x64xf32, #tpu.memory_space<vmem>> -> memref<1x64xf32, #tpu.memory_space<vmem>>
    %dma_start3A_378 = tpu.memref_squeeze %dma_start3A_377 : memref<1x64xf32, #tpu.memory_space<vmem>> -> memref<64xf32, #tpu.memory_space<vmem>>
    %dma_start3A_379 = arith.constant 0 : i32
    %dma_start3A_380 = tpu.memref_slice %arg2[%squeeze3A_374, %dma_start3A_379] : memref<1000000x64xf32, #tpu.memory_space<hbm>> -> memref<1x64xf32, #tpu.memory_space<hbm>>
    %dma_start3A_381 = tpu.memref_squeeze %dma_start3A_380 : memref<1x64xf32, #tpu.memory_space<hbm>> -> memref<64xf32, #tpu.memory_space<hbm>>
    %dma_start3A_382 = arith.constant 0 : i32
    %dma_start3A_383 = tpu.memref_slice %arg12[%dma_start3A_375, %dma_start3A_382] : memref<16x64xf32, #tpu.memory_space<vmem>> -> memref<1x64xf32, #tpu.memory_space<vmem>>
    %dma_start3A_384 = tpu.memref_squeeze %dma_start3A_383 : memref<1x64xf32, #tpu.memory_space<vmem>> -> memref<64xf32, #tpu.memory_space<vmem>>
    %dma_start3A_385 = arith.constant 0 : i32
    %dma_start3A_386 = tpu.memref_slice %arg2[%squeeze3A_374, %dma_start3A_385] : memref<1000000x64xf32, #tpu.memory_space<hbm>> -> memref<1x64xf32, #tpu.memory_space<hbm>>
    %dma_start3A_387 = tpu.memref_squeeze %dma_start3A_386 : memref<1x64xf32, #tpu.memory_space<hbm>> -> memref<64xf32, #tpu.memory_space<hbm>>
    tpu.enqueue_dma source(%dma_start3A_387 : memref<64xf32, #tpu.memory_space<hbm>>) target(%dma_start3A_384 : memref<64xf32, #tpu.memory_space<vmem>>) target_semaphore(%arg14 : memref<!tpu.dma_semaphore, #tpu.memory_space<semaphore_mem>>)
    %slice3A_388 = vector.extract_strided_slice %get3A_252 {offsets = [9], sizes = [1], strides = [1]} : vector<16xi32> to vector<1xi32>
    %squeeze3A_389 = vector.extract %slice3A_388[0] : i32 from vector<1xi32>
    %dma_start3A_390 = arith.constant 9 : i32
    %dma_start3A_391 = arith.constant 0 : i32
    %dma_start3A_392 = tpu.memref_slice %arg12[%dma_start3A_390, %dma_start3A_391] : memref<16x64xf32, #tpu.memory_space<vmem>> -> memref<1x64xf32, #tpu.memory_space<vmem>>
    %dma_start3A_393 = tpu.memref_squeeze %dma_start3A_392 : memref<1x64xf32, #tpu.memory_space<vmem>> -> memref<64xf32, #tpu.memory_space<vmem>>
    %dma_start3A_394 = arith.constant 0 : i32
    %dma_start3A_395 = tpu.memref_slice %arg2[%squeeze3A_389, %dma_start3A_394] : memref<1000000x64xf32, #tpu.memory_space<hbm>> -> memref<1x64xf32, #tpu.memory_space<hbm>>
    %dma_start3A_396 = tpu.memref_squeeze %dma_start3A_395 : memref<1x64xf32, #tpu.memory_space<hbm>> -> memref<64xf32, #tpu.memory_space<hbm>>
    %dma_start3A_397 = arith.constant 0 : i32
    %dma_start3A_398 = tpu.memref_slice %arg12[%dma_start3A_390, %dma_start3A_397] : memref<16x64xf32, #tpu.memory_space<vmem>> -> memref<1x64xf32, #tpu.memory_space<vmem>>
    %dma_start3A_399 = tpu.memref_squeeze %dma_start3A_398 : memref<1x64xf32, #tpu.memory_space<vmem>> -> memref<64xf32, #tpu.memory_space<vmem>>
    %dma_start3A_400 = arith.constant 0 : i32
    %dma_start3A_401 = tpu.memref_slice %arg2[%squeeze3A_389, %dma_start3A_400] : memref<1000000x64xf32, #tpu.memory_space<hbm>> -> memref<1x64xf32, #tpu.memory_space<hbm>>
    %dma_start3A_402 = tpu.memref_squeeze %dma_start3A_401 : memref<1x64xf32, #tpu.memory_space<hbm>> -> memref<64xf32, #tpu.memory_space<hbm>>
    tpu.enqueue_dma source(%dma_start3A_402 : memref<64xf32, #tpu.memory_space<hbm>>) target(%dma_start3A_399 : memref<64xf32, #tpu.memory_space<vmem>>) target_semaphore(%arg14 : memref<!tpu.dma_semaphore, #tpu.memory_space<semaphore_mem>>)
    %slice3A_403 = vector.extract_strided_slice %get3A_252 {offsets = [10], sizes = [1], strides = [1]} : vector<16xi32> to vector<1xi32>
    %squeeze3A_404 = vector.extract %slice3A_403[0] : i32 from vector<1xi32>
    %dma_start3A_405 = arith.constant 10 : i32
    %dma_start3A_406 = arith.constant 0 : i32
    %dma_start3A_407 = tpu.memref_slice %arg12[%dma_start3A_405, %dma_start3A_406] : memref<16x64xf32, #tpu.memory_space<vmem>> -> memref<1x64xf32, #tpu.memory_space<vmem>>
    %dma_start3A_408 = tpu.memref_squeeze %dma_start3A_407 : memref<1x64xf32, #tpu.memory_space<vmem>> -> memref<64xf32, #tpu.memory_space<vmem>>
    %dma_start3A_409 = arith.constant 0 : i32
    %dma_start3A_410 = tpu.memref_slice %arg2[%squeeze3A_404, %dma_start3A_409] : memref<1000000x64xf32, #tpu.memory_space<hbm>> -> memref<1x64xf32, #tpu.memory_space<hbm>>
    %dma_start3A_411 = tpu.memref_squeeze %dma_start3A_410 : memref<1x64xf32, #tpu.memory_space<hbm>> -> memref<64xf32, #tpu.memory_space<hbm>>
    %dma_start3A_412 = arith.constant 0 : i32
    %dma_start3A_413 = tpu.memref_slice %arg12[%dma_start3A_405, %dma_start3A_412] : memref<16x64xf32, #tpu.memory_space<vmem>> -> memref<1x64xf32, #tpu.memory_space<vmem>>
    %dma_start3A_414 = tpu.memref_squeeze %dma_start3A_413 : memref<1x64xf32, #tpu.memory_space<vmem>> -> memref<64xf32, #tpu.memory_space<vmem>>
    %dma_start3A_415 = arith.constant 0 : i32
    %dma_start3A_416 = tpu.memref_slice %arg2[%squeeze3A_404, %dma_start3A_415] : memref<1000000x64xf32, #tpu.memory_space<hbm>> -> memref<1x64xf32, #tpu.memory_space<hbm>>
    %dma_start3A_417 = tpu.memref_squeeze %dma_start3A_416 : memref<1x64xf32, #tpu.memory_space<hbm>> -> memref<64xf32, #tpu.memory_space<hbm>>
    tpu.enqueue_dma source(%dma_start3A_417 : memref<64xf32, #tpu.memory_space<hbm>>) target(%dma_start3A_414 : memref<64xf32, #tpu.memory_space<vmem>>) target_semaphore(%arg14 : memref<!tpu.dma_semaphore, #tpu.memory_space<semaphore_mem>>)
    %slice3A_418 = vector.extract_strided_slice %get3A_252 {offsets = [11], sizes = [1], strides = [1]} : vector<16xi32> to vector<1xi32>
    %squeeze3A_419 = vector.extract %slice3A_418[0] : i32 from vector<1xi32>
    %dma_start3A_420 = arith.constant 11 : i32
    %dma_start3A_421 = arith.constant 0 : i32
    %dma_start3A_422 = tpu.memref_slice %arg12[%dma_start3A_420, %dma_start3A_421] : memref<16x64xf32, #tpu.memory_space<vmem>> -> memref<1x64xf32, #tpu.memory_space<vmem>>
    %dma_start3A_423 = tpu.memref_squeeze %dma_start3A_422 : memref<1x64xf32, #tpu.memory_space<vmem>> -> memref<64xf32, #tpu.memory_space<vmem>>
    %dma_start3A_424 = arith.constant 0 : i32
    %dma_start3A_425 = tpu.memref_slice %arg2[%squeeze3A_419, %dma_start3A_424] : memref<1000000x64xf32, #tpu.memory_space<hbm>> -> memref<1x64xf32, #tpu.memory_space<hbm>>
    %dma_start3A_426 = tpu.memref_squeeze %dma_start3A_425 : memref<1x64xf32, #tpu.memory_space<hbm>> -> memref<64xf32, #tpu.memory_space<hbm>>
    %dma_start3A_427 = arith.constant 0 : i32
    %dma_start3A_428 = tpu.memref_slice %arg12[%dma_start3A_420, %dma_start3A_427] : memref<16x64xf32, #tpu.memory_space<vmem>> -> memref<1x64xf32, #tpu.memory_space<vmem>>
    %dma_start3A_429 = tpu.memref_squeeze %dma_start3A_428 : memref<1x64xf32, #tpu.memory_space<vmem>> -> memref<64xf32, #tpu.memory_space<vmem>>
    %dma_start3A_430 = arith.constant 0 : i32
    %dma_start3A_431 = tpu.memref_slice %arg2[%squeeze3A_419, %dma_start3A_430] : memref<1000000x64xf32, #tpu.memory_space<hbm>> -> memref<1x64xf32, #tpu.memory_space<hbm>>
    %dma_start3A_432 = tpu.memref_squeeze %dma_start3A_431 : memref<1x64xf32, #tpu.memory_space<hbm>> -> memref<64xf32, #tpu.memory_space<hbm>>
    tpu.enqueue_dma source(%dma_start3A_432 : memref<64xf32, #tpu.memory_space<hbm>>) target(%dma_start3A_429 : memref<64xf32, #tpu.memory_space<vmem>>) target_semaphore(%arg14 : memref<!tpu.dma_semaphore, #tpu.memory_space<semaphore_mem>>)
    %slice3A_433 = vector.extract_strided_slice %get3A_252 {offsets = [12], sizes = [1], strides = [1]} : vector<16xi32> to vector<1xi32>
    %squeeze3A_434 = vector.extract %slice3A_433[0] : i32 from vector<1xi32>
    %dma_start3A_435 = arith.constant 12 : i32
    %dma_start3A_436 = arith.constant 0 : i32
    %dma_start3A_437 = tpu.memref_slice %arg12[%dma_start3A_435, %dma_start3A_436] : memref<16x64xf32, #tpu.memory_space<vmem>> -> memref<1x64xf32, #tpu.memory_space<vmem>>
    %dma_start3A_438 = tpu.memref_squeeze %dma_start3A_437 : memref<1x64xf32, #tpu.memory_space<vmem>> -> memref<64xf32, #tpu.memory_space<vmem>>
    %dma_start3A_439 = arith.constant 0 : i32
    %dma_start3A_440 = tpu.memref_slice %arg2[%squeeze3A_434, %dma_start3A_439] : memref<1000000x64xf32, #tpu.memory_space<hbm>> -> memref<1x64xf32, #tpu.memory_space<hbm>>
    %dma_start3A_441 = tpu.memref_squeeze %dma_start3A_440 : memref<1x64xf32, #tpu.memory_space<hbm>> -> memref<64xf32, #tpu.memory_space<hbm>>
    %dma_start3A_442 = arith.constant 0 : i32
    %dma_start3A_443 = tpu.memref_slice %arg12[%dma_start3A_435, %dma_start3A_442] : memref<16x64xf32, #tpu.memory_space<vmem>> -> memref<1x64xf32, #tpu.memory_space<vmem>>
    %dma_start3A_444 = tpu.memref_squeeze %dma_start3A_443 : memref<1x64xf32, #tpu.memory_space<vmem>> -> memref<64xf32, #tpu.memory_space<vmem>>
    %dma_start3A_445 = arith.constant 0 : i32
    %dma_start3A_446 = tpu.memref_slice %arg2[%squeeze3A_434, %dma_start3A_445] : memref<1000000x64xf32, #tpu.memory_space<hbm>> -> memref<1x64xf32, #tpu.memory_space<hbm>>
    %dma_start3A_447 = tpu.memref_squeeze %dma_start3A_446 : memref<1x64xf32, #tpu.memory_space<hbm>> -> memref<64xf32, #tpu.memory_space<hbm>>
    tpu.enqueue_dma source(%dma_start3A_447 : memref<64xf32, #tpu.memory_space<hbm>>) target(%dma_start3A_444 : memref<64xf32, #tpu.memory_space<vmem>>) target_semaphore(%arg14 : memref<!tpu.dma_semaphore, #tpu.memory_space<semaphore_mem>>)
    %slice3A_448 = vector.extract_strided_slice %get3A_252 {offsets = [13], sizes = [1], strides = [1]} : vector<16xi32> to vector<1xi32>
    %squeeze3A_449 = vector.extract %slice3A_448[0] : i32 from vector<1xi32>
    %dma_start3A_450 = arith.constant 13 : i32
    %dma_start3A_451 = arith.constant 0 : i32
    %dma_start3A_452 = tpu.memref_slice %arg12[%dma_start3A_450, %dma_start3A_451] : memref<16x64xf32, #tpu.memory_space<vmem>> -> memref<1x64xf32, #tpu.memory_space<vmem>>
    %dma_start3A_453 = tpu.memref_squeeze %dma_start3A_452 : memref<1x64xf32, #tpu.memory_space<vmem>> -> memref<64xf32, #tpu.memory_space<vmem>>
    %dma_start3A_454 = arith.constant 0 : i32
    %dma_start3A_455 = tpu.memref_slice %arg2[%squeeze3A_449, %dma_start3A_454] : memref<1000000x64xf32, #tpu.memory_space<hbm>> -> memref<1x64xf32, #tpu.memory_space<hbm>>
    %dma_start3A_456 = tpu.memref_squeeze %dma_start3A_455 : memref<1x64xf32, #tpu.memory_space<hbm>> -> memref<64xf32, #tpu.memory_space<hbm>>
    %dma_start3A_457 = arith.constant 0 : i32
    %dma_start3A_458 = tpu.memref_slice %arg12[%dma_start3A_450, %dma_start3A_457] : memref<16x64xf32, #tpu.memory_space<vmem>> -> memref<1x64xf32, #tpu.memory_space<vmem>>
    %dma_start3A_459 = tpu.memref_squeeze %dma_start3A_458 : memref<1x64xf32, #tpu.memory_space<vmem>> -> memref<64xf32, #tpu.memory_space<vmem>>
    %dma_start3A_460 = arith.constant 0 : i32
    %dma_start3A_461 = tpu.memref_slice %arg2[%squeeze3A_449, %dma_start3A_460] : memref<1000000x64xf32, #tpu.memory_space<hbm>> -> memref<1x64xf32, #tpu.memory_space<hbm>>
    %dma_start3A_462 = tpu.memref_squeeze %dma_start3A_461 : memref<1x64xf32, #tpu.memory_space<hbm>> -> memref<64xf32, #tpu.memory_space<hbm>>
    tpu.enqueue_dma source(%dma_start3A_462 : memref<64xf32, #tpu.memory_space<hbm>>) target(%dma_start3A_459 : memref<64xf32, #tpu.memory_space<vmem>>) target_semaphore(%arg14 : memref<!tpu.dma_semaphore, #tpu.memory_space<semaphore_mem>>)
    %slice3A_463 = vector.extract_strided_slice %get3A_252 {offsets = [14], sizes = [1], strides = [1]} : vector<16xi32> to vector<1xi32>
    %squeeze3A_464 = vector.extract %slice3A_463[0] : i32 from vector<1xi32>
    %dma_start3A_465 = arith.constant 14 : i32
    %dma_start3A_466 = arith.constant 0 : i32
    %dma_start3A_467 = tpu.memref_slice %arg12[%dma_start3A_465, %dma_start3A_466] : memref<16x64xf32, #tpu.memory_space<vmem>> -> memref<1x64xf32, #tpu.memory_space<vmem>>
    %dma_start3A_468 = tpu.memref_squeeze %dma_start3A_467 : memref<1x64xf32, #tpu.memory_space<vmem>> -> memref<64xf32, #tpu.memory_space<vmem>>
    %dma_start3A_469 = arith.constant 0 : i32
    %dma_start3A_470 = tpu.memref_slice %arg2[%squeeze3A_464, %dma_start3A_469] : memref<1000000x64xf32, #tpu.memory_space<hbm>> -> memref<1x64xf32, #tpu.memory_space<hbm>>
    %dma_start3A_471 = tpu.memref_squeeze %dma_start3A_470 : memref<1x64xf32, #tpu.memory_space<hbm>> -> memref<64xf32, #tpu.memory_space<hbm>>
    %dma_start3A_472 = arith.constant 0 : i32
    %dma_start3A_473 = tpu.memref_slice %arg12[%dma_start3A_465, %dma_start3A_472] : memref<16x64xf32, #tpu.memory_space<vmem>> -> memref<1x64xf32, #tpu.memory_space<vmem>>
    %dma_start3A_474 = tpu.memref_squeeze %dma_start3A_473 : memref<1x64xf32, #tpu.memory_space<vmem>> -> memref<64xf32, #tpu.memory_space<vmem>>
    %dma_start3A_475 = arith.constant 0 : i32
    %dma_start3A_476 = tpu.memref_slice %arg2[%squeeze3A_464, %dma_start3A_475] : memref<1000000x64xf32, #tpu.memory_space<hbm>> -> memref<1x64xf32, #tpu.memory_space<hbm>>
    %dma_start3A_477 = tpu.memref_squeeze %dma_start3A_476 : memref<1x64xf32, #tpu.memory_space<hbm>> -> memref<64xf32, #tpu.memory_space<hbm>>
    tpu.enqueue_dma source(%dma_start3A_477 : memref<64xf32, #tpu.memory_space<hbm>>) target(%dma_start3A_474 : memref<64xf32, #tpu.memory_space<vmem>>) target_semaphore(%arg14 : memref<!tpu.dma_semaphore, #tpu.memory_space<semaphore_mem>>)
    %slice3A_478 = vector.extract_strided_slice %get3A_252 {offsets = [15], sizes = [1], strides = [1]} : vector<16xi32> to vector<1xi32>
    %squeeze3A_479 = vector.extract %slice3A_478[0] : i32 from vector<1xi32>
    %dma_start3A_480 = arith.constant 15 : i32
    %dma_start3A_481 = arith.constant 0 : i32
    %dma_start3A_482 = tpu.memref_slice %arg12[%dma_start3A_480, %dma_start3A_481] : memref<16x64xf32, #tpu.memory_space<vmem>> -> memref<1x64xf32, #tpu.memory_space<vmem>>
    %dma_start3A_483 = tpu.memref_squeeze %dma_start3A_482 : memref<1x64xf32, #tpu.memory_space<vmem>> -> memref<64xf32, #tpu.memory_space<vmem>>
    %dma_start3A_484 = arith.constant 0 : i32
    %dma_start3A_485 = tpu.memref_slice %arg2[%squeeze3A_479, %dma_start3A_484] : memref<1000000x64xf32, #tpu.memory_space<hbm>> -> memref<1x64xf32, #tpu.memory_space<hbm>>
    %dma_start3A_486 = tpu.memref_squeeze %dma_start3A_485 : memref<1x64xf32, #tpu.memory_space<hbm>> -> memref<64xf32, #tpu.memory_space<hbm>>
    %dma_start3A_487 = arith.constant 0 : i32
    %dma_start3A_488 = tpu.memref_slice %arg12[%dma_start3A_480, %dma_start3A_487] : memref<16x64xf32, #tpu.memory_space<vmem>> -> memref<1x64xf32, #tpu.memory_space<vmem>>
    %dma_start3A_489 = tpu.memref_squeeze %dma_start3A_488 : memref<1x64xf32, #tpu.memory_space<vmem>> -> memref<64xf32, #tpu.memory_space<vmem>>
    %dma_start3A_490 = arith.constant 0 : i32
    %dma_start3A_491 = tpu.memref_slice %arg2[%squeeze3A_479, %dma_start3A_490] : memref<1000000x64xf32, #tpu.memory_space<hbm>> -> memref<1x64xf32, #tpu.memory_space<hbm>>
    %dma_start3A_492 = tpu.memref_squeeze %dma_start3A_491 : memref<1x64xf32, #tpu.memory_space<hbm>> -> memref<64xf32, #tpu.memory_space<hbm>>
    tpu.enqueue_dma source(%dma_start3A_492 : memref<64xf32, #tpu.memory_space<hbm>>) target(%dma_start3A_489 : memref<64xf32, #tpu.memory_space<vmem>>) target_semaphore(%arg14 : memref<!tpu.dma_semaphore, #tpu.memory_space<semaphore_mem>>)
    %scan3A_493 = arith.constant 0 : i32
    %scan3A_494 = arith.constant 16 : i32
    %scan3A_495 = arith.addi %scan3A_493, %scan3A_494 : i32
    %scan3A_496 = arith.constant 1 : i32
    scf.for %scan3A_748 = %scan3A_493 to %scan3A_495 step %scan3A_496  : i32 {
      %mul3A_749 = arith.constant 1 : i32
      %mul3A_750 = arith.muli %scan3A_748, %mul3A_749 : i32
      %add3A_751 = arith.constant 0 : i32
      %add3A_752 = arith.addi %add3A_751, %mul3A_750 : i32
      %mul3A_753 = arith.constant 2 : i32
      %mul3A_754 = arith.muli %mul3A_753, %add3A_752 : i32
      %add3A_755 = arith.constant 1 : i32
      %add3A_756 = arith.addi %mul3A_754, %add3A_755 : i32
      %get3A_757 = arith.index_cast %add3A_756 : i32 to index
      %get3A_758 = arith.constant 0 : index
      %get3A_759 = tpu.vector_load %arg10[%get3A_757, %get3A_758] {strides = array<i32>} : memref<32x16xi32, #tpu.memory_space<vmem>>, vector<1x16xi32>,
      %get3A_760 = vector.shape_cast %get3A_759 : vector<1x16xi32> to vector<16xi32>
      %slice3A_761 = vector.extract_strided_slice %get3A_760 {offsets = [0], sizes = [1], strides = [1]} : vector<16xi32> to vector<1xi32>
      %squeeze3A_762 = vector.extract %slice3A_761[0] : i32 from vector<1xi32>
      %dma_start3A_763 = arith.constant 0 : i32
      %dma_start3A_764 = arith.constant 0 : i32
      %dma_start3A_765 = tpu.memref_slice %arg13[%dma_start3A_763, %dma_start3A_764] : memref<16x64xf32, #tpu.memory_space<vmem>> -> memref<1x64xf32, #tpu.memory_space<vmem>>
      %dma_start3A_766 = tpu.memref_squeeze %dma_start3A_765 : memref<1x64xf32, #tpu.memory_space<vmem>> -> memref<64xf32, #tpu.memory_space<vmem>>
      %dma_start3A_767 = arith.constant 0 : i32
      %dma_start3A_768 = tpu.memref_slice %arg2[%squeeze3A_762, %dma_start3A_767] : memref<1000000x64xf32, #tpu.memory_space<hbm>> -> memref<1x64xf32, #tpu.memory_space<hbm>>
      %dma_start3A_769 = tpu.memref_squeeze %dma_start3A_768 : memref<1x64xf32, #tpu.memory_space<hbm>> -> memref<64xf32, #tpu.memory_space<hbm>>
      %dma_start3A_770 = arith.constant 0 : i32
      %dma_start3A_771 = tpu.memref_slice %arg13[%dma_start3A_763, %dma_start3A_770] : memref<16x64xf32, #tpu.memory_space<vmem>> -> memref<1x64xf32, #tpu.memory_space<vmem>>
      %dma_start3A_772 = tpu.memref_squeeze %dma_start3A_771 : memref<1x64xf32, #tpu.memory_space<vmem>> -> memref<64xf32, #tpu.memory_space<vmem>>
      %dma_start3A_773 = arith.constant 0 : i32
      %dma_start3A_774 = tpu.memref_slice %arg2[%squeeze3A_762, %dma_start3A_773] : memref<1000000x64xf32, #tpu.memory_space<hbm>> -> memref<1x64xf32, #tpu.memory_space<hbm>>
      %dma_start3A_775 = tpu.memref_squeeze %dma_start3A_774 : memref<1x64xf32, #tpu.memory_space<hbm>> -> memref<64xf32, #tpu.memory_space<hbm>>
      tpu.enqueue_dma source(%dma_start3A_775 : memref<64xf32, #tpu.memory_space<hbm>>) target(%dma_start3A_772 : memref<64xf32, #tpu.memory_space<vmem>>) target_semaphore(%arg15 : memref<!tpu.dma_semaphore, #tpu.memory_space<semaphore_mem>>)
      %slice3A_776 = vector.extract_strided_slice %get3A_760 {offsets = [1], sizes = [1], strides = [1]} : vector<16xi32> to vector<1xi32>
      %squeeze3A_777 = vector.extract %slice3A_776[0] : i32 from vector<1xi32>
      %dma_start3A_778 = arith.constant 1 : i32
      %dma_start3A_779 = arith.constant 0 : i32
      %dma_start3A_780 = tpu.memref_slice %arg13[%dma_start3A_778, %dma_start3A_779] : memref<16x64xf32, #tpu.memory_space<vmem>> -> memref<1x64xf32, #tpu.memory_space<vmem>>
      %dma_start3A_781 = tpu.memref_squeeze %dma_start3A_780 : memref<1x64xf32, #tpu.memory_space<vmem>> -> memref<64xf32, #tpu.memory_space<vmem>>
      %dma_start3A_782 = arith.constant 0 : i32
      %dma_start3A_783 = tpu.memref_slice %arg2[%squeeze3A_777, %dma_start3A_782] : memref<1000000x64xf32, #tpu.memory_space<hbm>> -> memref<1x64xf32, #tpu.memory_space<hbm>>
      %dma_start3A_784 = tpu.memref_squeeze %dma_start3A_783 : memref<1x64xf32, #tpu.memory_space<hbm>> -> memref<64xf32, #tpu.memory_space<hbm>>
      %dma_start3A_785 = arith.constant 0 : i32
      %dma_start3A_786 = tpu.memref_slice %arg13[%dma_start3A_778, %dma_start3A_785] : memref<16x64xf32, #tpu.memory_space<vmem>> -> memref<1x64xf32, #tpu.memory_space<vmem>>
      %dma_start3A_787 = tpu.memref_squeeze %dma_start3A_786 : memref<1x64xf32, #tpu.memory_space<vmem>> -> memref<64xf32, #tpu.memory_space<vmem>>
      %dma_start3A_788 = arith.constant 0 : i32
      %dma_start3A_789 = tpu.memref_slice %arg2[%squeeze3A_777, %dma_start3A_788] : memref<1000000x64xf32, #tpu.memory_space<hbm>> -> memref<1x64xf32, #tpu.memory_space<hbm>>
      %dma_start3A_790 = tpu.memref_squeeze %dma_start3A_789 : memref<1x64xf32, #tpu.memory_space<hbm>> -> memref<64xf32, #tpu.memory_space<hbm>>
      tpu.enqueue_dma source(%dma_start3A_790 : memref<64xf32, #tpu.memory_space<hbm>>) target(%dma_start3A_787 : memref<64xf32, #tpu.memory_space<vmem>>) target_semaphore(%arg15 : memref<!tpu.dma_semaphore, #tpu.memory_space<semaphore_mem>>)
      %slice3A_791 = vector.extract_strided_slice %get3A_760 {offsets = [2], sizes = [1], strides = [1]} : vector<16xi32> to vector<1xi32>
      %squeeze3A_792 = vector.extract %slice3A_791[0] : i32 from vector<1xi32>
      %dma_start3A_793 = arith.constant 2 : i32
      %dma_start3A_794 = arith.constant 0 : i32
      %dma_start3A_795 = tpu.memref_slice %arg13[%dma_start3A_793, %dma_start3A_794] : memref<16x64xf32, #tpu.memory_space<vmem>> -> memref<1x64xf32, #tpu.memory_space<vmem>>
      %dma_start3A_796 = tpu.memref_squeeze %dma_start3A_795 : memref<1x64xf32, #tpu.memory_space<vmem>> -> memref<64xf32, #tpu.memory_space<vmem>>
      %dma_start3A_797 = arith.constant 0 : i32
      %dma_start3A_798 = tpu.memref_slice %arg2[%squeeze3A_792, %dma_start3A_797] : memref<1000000x64xf32, #tpu.memory_space<hbm>> -> memref<1x64xf32, #tpu.memory_space<hbm>>
      %dma_start3A_799 = tpu.memref_squeeze %dma_start3A_798 : memref<1x64xf32, #tpu.memory_space<hbm>> -> memref<64xf32, #tpu.memory_space<hbm>>
      %dma_start3A_800 = arith.constant 0 : i32
      %dma_start3A_801 = tpu.memref_slice %arg13[%dma_start3A_793, %dma_start3A_800] : memref<16x64xf32, #tpu.memory_space<vmem>> -> memref<1x64xf32, #tpu.memory_space<vmem>>
      %dma_start3A_802 = tpu.memref_squeeze %dma_start3A_801 : memref<1x64xf32, #tpu.memory_space<vmem>> -> memref<64xf32, #tpu.memory_space<vmem>>
      %dma_start3A_803 = arith.constant 0 : i32
      %dma_start3A_804 = tpu.memref_slice %arg2[%squeeze3A_792, %dma_start3A_803] : memref<1000000x64xf32, #tpu.memory_space<hbm>> -> memref<1x64xf32, #tpu.memory_space<hbm>>
      %dma_start3A_805 = tpu.memref_squeeze %dma_start3A_804 : memref<1x64xf32, #tpu.memory_space<hbm>> -> memref<64xf32, #tpu.memory_space<hbm>>
      tpu.enqueue_dma source(%dma_start3A_805 : memref<64xf32, #tpu.memory_space<hbm>>) target(%dma_start3A_802 : memref<64xf32, #tpu.memory_space<vmem>>) target_semaphore(%arg15 : memref<!tpu.dma_semaphore, #tpu.memory_space<semaphore_mem>>)
      %slice3A_806 = vector.extract_strided_slice %get3A_760 {offsets = [3], sizes = [1], strides = [1]} : vector<16xi32> to vector<1xi32>
      %squeeze3A_807 = vector.extract %slice3A_806[0] : i32 from vector<1xi32>
      %dma_start3A_808 = arith.constant 3 : i32
      %dma_start3A_809 = arith.constant 0 : i32
      %dma_start3A_810 = tpu.memref_slice %arg13[%dma_start3A_808, %dma_start3A_809] : memref<16x64xf32, #tpu.memory_space<vmem>> -> memref<1x64xf32, #tpu.memory_space<vmem>>
      %dma_start3A_811 = tpu.memref_squeeze %dma_start3A_810 : memref<1x64xf32, #tpu.memory_space<vmem>> -> memref<64xf32, #tpu.memory_space<vmem>>
      %dma_start3A_812 = arith.constant 0 : i32
      %dma_start3A_813 = tpu.memref_slice %arg2[%squeeze3A_807, %dma_start3A_812] : memref<1000000x64xf32, #tpu.memory_space<hbm>> -> memref<1x64xf32, #tpu.memory_space<hbm>>
      %dma_start3A_814 = tpu.memref_squeeze %dma_start3A_813 : memref<1x64xf32, #tpu.memory_space<hbm>> -> memref<64xf32, #tpu.memory_space<hbm>>
      %dma_start3A_815 = arith.constant 0 : i32
      %dma_start3A_816 = tpu.memref_slice %arg13[%dma_start3A_808, %dma_start3A_815] : memref<16x64xf32, #tpu.memory_space<vmem>> -> memref<1x64xf32, #tpu.memory_space<vmem>>
      %dma_start3A_817 = tpu.memref_squeeze %dma_start3A_816 : memref<1x64xf32, #tpu.memory_space<vmem>> -> memref<64xf32, #tpu.memory_space<vmem>>
      %dma_start3A_818 = arith.constant 0 : i32
      %dma_start3A_819 = tpu.memref_slice %arg2[%squeeze3A_807, %dma_start3A_818] : memref<1000000x64xf32, #tpu.memory_space<hbm>> -> memref<1x64xf32, #tpu.memory_space<hbm>>
      %dma_start3A_820 = tpu.memref_squeeze %dma_start3A_819 : memref<1x64xf32, #tpu.memory_space<hbm>> -> memref<64xf32, #tpu.memory_space<hbm>>
      tpu.enqueue_dma source(%dma_start3A_820 : memref<64xf32, #tpu.memory_space<hbm>>) target(%dma_start3A_817 : memref<64xf32, #tpu.memory_space<vmem>>) target_semaphore(%arg15 : memref<!tpu.dma_semaphore, #tpu.memory_space<semaphore_mem>>)
      %slice3A_821 = vector.extract_strided_slice %get3A_760 {offsets = [4], sizes = [1], strides = [1]} : vector<16xi32> to vector<1xi32>
      %squeeze3A_822 = vector.extract %slice3A_821[0] : i32 from vector<1xi32>
      %dma_start3A_823 = arith.constant 4 : i32
      %dma_start3A_824 = arith.constant 0 : i32
      %dma_start3A_825 = tpu.memref_slice %arg13[%dma_start3A_823, %dma_start3A_824] : memref<16x64xf32, #tpu.memory_space<vmem>> -> memref<1x64xf32, #tpu.memory_space<vmem>>
      %dma_start3A_826 = tpu.memref_squeeze %dma_start3A_825 : memref<1x64xf32, #tpu.memory_space<vmem>> -> memref<64xf32, #tpu.memory_space<vmem>>
      %dma_start3A_827 = arith.constant 0 : i32
      %dma_start3A_828 = tpu.memref_slice %arg2[%squeeze3A_822, %dma_start3A_827] : memref<1000000x64xf32, #tpu.memory_space<hbm>> -> memref<1x64xf32, #tpu.memory_space<hbm>>
      %dma_start3A_829 = tpu.memref_squeeze %dma_start3A_828 : memref<1x64xf32, #tpu.memory_space<hbm>> -> memref<64xf32, #tpu.memory_space<hbm>>
      %dma_start3A_830 = arith.constant 0 : i32
      %dma_start3A_831 = tpu.memref_slice %arg13[%dma_start3A_823, %dma_start3A_830] : memref<16x64xf32, #tpu.memory_space<vmem>> -> memref<1x64xf32, #tpu.memory_space<vmem>>
      %dma_start3A_832 = tpu.memref_squeeze %dma_start3A_831 : memref<1x64xf32, #tpu.memory_space<vmem>> -> memref<64xf32, #tpu.memory_space<vmem>>
      %dma_start3A_833 = arith.constant 0 : i32
      %dma_start3A_834 = tpu.memref_slice %arg2[%squeeze3A_822, %dma_start3A_833] : memref<1000000x64xf32, #tpu.memory_space<hbm>> -> memref<1x64xf32, #tpu.memory_space<hbm>>
      %dma_start3A_835 = tpu.memref_squeeze %dma_start3A_834 : memref<1x64xf32, #tpu.memory_space<hbm>> -> memref<64xf32, #tpu.memory_space<hbm>>
      tpu.enqueue_dma source(%dma_start3A_835 : memref<64xf32, #tpu.memory_space<hbm>>) target(%dma_start3A_832 : memref<64xf32, #tpu.memory_space<vmem>>) target_semaphore(%arg15 : memref<!tpu.dma_semaphore, #tpu.memory_space<semaphore_mem>>)
      %slice3A_836 = vector.extract_strided_slice %get3A_760 {offsets = [5], sizes = [1], strides = [1]} : vector<16xi32> to vector<1xi32>
      %squeeze3A_837 = vector.extract %slice3A_836[0] : i32 from vector<1xi32>
      %dma_start3A_838 = arith.constant 5 : i32
      %dma_start3A_839 = arith.constant 0 : i32
      %dma_start3A_840 = tpu.memref_slice %arg13[%dma_start3A_838, %dma_start3A_839] : memref<16x64xf32, #tpu.memory_space<vmem>> -> memref<1x64xf32, #tpu.memory_space<vmem>>
      %dma_start3A_841 = tpu.memref_squeeze %dma_start3A_840 : memref<1x64xf32, #tpu.memory_space<vmem>> -> memref<64xf32, #tpu.memory_space<vmem>>
      %dma_start3A_842 = arith.constant 0 : i32
      %dma_start3A_843 = tpu.memref_slice %arg2[%squeeze3A_837, %dma_start3A_842] : memref<1000000x64xf32, #tpu.memory_space<hbm>> -> memref<1x64xf32, #tpu.memory_space<hbm>>
      %dma_start3A_844 = tpu.memref_squeeze %dma_start3A_843 : memref<1x64xf32, #tpu.memory_space<hbm>> -> memref<64xf32, #tpu.memory_space<hbm>>
      %dma_start3A_845 = arith.constant 0 : i32
      %dma_start3A_846 = tpu.memref_slice %arg13[%dma_start3A_838, %dma_start3A_845] : memref<16x64xf32, #tpu.memory_space<vmem>> -> memref<1x64xf32, #tpu.memory_space<vmem>>
      %dma_start3A_847 = tpu.memref_squeeze %dma_start3A_846 : memref<1x64xf32, #tpu.memory_space<vmem>> -> memref<64xf32, #tpu.memory_space<vmem>>
      %dma_start3A_848 = arith.constant 0 : i32
      %dma_start3A_849 = tpu.memref_slice %arg2[%squeeze3A_837, %dma_start3A_848] : memref<1000000x64xf32, #tpu.memory_space<hbm>> -> memref<1x64xf32, #tpu.memory_space<hbm>>
      %dma_start3A_850 = tpu.memref_squeeze %dma_start3A_849 : memref<1x64xf32, #tpu.memory_space<hbm>> -> memref<64xf32, #tpu.memory_space<hbm>>
      tpu.enqueue_dma source(%dma_start3A_850 : memref<64xf32, #tpu.memory_space<hbm>>) target(%dma_start3A_847 : memref<64xf32, #tpu.memory_space<vmem>>) target_semaphore(%arg15 : memref<!tpu.dma_semaphore, #tpu.memory_space<semaphore_mem>>)
      %slice3A_851 = vector.extract_strided_slice %get3A_760 {offsets = [6], sizes = [1], strides = [1]} : vector<16xi32> to vector<1xi32>
      %squeeze3A_852 = vector.extract %slice3A_851[0] : i32 from vector<1xi32>
      %dma_start3A_853 = arith.constant 6 : i32
      %dma_start3A_854 = arith.constant 0 : i32
      %dma_start3A_855 = tpu.memref_slice %arg13[%dma_start3A_853, %dma_start3A_854] : memref<16x64xf32, #tpu.memory_space<vmem>> -> memref<1x64xf32, #tpu.memory_space<vmem>>
      %dma_start3A_856 = tpu.memref_squeeze %dma_start3A_855 : memref<1x64xf32, #tpu.memory_space<vmem>> -> memref<64xf32, #tpu.memory_space<vmem>>
      %dma_start3A_857 = arith.constant 0 : i32
      %dma_start3A_858 = tpu.memref_slice %arg2[%squeeze3A_852, %dma_start3A_857] : memref<1000000x64xf32, #tpu.memory_space<hbm>> -> memref<1x64xf32, #tpu.memory_space<hbm>>
      %dma_start3A_859 = tpu.memref_squeeze %dma_start3A_858 : memref<1x64xf32, #tpu.memory_space<hbm>> -> memref<64xf32, #tpu.memory_space<hbm>>
      %dma_start3A_860 = arith.constant 0 : i32
      %dma_start3A_861 = tpu.memref_slice %arg13[%dma_start3A_853, %dma_start3A_860] : memref<16x64xf32, #tpu.memory_space<vmem>> -> memref<1x64xf32, #tpu.memory_space<vmem>>
      %dma_start3A_862 = tpu.memref_squeeze %dma_start3A_861 : memref<1x64xf32, #tpu.memory_space<vmem>> -> memref<64xf32, #tpu.memory_space<vmem>>
      %dma_start3A_863 = arith.constant 0 : i32
      %dma_start3A_864 = tpu.memref_slice %arg2[%squeeze3A_852, %dma_start3A_863] : memref<1000000x64xf32, #tpu.memory_space<hbm>> -> memref<1x64xf32, #tpu.memory_space<hbm>>
      %dma_start3A_865 = tpu.memref_squeeze %dma_start3A_864 : memref<1x64xf32, #tpu.memory_space<hbm>> -> memref<64xf32, #tpu.memory_space<hbm>>
      tpu.enqueue_dma source(%dma_start3A_865 : memref<64xf32, #tpu.memory_space<hbm>>) target(%dma_start3A_862 : memref<64xf32, #tpu.memory_space<vmem>>) target_semaphore(%arg15 : memref<!tpu.dma_semaphore, #tpu.memory_space<semaphore_mem>>)
      %slice3A_866 = vector.extract_strided_slice %get3A_760 {offsets = [7], sizes = [1], strides = [1]} : vector<16xi32> to vector<1xi32>
      %squeeze3A_867 = vector.extract %slice3A_866[0] : i32 from vector<1xi32>
      %dma_start3A_868 = arith.constant 7 : i32
      %dma_start3A_869 = arith.constant 0 : i32
      %dma_start3A_870 = tpu.memref_slice %arg13[%dma_start3A_868, %dma_start3A_869] : memref<16x64xf32, #tpu.memory_space<vmem>> -> memref<1x64xf32, #tpu.memory_space<vmem>>
      %dma_start3A_871 = tpu.memref_squeeze %dma_start3A_870 : memref<1x64xf32, #tpu.memory_space<vmem>> -> memref<64xf32, #tpu.memory_space<vmem>>
      %dma_start3A_872 = arith.constant 0 : i32
      %dma_start3A_873 = tpu.memref_slice %arg2[%squeeze3A_867, %dma_start3A_872] : memref<1000000x64xf32, #tpu.memory_space<hbm>> -> memref<1x64xf32, #tpu.memory_space<hbm>>
      %dma_start3A_874 = tpu.memref_squeeze %dma_start3A_873 : memref<1x64xf32, #tpu.memory_space<hbm>> -> memref<64xf32, #tpu.memory_space<hbm>>
      %dma_start3A_875 = arith.constant 0 : i32
      %dma_start3A_876 = tpu.memref_slice %arg13[%dma_start3A_868, %dma_start3A_875] : memref<16x64xf32, #tpu.memory_space<vmem>> -> memref<1x64xf32, #tpu.memory_space<vmem>>
      %dma_start3A_877 = tpu.memref_squeeze %dma_start3A_876 : memref<1x64xf32, #tpu.memory_space<vmem>> -> memref<64xf32, #tpu.memory_space<vmem>>
      %dma_start3A_878 = arith.constant 0 : i32
      %dma_start3A_879 = tpu.memref_slice %arg2[%squeeze3A_867, %dma_start3A_878] : memref<1000000x64xf32, #tpu.memory_space<hbm>> -> memref<1x64xf32, #tpu.memory_space<hbm>>
      %dma_start3A_880 = tpu.memref_squeeze %dma_start3A_879 : memref<1x64xf32, #tpu.memory_space<hbm>> -> memref<64xf32, #tpu.memory_space<hbm>>
      tpu.enqueue_dma source(%dma_start3A_880 : memref<64xf32, #tpu.memory_space<hbm>>) target(%dma_start3A_877 : memref<64xf32, #tpu.memory_space<vmem>>) target_semaphore(%arg15 : memref<!tpu.dma_semaphore, #tpu.memory_space<semaphore_mem>>)
      %slice3A_881 = vector.extract_strided_slice %get3A_760 {offsets = [8], sizes = [1], strides = [1]} : vector<16xi32> to vector<1xi32>
      %squeeze3A_882 = vector.extract %slice3A_881[0] : i32 from vector<1xi32>
      %dma_start3A_883 = arith.constant 8 : i32
      %dma_start3A_884 = arith.constant 0 : i32
      %dma_start3A_885 = tpu.memref_slice %arg13[%dma_start3A_883, %dma_start3A_884] : memref<16x64xf32, #tpu.memory_space<vmem>> -> memref<1x64xf32, #tpu.memory_space<vmem>>
      %dma_start3A_886 = tpu.memref_squeeze %dma_start3A_885 : memref<1x64xf32, #tpu.memory_space<vmem>> -> memref<64xf32, #tpu.memory_space<vmem>>
      %dma_start3A_887 = arith.constant 0 : i32
      %dma_start3A_888 = tpu.memref_slice %arg2[%squeeze3A_882, %dma_start3A_887] : memref<1000000x64xf32, #tpu.memory_space<hbm>> -> memref<1x64xf32, #tpu.memory_space<hbm>>
      %dma_start3A_889 = tpu.memref_squeeze %dma_start3A_888 : memref<1x64xf32, #tpu.memory_space<hbm>> -> memref<64xf32, #tpu.memory_space<hbm>>
      %dma_start3A_890 = arith.constant 0 : i32
      %dma_start3A_891 = tpu.memref_slice %arg13[%dma_start3A_883, %dma_start3A_890] : memref<16x64xf32, #tpu.memory_space<vmem>> -> memref<1x64xf32, #tpu.memory_space<vmem>>
      %dma_start3A_892 = tpu.memref_squeeze %dma_start3A_891 : memref<1x64xf32, #tpu.memory_space<vmem>> -> memref<64xf32, #tpu.memory_space<vmem>>
      %dma_start3A_893 = arith.constant 0 : i32
      %dma_start3A_894 = tpu.memref_slice %arg2[%squeeze3A_882, %dma_start3A_893] : memref<1000000x64xf32, #tpu.memory_space<hbm>> -> memref<1x64xf32, #tpu.memory_space<hbm>>
      %dma_start3A_895 = tpu.memref_squeeze %dma_start3A_894 : memref<1x64xf32, #tpu.memory_space<hbm>> -> memref<64xf32, #tpu.memory_space<hbm>>
      tpu.enqueue_dma source(%dma_start3A_895 : memref<64xf32, #tpu.memory_space<hbm>>) target(%dma_start3A_892 : memref<64xf32, #tpu.memory_space<vmem>>) target_semaphore(%arg15 : memref<!tpu.dma_semaphore, #tpu.memory_space<semaphore_mem>>)
      %slice3A_896 = vector.extract_strided_slice %get3A_760 {offsets = [9], sizes = [1], strides = [1]} : vector<16xi32> to vector<1xi32>
      %squeeze3A_897 = vector.extract %slice3A_896[0] : i32 from vector<1xi32>
      %dma_start3A_898 = arith.constant 9 : i32
      %dma_start3A_899 = arith.constant 0 : i32
      %dma_start3A_900 = tpu.memref_slice %arg13[%dma_start3A_898, %dma_start3A_899] : memref<16x64xf32, #tpu.memory_space<vmem>> -> memref<1x64xf32, #tpu.memory_space<vmem>>
      %dma_start3A_901 = tpu.memref_squeeze %dma_start3A_900 : memref<1x64xf32, #tpu.memory_space<vmem>> -> memref<64xf32, #tpu.memory_space<vmem>>
      %dma_start3A_902 = arith.constant 0 : i32
      %dma_start3A_903 = tpu.memref_slice %arg2[%squeeze3A_897, %dma_start3A_902] : memref<1000000x64xf32, #tpu.memory_space<hbm>> -> memref<1x64xf32, #tpu.memory_space<hbm>>
      %dma_start3A_904 = tpu.memref_squeeze %dma_start3A_903 : memref<1x64xf32, #tpu.memory_space<hbm>> -> memref<64xf32, #tpu.memory_space<hbm>>
      %dma_start3A_905 = arith.constant 0 : i32
      %dma_start3A_906 = tpu.memref_slice %arg13[%dma_start3A_898, %dma_start3A_905] : memref<16x64xf32, #tpu.memory_space<vmem>> -> memref<1x64xf32, #tpu.memory_space<vmem>>
      %dma_start3A_907 = tpu.memref_squeeze %dma_start3A_906 : memref<1x64xf32, #tpu.memory_space<vmem>> -> memref<64xf32, #tpu.memory_space<vmem>>
      %dma_start3A_908 = arith.constant 0 : i32
      %dma_start3A_909 = tpu.memref_slice %arg2[%squeeze3A_897, %dma_start3A_908] : memref<1000000x64xf32, #tpu.memory_space<hbm>> -> memref<1x64xf32, #tpu.memory_space<hbm>>
      %dma_start3A_910 = tpu.memref_squeeze %dma_start3A_909 : memref<1x64xf32, #tpu.memory_space<hbm>> -> memref<64xf32, #tpu.memory_space<hbm>>
      tpu.enqueue_dma source(%dma_start3A_910 : memref<64xf32, #tpu.memory_space<hbm>>) target(%dma_start3A_907 : memref<64xf32, #tpu.memory_space<vmem>>) target_semaphore(%arg15 : memref<!tpu.dma_semaphore, #tpu.memory_space<semaphore_mem>>)
      %slice3A_911 = vector.extract_strided_slice %get3A_760 {offsets = [10], sizes = [1], strides = [1]} : vector<16xi32> to vector<1xi32>
      %squeeze3A_912 = vector.extract %slice3A_911[0] : i32 from vector<1xi32>
      %dma_start3A_913 = arith.constant 10 : i32
      %dma_start3A_914 = arith.constant 0 : i32
      %dma_start3A_915 = tpu.memref_slice %arg13[%dma_start3A_913, %dma_start3A_914] : memref<16x64xf32, #tpu.memory_space<vmem>> -> memref<1x64xf32, #tpu.memory_space<vmem>>
      %dma_start3A_916 = tpu.memref_squeeze %dma_start3A_915 : memref<1x64xf32, #tpu.memory_space<vmem>> -> memref<64xf32, #tpu.memory_space<vmem>>
      %dma_start3A_917 = arith.constant 0 : i32
      %dma_start3A_918 = tpu.memref_slice %arg2[%squeeze3A_912, %dma_start3A_917] : memref<1000000x64xf32, #tpu.memory_space<hbm>> -> memref<1x64xf32, #tpu.memory_space<hbm>>
      %dma_start3A_919 = tpu.memref_squeeze %dma_start3A_918 : memref<1x64xf32, #tpu.memory_space<hbm>> -> memref<64xf32, #tpu.memory_space<hbm>>
      %dma_start3A_920 = arith.constant 0 : i32
      %dma_start3A_921 = tpu.memref_slice %arg13[%dma_start3A_913, %dma_start3A_920] : memref<16x64xf32, #tpu.memory_space<vmem>> -> memref<1x64xf32, #tpu.memory_space<vmem>>
      %dma_start3A_922 = tpu.memref_squeeze %dma_start3A_921 : memref<1x64xf32, #tpu.memory_space<vmem>> -> memref<64xf32, #tpu.memory_space<vmem>>
      %dma_start3A_923 = arith.constant 0 : i32
      %dma_start3A_924 = tpu.memref_slice %arg2[%squeeze3A_912, %dma_start3A_923] : memref<1000000x64xf32, #tpu.memory_space<hbm>> -> memref<1x64xf32, #tpu.memory_space<hbm>>
      %dma_start3A_925 = tpu.memref_squeeze %dma_start3A_924 : memref<1x64xf32, #tpu.memory_space<hbm>> -> memref<64xf32, #tpu.memory_space<hbm>>
      tpu.enqueue_dma source(%dma_start3A_925 : memref<64xf32, #tpu.memory_space<hbm>>) target(%dma_start3A_922 : memref<64xf32, #tpu.memory_space<vmem>>) target_semaphore(%arg15 : memref<!tpu.dma_semaphore, #tpu.memory_space<semaphore_mem>>)
      %slice3A_926 = vector.extract_strided_slice %get3A_760 {offsets = [11], sizes = [1], strides = [1]} : vector<16xi32> to vector<1xi32>
      %squeeze3A_927 = vector.extract %slice3A_926[0] : i32 from vector<1xi32>
      %dma_start3A_928 = arith.constant 11 : i32
      %dma_start3A_929 = arith.constant 0 : i32
      %dma_start3A_930 = tpu.memref_slice %arg13[%dma_start3A_928, %dma_start3A_929] : memref<16x64xf32, #tpu.memory_space<vmem>> -> memref<1x64xf32, #tpu.memory_space<vmem>>
      %dma_start3A_931 = tpu.memref_squeeze %dma_start3A_930 : memref<1x64xf32, #tpu.memory_space<vmem>> -> memref<64xf32, #tpu.memory_space<vmem>>
      %dma_start3A_932 = arith.constant 0 : i32
      %dma_start3A_933 = tpu.memref_slice %arg2[%squeeze3A_927, %dma_start3A_932] : memref<1000000x64xf32, #tpu.memory_space<hbm>> -> memref<1x64xf32, #tpu.memory_space<hbm>>
      %dma_start3A_934 = tpu.memref_squeeze %dma_start3A_933 : memref<1x64xf32, #tpu.memory_space<hbm>> -> memref<64xf32, #tpu.memory_space<hbm>>
      %dma_start3A_935 = arith.constant 0 : i32
      %dma_start3A_936 = tpu.memref_slice %arg13[%dma_start3A_928, %dma_start3A_935] : memref<16x64xf32, #tpu.memory_space<vmem>> -> memref<1x64xf32, #tpu.memory_space<vmem>>
      %dma_start3A_937 = tpu.memref_squeeze %dma_start3A_936 : memref<1x64xf32, #tpu.memory_space<vmem>> -> memref<64xf32, #tpu.memory_space<vmem>>
      %dma_start3A_938 = arith.constant 0 : i32
      %dma_start3A_939 = tpu.memref_slice %arg2[%squeeze3A_927, %dma_start3A_938] : memref<1000000x64xf32, #tpu.memory_space<hbm>> -> memref<1x64xf32, #tpu.memory_space<hbm>>
      %dma_start3A_940 = tpu.memref_squeeze %dma_start3A_939 : memref<1x64xf32, #tpu.memory_space<hbm>> -> memref<64xf32, #tpu.memory_space<hbm>>
      tpu.enqueue_dma source(%dma_start3A_940 : memref<64xf32, #tpu.memory_space<hbm>>) target(%dma_start3A_937 : memref<64xf32, #tpu.memory_space<vmem>>) target_semaphore(%arg15 : memref<!tpu.dma_semaphore, #tpu.memory_space<semaphore_mem>>)
      %slice3A_941 = vector.extract_strided_slice %get3A_760 {offsets = [12], sizes = [1], strides = [1]} : vector<16xi32> to vector<1xi32>
      %squeeze3A_942 = vector.extract %slice3A_941[0] : i32 from vector<1xi32>
      %dma_start3A_943 = arith.constant 12 : i32
      %dma_start3A_944 = arith.constant 0 : i32
      %dma_start3A_945 = tpu.memref_slice %arg13[%dma_start3A_943, %dma_start3A_944] : memref<16x64xf32, #tpu.memory_space<vmem>> -> memref<1x64xf32, #tpu.memory_space<vmem>>
      %dma_start3A_946 = tpu.memref_squeeze %dma_start3A_945 : memref<1x64xf32, #tpu.memory_space<vmem>> -> memref<64xf32, #tpu.memory_space<vmem>>
      %dma_start3A_947 = arith.constant 0 : i32
      %dma_start3A_948 = tpu.memref_slice %arg2[%squeeze3A_942, %dma_start3A_947] : memref<1000000x64xf32, #tpu.memory_space<hbm>> -> memref<1x64xf32, #tpu.memory_space<hbm>>
      %dma_start3A_949 = tpu.memref_squeeze %dma_start3A_948 : memref<1x64xf32, #tpu.memory_space<hbm>> -> memref<64xf32, #tpu.memory_space<hbm>>
      %dma_start3A_950 = arith.constant 0 : i32
      %dma_start3A_951 = tpu.memref_slice %arg13[%dma_start3A_943, %dma_start3A_950] : memref<16x64xf32, #tpu.memory_space<vmem>> -> memref<1x64xf32, #tpu.memory_space<vmem>>
      %dma_start3A_952 = tpu.memref_squeeze %dma_start3A_951 : memref<1x64xf32, #tpu.memory_space<vmem>> -> memref<64xf32, #tpu.memory_space<vmem>>
      %dma_start3A_953 = arith.constant 0 : i32
      %dma_start3A_954 = tpu.memref_slice %arg2[%squeeze3A_942, %dma_start3A_953] : memref<1000000x64xf32, #tpu.memory_space<hbm>> -> memref<1x64xf32, #tpu.memory_space<hbm>>
      %dma_start3A_955 = tpu.memref_squeeze %dma_start3A_954 : memref<1x64xf32, #tpu.memory_space<hbm>> -> memref<64xf32, #tpu.memory_space<hbm>>
      tpu.enqueue_dma source(%dma_start3A_955 : memref<64xf32, #tpu.memory_space<hbm>>) target(%dma_start3A_952 : memref<64xf32, #tpu.memory_space<vmem>>) target_semaphore(%arg15 : memref<!tpu.dma_semaphore, #tpu.memory_space<semaphore_mem>>)
      %slice3A_956 = vector.extract_strided_slice %get3A_760 {offsets = [13], sizes = [1], strides = [1]} : vector<16xi32> to vector<1xi32>
      %squeeze3A_957 = vector.extract %slice3A_956[0] : i32 from vector<1xi32>
      %dma_start3A_958 = arith.constant 13 : i32
      %dma_start3A_959 = arith.constant 0 : i32
      %dma_start3A_960 = tpu.memref_slice %arg13[%dma_start3A_958, %dma_start3A_959] : memref<16x64xf32, #tpu.memory_space<vmem>> -> memref<1x64xf32, #tpu.memory_space<vmem>>
      %dma_start3A_961 = tpu.memref_squeeze %dma_start3A_960 : memref<1x64xf32, #tpu.memory_space<vmem>> -> memref<64xf32, #tpu.memory_space<vmem>>
      %dma_start3A_962 = arith.constant 0 : i32
      %dma_start3A_963 = tpu.memref_slice %arg2[%squeeze3A_957, %dma_start3A_962] : memref<1000000x64xf32, #tpu.memory_space<hbm>> -> memref<1x64xf32, #tpu.memory_space<hbm>>
      %dma_start3A_964 = tpu.memref_squeeze %dma_start3A_963 : memref<1x64xf32, #tpu.memory_space<hbm>> -> memref<64xf32, #tpu.memory_space<hbm>>
      %dma_start3A_965 = arith.constant 0 : i32
      %dma_start3A_966 = tpu.memref_slice %arg13[%dma_start3A_958, %dma_start3A_965] : memref<16x64xf32, #tpu.memory_space<vmem>> -> memref<1x64xf32, #tpu.memory_space<vmem>>
      %dma_start3A_967 = tpu.memref_squeeze %dma_start3A_966 : memref<1x64xf32, #tpu.memory_space<vmem>> -> memref<64xf32, #tpu.memory_space<vmem>>
      %dma_start3A_968 = arith.constant 0 : i32
      %dma_start3A_969 = tpu.memref_slice %arg2[%squeeze3A_957, %dma_start3A_968] : memref<1000000x64xf32, #tpu.memory_space<hbm>> -> memref<1x64xf32, #tpu.memory_space<hbm>>
      %dma_start3A_970 = tpu.memref_squeeze %dma_start3A_969 : memref<1x64xf32, #tpu.memory_space<hbm>> -> memref<64xf32, #tpu.memory_space<hbm>>
      tpu.enqueue_dma source(%dma_start3A_970 : memref<64xf32, #tpu.memory_space<hbm>>) target(%dma_start3A_967 : memref<64xf32, #tpu.memory_space<vmem>>) target_semaphore(%arg15 : memref<!tpu.dma_semaphore, #tpu.memory_space<semaphore_mem>>)
      %slice3A_971 = vector.extract_strided_slice %get3A_760 {offsets = [14], sizes = [1], strides = [1]} : vector<16xi32> to vector<1xi32>
      %squeeze3A_972 = vector.extract %slice3A_971[0] : i32 from vector<1xi32>
      %dma_start3A_973 = arith.constant 14 : i32
      %dma_start3A_974 = arith.constant 0 : i32
      %dma_start3A_975 = tpu.memref_slice %arg13[%dma_start3A_973, %dma_start3A_974] : memref<16x64xf32, #tpu.memory_space<vmem>> -> memref<1x64xf32, #tpu.memory_space<vmem>>
      %dma_start3A_976 = tpu.memref_squeeze %dma_start3A_975 : memref<1x64xf32, #tpu.memory_space<vmem>> -> memref<64xf32, #tpu.memory_space<vmem>>
      %dma_start3A_977 = arith.constant 0 : i32
      %dma_start3A_978 = tpu.memref_slice %arg2[%squeeze3A_972, %dma_start3A_977] : memref<1000000x64xf32, #tpu.memory_space<hbm>> -> memref<1x64xf32, #tpu.memory_space<hbm>>
      %dma_start3A_979 = tpu.memref_squeeze %dma_start3A_978 : memref<1x64xf32, #tpu.memory_space<hbm>> -> memref<64xf32, #tpu.memory_space<hbm>>
      %dma_start3A_980 = arith.constant 0 : i32
      %dma_start3A_981 = tpu.memref_slice %arg13[%dma_start3A_973, %dma_start3A_980] : memref<16x64xf32, #tpu.memory_space<vmem>> -> memref<1x64xf32, #tpu.memory_space<vmem>>
      %dma_start3A_982 = tpu.memref_squeeze %dma_start3A_981 : memref<1x64xf32, #tpu.memory_space<vmem>> -> memref<64xf32, #tpu.memory_space<vmem>>
      %dma_start3A_983 = arith.constant 0 : i32
      %dma_start3A_984 = tpu.memref_slice %arg2[%squeeze3A_972, %dma_start3A_983] : memref<1000000x64xf32, #tpu.memory_space<hbm>> -> memref<1x64xf32, #tpu.memory_space<hbm>>
      %dma_start3A_985 = tpu.memref_squeeze %dma_start3A_984 : memref<1x64xf32, #tpu.memory_space<hbm>> -> memref<64xf32, #tpu.memory_space<hbm>>
      tpu.enqueue_dma source(%dma_start3A_985 : memref<64xf32, #tpu.memory_space<hbm>>) target(%dma_start3A_982 : memref<64xf32, #tpu.memory_space<vmem>>) target_semaphore(%arg15 : memref<!tpu.dma_semaphore, #tpu.memory_space<semaphore_mem>>)
      %slice3A_986 = vector.extract_strided_slice %get3A_760 {offsets = [15], sizes = [1], strides = [1]} : vector<16xi32> to vector<1xi32>
      %squeeze3A_987 = vector.extract %slice3A_986[0] : i32 from vector<1xi32>
      %dma_start3A_988 = arith.constant 15 : i32
      %dma_start3A_989 = arith.constant 0 : i32
      %dma_start3A_990 = tpu.memref_slice %arg13[%dma_start3A_988, %dma_start3A_989] : memref<16x64xf32, #tpu.memory_space<vmem>> -> memref<1x64xf32, #tpu.memory_space<vmem>>
      %dma_start3A_991 = tpu.memref_squeeze %dma_start3A_990 : memref<1x64xf32, #tpu.memory_space<vmem>> -> memref<64xf32, #tpu.memory_space<vmem>>
      %dma_start3A_992 = arith.constant 0 : i32
      %dma_start3A_993 = tpu.memref_slice %arg2[%squeeze3A_987, %dma_start3A_992] : memref<1000000x64xf32, #tpu.memory_space<hbm>> -> memref<1x64xf32, #tpu.memory_space<hbm>>
      %dma_start3A_994 = tpu.memref_squeeze %dma_start3A_993 : memref<1x64xf32, #tpu.memory_space<hbm>> -> memref<64xf32, #tpu.memory_space<hbm>>
      %dma_start3A_995 = arith.constant 0 : i32
      %dma_start3A_996 = tpu.memref_slice %arg13[%dma_start3A_988, %dma_start3A_995] : memref<16x64xf32, #tpu.memory_space<vmem>> -> memref<1x64xf32, #tpu.memory_space<vmem>>
      %dma_start3A_997 = tpu.memref_squeeze %dma_start3A_996 : memref<1x64xf32, #tpu.memory_space<vmem>> -> memref<64xf32, #tpu.memory_space<vmem>>
      %dma_start3A_998 = arith.constant 0 : i32
      %dma_start3A_999 = tpu.memref_slice %arg2[%squeeze3A_987, %dma_start3A_998] : memref<1000000x64xf32, #tpu.memory_space<hbm>> -> memref<1x64xf32, #tpu.memory_space<hbm>>
      %dma_start3A_1000 = tpu.memref_squeeze %dma_start3A_999 : memref<1x64xf32, #tpu.memory_space<hbm>> -> memref<64xf32, #tpu.memory_space<hbm>>
      tpu.enqueue_dma source(%dma_start3A_1000 : memref<64xf32, #tpu.memory_space<hbm>>) target(%dma_start3A_997 : memref<64xf32, #tpu.memory_space<vmem>>) target_semaphore(%arg15 : memref<!tpu.dma_semaphore, #tpu.memory_space<semaphore_mem>>)
      %dma_wait3A = arith.constant 0 : i32
      %dma_wait3A_1001 = arith.constant 0 : i32
      %dma_wait3A_1002 = tpu.memref_slice %arg2[%dma_wait3A, %dma_wait3A_1001] : memref<1000000x64xf32, #tpu.memory_space<hbm>> -> memref<16x64xf32, #tpu.memory_space<hbm>>
      %dma_wait3A_1003 = arith.constant 0 : i32
      %dma_wait3A_1004 = arith.constant 0 : i32
      %dma_wait3A_1005 = tpu.memref_slice %arg2[%dma_wait3A_1003, %dma_wait3A_1004] : memref<1000000x64xf32, #tpu.memory_space<hbm>> -> memref<16x64xf32, #tpu.memory_space<hbm>>
      tpu.wait_dma2 semaphore(%arg14 : memref<!tpu.dma_semaphore, #tpu.memory_space<semaphore_mem>>) src(%dma_wait3A_1005 : memref<16x64xf32, #tpu.memory_space<hbm>>) dst(%arg12 : memref<16x64xf32, #tpu.memory_space<vmem>>)
      %mul3A_1006 = arith.constant 32 : i32
      %mul3A_1007 = arith.muli %add3A_752, %mul3A_1006 : i32
      %add3A_1008 = arith.addi %mul3A_2, %mul3A_1007 : i32
      %dma_start3A_1009 = arith.constant 0 : i32
      %dma_start3A_1010 = tpu.memref_slice %arg7[%add3A_1008, %dma_start3A_1009] : memref<16384x64xf32, #tpu.memory_space<hbm>> -> memref<16x64xf32, #tpu.memory_space<hbm>>
      %dma_start3A_1011 = arith.constant 0 : i32
      %dma_start3A_1012 = tpu.memref_slice %arg7[%add3A_1008, %dma_start3A_1011] : memref<16384x64xf32, #tpu.memory_space<hbm>> -> memref<16x64xf32, #tpu.memory_space<hbm>>
      tpu.enqueue_dma source(%arg12 : memref<16x64xf32, #tpu.memory_space<vmem>>) target(%dma_start3A_1012 : memref<16x64xf32, #tpu.memory_space<hbm>>) target_semaphore(%arg16 : memref<!tpu.dma_semaphore, #tpu.memory_space<semaphore_mem>>)
      %lt3A = arith.constant 15 : i32
      %lt3A_1013 = arith.cmpi slt, %add3A_752, %lt3A : i32
      %convert_element_type3A = arith.extui %lt3A_1013 : i1 to i32
      %cond3A = arith.constant 0 : i32
      %cond3A_1014 = arith.cmpi ne, %convert_element_type3A, %cond3A : i32
      scf.if %cond3A_1014 {
        %mul3A_1038 = arith.constant 2 : i32
        %mul3A_1039 = arith.muli %mul3A_1038, %add3A_752 : i32
        %add3A_1040 = arith.constant 2 : i32
        %add3A_1041 = arith.addi %mul3A_1039, %add3A_1040 : i32
        %get3A_1042 = arith.index_cast %add3A_1041 : i32 to index
        %get3A_1043 = arith.constant 0 : index
        %get3A_1044 = tpu.vector_load %arg10[%get3A_1042, %get3A_1043] {strides = array<i32>} : memref<32x16xi32, #tpu.memory_space<vmem>>, vector<1x16xi32>,
        %get3A_1045 = vector.shape_cast %get3A_1044 : vector<1x16xi32> to vector<16xi32>
        %slice3A_1046 = vector.extract_strided_slice %get3A_1045 {offsets = [0], sizes = [1], strides = [1]} : vector<16xi32> to vector<1xi32>
        %squeeze3A_1047 = vector.extract %slice3A_1046[0] : i32 from vector<1xi32>
        %dma_start3A_1048 = arith.constant 0 : i32
        %dma_start3A_1049 = arith.constant 0 : i32
        %dma_start3A_1050 = tpu.memref_slice %arg12[%dma_start3A_1048, %dma_start3A_1049] : memref<16x64xf32, #tpu.memory_space<vmem>> -> memref<1x64xf32, #tpu.memory_space<vmem>>
        %dma_start3A_1051 = tpu.memref_squeeze %dma_start3A_1050 : memref<1x64xf32, #tpu.memory_space<vmem>> -> memref<64xf32, #tpu.memory_space<vmem>>
        %dma_start3A_1052 = arith.constant 0 : i32
        %dma_start3A_1053 = tpu.memref_slice %arg2[%squeeze3A_1047, %dma_start3A_1052] : memref<1000000x64xf32, #tpu.memory_space<hbm>> -> memref<1x64xf32, #tpu.memory_space<hbm>>
        %dma_start3A_1054 = tpu.memref_squeeze %dma_start3A_1053 : memref<1x64xf32, #tpu.memory_space<hbm>> -> memref<64xf32, #tpu.memory_space<hbm>>
        %dma_start3A_1055 = arith.constant 0 : i32
        %dma_start3A_1056 = tpu.memref_slice %arg12[%dma_start3A_1048, %dma_start3A_1055] : memref<16x64xf32, #tpu.memory_space<vmem>> -> memref<1x64xf32, #tpu.memory_space<vmem>>
        %dma_start3A_1057 = tpu.memref_squeeze %dma_start3A_1056 : memref<1x64xf32, #tpu.memory_space<vmem>> -> memref<64xf32, #tpu.memory_space<vmem>>
        %dma_start3A_1058 = arith.constant 0 : i32
        %dma_start3A_1059 = tpu.memref_slice %arg2[%squeeze3A_1047, %dma_start3A_1058] : memref<1000000x64xf32, #tpu.memory_space<hbm>> -> memref<1x64xf32, #tpu.memory_space<hbm>>
        %dma_start3A_1060 = tpu.memref_squeeze %dma_start3A_1059 : memref<1x64xf32, #tpu.memory_space<hbm>> -> memref<64xf32, #tpu.memory_space<hbm>>
        tpu.enqueue_dma source(%dma_start3A_1060 : memref<64xf32, #tpu.memory_space<hbm>>) target(%dma_start3A_1057 : memref<64xf32, #tpu.memory_space<vmem>>) target_semaphore(%arg14 : memref<!tpu.dma_semaphore, #tpu.memory_space<semaphore_mem>>)
        %slice3A_1061 = vector.extract_strided_slice %get3A_1045 {offsets = [1], sizes = [1], strides = [1]} : vector<16xi32> to vector<1xi32>
        %squeeze3A_1062 = vector.extract %slice3A_1061[0] : i32 from vector<1xi32>
        %dma_start3A_1063 = arith.constant 1 : i32
        %dma_start3A_1064 = arith.constant 0 : i32
        %dma_start3A_1065 = tpu.memref_slice %arg12[%dma_start3A_1063, %dma_start3A_1064] : memref<16x64xf32, #tpu.memory_space<vmem>> -> memref<1x64xf32, #tpu.memory_space<vmem>>
        %dma_start3A_1066 = tpu.memref_squeeze %dma_start3A_1065 : memref<1x64xf32, #tpu.memory_space<vmem>> -> memref<64xf32, #tpu.memory_space<vmem>>
        %dma_start3A_1067 = arith.constant 0 : i32
        %dma_start3A_1068 = tpu.memref_slice %arg2[%squeeze3A_1062, %dma_start3A_1067] : memref<1000000x64xf32, #tpu.memory_space<hbm>> -> memref<1x64xf32, #tpu.memory_space<hbm>>
        %dma_start3A_1069 = tpu.memref_squeeze %dma_start3A_1068 : memref<1x64xf32, #tpu.memory_space<hbm>> -> memref<64xf32, #tpu.memory_space<hbm>>
        %dma_start3A_1070 = arith.constant 0 : i32
        %dma_start3A_1071 = tpu.memref_slice %arg12[%dma_start3A_1063, %dma_start3A_1070] : memref<16x64xf32, #tpu.memory_space<vmem>> -> memref<1x64xf32, #tpu.memory_space<vmem>>
        %dma_start3A_1072 = tpu.memref_squeeze %dma_start3A_1071 : memref<1x64xf32, #tpu.memory_space<vmem>> -> memref<64xf32, #tpu.memory_space<vmem>>
        %dma_start3A_1073 = arith.constant 0 : i32
        %dma_start3A_1074 = tpu.memref_slice %arg2[%squeeze3A_1062, %dma_start3A_1073] : memref<1000000x64xf32, #tpu.memory_space<hbm>> -> memref<1x64xf32, #tpu.memory_space<hbm>>
        %dma_start3A_1075 = tpu.memref_squeeze %dma_start3A_1074 : memref<1x64xf32, #tpu.memory_space<hbm>> -> memref<64xf32, #tpu.memory_space<hbm>>
        tpu.enqueue_dma source(%dma_start3A_1075 : memref<64xf32, #tpu.memory_space<hbm>>) target(%dma_start3A_1072 : memref<64xf32, #tpu.memory_space<vmem>>) target_semaphore(%arg14 : memref<!tpu.dma_semaphore, #tpu.memory_space<semaphore_mem>>)
        %slice3A_1076 = vector.extract_strided_slice %get3A_1045 {offsets = [2], sizes = [1], strides = [1]} : vector<16xi32> to vector<1xi32>
        %squeeze3A_1077 = vector.extract %slice3A_1076[0] : i32 from vector<1xi32>
        %dma_start3A_1078 = arith.constant 2 : i32
        %dma_start3A_1079 = arith.constant 0 : i32
        %dma_start3A_1080 = tpu.memref_slice %arg12[%dma_start3A_1078, %dma_start3A_1079] : memref<16x64xf32, #tpu.memory_space<vmem>> -> memref<1x64xf32, #tpu.memory_space<vmem>>
        %dma_start3A_1081 = tpu.memref_squeeze %dma_start3A_1080 : memref<1x64xf32, #tpu.memory_space<vmem>> -> memref<64xf32, #tpu.memory_space<vmem>>
        %dma_start3A_1082 = arith.constant 0 : i32
        %dma_start3A_1083 = tpu.memref_slice %arg2[%squeeze3A_1077, %dma_start3A_1082] : memref<1000000x64xf32, #tpu.memory_space<hbm>> -> memref<1x64xf32, #tpu.memory_space<hbm>>
        %dma_start3A_1084 = tpu.memref_squeeze %dma_start3A_1083 : memref<1x64xf32, #tpu.memory_space<hbm>> -> memref<64xf32, #tpu.memory_space<hbm>>
        %dma_start3A_1085 = arith.constant 0 : i32
        %dma_start3A_1086 = tpu.memref_slice %arg12[%dma_start3A_1078, %dma_start3A_1085] : memref<16x64xf32, #tpu.memory_space<vmem>> -> memref<1x64xf32, #tpu.memory_space<vmem>>
        %dma_start3A_1087 = tpu.memref_squeeze %dma_start3A_1086 : memref<1x64xf32, #tpu.memory_space<vmem>> -> memref<64xf32, #tpu.memory_space<vmem>>
        %dma_start3A_1088 = arith.constant 0 : i32
        %dma_start3A_1089 = tpu.memref_slice %arg2[%squeeze3A_1077, %dma_start3A_1088] : memref<1000000x64xf32, #tpu.memory_space<hbm>> -> memref<1x64xf32, #tpu.memory_space<hbm>>
        %dma_start3A_1090 = tpu.memref_squeeze %dma_start3A_1089 : memref<1x64xf32, #tpu.memory_space<hbm>> -> memref<64xf32, #tpu.memory_space<hbm>>
        tpu.enqueue_dma source(%dma_start3A_1090 : memref<64xf32, #tpu.memory_space<hbm>>) target(%dma_start3A_1087 : memref<64xf32, #tpu.memory_space<vmem>>) target_semaphore(%arg14 : memref<!tpu.dma_semaphore, #tpu.memory_space<semaphore_mem>>)
        %slice3A_1091 = vector.extract_strided_slice %get3A_1045 {offsets = [3], sizes = [1], strides = [1]} : vector<16xi32> to vector<1xi32>
        %squeeze3A_1092 = vector.extract %slice3A_1091[0] : i32 from vector<1xi32>
        %dma_start3A_1093 = arith.constant 3 : i32
        %dma_start3A_1094 = arith.constant 0 : i32
        %dma_start3A_1095 = tpu.memref_slice %arg12[%dma_start3A_1093, %dma_start3A_1094] : memref<16x64xf32, #tpu.memory_space<vmem>> -> memref<1x64xf32, #tpu.memory_space<vmem>>
        %dma_start3A_1096 = tpu.memref_squeeze %dma_start3A_1095 : memref<1x64xf32, #tpu.memory_space<vmem>> -> memref<64xf32, #tpu.memory_space<vmem>>
        %dma_start3A_1097 = arith.constant 0 : i32
        %dma_start3A_1098 = tpu.memref_slice %arg2[%squeeze3A_1092, %dma_start3A_1097] : memref<1000000x64xf32, #tpu.memory_space<hbm>> -> memref<1x64xf32, #tpu.memory_space<hbm>>
        %dma_start3A_1099 = tpu.memref_squeeze %dma_start3A_1098 : memref<1x64xf32, #tpu.memory_space<hbm>> -> memref<64xf32, #tpu.memory_space<hbm>>
        %dma_start3A_1100 = arith.constant 0 : i32
        %dma_start3A_1101 = tpu.memref_slice %arg12[%dma_start3A_1093, %dma_start3A_1100] : memref<16x64xf32, #tpu.memory_space<vmem>> -> memref<1x64xf32, #tpu.memory_space<vmem>>
        %dma_start3A_1102 = tpu.memref_squeeze %dma_start3A_1101 : memref<1x64xf32, #tpu.memory_space<vmem>> -> memref<64xf32, #tpu.memory_space<vmem>>
        %dma_start3A_1103 = arith.constant 0 : i32
        %dma_start3A_1104 = tpu.memref_slice %arg2[%squeeze3A_1092, %dma_start3A_1103] : memref<1000000x64xf32, #tpu.memory_space<hbm>> -> memref<1x64xf32, #tpu.memory_space<hbm>>
        %dma_start3A_1105 = tpu.memref_squeeze %dma_start3A_1104 : memref<1x64xf32, #tpu.memory_space<hbm>> -> memref<64xf32, #tpu.memory_space<hbm>>
        tpu.enqueue_dma source(%dma_start3A_1105 : memref<64xf32, #tpu.memory_space<hbm>>) target(%dma_start3A_1102 : memref<64xf32, #tpu.memory_space<vmem>>) target_semaphore(%arg14 : memref<!tpu.dma_semaphore, #tpu.memory_space<semaphore_mem>>)
        %slice3A_1106 = vector.extract_strided_slice %get3A_1045 {offsets = [4], sizes = [1], strides = [1]} : vector<16xi32> to vector<1xi32>
        %squeeze3A_1107 = vector.extract %slice3A_1106[0] : i32 from vector<1xi32>
        %dma_start3A_1108 = arith.constant 4 : i32
        %dma_start3A_1109 = arith.constant 0 : i32
        %dma_start3A_1110 = tpu.memref_slice %arg12[%dma_start3A_1108, %dma_start3A_1109] : memref<16x64xf32, #tpu.memory_space<vmem>> -> memref<1x64xf32, #tpu.memory_space<vmem>>
        %dma_start3A_1111 = tpu.memref_squeeze %dma_start3A_1110 : memref<1x64xf32, #tpu.memory_space<vmem>> -> memref<64xf32, #tpu.memory_space<vmem>>
        %dma_start3A_1112 = arith.constant 0 : i32
        %dma_start3A_1113 = tpu.memref_slice %arg2[%squeeze3A_1107, %dma_start3A_1112] : memref<1000000x64xf32, #tpu.memory_space<hbm>> -> memref<1x64xf32, #tpu.memory_space<hbm>>
        %dma_start3A_1114 = tpu.memref_squeeze %dma_start3A_1113 : memref<1x64xf32, #tpu.memory_space<hbm>> -> memref<64xf32, #tpu.memory_space<hbm>>
        %dma_start3A_1115 = arith.constant 0 : i32
        %dma_start3A_1116 = tpu.memref_slice %arg12[%dma_start3A_1108, %dma_start3A_1115] : memref<16x64xf32, #tpu.memory_space<vmem>> -> memref<1x64xf32, #tpu.memory_space<vmem>>
        %dma_start3A_1117 = tpu.memref_squeeze %dma_start3A_1116 : memref<1x64xf32, #tpu.memory_space<vmem>> -> memref<64xf32, #tpu.memory_space<vmem>>
        %dma_start3A_1118 = arith.constant 0 : i32
        %dma_start3A_1119 = tpu.memref_slice %arg2[%squeeze3A_1107, %dma_start3A_1118] : memref<1000000x64xf32, #tpu.memory_space<hbm>> -> memref<1x64xf32, #tpu.memory_space<hbm>>
        %dma_start3A_1120 = tpu.memref_squeeze %dma_start3A_1119 : memref<1x64xf32, #tpu.memory_space<hbm>> -> memref<64xf32, #tpu.memory_space<hbm>>
        tpu.enqueue_dma source(%dma_start3A_1120 : memref<64xf32, #tpu.memory_space<hbm>>) target(%dma_start3A_1117 : memref<64xf32, #tpu.memory_space<vmem>>) target_semaphore(%arg14 : memref<!tpu.dma_semaphore, #tpu.memory_space<semaphore_mem>>)
        %slice3A_1121 = vector.extract_strided_slice %get3A_1045 {offsets = [5], sizes = [1], strides = [1]} : vector<16xi32> to vector<1xi32>
        %squeeze3A_1122 = vector.extract %slice3A_1121[0] : i32 from vector<1xi32>
        %dma_start3A_1123 = arith.constant 5 : i32
        %dma_start3A_1124 = arith.constant 0 : i32
        %dma_start3A_1125 = tpu.memref_slice %arg12[%dma_start3A_1123, %dma_start3A_1124] : memref<16x64xf32, #tpu.memory_space<vmem>> -> memref<1x64xf32, #tpu.memory_space<vmem>>
        %dma_start3A_1126 = tpu.memref_squeeze %dma_start3A_1125 : memref<1x64xf32, #tpu.memory_space<vmem>> -> memref<64xf32, #tpu.memory_space<vmem>>
        %dma_start3A_1127 = arith.constant 0 : i32
        %dma_start3A_1128 = tpu.memref_slice %arg2[%squeeze3A_1122, %dma_start3A_1127] : memref<1000000x64xf32, #tpu.memory_space<hbm>> -> memref<1x64xf32, #tpu.memory_space<hbm>>
        %dma_start3A_1129 = tpu.memref_squeeze %dma_start3A_1128 : memref<1x64xf32, #tpu.memory_space<hbm>> -> memref<64xf32, #tpu.memory_space<hbm>>
        %dma_start3A_1130 = arith.constant 0 : i32
        %dma_start3A_1131 = tpu.memref_slice %arg12[%dma_start3A_1123, %dma_start3A_1130] : memref<16x64xf32, #tpu.memory_space<vmem>> -> memref<1x64xf32, #tpu.memory_space<vmem>>
        %dma_start3A_1132 = tpu.memref_squeeze %dma_start3A_1131 : memref<1x64xf32, #tpu.memory_space<vmem>> -> memref<64xf32, #tpu.memory_space<vmem>>
        %dma_start3A_1133 = arith.constant 0 : i32
        %dma_start3A_1134 = tpu.memref_slice %arg2[%squeeze3A_1122, %dma_start3A_1133] : memref<1000000x64xf32, #tpu.memory_space<hbm>> -> memref<1x64xf32, #tpu.memory_space<hbm>>
        %dma_start3A_1135 = tpu.memref_squeeze %dma_start3A_1134 : memref<1x64xf32, #tpu.memory_space<hbm>> -> memref<64xf32, #tpu.memory_space<hbm>>
        tpu.enqueue_dma source(%dma_start3A_1135 : memref<64xf32, #tpu.memory_space<hbm>>) target(%dma_start3A_1132 : memref<64xf32, #tpu.memory_space<vmem>>) target_semaphore(%arg14 : memref<!tpu.dma_semaphore, #tpu.memory_space<semaphore_mem>>)
        %slice3A_1136 = vector.extract_strided_slice %get3A_1045 {offsets = [6], sizes = [1], strides = [1]} : vector<16xi32> to vector<1xi32>
        %squeeze3A_1137 = vector.extract %slice3A_1136[0] : i32 from vector<1xi32>
        %dma_start3A_1138 = arith.constant 6 : i32
        %dma_start3A_1139 = arith.constant 0 : i32
        %dma_start3A_1140 = tpu.memref_slice %arg12[%dma_start3A_1138, %dma_start3A_1139] : memref<16x64xf32, #tpu.memory_space<vmem>> -> memref<1x64xf32, #tpu.memory_space<vmem>>
        %dma_start3A_1141 = tpu.memref_squeeze %dma_start3A_1140 : memref<1x64xf32, #tpu.memory_space<vmem>> -> memref<64xf32, #tpu.memory_space<vmem>>
        %dma_start3A_1142 = arith.constant 0 : i32
        %dma_start3A_1143 = tpu.memref_slice %arg2[%squeeze3A_1137, %dma_start3A_1142] : memref<1000000x64xf32, #tpu.memory_space<hbm>> -> memref<1x64xf32, #tpu.memory_space<hbm>>
        %dma_start3A_1144 = tpu.memref_squeeze %dma_start3A_1143 : memref<1x64xf32, #tpu.memory_space<hbm>> -> memref<64xf32, #tpu.memory_space<hbm>>
        %dma_start3A_1145 = arith.constant 0 : i32
        %dma_start3A_1146 = tpu.memref_slice %arg12[%dma_start3A_1138, %dma_start3A_1145] : memref<16x64xf32, #tpu.memory_space<vmem>> -> memref<1x64xf32, #tpu.memory_space<vmem>>
        %dma_start3A_1147 = tpu.memref_squeeze %dma_start3A_1146 : memref<1x64xf32, #tpu.memory_space<vmem>> -> memref<64xf32, #tpu.memory_space<vmem>>
        %dma_start3A_1148 = arith.constant 0 : i32
        %dma_start3A_1149 = tpu.memref_slice %arg2[%squeeze3A_1137, %dma_start3A_1148] : memref<1000000x64xf32, #tpu.memory_space<hbm>> -> memref<1x64xf32, #tpu.memory_space<hbm>>
        %dma_start3A_1150 = tpu.memref_squeeze %dma_start3A_1149 : memref<1x64xf32, #tpu.memory_space<hbm>> -> memref<64xf32, #tpu.memory_space<hbm>>
        tpu.enqueue_dma source(%dma_start3A_1150 : memref<64xf32, #tpu.memory_space<hbm>>) target(%dma_start3A_1147 : memref<64xf32, #tpu.memory_space<vmem>>) target_semaphore(%arg14 : memref<!tpu.dma_semaphore, #tpu.memory_space<semaphore_mem>>)
        %slice3A_1151 = vector.extract_strided_slice %get3A_1045 {offsets = [7], sizes = [1], strides = [1]} : vector<16xi32> to vector<1xi32>
        %squeeze3A_1152 = vector.extract %slice3A_1151[0] : i32 from vector<1xi32>
        %dma_start3A_1153 = arith.constant 7 : i32
        %dma_start3A_1154 = arith.constant 0 : i32
        %dma_start3A_1155 = tpu.memref_slice %arg12[%dma_start3A_1153, %dma_start3A_1154] : memref<16x64xf32, #tpu.memory_space<vmem>> -> memref<1x64xf32, #tpu.memory_space<vmem>>
        %dma_start3A_1156 = tpu.memref_squeeze %dma_start3A_1155 : memref<1x64xf32, #tpu.memory_space<vmem>> -> memref<64xf32, #tpu.memory_space<vmem>>
        %dma_start3A_1157 = arith.constant 0 : i32
        %dma_start3A_1158 = tpu.memref_slice %arg2[%squeeze3A_1152, %dma_start3A_1157] : memref<1000000x64xf32, #tpu.memory_space<hbm>> -> memref<1x64xf32, #tpu.memory_space<hbm>>
        %dma_start3A_1159 = tpu.memref_squeeze %dma_start3A_1158 : memref<1x64xf32, #tpu.memory_space<hbm>> -> memref<64xf32, #tpu.memory_space<hbm>>
        %dma_start3A_1160 = arith.constant 0 : i32
        %dma_start3A_1161 = tpu.memref_slice %arg12[%dma_start3A_1153, %dma_start3A_1160] : memref<16x64xf32, #tpu.memory_space<vmem>> -> memref<1x64xf32, #tpu.memory_space<vmem>>
        %dma_start3A_1162 = tpu.memref_squeeze %dma_start3A_1161 : memref<1x64xf32, #tpu.memory_space<vmem>> -> memref<64xf32, #tpu.memory_space<vmem>>
        %dma_start3A_1163 = arith.constant 0 : i32
        %dma_start3A_1164 = tpu.memref_slice %arg2[%squeeze3A_1152, %dma_start3A_1163] : memref<1000000x64xf32, #tpu.memory_space<hbm>> -> memref<1x64xf32, #tpu.memory_space<hbm>>
        %dma_start3A_1165 = tpu.memref_squeeze %dma_start3A_1164 : memref<1x64xf32, #tpu.memory_space<hbm>> -> memref<64xf32, #tpu.memory_space<hbm>>
        tpu.enqueue_dma source(%dma_start3A_1165 : memref<64xf32, #tpu.memory_space<hbm>>) target(%dma_start3A_1162 : memref<64xf32, #tpu.memory_space<vmem>>) target_semaphore(%arg14 : memref<!tpu.dma_semaphore, #tpu.memory_space<semaphore_mem>>)
        %slice3A_1166 = vector.extract_strided_slice %get3A_1045 {offsets = [8], sizes = [1], strides = [1]} : vector<16xi32> to vector<1xi32>
        %squeeze3A_1167 = vector.extract %slice3A_1166[0] : i32 from vector<1xi32>
        %dma_start3A_1168 = arith.constant 8 : i32
        %dma_start3A_1169 = arith.constant 0 : i32
        %dma_start3A_1170 = tpu.memref_slice %arg12[%dma_start3A_1168, %dma_start3A_1169] : memref<16x64xf32, #tpu.memory_space<vmem>> -> memref<1x64xf32, #tpu.memory_space<vmem>>
        %dma_start3A_1171 = tpu.memref_squeeze %dma_start3A_1170 : memref<1x64xf32, #tpu.memory_space<vmem>> -> memref<64xf32, #tpu.memory_space<vmem>>
        %dma_start3A_1172 = arith.constant 0 : i32
        %dma_start3A_1173 = tpu.memref_slice %arg2[%squeeze3A_1167, %dma_start3A_1172] : memref<1000000x64xf32, #tpu.memory_space<hbm>> -> memref<1x64xf32, #tpu.memory_space<hbm>>
        %dma_start3A_1174 = tpu.memref_squeeze %dma_start3A_1173 : memref<1x64xf32, #tpu.memory_space<hbm>> -> memref<64xf32, #tpu.memory_space<hbm>>
        %dma_start3A_1175 = arith.constant 0 : i32
        %dma_start3A_1176 = tpu.memref_slice %arg12[%dma_start3A_1168, %dma_start3A_1175] : memref<16x64xf32, #tpu.memory_space<vmem>> -> memref<1x64xf32, #tpu.memory_space<vmem>>
        %dma_start3A_1177 = tpu.memref_squeeze %dma_start3A_1176 : memref<1x64xf32, #tpu.memory_space<vmem>> -> memref<64xf32, #tpu.memory_space<vmem>>
        %dma_start3A_1178 = arith.constant 0 : i32
        %dma_start3A_1179 = tpu.memref_slice %arg2[%squeeze3A_1167, %dma_start3A_1178] : memref<1000000x64xf32, #tpu.memory_space<hbm>> -> memref<1x64xf32, #tpu.memory_space<hbm>>
        %dma_start3A_1180 = tpu.memref_squeeze %dma_start3A_1179 : memref<1x64xf32, #tpu.memory_space<hbm>> -> memref<64xf32, #tpu.memory_space<hbm>>
        tpu.enqueue_dma source(%dma_start3A_1180 : memref<64xf32, #tpu.memory_space<hbm>>) target(%dma_start3A_1177 : memref<64xf32, #tpu.memory_space<vmem>>) target_semaphore(%arg14 : memref<!tpu.dma_semaphore, #tpu.memory_space<semaphore_mem>>)
        %slice3A_1181 = vector.extract_strided_slice %get3A_1045 {offsets = [9], sizes = [1], strides = [1]} : vector<16xi32> to vector<1xi32>
        %squeeze3A_1182 = vector.extract %slice3A_1181[0] : i32 from vector<1xi32>
        %dma_start3A_1183 = arith.constant 9 : i32
        %dma_start3A_1184 = arith.constant 0 : i32
        %dma_start3A_1185 = tpu.memref_slice %arg12[%dma_start3A_1183, %dma_start3A_1184] : memref<16x64xf32, #tpu.memory_space<vmem>> -> memref<1x64xf32, #tpu.memory_space<vmem>>
        %dma_start3A_1186 = tpu.memref_squeeze %dma_start3A_1185 : memref<1x64xf32, #tpu.memory_space<vmem>> -> memref<64xf32, #tpu.memory_space<vmem>>
        %dma_start3A_1187 = arith.constant 0 : i32
        %dma_start3A_1188 = tpu.memref_slice %arg2[%squeeze3A_1182, %dma_start3A_1187] : memref<1000000x64xf32, #tpu.memory_space<hbm>> -> memref<1x64xf32, #tpu.memory_space<hbm>>
        %dma_start3A_1189 = tpu.memref_squeeze %dma_start3A_1188 : memref<1x64xf32, #tpu.memory_space<hbm>> -> memref<64xf32, #tpu.memory_space<hbm>>
        %dma_start3A_1190 = arith.constant 0 : i32
        %dma_start3A_1191 = tpu.memref_slice %arg12[%dma_start3A_1183, %dma_start3A_1190] : memref<16x64xf32, #tpu.memory_space<vmem>> -> memref<1x64xf32, #tpu.memory_space<vmem>>
        %dma_start3A_1192 = tpu.memref_squeeze %dma_start3A_1191 : memref<1x64xf32, #tpu.memory_space<vmem>> -> memref<64xf32, #tpu.memory_space<vmem>>
        %dma_start3A_1193 = arith.constant 0 : i32
        %dma_start3A_1194 = tpu.memref_slice %arg2[%squeeze3A_1182, %dma_start3A_1193] : memref<1000000x64xf32, #tpu.memory_space<hbm>> -> memref<1x64xf32, #tpu.memory_space<hbm>>
        %dma_start3A_1195 = tpu.memref_squeeze %dma_start3A_1194 : memref<1x64xf32, #tpu.memory_space<hbm>> -> memref<64xf32, #tpu.memory_space<hbm>>
        tpu.enqueue_dma source(%dma_start3A_1195 : memref<64xf32, #tpu.memory_space<hbm>>) target(%dma_start3A_1192 : memref<64xf32, #tpu.memory_space<vmem>>) target_semaphore(%arg14 : memref<!tpu.dma_semaphore, #tpu.memory_space<semaphore_mem>>)
        %slice3A_1196 = vector.extract_strided_slice %get3A_1045 {offsets = [10], sizes = [1], strides = [1]} : vector<16xi32> to vector<1xi32>
        %squeeze3A_1197 = vector.extract %slice3A_1196[0] : i32 from vector<1xi32>
        %dma_start3A_1198 = arith.constant 10 : i32
        %dma_start3A_1199 = arith.constant 0 : i32
        %dma_start3A_1200 = tpu.memref_slice %arg12[%dma_start3A_1198, %dma_start3A_1199] : memref<16x64xf32, #tpu.memory_space<vmem>> -> memref<1x64xf32, #tpu.memory_space<vmem>>
        %dma_start3A_1201 = tpu.memref_squeeze %dma_start3A_1200 : memref<1x64xf32, #tpu.memory_space<vmem>> -> memref<64xf32, #tpu.memory_space<vmem>>
        %dma_start3A_1202 = arith.constant 0 : i32
        %dma_start3A_1203 = tpu.memref_slice %arg2[%squeeze3A_1197, %dma_start3A_1202] : memref<1000000x64xf32, #tpu.memory_space<hbm>> -> memref<1x64xf32, #tpu.memory_space<hbm>>
        %dma_start3A_1204 = tpu.memref_squeeze %dma_start3A_1203 : memref<1x64xf32, #tpu.memory_space<hbm>> -> memref<64xf32, #tpu.memory_space<hbm>>
        %dma_start3A_1205 = arith.constant 0 : i32
        %dma_start3A_1206 = tpu.memref_slice %arg12[%dma_start3A_1198, %dma_start3A_1205] : memref<16x64xf32, #tpu.memory_space<vmem>> -> memref<1x64xf32, #tpu.memory_space<vmem>>
        %dma_start3A_1207 = tpu.memref_squeeze %dma_start3A_1206 : memref<1x64xf32, #tpu.memory_space<vmem>> -> memref<64xf32, #tpu.memory_space<vmem>>
        %dma_start3A_1208 = arith.constant 0 : i32
        %dma_start3A_1209 = tpu.memref_slice %arg2[%squeeze3A_1197, %dma_start3A_1208] : memref<1000000x64xf32, #tpu.memory_space<hbm>> -> memref<1x64xf32, #tpu.memory_space<hbm>>
        %dma_start3A_1210 = tpu.memref_squeeze %dma_start3A_1209 : memref<1x64xf32, #tpu.memory_space<hbm>> -> memref<64xf32, #tpu.memory_space<hbm>>
        tpu.enqueue_dma source(%dma_start3A_1210 : memref<64xf32, #tpu.memory_space<hbm>>) target(%dma_start3A_1207 : memref<64xf32, #tpu.memory_space<vmem>>) target_semaphore(%arg14 : memref<!tpu.dma_semaphore, #tpu.memory_space<semaphore_mem>>)
        %slice3A_1211 = vector.extract_strided_slice %get3A_1045 {offsets = [11], sizes = [1], strides = [1]} : vector<16xi32> to vector<1xi32>
        %squeeze3A_1212 = vector.extract %slice3A_1211[0] : i32 from vector<1xi32>
        %dma_start3A_1213 = arith.constant 11 : i32
        %dma_start3A_1214 = arith.constant 0 : i32
        %dma_start3A_1215 = tpu.memref_slice %arg12[%dma_start3A_1213, %dma_start3A_1214] : memref<16x64xf32, #tpu.memory_space<vmem>> -> memref<1x64xf32, #tpu.memory_space<vmem>>
        %dma_start3A_1216 = tpu.memref_squeeze %dma_start3A_1215 : memref<1x64xf32, #tpu.memory_space<vmem>> -> memref<64xf32, #tpu.memory_space<vmem>>
        %dma_start3A_1217 = arith.constant 0 : i32
        %dma_start3A_1218 = tpu.memref_slice %arg2[%squeeze3A_1212, %dma_start3A_1217] : memref<1000000x64xf32, #tpu.memory_space<hbm>> -> memref<1x64xf32, #tpu.memory_space<hbm>>
        %dma_start3A_1219 = tpu.memref_squeeze %dma_start3A_1218 : memref<1x64xf32, #tpu.memory_space<hbm>> -> memref<64xf32, #tpu.memory_space<hbm>>
        %dma_start3A_1220 = arith.constant 0 : i32
        %dma_start3A_1221 = tpu.memref_slice %arg12[%dma_start3A_1213, %dma_start3A_1220] : memref<16x64xf32, #tpu.memory_space<vmem>> -> memref<1x64xf32, #tpu.memory_space<vmem>>
        %dma_start3A_1222 = tpu.memref_squeeze %dma_start3A_1221 : memref<1x64xf32, #tpu.memory_space<vmem>> -> memref<64xf32, #tpu.memory_space<vmem>>
        %dma_start3A_1223 = arith.constant 0 : i32
        %dma_start3A_1224 = tpu.memref_slice %arg2[%squeeze3A_1212, %dma_start3A_1223] : memref<1000000x64xf32, #tpu.memory_space<hbm>> -> memref<1x64xf32, #tpu.memory_space<hbm>>
        %dma_start3A_1225 = tpu.memref_squeeze %dma_start3A_1224 : memref<1x64xf32, #tpu.memory_space<hbm>> -> memref<64xf32, #tpu.memory_space<hbm>>
        tpu.enqueue_dma source(%dma_start3A_1225 : memref<64xf32, #tpu.memory_space<hbm>>) target(%dma_start3A_1222 : memref<64xf32, #tpu.memory_space<vmem>>) target_semaphore(%arg14 : memref<!tpu.dma_semaphore, #tpu.memory_space<semaphore_mem>>)
        %slice3A_1226 = vector.extract_strided_slice %get3A_1045 {offsets = [12], sizes = [1], strides = [1]} : vector<16xi32> to vector<1xi32>
        %squeeze3A_1227 = vector.extract %slice3A_1226[0] : i32 from vector<1xi32>
        %dma_start3A_1228 = arith.constant 12 : i32
        %dma_start3A_1229 = arith.constant 0 : i32
        %dma_start3A_1230 = tpu.memref_slice %arg12[%dma_start3A_1228, %dma_start3A_1229] : memref<16x64xf32, #tpu.memory_space<vmem>> -> memref<1x64xf32, #tpu.memory_space<vmem>>
        %dma_start3A_1231 = tpu.memref_squeeze %dma_start3A_1230 : memref<1x64xf32, #tpu.memory_space<vmem>> -> memref<64xf32, #tpu.memory_space<vmem>>
        %dma_start3A_1232 = arith.constant 0 : i32
        %dma_start3A_1233 = tpu.memref_slice %arg2[%squeeze3A_1227, %dma_start3A_1232] : memref<1000000x64xf32, #tpu.memory_space<hbm>> -> memref<1x64xf32, #tpu.memory_space<hbm>>
        %dma_start3A_1234 = tpu.memref_squeeze %dma_start3A_1233 : memref<1x64xf32, #tpu.memory_space<hbm>> -> memref<64xf32, #tpu.memory_space<hbm>>
        %dma_start3A_1235 = arith.constant 0 : i32
        %dma_start3A_1236 = tpu.memref_slice %arg12[%dma_start3A_1228, %dma_start3A_1235] : memref<16x64xf32, #tpu.memory_space<vmem>> -> memref<1x64xf32, #tpu.memory_space<vmem>>
        %dma_start3A_1237 = tpu.memref_squeeze %dma_start3A_1236 : memref<1x64xf32, #tpu.memory_space<vmem>> -> memref<64xf32, #tpu.memory_space<vmem>>
        %dma_start3A_1238 = arith.constant 0 : i32
        %dma_start3A_1239 = tpu.memref_slice %arg2[%squeeze3A_1227, %dma_start3A_1238] : memref<1000000x64xf32, #tpu.memory_space<hbm>> -> memref<1x64xf32, #tpu.memory_space<hbm>>
        %dma_start3A_1240 = tpu.memref_squeeze %dma_start3A_1239 : memref<1x64xf32, #tpu.memory_space<hbm>> -> memref<64xf32, #tpu.memory_space<hbm>>
        tpu.enqueue_dma source(%dma_start3A_1240 : memref<64xf32, #tpu.memory_space<hbm>>) target(%dma_start3A_1237 : memref<64xf32, #tpu.memory_space<vmem>>) target_semaphore(%arg14 : memref<!tpu.dma_semaphore, #tpu.memory_space<semaphore_mem>>)
        %slice3A_1241 = vector.extract_strided_slice %get3A_1045 {offsets = [13], sizes = [1], strides = [1]} : vector<16xi32> to vector<1xi32>
        %squeeze3A_1242 = vector.extract %slice3A_1241[0] : i32 from vector<1xi32>
        %dma_start3A_1243 = arith.constant 13 : i32
        %dma_start3A_1244 = arith.constant 0 : i32
        %dma_start3A_1245 = tpu.memref_slice %arg12[%dma_start3A_1243, %dma_start3A_1244] : memref<16x64xf32, #tpu.memory_space<vmem>> -> memref<1x64xf32, #tpu.memory_space<vmem>>
        %dma_start3A_1246 = tpu.memref_squeeze %dma_start3A_1245 : memref<1x64xf32, #tpu.memory_space<vmem>> -> memref<64xf32, #tpu.memory_space<vmem>>
        %dma_start3A_1247 = arith.constant 0 : i32
        %dma_start3A_1248 = tpu.memref_slice %arg2[%squeeze3A_1242, %dma_start3A_1247] : memref<1000000x64xf32, #tpu.memory_space<hbm>> -> memref<1x64xf32, #tpu.memory_space<hbm>>
        %dma_start3A_1249 = tpu.memref_squeeze %dma_start3A_1248 : memref<1x64xf32, #tpu.memory_space<hbm>> -> memref<64xf32, #tpu.memory_space<hbm>>
        %dma_start3A_1250 = arith.constant 0 : i32
        %dma_start3A_1251 = tpu.memref_slice %arg12[%dma_start3A_1243, %dma_start3A_1250] : memref<16x64xf32, #tpu.memory_space<vmem>> -> memref<1x64xf32, #tpu.memory_space<vmem>>
        %dma_start3A_1252 = tpu.memref_squeeze %dma_start3A_1251 : memref<1x64xf32, #tpu.memory_space<vmem>> -> memref<64xf32, #tpu.memory_space<vmem>>
        %dma_start3A_1253 = arith.constant 0 : i32
        %dma_start3A_1254 = tpu.memref_slice %arg2[%squeeze3A_1242, %dma_start3A_1253] : memref<1000000x64xf32, #tpu.memory_space<hbm>> -> memref<1x64xf32, #tpu.memory_space<hbm>>
        %dma_start3A_1255 = tpu.memref_squeeze %dma_start3A_1254 : memref<1x64xf32, #tpu.memory_space<hbm>> -> memref<64xf32, #tpu.memory_space<hbm>>
        tpu.enqueue_dma source(%dma_start3A_1255 : memref<64xf32, #tpu.memory_space<hbm>>) target(%dma_start3A_1252 : memref<64xf32, #tpu.memory_space<vmem>>) target_semaphore(%arg14 : memref<!tpu.dma_semaphore, #tpu.memory_space<semaphore_mem>>)
        %slice3A_1256 = vector.extract_strided_slice %get3A_1045 {offsets = [14], sizes = [1], strides = [1]} : vector<16xi32> to vector<1xi32>
        %squeeze3A_1257 = vector.extract %slice3A_1256[0] : i32 from vector<1xi32>
        %dma_start3A_1258 = arith.constant 14 : i32
        %dma_start3A_1259 = arith.constant 0 : i32
        %dma_start3A_1260 = tpu.memref_slice %arg12[%dma_start3A_1258, %dma_start3A_1259] : memref<16x64xf32, #tpu.memory_space<vmem>> -> memref<1x64xf32, #tpu.memory_space<vmem>>
        %dma_start3A_1261 = tpu.memref_squeeze %dma_start3A_1260 : memref<1x64xf32, #tpu.memory_space<vmem>> -> memref<64xf32, #tpu.memory_space<vmem>>
        %dma_start3A_1262 = arith.constant 0 : i32
        %dma_start3A_1263 = tpu.memref_slice %arg2[%squeeze3A_1257, %dma_start3A_1262] : memref<1000000x64xf32, #tpu.memory_space<hbm>> -> memref<1x64xf32, #tpu.memory_space<hbm>>
        %dma_start3A_1264 = tpu.memref_squeeze %dma_start3A_1263 : memref<1x64xf32, #tpu.memory_space<hbm>> -> memref<64xf32, #tpu.memory_space<hbm>>
        %dma_start3A_1265 = arith.constant 0 : i32
        %dma_start3A_1266 = tpu.memref_slice %arg12[%dma_start3A_1258, %dma_start3A_1265] : memref<16x64xf32, #tpu.memory_space<vmem>> -> memref<1x64xf32, #tpu.memory_space<vmem>>
        %dma_start3A_1267 = tpu.memref_squeeze %dma_start3A_1266 : memref<1x64xf32, #tpu.memory_space<vmem>> -> memref<64xf32, #tpu.memory_space<vmem>>
        %dma_start3A_1268 = arith.constant 0 : i32
        %dma_start3A_1269 = tpu.memref_slice %arg2[%squeeze3A_1257, %dma_start3A_1268] : memref<1000000x64xf32, #tpu.memory_space<hbm>> -> memref<1x64xf32, #tpu.memory_space<hbm>>
        %dma_start3A_1270 = tpu.memref_squeeze %dma_start3A_1269 : memref<1x64xf32, #tpu.memory_space<hbm>> -> memref<64xf32, #tpu.memory_space<hbm>>
        tpu.enqueue_dma source(%dma_start3A_1270 : memref<64xf32, #tpu.memory_space<hbm>>) target(%dma_start3A_1267 : memref<64xf32, #tpu.memory_space<vmem>>) target_semaphore(%arg14 : memref<!tpu.dma_semaphore, #tpu.memory_space<semaphore_mem>>)
        %slice3A_1271 = vector.extract_strided_slice %get3A_1045 {offsets = [15], sizes = [1], strides = [1]} : vector<16xi32> to vector<1xi32>
        %squeeze3A_1272 = vector.extract %slice3A_1271[0] : i32 from vector<1xi32>
        %dma_start3A_1273 = arith.constant 15 : i32
        %dma_start3A_1274 = arith.constant 0 : i32
        %dma_start3A_1275 = tpu.memref_slice %arg12[%dma_start3A_1273, %dma_start3A_1274] : memref<16x64xf32, #tpu.memory_space<vmem>> -> memref<1x64xf32, #tpu.memory_space<vmem>>
        %dma_start3A_1276 = tpu.memref_squeeze %dma_start3A_1275 : memref<1x64xf32, #tpu.memory_space<vmem>> -> memref<64xf32, #tpu.memory_space<vmem>>
        %dma_start3A_1277 = arith.constant 0 : i32
        %dma_start3A_1278 = tpu.memref_slice %arg2[%squeeze3A_1272, %dma_start3A_1277] : memref<1000000x64xf32, #tpu.memory_space<hbm>> -> memref<1x64xf32, #tpu.memory_space<hbm>>
        %dma_start3A_1279 = tpu.memref_squeeze %dma_start3A_1278 : memref<1x64xf32, #tpu.memory_space<hbm>> -> memref<64xf32, #tpu.memory_space<hbm>>
        %dma_start3A_1280 = arith.constant 0 : i32
        %dma_start3A_1281 = tpu.memref_slice %arg12[%dma_start3A_1273, %dma_start3A_1280] : memref<16x64xf32, #tpu.memory_space<vmem>> -> memref<1x64xf32, #tpu.memory_space<vmem>>
        %dma_start3A_1282 = tpu.memref_squeeze %dma_start3A_1281 : memref<1x64xf32, #tpu.memory_space<vmem>> -> memref<64xf32, #tpu.memory_space<vmem>>
        %dma_start3A_1283 = arith.constant 0 : i32
        %dma_start3A_1284 = tpu.memref_slice %arg2[%squeeze3A_1272, %dma_start3A_1283] : memref<1000000x64xf32, #tpu.memory_space<hbm>> -> memref<1x64xf32, #tpu.memory_space<hbm>>
        %dma_start3A_1285 = tpu.memref_squeeze %dma_start3A_1284 : memref<1x64xf32, #tpu.memory_space<hbm>> -> memref<64xf32, #tpu.memory_space<hbm>>
        tpu.enqueue_dma source(%dma_start3A_1285 : memref<64xf32, #tpu.memory_space<hbm>>) target(%dma_start3A_1282 : memref<64xf32, #tpu.memory_space<vmem>>) target_semaphore(%arg14 : memref<!tpu.dma_semaphore, #tpu.memory_space<semaphore_mem>>)
      } else {
      }
      %dma_wait3A_1015 = arith.constant 0 : i32
      %dma_wait3A_1016 = arith.constant 0 : i32
      %dma_wait3A_1017 = tpu.memref_slice %arg2[%dma_wait3A_1015, %dma_wait3A_1016] : memref<1000000x64xf32, #tpu.memory_space<hbm>> -> memref<16x64xf32, #tpu.memory_space<hbm>>
      %dma_wait3A_1018 = arith.constant 0 : i32
      %dma_wait3A_1019 = arith.constant 0 : i32
      %dma_wait3A_1020 = tpu.memref_slice %arg2[%dma_wait3A_1018, %dma_wait3A_1019] : memref<1000000x64xf32, #tpu.memory_space<hbm>> -> memref<16x64xf32, #tpu.memory_space<hbm>>
      tpu.wait_dma2 semaphore(%arg15 : memref<!tpu.dma_semaphore, #tpu.memory_space<semaphore_mem>>) src(%dma_wait3A_1020 : memref<16x64xf32, #tpu.memory_space<hbm>>) dst(%arg13 : memref<16x64xf32, #tpu.memory_space<vmem>>)
      %mul3A_1021 = arith.constant 32 : i32
      %mul3A_1022 = arith.muli %add3A_752, %mul3A_1021 : i32
      %add3A_1023 = arith.addi %mul3A_2, %mul3A_1022 : i32
      %add3A_1024 = arith.constant 16 : i32
      %add3A_1025 = arith.addi %add3A_1023, %add3A_1024 : i32
      %dma_start3A_1026 = arith.constant 0 : i32
      %dma_start3A_1027 = tpu.memref_slice %arg7[%add3A_1025, %dma_start3A_1026] : memref<16384x64xf32, #tpu.memory_space<hbm>> -> memref<16x64xf32, #tpu.memory_space<hbm>>
      %dma_start3A_1028 = arith.constant 0 : i32
      %dma_start3A_1029 = tpu.memref_slice %arg7[%add3A_1025, %dma_start3A_1028] : memref<16384x64xf32, #tpu.memory_space<hbm>> -> memref<16x64xf32, #tpu.memory_space<hbm>>
      tpu.enqueue_dma source(%arg13 : memref<16x64xf32, #tpu.memory_space<vmem>>) target(%dma_start3A_1029 : memref<16x64xf32, #tpu.memory_space<hbm>>) target_semaphore(%arg17 : memref<!tpu.dma_semaphore, #tpu.memory_space<semaphore_mem>>)
      %dma_wait3A_1030 = arith.constant 0 : i32
      %dma_wait3A_1031 = tpu.memref_slice %arg7[%mul3A_2, %dma_wait3A_1030] : memref<16384x64xf32, #tpu.memory_space<hbm>> -> memref<16x64xf32, #tpu.memory_space<hbm>>
      %dma_wait3A_1032 = arith.constant 0 : i32
      %dma_wait3A_1033 = tpu.memref_slice %arg7[%mul3A_2, %dma_wait3A_1032] : memref<16384x64xf32, #tpu.memory_space<hbm>> -> memref<16x64xf32, #tpu.memory_space<hbm>>
      tpu.wait_dma2 semaphore(%arg16 : memref<!tpu.dma_semaphore, #tpu.memory_space<semaphore_mem>>) src(%arg12 : memref<16x64xf32, #tpu.memory_space<vmem>>) dst(%dma_wait3A_1033 : memref<16x64xf32, #tpu.memory_space<hbm>>)
      %dma_wait3A_1034 = arith.constant 0 : i32
      %dma_wait3A_1035 = tpu.memref_slice %arg7[%mul3A_2, %dma_wait3A_1034] : memref<16384x64xf32, #tpu.memory_space<hbm>> -> memref<16x64xf32, #tpu.memory_space<hbm>>
      %dma_wait3A_1036 = arith.constant 0 : i32
      %dma_wait3A_1037 = tpu.memref_slice %arg7[%mul3A_2, %dma_wait3A_1036] : memref<16384x64xf32, #tpu.memory_space<hbm>> -> memref<16x64xf32, #tpu.memory_space<hbm>>
      tpu.wait_dma2 semaphore(%arg17 : memref<!tpu.dma_semaphore, #tpu.memory_space<semaphore_mem>>) src(%arg13 : memref<16x64xf32, #tpu.memory_space<vmem>>) dst(%dma_wait3A_1037 : memref<16x64xf32, #tpu.memory_space<hbm>>)
    }
    %scan3A_497 = arith.constant 16 : i32
    %get3A_498 = arith.constant 0 : i32
    %get3A_499 = arith.index_cast %get3A_498 : i32 to index
    %get3A_500 = arith.constant 0 : index
    %get3A_501 = tpu.vector_load %arg11[%get3A_499, %get3A_500] {strides = array<i32>} : memref<32x16xi32, #tpu.memory_space<vmem>>, vector<1x16xi32>,
    %get3A_502 = vector.shape_cast %get3A_501 : vector<1x16xi32> to vector<16xi32>
    %slice3A_503 = vector.extract_strided_slice %get3A_502 {offsets = [0], sizes = [1], strides = [1]} : vector<16xi32> to vector<1xi32>
    %squeeze3A_504 = vector.extract %slice3A_503[0] : i32 from vector<1xi32>
    %dma_start3A_505 = arith.constant 0 : i32
    %dma_start3A_506 = arith.constant 0 : i32
    %dma_start3A_507 = tpu.memref_slice %arg12[%dma_start3A_505, %dma_start3A_506] : memref<16x64xf32, #tpu.memory_space<vmem>> -> memref<1x64xf32, #tpu.memory_space<vmem>>
    %dma_start3A_508 = tpu.memref_squeeze %dma_start3A_507 : memref<1x64xf32, #tpu.memory_space<vmem>> -> memref<64xf32, #tpu.memory_space<vmem>>
    %dma_start3A_509 = arith.constant 0 : i32
    %dma_start3A_510 = tpu.memref_slice %arg2[%squeeze3A_504, %dma_start3A_509] : memref<1000000x64xf32, #tpu.memory_space<hbm>> -> memref<1x64xf32, #tpu.memory_space<hbm>>
    %dma_start3A_511 = tpu.memref_squeeze %dma_start3A_510 : memref<1x64xf32, #tpu.memory_space<hbm>> -> memref<64xf32, #tpu.memory_space<hbm>>
    %dma_start3A_512 = arith.constant 0 : i32
    %dma_start3A_513 = tpu.memref_slice %arg12[%dma_start3A_505, %dma_start3A_512] : memref<16x64xf32, #tpu.memory_space<vmem>> -> memref<1x64xf32, #tpu.memory_space<vmem>>
    %dma_start3A_514 = tpu.memref_squeeze %dma_start3A_513 : memref<1x64xf32, #tpu.memory_space<vmem>> -> memref<64xf32, #tpu.memory_space<vmem>>
    %dma_start3A_515 = arith.constant 0 : i32
    %dma_start3A_516 = tpu.memref_slice %arg2[%squeeze3A_504, %dma_start3A_515] : memref<1000000x64xf32, #tpu.memory_space<hbm>> -> memref<1x64xf32, #tpu.memory_space<hbm>>
    %dma_start3A_517 = tpu.memref_squeeze %dma_start3A_516 : memref<1x64xf32, #tpu.memory_space<hbm>> -> memref<64xf32, #tpu.memory_space<hbm>>
    tpu.enqueue_dma source(%dma_start3A_517 : memref<64xf32, #tpu.memory_space<hbm>>) target(%dma_start3A_514 : memref<64xf32, #tpu.memory_space<vmem>>) target_semaphore(%arg14 : memref<!tpu.dma_semaphore, #tpu.memory_space<semaphore_mem>>)
    %slice3A_518 = vector.extract_strided_slice %get3A_502 {offsets = [1], sizes = [1], strides = [1]} : vector<16xi32> to vector<1xi32>
    %squeeze3A_519 = vector.extract %slice3A_518[0] : i32 from vector<1xi32>
    %dma_start3A_520 = arith.constant 1 : i32
    %dma_start3A_521 = arith.constant 0 : i32
    %dma_start3A_522 = tpu.memref_slice %arg12[%dma_start3A_520, %dma_start3A_521] : memref<16x64xf32, #tpu.memory_space<vmem>> -> memref<1x64xf32, #tpu.memory_space<vmem>>
    %dma_start3A_523 = tpu.memref_squeeze %dma_start3A_522 : memref<1x64xf32, #tpu.memory_space<vmem>> -> memref<64xf32, #tpu.memory_space<vmem>>
    %dma_start3A_524 = arith.constant 0 : i32
    %dma_start3A_525 = tpu.memref_slice %arg2[%squeeze3A_519, %dma_start3A_524] : memref<1000000x64xf32, #tpu.memory_space<hbm>> -> memref<1x64xf32, #tpu.memory_space<hbm>>
    %dma_start3A_526 = tpu.memref_squeeze %dma_start3A_525 : memref<1x64xf32, #tpu.memory_space<hbm>> -> memref<64xf32, #tpu.memory_space<hbm>>
    %dma_start3A_527 = arith.constant 0 : i32
    %dma_start3A_528 = tpu.memref_slice %arg12[%dma_start3A_520, %dma_start3A_527] : memref<16x64xf32, #tpu.memory_space<vmem>> -> memref<1x64xf32, #tpu.memory_space<vmem>>
    %dma_start3A_529 = tpu.memref_squeeze %dma_start3A_528 : memref<1x64xf32, #tpu.memory_space<vmem>> -> memref<64xf32, #tpu.memory_space<vmem>>
    %dma_start3A_530 = arith.constant 0 : i32
    %dma_start3A_531 = tpu.memref_slice %arg2[%squeeze3A_519, %dma_start3A_530] : memref<1000000x64xf32, #tpu.memory_space<hbm>> -> memref<1x64xf32, #tpu.memory_space<hbm>>
    %dma_start3A_532 = tpu.memref_squeeze %dma_start3A_531 : memref<1x64xf32, #tpu.memory_space<hbm>> -> memref<64xf32, #tpu.memory_space<hbm>>
    tpu.enqueue_dma source(%dma_start3A_532 : memref<64xf32, #tpu.memory_space<hbm>>) target(%dma_start3A_529 : memref<64xf32, #tpu.memory_space<vmem>>) target_semaphore(%arg14 : memref<!tpu.dma_semaphore, #tpu.memory_space<semaphore_mem>>)
    %slice3A_533 = vector.extract_strided_slice %get3A_502 {offsets = [2], sizes = [1], strides = [1]} : vector<16xi32> to vector<1xi32>
    %squeeze3A_534 = vector.extract %slice3A_533[0] : i32 from vector<1xi32>
    %dma_start3A_535 = arith.constant 2 : i32
    %dma_start3A_536 = arith.constant 0 : i32
    %dma_start3A_537 = tpu.memref_slice %arg12[%dma_start3A_535, %dma_start3A_536] : memref<16x64xf32, #tpu.memory_space<vmem>> -> memref<1x64xf32, #tpu.memory_space<vmem>>
    %dma_start3A_538 = tpu.memref_squeeze %dma_start3A_537 : memref<1x64xf32, #tpu.memory_space<vmem>> -> memref<64xf32, #tpu.memory_space<vmem>>
    %dma_start3A_539 = arith.constant 0 : i32
    %dma_start3A_540 = tpu.memref_slice %arg2[%squeeze3A_534, %dma_start3A_539] : memref<1000000x64xf32, #tpu.memory_space<hbm>> -> memref<1x64xf32, #tpu.memory_space<hbm>>
    %dma_start3A_541 = tpu.memref_squeeze %dma_start3A_540 : memref<1x64xf32, #tpu.memory_space<hbm>> -> memref<64xf32, #tpu.memory_space<hbm>>
    %dma_start3A_542 = arith.constant 0 : i32
    %dma_start3A_543 = tpu.memref_slice %arg12[%dma_start3A_535, %dma_start3A_542] : memref<16x64xf32, #tpu.memory_space<vmem>> -> memref<1x64xf32, #tpu.memory_space<vmem>>
    %dma_start3A_544 = tpu.memref_squeeze %dma_start3A_543 : memref<1x64xf32, #tpu.memory_space<vmem>> -> memref<64xf32, #tpu.memory_space<vmem>>
    %dma_start3A_545 = arith.constant 0 : i32
    %dma_start3A_546 = tpu.memref_slice %arg2[%squeeze3A_534, %dma_start3A_545] : memref<1000000x64xf32, #tpu.memory_space<hbm>> -> memref<1x64xf32, #tpu.memory_space<hbm>>
    %dma_start3A_547 = tpu.memref_squeeze %dma_start3A_546 : memref<1x64xf32, #tpu.memory_space<hbm>> -> memref<64xf32, #tpu.memory_space<hbm>>
    tpu.enqueue_dma source(%dma_start3A_547 : memref<64xf32, #tpu.memory_space<hbm>>) target(%dma_start3A_544 : memref<64xf32, #tpu.memory_space<vmem>>) target_semaphore(%arg14 : memref<!tpu.dma_semaphore, #tpu.memory_space<semaphore_mem>>)
    %slice3A_548 = vector.extract_strided_slice %get3A_502 {offsets = [3], sizes = [1], strides = [1]} : vector<16xi32> to vector<1xi32>
    %squeeze3A_549 = vector.extract %slice3A_548[0] : i32 from vector<1xi32>
    %dma_start3A_550 = arith.constant 3 : i32
    %dma_start3A_551 = arith.constant 0 : i32
    %dma_start3A_552 = tpu.memref_slice %arg12[%dma_start3A_550, %dma_start3A_551] : memref<16x64xf32, #tpu.memory_space<vmem>> -> memref<1x64xf32, #tpu.memory_space<vmem>>
    %dma_start3A_553 = tpu.memref_squeeze %dma_start3A_552 : memref<1x64xf32, #tpu.memory_space<vmem>> -> memref<64xf32, #tpu.memory_space<vmem>>
    %dma_start3A_554 = arith.constant 0 : i32
    %dma_start3A_555 = tpu.memref_slice %arg2[%squeeze3A_549, %dma_start3A_554] : memref<1000000x64xf32, #tpu.memory_space<hbm>> -> memref<1x64xf32, #tpu.memory_space<hbm>>
    %dma_start3A_556 = tpu.memref_squeeze %dma_start3A_555 : memref<1x64xf32, #tpu.memory_space<hbm>> -> memref<64xf32, #tpu.memory_space<hbm>>
    %dma_start3A_557 = arith.constant 0 : i32
    %dma_start3A_558 = tpu.memref_slice %arg12[%dma_start3A_550, %dma_start3A_557] : memref<16x64xf32, #tpu.memory_space<vmem>> -> memref<1x64xf32, #tpu.memory_space<vmem>>
    %dma_start3A_559 = tpu.memref_squeeze %dma_start3A_558 : memref<1x64xf32, #tpu.memory_space<vmem>> -> memref<64xf32, #tpu.memory_space<vmem>>
    %dma_start3A_560 = arith.constant 0 : i32
    %dma_start3A_561 = tpu.memref_slice %arg2[%squeeze3A_549, %dma_start3A_560] : memref<1000000x64xf32, #tpu.memory_space<hbm>> -> memref<1x64xf32, #tpu.memory_space<hbm>>
    %dma_start3A_562 = tpu.memref_squeeze %dma_start3A_561 : memref<1x64xf32, #tpu.memory_space<hbm>> -> memref<64xf32, #tpu.memory_space<hbm>>
    tpu.enqueue_dma source(%dma_start3A_562 : memref<64xf32, #tpu.memory_space<hbm>>) target(%dma_start3A_559 : memref<64xf32, #tpu.memory_space<vmem>>) target_semaphore(%arg14 : memref<!tpu.dma_semaphore, #tpu.memory_space<semaphore_mem>>)
    %slice3A_563 = vector.extract_strided_slice %get3A_502 {offsets = [4], sizes = [1], strides = [1]} : vector<16xi32> to vector<1xi32>
    %squeeze3A_564 = vector.extract %slice3A_563[0] : i32 from vector<1xi32>
    %dma_start3A_565 = arith.constant 4 : i32
    %dma_start3A_566 = arith.constant 0 : i32
    %dma_start3A_567 = tpu.memref_slice %arg12[%dma_start3A_565, %dma_start3A_566] : memref<16x64xf32, #tpu.memory_space<vmem>> -> memref<1x64xf32, #tpu.memory_space<vmem>>
    %dma_start3A_568 = tpu.memref_squeeze %dma_start3A_567 : memref<1x64xf32, #tpu.memory_space<vmem>> -> memref<64xf32, #tpu.memory_space<vmem>>
    %dma_start3A_569 = arith.constant 0 : i32
    %dma_start3A_570 = tpu.memref_slice %arg2[%squeeze3A_564, %dma_start3A_569] : memref<1000000x64xf32, #tpu.memory_space<hbm>> -> memref<1x64xf32, #tpu.memory_space<hbm>>
    %dma_start3A_571 = tpu.memref_squeeze %dma_start3A_570 : memref<1x64xf32, #tpu.memory_space<hbm>> -> memref<64xf32, #tpu.memory_space<hbm>>
    %dma_start3A_572 = arith.constant 0 : i32
    %dma_start3A_573 = tpu.memref_slice %arg12[%dma_start3A_565, %dma_start3A_572] : memref<16x64xf32, #tpu.memory_space<vmem>> -> memref<1x64xf32, #tpu.memory_space<vmem>>
    %dma_start3A_574 = tpu.memref_squeeze %dma_start3A_573 : memref<1x64xf32, #tpu.memory_space<vmem>> -> memref<64xf32, #tpu.memory_space<vmem>>
    %dma_start3A_575 = arith.constant 0 : i32
    %dma_start3A_576 = tpu.memref_slice %arg2[%squeeze3A_564, %dma_start3A_575] : memref<1000000x64xf32, #tpu.memory_space<hbm>> -> memref<1x64xf32, #tpu.memory_space<hbm>>
    %dma_start3A_577 = tpu.memref_squeeze %dma_start3A_576 : memref<1x64xf32, #tpu.memory_space<hbm>> -> memref<64xf32, #tpu.memory_space<hbm>>
    tpu.enqueue_dma source(%dma_start3A_577 : memref<64xf32, #tpu.memory_space<hbm>>) target(%dma_start3A_574 : memref<64xf32, #tpu.memory_space<vmem>>) target_semaphore(%arg14 : memref<!tpu.dma_semaphore, #tpu.memory_space<semaphore_mem>>)
    %slice3A_578 = vector.extract_strided_slice %get3A_502 {offsets = [5], sizes = [1], strides = [1]} : vector<16xi32> to vector<1xi32>
    %squeeze3A_579 = vector.extract %slice3A_578[0] : i32 from vector<1xi32>
    %dma_start3A_580 = arith.constant 5 : i32
    %dma_start3A_581 = arith.constant 0 : i32
    %dma_start3A_582 = tpu.memref_slice %arg12[%dma_start3A_580, %dma_start3A_581] : memref<16x64xf32, #tpu.memory_space<vmem>> -> memref<1x64xf32, #tpu.memory_space<vmem>>
    %dma_start3A_583 = tpu.memref_squeeze %dma_start3A_582 : memref<1x64xf32, #tpu.memory_space<vmem>> -> memref<64xf32, #tpu.memory_space<vmem>>
    %dma_start3A_584 = arith.constant 0 : i32
    %dma_start3A_585 = tpu.memref_slice %arg2[%squeeze3A_579, %dma_start3A_584] : memref<1000000x64xf32, #tpu.memory_space<hbm>> -> memref<1x64xf32, #tpu.memory_space<hbm>>
    %dma_start3A_586 = tpu.memref_squeeze %dma_start3A_585 : memref<1x64xf32, #tpu.memory_space<hbm>> -> memref<64xf32, #tpu.memory_space<hbm>>
    %dma_start3A_587 = arith.constant 0 : i32
    %dma_start3A_588 = tpu.memref_slice %arg12[%dma_start3A_580, %dma_start3A_587] : memref<16x64xf32, #tpu.memory_space<vmem>> -> memref<1x64xf32, #tpu.memory_space<vmem>>
    %dma_start3A_589 = tpu.memref_squeeze %dma_start3A_588 : memref<1x64xf32, #tpu.memory_space<vmem>> -> memref<64xf32, #tpu.memory_space<vmem>>
    %dma_start3A_590 = arith.constant 0 : i32
    %dma_start3A_591 = tpu.memref_slice %arg2[%squeeze3A_579, %dma_start3A_590] : memref<1000000x64xf32, #tpu.memory_space<hbm>> -> memref<1x64xf32, #tpu.memory_space<hbm>>
    %dma_start3A_592 = tpu.memref_squeeze %dma_start3A_591 : memref<1x64xf32, #tpu.memory_space<hbm>> -> memref<64xf32, #tpu.memory_space<hbm>>
    tpu.enqueue_dma source(%dma_start3A_592 : memref<64xf32, #tpu.memory_space<hbm>>) target(%dma_start3A_589 : memref<64xf32, #tpu.memory_space<vmem>>) target_semaphore(%arg14 : memref<!tpu.dma_semaphore, #tpu.memory_space<semaphore_mem>>)
    %slice3A_593 = vector.extract_strided_slice %get3A_502 {offsets = [6], sizes = [1], strides = [1]} : vector<16xi32> to vector<1xi32>
    %squeeze3A_594 = vector.extract %slice3A_593[0] : i32 from vector<1xi32>
    %dma_start3A_595 = arith.constant 6 : i32
    %dma_start3A_596 = arith.constant 0 : i32
    %dma_start3A_597 = tpu.memref_slice %arg12[%dma_start3A_595, %dma_start3A_596] : memref<16x64xf32, #tpu.memory_space<vmem>> -> memref<1x64xf32, #tpu.memory_space<vmem>>
    %dma_start3A_598 = tpu.memref_squeeze %dma_start3A_597 : memref<1x64xf32, #tpu.memory_space<vmem>> -> memref<64xf32, #tpu.memory_space<vmem>>
    %dma_start3A_599 = arith.constant 0 : i32
    %dma_start3A_600 = tpu.memref_slice %arg2[%squeeze3A_594, %dma_start3A_599] : memref<1000000x64xf32, #tpu.memory_space<hbm>> -> memref<1x64xf32, #tpu.memory_space<hbm>>
    %dma_start3A_601 = tpu.memref_squeeze %dma_start3A_600 : memref<1x64xf32, #tpu.memory_space<hbm>> -> memref<64xf32, #tpu.memory_space<hbm>>
    %dma_start3A_602 = arith.constant 0 : i32
    %dma_start3A_603 = tpu.memref_slice %arg12[%dma_start3A_595, %dma_start3A_602] : memref<16x64xf32, #tpu.memory_space<vmem>> -> memref<1x64xf32, #tpu.memory_space<vmem>>
    %dma_start3A_604 = tpu.memref_squeeze %dma_start3A_603 : memref<1x64xf32, #tpu.memory_space<vmem>> -> memref<64xf32, #tpu.memory_space<vmem>>
    %dma_start3A_605 = arith.constant 0 : i32
    %dma_start3A_606 = tpu.memref_slice %arg2[%squeeze3A_594, %dma_start3A_605] : memref<1000000x64xf32, #tpu.memory_space<hbm>> -> memref<1x64xf32, #tpu.memory_space<hbm>>
    %dma_start3A_607 = tpu.memref_squeeze %dma_start3A_606 : memref<1x64xf32, #tpu.memory_space<hbm>> -> memref<64xf32, #tpu.memory_space<hbm>>
    tpu.enqueue_dma source(%dma_start3A_607 : memref<64xf32, #tpu.memory_space<hbm>>) target(%dma_start3A_604 : memref<64xf32, #tpu.memory_space<vmem>>) target_semaphore(%arg14 : memref<!tpu.dma_semaphore, #tpu.memory_space<semaphore_mem>>)
    %slice3A_608 = vector.extract_strided_slice %get3A_502 {offsets = [7], sizes = [1], strides = [1]} : vector<16xi32> to vector<1xi32>
    %squeeze3A_609 = vector.extract %slice3A_608[0] : i32 from vector<1xi32>
    %dma_start3A_610 = arith.constant 7 : i32
    %dma_start3A_611 = arith.constant 0 : i32
    %dma_start3A_612 = tpu.memref_slice %arg12[%dma_start3A_610, %dma_start3A_611] : memref<16x64xf32, #tpu.memory_space<vmem>> -> memref<1x64xf32, #tpu.memory_space<vmem>>
    %dma_start3A_613 = tpu.memref_squeeze %dma_start3A_612 : memref<1x64xf32, #tpu.memory_space<vmem>> -> memref<64xf32, #tpu.memory_space<vmem>>
    %dma_start3A_614 = arith.constant 0 : i32
    %dma_start3A_615 = tpu.memref_slice %arg2[%squeeze3A_609, %dma_start3A_614] : memref<1000000x64xf32, #tpu.memory_space<hbm>> -> memref<1x64xf32, #tpu.memory_space<hbm>>
    %dma_start3A_616 = tpu.memref_squeeze %dma_start3A_615 : memref<1x64xf32, #tpu.memory_space<hbm>> -> memref<64xf32, #tpu.memory_space<hbm>>
    %dma_start3A_617 = arith.constant 0 : i32
    %dma_start3A_618 = tpu.memref_slice %arg12[%dma_start3A_610, %dma_start3A_617] : memref<16x64xf32, #tpu.memory_space<vmem>> -> memref<1x64xf32, #tpu.memory_space<vmem>>
    %dma_start3A_619 = tpu.memref_squeeze %dma_start3A_618 : memref<1x64xf32, #tpu.memory_space<vmem>> -> memref<64xf32, #tpu.memory_space<vmem>>
    %dma_start3A_620 = arith.constant 0 : i32
    %dma_start3A_621 = tpu.memref_slice %arg2[%squeeze3A_609, %dma_start3A_620] : memref<1000000x64xf32, #tpu.memory_space<hbm>> -> memref<1x64xf32, #tpu.memory_space<hbm>>
    %dma_start3A_622 = tpu.memref_squeeze %dma_start3A_621 : memref<1x64xf32, #tpu.memory_space<hbm>> -> memref<64xf32, #tpu.memory_space<hbm>>
    tpu.enqueue_dma source(%dma_start3A_622 : memref<64xf32, #tpu.memory_space<hbm>>) target(%dma_start3A_619 : memref<64xf32, #tpu.memory_space<vmem>>) target_semaphore(%arg14 : memref<!tpu.dma_semaphore, #tpu.memory_space<semaphore_mem>>)
    %slice3A_623 = vector.extract_strided_slice %get3A_502 {offsets = [8], sizes = [1], strides = [1]} : vector<16xi32> to vector<1xi32>
    %squeeze3A_624 = vector.extract %slice3A_623[0] : i32 from vector<1xi32>
    %dma_start3A_625 = arith.constant 8 : i32
    %dma_start3A_626 = arith.constant 0 : i32
    %dma_start3A_627 = tpu.memref_slice %arg12[%dma_start3A_625, %dma_start3A_626] : memref<16x64xf32, #tpu.memory_space<vmem>> -> memref<1x64xf32, #tpu.memory_space<vmem>>
    %dma_start3A_628 = tpu.memref_squeeze %dma_start3A_627 : memref<1x64xf32, #tpu.memory_space<vmem>> -> memref<64xf32, #tpu.memory_space<vmem>>
    %dma_start3A_629 = arith.constant 0 : i32
    %dma_start3A_630 = tpu.memref_slice %arg2[%squeeze3A_624, %dma_start3A_629] : memref<1000000x64xf32, #tpu.memory_space<hbm>> -> memref<1x64xf32, #tpu.memory_space<hbm>>
    %dma_start3A_631 = tpu.memref_squeeze %dma_start3A_630 : memref<1x64xf32, #tpu.memory_space<hbm>> -> memref<64xf32, #tpu.memory_space<hbm>>
    %dma_start3A_632 = arith.constant 0 : i32
    %dma_start3A_633 = tpu.memref_slice %arg12[%dma_start3A_625, %dma_start3A_632] : memref<16x64xf32, #tpu.memory_space<vmem>> -> memref<1x64xf32, #tpu.memory_space<vmem>>
    %dma_start3A_634 = tpu.memref_squeeze %dma_start3A_633 : memref<1x64xf32, #tpu.memory_space<vmem>> -> memref<64xf32, #tpu.memory_space<vmem>>
    %dma_start3A_635 = arith.constant 0 : i32
    %dma_start3A_636 = tpu.memref_slice %arg2[%squeeze3A_624, %dma_start3A_635] : memref<1000000x64xf32, #tpu.memory_space<hbm>> -> memref<1x64xf32, #tpu.memory_space<hbm>>
    %dma_start3A_637 = tpu.memref_squeeze %dma_start3A_636 : memref<1x64xf32, #tpu.memory_space<hbm>> -> memref<64xf32, #tpu.memory_space<hbm>>
    tpu.enqueue_dma source(%dma_start3A_637 : memref<64xf32, #tpu.memory_space<hbm>>) target(%dma_start3A_634 : memref<64xf32, #tpu.memory_space<vmem>>) target_semaphore(%arg14 : memref<!tpu.dma_semaphore, #tpu.memory_space<semaphore_mem>>)
    %slice3A_638 = vector.extract_strided_slice %get3A_502 {offsets = [9], sizes = [1], strides = [1]} : vector<16xi32> to vector<1xi32>
    %squeeze3A_639 = vector.extract %slice3A_638[0] : i32 from vector<1xi32>
    %dma_start3A_640 = arith.constant 9 : i32
    %dma_start3A_641 = arith.constant 0 : i32
    %dma_start3A_642 = tpu.memref_slice %arg12[%dma_start3A_640, %dma_start3A_641] : memref<16x64xf32, #tpu.memory_space<vmem>> -> memref<1x64xf32, #tpu.memory_space<vmem>>
    %dma_start3A_643 = tpu.memref_squeeze %dma_start3A_642 : memref<1x64xf32, #tpu.memory_space<vmem>> -> memref<64xf32, #tpu.memory_space<vmem>>
    %dma_start3A_644 = arith.constant 0 : i32
    %dma_start3A_645 = tpu.memref_slice %arg2[%squeeze3A_639, %dma_start3A_644] : memref<1000000x64xf32, #tpu.memory_space<hbm>> -> memref<1x64xf32, #tpu.memory_space<hbm>>
    %dma_start3A_646 = tpu.memref_squeeze %dma_start3A_645 : memref<1x64xf32, #tpu.memory_space<hbm>> -> memref<64xf32, #tpu.memory_space<hbm>>
    %dma_start3A_647 = arith.constant 0 : i32
    %dma_start3A_648 = tpu.memref_slice %arg12[%dma_start3A_640, %dma_start3A_647] : memref<16x64xf32, #tpu.memory_space<vmem>> -> memref<1x64xf32, #tpu.memory_space<vmem>>
    %dma_start3A_649 = tpu.memref_squeeze %dma_start3A_648 : memref<1x64xf32, #tpu.memory_space<vmem>> -> memref<64xf32, #tpu.memory_space<vmem>>
    %dma_start3A_650 = arith.constant 0 : i32
    %dma_start3A_651 = tpu.memref_slice %arg2[%squeeze3A_639, %dma_start3A_650] : memref<1000000x64xf32, #tpu.memory_space<hbm>> -> memref<1x64xf32, #tpu.memory_space<hbm>>
    %dma_start3A_652 = tpu.memref_squeeze %dma_start3A_651 : memref<1x64xf32, #tpu.memory_space<hbm>> -> memref<64xf32, #tpu.memory_space<hbm>>
    tpu.enqueue_dma source(%dma_start3A_652 : memref<64xf32, #tpu.memory_space<hbm>>) target(%dma_start3A_649 : memref<64xf32, #tpu.memory_space<vmem>>) target_semaphore(%arg14 : memref<!tpu.dma_semaphore, #tpu.memory_space<semaphore_mem>>)
    %slice3A_653 = vector.extract_strided_slice %get3A_502 {offsets = [10], sizes = [1], strides = [1]} : vector<16xi32> to vector<1xi32>
    %squeeze3A_654 = vector.extract %slice3A_653[0] : i32 from vector<1xi32>
    %dma_start3A_655 = arith.constant 10 : i32
    %dma_start3A_656 = arith.constant 0 : i32
    %dma_start3A_657 = tpu.memref_slice %arg12[%dma_start3A_655, %dma_start3A_656] : memref<16x64xf32, #tpu.memory_space<vmem>> -> memref<1x64xf32, #tpu.memory_space<vmem>>
    %dma_start3A_658 = tpu.memref_squeeze %dma_start3A_657 : memref<1x64xf32, #tpu.memory_space<vmem>> -> memref<64xf32, #tpu.memory_space<vmem>>
    %dma_start3A_659 = arith.constant 0 : i32
    %dma_start3A_660 = tpu.memref_slice %arg2[%squeeze3A_654, %dma_start3A_659] : memref<1000000x64xf32, #tpu.memory_space<hbm>> -> memref<1x64xf32, #tpu.memory_space<hbm>>
    %dma_start3A_661 = tpu.memref_squeeze %dma_start3A_660 : memref<1x64xf32, #tpu.memory_space<hbm>> -> memref<64xf32, #tpu.memory_space<hbm>>
    %dma_start3A_662 = arith.constant 0 : i32
    %dma_start3A_663 = tpu.memref_slice %arg12[%dma_start3A_655, %dma_start3A_662] : memref<16x64xf32, #tpu.memory_space<vmem>> -> memref<1x64xf32, #tpu.memory_space<vmem>>
    %dma_start3A_664 = tpu.memref_squeeze %dma_start3A_663 : memref<1x64xf32, #tpu.memory_space<vmem>> -> memref<64xf32, #tpu.memory_space<vmem>>
    %dma_start3A_665 = arith.constant 0 : i32
    %dma_start3A_666 = tpu.memref_slice %arg2[%squeeze3A_654, %dma_start3A_665] : memref<1000000x64xf32, #tpu.memory_space<hbm>> -> memref<1x64xf32, #tpu.memory_space<hbm>>
    %dma_start3A_667 = tpu.memref_squeeze %dma_start3A_666 : memref<1x64xf32, #tpu.memory_space<hbm>> -> memref<64xf32, #tpu.memory_space<hbm>>
    tpu.enqueue_dma source(%dma_start3A_667 : memref<64xf32, #tpu.memory_space<hbm>>) target(%dma_start3A_664 : memref<64xf32, #tpu.memory_space<vmem>>) target_semaphore(%arg14 : memref<!tpu.dma_semaphore, #tpu.memory_space<semaphore_mem>>)
    %slice3A_668 = vector.extract_strided_slice %get3A_502 {offsets = [11], sizes = [1], strides = [1]} : vector<16xi32> to vector<1xi32>
    %squeeze3A_669 = vector.extract %slice3A_668[0] : i32 from vector<1xi32>
    %dma_start3A_670 = arith.constant 11 : i32
    %dma_start3A_671 = arith.constant 0 : i32
    %dma_start3A_672 = tpu.memref_slice %arg12[%dma_start3A_670, %dma_start3A_671] : memref<16x64xf32, #tpu.memory_space<vmem>> -> memref<1x64xf32, #tpu.memory_space<vmem>>
    %dma_start3A_673 = tpu.memref_squeeze %dma_start3A_672 : memref<1x64xf32, #tpu.memory_space<vmem>> -> memref<64xf32, #tpu.memory_space<vmem>>
    %dma_start3A_674 = arith.constant 0 : i32
    %dma_start3A_675 = tpu.memref_slice %arg2[%squeeze3A_669, %dma_start3A_674] : memref<1000000x64xf32, #tpu.memory_space<hbm>> -> memref<1x64xf32, #tpu.memory_space<hbm>>
    %dma_start3A_676 = tpu.memref_squeeze %dma_start3A_675 : memref<1x64xf32, #tpu.memory_space<hbm>> -> memref<64xf32, #tpu.memory_space<hbm>>
    %dma_start3A_677 = arith.constant 0 : i32
    %dma_start3A_678 = tpu.memref_slice %arg12[%dma_start3A_670, %dma_start3A_677] : memref<16x64xf32, #tpu.memory_space<vmem>> -> memref<1x64xf32, #tpu.memory_space<vmem>>
    %dma_start3A_679 = tpu.memref_squeeze %dma_start3A_678 : memref<1x64xf32, #tpu.memory_space<vmem>> -> memref<64xf32, #tpu.memory_space<vmem>>
    %dma_start3A_680 = arith.constant 0 : i32
    %dma_start3A_681 = tpu.memref_slice %arg2[%squeeze3A_669, %dma_start3A_680] : memref<1000000x64xf32, #tpu.memory_space<hbm>> -> memref<1x64xf32, #tpu.memory_space<hbm>>
    %dma_start3A_682 = tpu.memref_squeeze %dma_start3A_681 : memref<1x64xf32, #tpu.memory_space<hbm>> -> memref<64xf32, #tpu.memory_space<hbm>>
    tpu.enqueue_dma source(%dma_start3A_682 : memref<64xf32, #tpu.memory_space<hbm>>) target(%dma_start3A_679 : memref<64xf32, #tpu.memory_space<vmem>>) target_semaphore(%arg14 : memref<!tpu.dma_semaphore, #tpu.memory_space<semaphore_mem>>)
    %slice3A_683 = vector.extract_strided_slice %get3A_502 {offsets = [12], sizes = [1], strides = [1]} : vector<16xi32> to vector<1xi32>
    %squeeze3A_684 = vector.extract %slice3A_683[0] : i32 from vector<1xi32>
    %dma_start3A_685 = arith.constant 12 : i32
    %dma_start3A_686 = arith.constant 0 : i32
    %dma_start3A_687 = tpu.memref_slice %arg12[%dma_start3A_685, %dma_start3A_686] : memref<16x64xf32, #tpu.memory_space<vmem>> -> memref<1x64xf32, #tpu.memory_space<vmem>>
    %dma_start3A_688 = tpu.memref_squeeze %dma_start3A_687 : memref<1x64xf32, #tpu.memory_space<vmem>> -> memref<64xf32, #tpu.memory_space<vmem>>
    %dma_start3A_689 = arith.constant 0 : i32
    %dma_start3A_690 = tpu.memref_slice %arg2[%squeeze3A_684, %dma_start3A_689] : memref<1000000x64xf32, #tpu.memory_space<hbm>> -> memref<1x64xf32, #tpu.memory_space<hbm>>
    %dma_start3A_691 = tpu.memref_squeeze %dma_start3A_690 : memref<1x64xf32, #tpu.memory_space<hbm>> -> memref<64xf32, #tpu.memory_space<hbm>>
    %dma_start3A_692 = arith.constant 0 : i32
    %dma_start3A_693 = tpu.memref_slice %arg12[%dma_start3A_685, %dma_start3A_692] : memref<16x64xf32, #tpu.memory_space<vmem>> -> memref<1x64xf32, #tpu.memory_space<vmem>>
    %dma_start3A_694 = tpu.memref_squeeze %dma_start3A_693 : memref<1x64xf32, #tpu.memory_space<vmem>> -> memref<64xf32, #tpu.memory_space<vmem>>
    %dma_start3A_695 = arith.constant 0 : i32
    %dma_start3A_696 = tpu.memref_slice %arg2[%squeeze3A_684, %dma_start3A_695] : memref<1000000x64xf32, #tpu.memory_space<hbm>> -> memref<1x64xf32, #tpu.memory_space<hbm>>
    %dma_start3A_697 = tpu.memref_squeeze %dma_start3A_696 : memref<1x64xf32, #tpu.memory_space<hbm>> -> memref<64xf32, #tpu.memory_space<hbm>>
    tpu.enqueue_dma source(%dma_start3A_697 : memref<64xf32, #tpu.memory_space<hbm>>) target(%dma_start3A_694 : memref<64xf32, #tpu.memory_space<vmem>>) target_semaphore(%arg14 : memref<!tpu.dma_semaphore, #tpu.memory_space<semaphore_mem>>)
    %slice3A_698 = vector.extract_strided_slice %get3A_502 {offsets = [13], sizes = [1], strides = [1]} : vector<16xi32> to vector<1xi32>
    %squeeze3A_699 = vector.extract %slice3A_698[0] : i32 from vector<1xi32>
    %dma_start3A_700 = arith.constant 13 : i32
    %dma_start3A_701 = arith.constant 0 : i32
    %dma_start3A_702 = tpu.memref_slice %arg12[%dma_start3A_700, %dma_start3A_701] : memref<16x64xf32, #tpu.memory_space<vmem>> -> memref<1x64xf32, #tpu.memory_space<vmem>>
    %dma_start3A_703 = tpu.memref_squeeze %dma_start3A_702 : memref<1x64xf32, #tpu.memory_space<vmem>> -> memref<64xf32, #tpu.memory_space<vmem>>
    %dma_start3A_704 = arith.constant 0 : i32
    %dma_start3A_705 = tpu.memref_slice %arg2[%squeeze3A_699, %dma_start3A_704] : memref<1000000x64xf32, #tpu.memory_space<hbm>> -> memref<1x64xf32, #tpu.memory_space<hbm>>
    %dma_start3A_706 = tpu.memref_squeeze %dma_start3A_705 : memref<1x64xf32, #tpu.memory_space<hbm>> -> memref<64xf32, #tpu.memory_space<hbm>>
    %dma_start3A_707 = arith.constant 0 : i32
    %dma_start3A_708 = tpu.memref_slice %arg12[%dma_start3A_700, %dma_start3A_707] : memref<16x64xf32, #tpu.memory_space<vmem>> -> memref<1x64xf32, #tpu.memory_space<vmem>>
    %dma_start3A_709 = tpu.memref_squeeze %dma_start3A_708 : memref<1x64xf32, #tpu.memory_space<vmem>> -> memref<64xf32, #tpu.memory_space<vmem>>
    %dma_start3A_710 = arith.constant 0 : i32
    %dma_start3A_711 = tpu.memref_slice %arg2[%squeeze3A_699, %dma_start3A_710] : memref<1000000x64xf32, #tpu.memory_space<hbm>> -> memref<1x64xf32, #tpu.memory_space<hbm>>
    %dma_start3A_712 = tpu.memref_squeeze %dma_start3A_711 : memref<1x64xf32, #tpu.memory_space<hbm>> -> memref<64xf32, #tpu.memory_space<hbm>>
    tpu.enqueue_dma source(%dma_start3A_712 : memref<64xf32, #tpu.memory_space<hbm>>) target(%dma_start3A_709 : memref<64xf32, #tpu.memory_space<vmem>>) target_semaphore(%arg14 : memref<!tpu.dma_semaphore, #tpu.memory_space<semaphore_mem>>)
    %slice3A_713 = vector.extract_strided_slice %get3A_502 {offsets = [14], sizes = [1], strides = [1]} : vector<16xi32> to vector<1xi32>
    %squeeze3A_714 = vector.extract %slice3A_713[0] : i32 from vector<1xi32>
    %dma_start3A_715 = arith.constant 14 : i32
    %dma_start3A_716 = arith.constant 0 : i32
    %dma_start3A_717 = tpu.memref_slice %arg12[%dma_start3A_715, %dma_start3A_716] : memref<16x64xf32, #tpu.memory_space<vmem>> -> memref<1x64xf32, #tpu.memory_space<vmem>>
    %dma_start3A_718 = tpu.memref_squeeze %dma_start3A_717 : memref<1x64xf32, #tpu.memory_space<vmem>> -> memref<64xf32, #tpu.memory_space<vmem>>
    %dma_start3A_719 = arith.constant 0 : i32
    %dma_start3A_720 = tpu.memref_slice %arg2[%squeeze3A_714, %dma_start3A_719] : memref<1000000x64xf32, #tpu.memory_space<hbm>> -> memref<1x64xf32, #tpu.memory_space<hbm>>
    %dma_start3A_721 = tpu.memref_squeeze %dma_start3A_720 : memref<1x64xf32, #tpu.memory_space<hbm>> -> memref<64xf32, #tpu.memory_space<hbm>>
    %dma_start3A_722 = arith.constant 0 : i32
    %dma_start3A_723 = tpu.memref_slice %arg12[%dma_start3A_715, %dma_start3A_722] : memref<16x64xf32, #tpu.memory_space<vmem>> -> memref<1x64xf32, #tpu.memory_space<vmem>>
    %dma_start3A_724 = tpu.memref_squeeze %dma_start3A_723 : memref<1x64xf32, #tpu.memory_space<vmem>> -> memref<64xf32, #tpu.memory_space<vmem>>
    %dma_start3A_725 = arith.constant 0 : i32
    %dma_start3A_726 = tpu.memref_slice %arg2[%squeeze3A_714, %dma_start3A_725] : memref<1000000x64xf32, #tpu.memory_space<hbm>> -> memref<1x64xf32, #tpu.memory_space<hbm>>
    %dma_start3A_727 = tpu.memref_squeeze %dma_start3A_726 : memref<1x64xf32, #tpu.memory_space<hbm>> -> memref<64xf32, #tpu.memory_space<hbm>>
    tpu.enqueue_dma source(%dma_start3A_727 : memref<64xf32, #tpu.memory_space<hbm>>) target(%dma_start3A_724 : memref<64xf32, #tpu.memory_space<vmem>>) target_semaphore(%arg14 : memref<!tpu.dma_semaphore, #tpu.memory_space<semaphore_mem>>)
    %slice3A_728 = vector.extract_strided_slice %get3A_502 {offsets = [15], sizes = [1], strides = [1]} : vector<16xi32> to vector<1xi32>
    %squeeze3A_729 = vector.extract %slice3A_728[0] : i32 from vector<1xi32>
    %dma_start3A_730 = arith.constant 15 : i32
    %dma_start3A_731 = arith.constant 0 : i32
    %dma_start3A_732 = tpu.memref_slice %arg12[%dma_start3A_730, %dma_start3A_731] : memref<16x64xf32, #tpu.memory_space<vmem>> -> memref<1x64xf32, #tpu.memory_space<vmem>>
    %dma_start3A_733 = tpu.memref_squeeze %dma_start3A_732 : memref<1x64xf32, #tpu.memory_space<vmem>> -> memref<64xf32, #tpu.memory_space<vmem>>
    %dma_start3A_734 = arith.constant 0 : i32
    %dma_start3A_735 = tpu.memref_slice %arg2[%squeeze3A_729, %dma_start3A_734] : memref<1000000x64xf32, #tpu.memory_space<hbm>> -> memref<1x64xf32, #tpu.memory_space<hbm>>
    %dma_start3A_736 = tpu.memref_squeeze %dma_start3A_735 : memref<1x64xf32, #tpu.memory_space<hbm>> -> memref<64xf32, #tpu.memory_space<hbm>>
    %dma_start3A_737 = arith.constant 0 : i32
    %dma_start3A_738 = tpu.memref_slice %arg12[%dma_start3A_730, %dma_start3A_737] : memref<16x64xf32, #tpu.memory_space<vmem>> -> memref<1x64xf32, #tpu.memory_space<vmem>>
    %dma_start3A_739 = tpu.memref_squeeze %dma_start3A_738 : memref<1x64xf32, #tpu.memory_space<vmem>> -> memref<64xf32, #tpu.memory_space<vmem>>
    %dma_start3A_740 = arith.constant 0 : i32
    %dma_start3A_741 = tpu.memref_slice %arg2[%squeeze3A_729, %dma_start3A_740] : memref<1000000x64xf32, #tpu.memory_space<hbm>> -> memref<1x64xf32, #tpu.memory_space<hbm>>
    %dma_start3A_742 = tpu.memref_squeeze %dma_start3A_741 : memref<1x64xf32, #tpu.memory_space<hbm>> -> memref<64xf32, #tpu.memory_space<hbm>>
    tpu.enqueue_dma source(%dma_start3A_742 : memref<64xf32, #tpu.memory_space<hbm>>) target(%dma_start3A_739 : memref<64xf32, #tpu.memory_space<vmem>>) target_semaphore(%arg14 : memref<!tpu.dma_semaphore, #tpu.memory_space<semaphore_mem>>)
    %scan3A_743 = arith.constant 0 : i32
    %scan3A_744 = arith.constant 16 : i32
    %scan3A_745 = arith.addi %scan3A_743, %scan3A_744 : i32
    %scan3A_746 = arith.constant 1 : i32
    scf.for %scan3A_748 = %scan3A_743 to %scan3A_745 step %scan3A_746  : i32 {
      %mul3A_749 = arith.constant 1 : i32
      %mul3A_750 = arith.muli %scan3A_748, %mul3A_749 : i32
      %add3A_751 = arith.constant 0 : i32
      %add3A_752 = arith.addi %add3A_751, %mul3A_750 : i32
      %mul3A_753 = arith.constant 2 : i32
      %mul3A_754 = arith.muli %mul3A_753, %add3A_752 : i32
      %add3A_755 = arith.constant 1 : i32
      %add3A_756 = arith.addi %mul3A_754, %add3A_755 : i32
      %get3A_757 = arith.index_cast %add3A_756 : i32 to index
      %get3A_758 = arith.constant 0 : index
      %get3A_759 = tpu.vector_load %arg11[%get3A_757, %get3A_758] {strides = array<i32>} : memref<32x16xi32, #tpu.memory_space<vmem>>, vector<1x16xi32>,
      %get3A_760 = vector.shape_cast %get3A_759 : vector<1x16xi32> to vector<16xi32>
      %slice3A_761 = vector.extract_strided_slice %get3A_760 {offsets = [0], sizes = [1], strides = [1]} : vector<16xi32> to vector<1xi32>
      %squeeze3A_762 = vector.extract %slice3A_761[0] : i32 from vector<1xi32>
      %dma_start3A_763 = arith.constant 0 : i32
      %dma_start3A_764 = arith.constant 0 : i32
      %dma_start3A_765 = tpu.memref_slice %arg13[%dma_start3A_763, %dma_start3A_764] : memref<16x64xf32, #tpu.memory_space<vmem>> -> memref<1x64xf32, #tpu.memory_space<vmem>>
      %dma_start3A_766 = tpu.memref_squeeze %dma_start3A_765 : memref<1x64xf32, #tpu.memory_space<vmem>> -> memref<64xf32, #tpu.memory_space<vmem>>
      %dma_start3A_767 = arith.constant 0 : i32
      %dma_start3A_768 = tpu.memref_slice %arg2[%squeeze3A_762, %dma_start3A_767] : memref<1000000x64xf32, #tpu.memory_space<hbm>> -> memref<1x64xf32, #tpu.memory_space<hbm>>
      %dma_start3A_769 = tpu.memref_squeeze %dma_start3A_768 : memref<1x64xf32, #tpu.memory_space<hbm>> -> memref<64xf32, #tpu.memory_space<hbm>>
      %dma_start3A_770 = arith.constant 0 : i32
      %dma_start3A_771 = tpu.memref_slice %arg13[%dma_start3A_763, %dma_start3A_770] : memref<16x64xf32, #tpu.memory_space<vmem>> -> memref<1x64xf32, #tpu.memory_space<vmem>>
      %dma_start3A_772 = tpu.memref_squeeze %dma_start3A_771 : memref<1x64xf32, #tpu.memory_space<vmem>> -> memref<64xf32, #tpu.memory_space<vmem>>
      %dma_start3A_773 = arith.constant 0 : i32
      %dma_start3A_774 = tpu.memref_slice %arg2[%squeeze3A_762, %dma_start3A_773] : memref<1000000x64xf32, #tpu.memory_space<hbm>> -> memref<1x64xf32, #tpu.memory_space<hbm>>
      %dma_start3A_775 = tpu.memref_squeeze %dma_start3A_774 : memref<1x64xf32, #tpu.memory_space<hbm>> -> memref<64xf32, #tpu.memory_space<hbm>>
      tpu.enqueue_dma source(%dma_start3A_775 : memref<64xf32, #tpu.memory_space<hbm>>) target(%dma_start3A_772 : memref<64xf32, #tpu.memory_space<vmem>>) target_semaphore(%arg15 : memref<!tpu.dma_semaphore, #tpu.memory_space<semaphore_mem>>)
      %slice3A_776 = vector.extract_strided_slice %get3A_760 {offsets = [1], sizes = [1], strides = [1]} : vector<16xi32> to vector<1xi32>
      %squeeze3A_777 = vector.extract %slice3A_776[0] : i32 from vector<1xi32>
      %dma_start3A_778 = arith.constant 1 : i32
      %dma_start3A_779 = arith.constant 0 : i32
      %dma_start3A_780 = tpu.memref_slice %arg13[%dma_start3A_778, %dma_start3A_779] : memref<16x64xf32, #tpu.memory_space<vmem>> -> memref<1x64xf32, #tpu.memory_space<vmem>>
      %dma_start3A_781 = tpu.memref_squeeze %dma_start3A_780 : memref<1x64xf32, #tpu.memory_space<vmem>> -> memref<64xf32, #tpu.memory_space<vmem>>
      %dma_start3A_782 = arith.constant 0 : i32
      %dma_start3A_783 = tpu.memref_slice %arg2[%squeeze3A_777, %dma_start3A_782] : memref<1000000x64xf32, #tpu.memory_space<hbm>> -> memref<1x64xf32, #tpu.memory_space<hbm>>
      %dma_start3A_784 = tpu.memref_squeeze %dma_start3A_783 : memref<1x64xf32, #tpu.memory_space<hbm>> -> memref<64xf32, #tpu.memory_space<hbm>>
      %dma_start3A_785 = arith.constant 0 : i32
      %dma_start3A_786 = tpu.memref_slice %arg13[%dma_start3A_778, %dma_start3A_785] : memref<16x64xf32, #tpu.memory_space<vmem>> -> memref<1x64xf32, #tpu.memory_space<vmem>>
      %dma_start3A_787 = tpu.memref_squeeze %dma_start3A_786 : memref<1x64xf32, #tpu.memory_space<vmem>> -> memref<64xf32, #tpu.memory_space<vmem>>
      %dma_start3A_788 = arith.constant 0 : i32
      %dma_start3A_789 = tpu.memref_slice %arg2[%squeeze3A_777, %dma_start3A_788] : memref<1000000x64xf32, #tpu.memory_space<hbm>> -> memref<1x64xf32, #tpu.memory_space<hbm>>
      %dma_start3A_790 = tpu.memref_squeeze %dma_start3A_789 : memref<1x64xf32, #tpu.memory_space<hbm>> -> memref<64xf32, #tpu.memory_space<hbm>>
      tpu.enqueue_dma source(%dma_start3A_790 : memref<64xf32, #tpu.memory_space<hbm>>) target(%dma_start3A_787 : memref<64xf32, #tpu.memory_space<vmem>>) target_semaphore(%arg15 : memref<!tpu.dma_semaphore, #tpu.memory_space<semaphore_mem>>)
      %slice3A_791 = vector.extract_strided_slice %get3A_760 {offsets = [2], sizes = [1], strides = [1]} : vector<16xi32> to vector<1xi32>
      %squeeze3A_792 = vector.extract %slice3A_791[0] : i32 from vector<1xi32>
      %dma_start3A_793 = arith.constant 2 : i32
      %dma_start3A_794 = arith.constant 0 : i32
      %dma_start3A_795 = tpu.memref_slice %arg13[%dma_start3A_793, %dma_start3A_794] : memref<16x64xf32, #tpu.memory_space<vmem>> -> memref<1x64xf32, #tpu.memory_space<vmem>>
      %dma_start3A_796 = tpu.memref_squeeze %dma_start3A_795 : memref<1x64xf32, #tpu.memory_space<vmem>> -> memref<64xf32, #tpu.memory_space<vmem>>
      %dma_start3A_797 = arith.constant 0 : i32
      %dma_start3A_798 = tpu.memref_slice %arg2[%squeeze3A_792, %dma_start3A_797] : memref<1000000x64xf32, #tpu.memory_space<hbm>> -> memref<1x64xf32, #tpu.memory_space<hbm>>
      %dma_start3A_799 = tpu.memref_squeeze %dma_start3A_798 : memref<1x64xf32, #tpu.memory_space<hbm>> -> memref<64xf32, #tpu.memory_space<hbm>>
      %dma_start3A_800 = arith.constant 0 : i32
      %dma_start3A_801 = tpu.memref_slice %arg13[%dma_start3A_793, %dma_start3A_800] : memref<16x64xf32, #tpu.memory_space<vmem>> -> memref<1x64xf32, #tpu.memory_space<vmem>>
      %dma_start3A_802 = tpu.memref_squeeze %dma_start3A_801 : memref<1x64xf32, #tpu.memory_space<vmem>> -> memref<64xf32, #tpu.memory_space<vmem>>
      %dma_start3A_803 = arith.constant 0 : i32
      %dma_start3A_804 = tpu.memref_slice %arg2[%squeeze3A_792, %dma_start3A_803] : memref<1000000x64xf32, #tpu.memory_space<hbm>> -> memref<1x64xf32, #tpu.memory_space<hbm>>
      %dma_start3A_805 = tpu.memref_squeeze %dma_start3A_804 : memref<1x64xf32, #tpu.memory_space<hbm>> -> memref<64xf32, #tpu.memory_space<hbm>>
      tpu.enqueue_dma source(%dma_start3A_805 : memref<64xf32, #tpu.memory_space<hbm>>) target(%dma_start3A_802 : memref<64xf32, #tpu.memory_space<vmem>>) target_semaphore(%arg15 : memref<!tpu.dma_semaphore, #tpu.memory_space<semaphore_mem>>)
      %slice3A_806 = vector.extract_strided_slice %get3A_760 {offsets = [3], sizes = [1], strides = [1]} : vector<16xi32> to vector<1xi32>
      %squeeze3A_807 = vector.extract %slice3A_806[0] : i32 from vector<1xi32>
      %dma_start3A_808 = arith.constant 3 : i32
      %dma_start3A_809 = arith.constant 0 : i32
      %dma_start3A_810 = tpu.memref_slice %arg13[%dma_start3A_808, %dma_start3A_809] : memref<16x64xf32, #tpu.memory_space<vmem>> -> memref<1x64xf32, #tpu.memory_space<vmem>>
      %dma_start3A_811 = tpu.memref_squeeze %dma_start3A_810 : memref<1x64xf32, #tpu.memory_space<vmem>> -> memref<64xf32, #tpu.memory_space<vmem>>
      %dma_start3A_812 = arith.constant 0 : i32
      %dma_start3A_813 = tpu.memref_slice %arg2[%squeeze3A_807, %dma_start3A_812] : memref<1000000x64xf32, #tpu.memory_space<hbm>> -> memref<1x64xf32, #tpu.memory_space<hbm>>
      %dma_start3A_814 = tpu.memref_squeeze %dma_start3A_813 : memref<1x64xf32, #tpu.memory_space<hbm>> -> memref<64xf32, #tpu.memory_space<hbm>>
      %dma_start3A_815 = arith.constant 0 : i32
      %dma_start3A_816 = tpu.memref_slice %arg13[%dma_start3A_808, %dma_start3A_815] : memref<16x64xf32, #tpu.memory_space<vmem>> -> memref<1x64xf32, #tpu.memory_space<vmem>>
      %dma_start3A_817 = tpu.memref_squeeze %dma_start3A_816 : memref<1x64xf32, #tpu.memory_space<vmem>> -> memref<64xf32, #tpu.memory_space<vmem>>
      %dma_start3A_818 = arith.constant 0 : i32
      %dma_start3A_819 = tpu.memref_slice %arg2[%squeeze3A_807, %dma_start3A_818] : memref<1000000x64xf32, #tpu.memory_space<hbm>> -> memref<1x64xf32, #tpu.memory_space<hbm>>
      %dma_start3A_820 = tpu.memref_squeeze %dma_start3A_819 : memref<1x64xf32, #tpu.memory_space<hbm>> -> memref<64xf32, #tpu.memory_space<hbm>>
      tpu.enqueue_dma source(%dma_start3A_820 : memref<64xf32, #tpu.memory_space<hbm>>) target(%dma_start3A_817 : memref<64xf32, #tpu.memory_space<vmem>>) target_semaphore(%arg15 : memref<!tpu.dma_semaphore, #tpu.memory_space<semaphore_mem>>)
      %slice3A_821 = vector.extract_strided_slice %get3A_760 {offsets = [4], sizes = [1], strides = [1]} : vector<16xi32> to vector<1xi32>
      %squeeze3A_822 = vector.extract %slice3A_821[0] : i32 from vector<1xi32>
      %dma_start3A_823 = arith.constant 4 : i32
      %dma_start3A_824 = arith.constant 0 : i32
      %dma_start3A_825 = tpu.memref_slice %arg13[%dma_start3A_823, %dma_start3A_824] : memref<16x64xf32, #tpu.memory_space<vmem>> -> memref<1x64xf32, #tpu.memory_space<vmem>>
      %dma_start3A_826 = tpu.memref_squeeze %dma_start3A_825 : memref<1x64xf32, #tpu.memory_space<vmem>> -> memref<64xf32, #tpu.memory_space<vmem>>
      %dma_start3A_827 = arith.constant 0 : i32
      %dma_start3A_828 = tpu.memref_slice %arg2[%squeeze3A_822, %dma_start3A_827] : memref<1000000x64xf32, #tpu.memory_space<hbm>> -> memref<1x64xf32, #tpu.memory_space<hbm>>
      %dma_start3A_829 = tpu.memref_squeeze %dma_start3A_828 : memref<1x64xf32, #tpu.memory_space<hbm>> -> memref<64xf32, #tpu.memory_space<hbm>>
      %dma_start3A_830 = arith.constant 0 : i32
      %dma_start3A_831 = tpu.memref_slice %arg13[%dma_start3A_823, %dma_start3A_830] : memref<16x64xf32, #tpu.memory_space<vmem>> -> memref<1x64xf32, #tpu.memory_space<vmem>>
      %dma_start3A_832 = tpu.memref_squeeze %dma_start3A_831 : memref<1x64xf32, #tpu.memory_space<vmem>> -> memref<64xf32, #tpu.memory_space<vmem>>
      %dma_start3A_833 = arith.constant 0 : i32
      %dma_start3A_834 = tpu.memref_slice %arg2[%squeeze3A_822, %dma_start3A_833] : memref<1000000x64xf32, #tpu.memory_space<hbm>> -> memref<1x64xf32, #tpu.memory_space<hbm>>
      %dma_start3A_835 = tpu.memref_squeeze %dma_start3A_834 : memref<1x64xf32, #tpu.memory_space<hbm>> -> memref<64xf32, #tpu.memory_space<hbm>>
      tpu.enqueue_dma source(%dma_start3A_835 : memref<64xf32, #tpu.memory_space<hbm>>) target(%dma_start3A_832 : memref<64xf32, #tpu.memory_space<vmem>>) target_semaphore(%arg15 : memref<!tpu.dma_semaphore, #tpu.memory_space<semaphore_mem>>)
      %slice3A_836 = vector.extract_strided_slice %get3A_760 {offsets = [5], sizes = [1], strides = [1]} : vector<16xi32> to vector<1xi32>
      %squeeze3A_837 = vector.extract %slice3A_836[0] : i32 from vector<1xi32>
      %dma_start3A_838 = arith.constant 5 : i32
      %dma_start3A_839 = arith.constant 0 : i32
      %dma_start3A_840 = tpu.memref_slice %arg13[%dma_start3A_838, %dma_start3A_839] : memref<16x64xf32, #tpu.memory_space<vmem>> -> memref<1x64xf32, #tpu.memory_space<vmem>>
      %dma_start3A_841 = tpu.memref_squeeze %dma_start3A_840 : memref<1x64xf32, #tpu.memory_space<vmem>> -> memref<64xf32, #tpu.memory_space<vmem>>
      %dma_start3A_842 = arith.constant 0 : i32
      %dma_start3A_843 = tpu.memref_slice %arg2[%squeeze3A_837, %dma_start3A_842] : memref<1000000x64xf32, #tpu.memory_space<hbm>> -> memref<1x64xf32, #tpu.memory_space<hbm>>
      %dma_start3A_844 = tpu.memref_squeeze %dma_start3A_843 : memref<1x64xf32, #tpu.memory_space<hbm>> -> memref<64xf32, #tpu.memory_space<hbm>>
      %dma_start3A_845 = arith.constant 0 : i32
      %dma_start3A_846 = tpu.memref_slice %arg13[%dma_start3A_838, %dma_start3A_845] : memref<16x64xf32, #tpu.memory_space<vmem>> -> memref<1x64xf32, #tpu.memory_space<vmem>>
      %dma_start3A_847 = tpu.memref_squeeze %dma_start3A_846 : memref<1x64xf32, #tpu.memory_space<vmem>> -> memref<64xf32, #tpu.memory_space<vmem>>
      %dma_start3A_848 = arith.constant 0 : i32
      %dma_start3A_849 = tpu.memref_slice %arg2[%squeeze3A_837, %dma_start3A_848] : memref<1000000x64xf32, #tpu.memory_space<hbm>> -> memref<1x64xf32, #tpu.memory_space<hbm>>
      %dma_start3A_850 = tpu.memref_squeeze %dma_start3A_849 : memref<1x64xf32, #tpu.memory_space<hbm>> -> memref<64xf32, #tpu.memory_space<hbm>>
      tpu.enqueue_dma source(%dma_start3A_850 : memref<64xf32, #tpu.memory_space<hbm>>) target(%dma_start3A_847 : memref<64xf32, #tpu.memory_space<vmem>>) target_semaphore(%arg15 : memref<!tpu.dma_semaphore, #tpu.memory_space<semaphore_mem>>)
      %slice3A_851 = vector.extract_strided_slice %get3A_760 {offsets = [6], sizes = [1], strides = [1]} : vector<16xi32> to vector<1xi32>
      %squeeze3A_852 = vector.extract %slice3A_851[0] : i32 from vector<1xi32>
      %dma_start3A_853 = arith.constant 6 : i32
      %dma_start3A_854 = arith.constant 0 : i32
      %dma_start3A_855 = tpu.memref_slice %arg13[%dma_start3A_853, %dma_start3A_854] : memref<16x64xf32, #tpu.memory_space<vmem>> -> memref<1x64xf32, #tpu.memory_space<vmem>>
      %dma_start3A_856 = tpu.memref_squeeze %dma_start3A_855 : memref<1x64xf32, #tpu.memory_space<vmem>> -> memref<64xf32, #tpu.memory_space<vmem>>
      %dma_start3A_857 = arith.constant 0 : i32
      %dma_start3A_858 = tpu.memref_slice %arg2[%squeeze3A_852, %dma_start3A_857] : memref<1000000x64xf32, #tpu.memory_space<hbm>> -> memref<1x64xf32, #tpu.memory_space<hbm>>
      %dma_start3A_859 = tpu.memref_squeeze %dma_start3A_858 : memref<1x64xf32, #tpu.memory_space<hbm>> -> memref<64xf32, #tpu.memory_space<hbm>>
      %dma_start3A_860 = arith.constant 0 : i32
      %dma_start3A_861 = tpu.memref_slice %arg13[%dma_start3A_853, %dma_start3A_860] : memref<16x64xf32, #tpu.memory_space<vmem>> -> memref<1x64xf32, #tpu.memory_space<vmem>>
      %dma_start3A_862 = tpu.memref_squeeze %dma_start3A_861 : memref<1x64xf32, #tpu.memory_space<vmem>> -> memref<64xf32, #tpu.memory_space<vmem>>
      %dma_start3A_863 = arith.constant 0 : i32
      %dma_start3A_864 = tpu.memref_slice %arg2[%squeeze3A_852, %dma_start3A_863] : memref<1000000x64xf32, #tpu.memory_space<hbm>> -> memref<1x64xf32, #tpu.memory_space<hbm>>
      %dma_start3A_865 = tpu.memref_squeeze %dma_start3A_864 : memref<1x64xf32, #tpu.memory_space<hbm>> -> memref<64xf32, #tpu.memory_space<hbm>>
      tpu.enqueue_dma source(%dma_start3A_865 : memref<64xf32, #tpu.memory_space<hbm>>) target(%dma_start3A_862 : memref<64xf32, #tpu.memory_space<vmem>>) target_semaphore(%arg15 : memref<!tpu.dma_semaphore, #tpu.memory_space<semaphore_mem>>)
      %slice3A_866 = vector.extract_strided_slice %get3A_760 {offsets = [7], sizes = [1], strides = [1]} : vector<16xi32> to vector<1xi32>
      %squeeze3A_867 = vector.extract %slice3A_866[0] : i32 from vector<1xi32>
      %dma_start3A_868 = arith.constant 7 : i32
      %dma_start3A_869 = arith.constant 0 : i32
      %dma_start3A_870 = tpu.memref_slice %arg13[%dma_start3A_868, %dma_start3A_869] : memref<16x64xf32, #tpu.memory_space<vmem>> -> memref<1x64xf32, #tpu.memory_space<vmem>>
      %dma_start3A_871 = tpu.memref_squeeze %dma_start3A_870 : memref<1x64xf32, #tpu.memory_space<vmem>> -> memref<64xf32, #tpu.memory_space<vmem>>
      %dma_start3A_872 = arith.constant 0 : i32
      %dma_start3A_873 = tpu.memref_slice %arg2[%squeeze3A_867, %dma_start3A_872] : memref<1000000x64xf32, #tpu.memory_space<hbm>> -> memref<1x64xf32, #tpu.memory_space<hbm>>
      %dma_start3A_874 = tpu.memref_squeeze %dma_start3A_873 : memref<1x64xf32, #tpu.memory_space<hbm>> -> memref<64xf32, #tpu.memory_space<hbm>>
      %dma_start3A_875 = arith.constant 0 : i32
      %dma_start3A_876 = tpu.memref_slice %arg13[%dma_start3A_868, %dma_start3A_875] : memref<16x64xf32, #tpu.memory_space<vmem>> -> memref<1x64xf32, #tpu.memory_space<vmem>>
      %dma_start3A_877 = tpu.memref_squeeze %dma_start3A_876 : memref<1x64xf32, #tpu.memory_space<vmem>> -> memref<64xf32, #tpu.memory_space<vmem>>
      %dma_start3A_878 = arith.constant 0 : i32
      %dma_start3A_879 = tpu.memref_slice %arg2[%squeeze3A_867, %dma_start3A_878] : memref<1000000x64xf32, #tpu.memory_space<hbm>> -> memref<1x64xf32, #tpu.memory_space<hbm>>
      %dma_start3A_880 = tpu.memref_squeeze %dma_start3A_879 : memref<1x64xf32, #tpu.memory_space<hbm>> -> memref<64xf32, #tpu.memory_space<hbm>>
      tpu.enqueue_dma source(%dma_start3A_880 : memref<64xf32, #tpu.memory_space<hbm>>) target(%dma_start3A_877 : memref<64xf32, #tpu.memory_space<vmem>>) target_semaphore(%arg15 : memref<!tpu.dma_semaphore, #tpu.memory_space<semaphore_mem>>)
      %slice3A_881 = vector.extract_strided_slice %get3A_760 {offsets = [8], sizes = [1], strides = [1]} : vector<16xi32> to vector<1xi32>
      %squeeze3A_882 = vector.extract %slice3A_881[0] : i32 from vector<1xi32>
      %dma_start3A_883 = arith.constant 8 : i32
      %dma_start3A_884 = arith.constant 0 : i32
      %dma_start3A_885 = tpu.memref_slice %arg13[%dma_start3A_883, %dma_start3A_884] : memref<16x64xf32, #tpu.memory_space<vmem>> -> memref<1x64xf32, #tpu.memory_space<vmem>>
      %dma_start3A_886 = tpu.memref_squeeze %dma_start3A_885 : memref<1x64xf32, #tpu.memory_space<vmem>> -> memref<64xf32, #tpu.memory_space<vmem>>
      %dma_start3A_887 = arith.constant 0 : i32
      %dma_start3A_888 = tpu.memref_slice %arg2[%squeeze3A_882, %dma_start3A_887] : memref<1000000x64xf32, #tpu.memory_space<hbm>> -> memref<1x64xf32, #tpu.memory_space<hbm>>
      %dma_start3A_889 = tpu.memref_squeeze %dma_start3A_888 : memref<1x64xf32, #tpu.memory_space<hbm>> -> memref<64xf32, #tpu.memory_space<hbm>>
      %dma_start3A_890 = arith.constant 0 : i32
      %dma_start3A_891 = tpu.memref_slice %arg13[%dma_start3A_883, %dma_start3A_890] : memref<16x64xf32, #tpu.memory_space<vmem>> -> memref<1x64xf32, #tpu.memory_space<vmem>>
      %dma_start3A_892 = tpu.memref_squeeze %dma_start3A_891 : memref<1x64xf32, #tpu.memory_space<vmem>> -> memref<64xf32, #tpu.memory_space<vmem>>
      %dma_start3A_893 = arith.constant 0 : i32
      %dma_start3A_894 = tpu.memref_slice %arg2[%squeeze3A_882, %dma_start3A_893] : memref<1000000x64xf32, #tpu.memory_space<hbm>> -> memref<1x64xf32, #tpu.memory_space<hbm>>
      %dma_start3A_895 = tpu.memref_squeeze %dma_start3A_894 : memref<1x64xf32, #tpu.memory_space<hbm>> -> memref<64xf32, #tpu.memory_space<hbm>>
      tpu.enqueue_dma source(%dma_start3A_895 : memref<64xf32, #tpu.memory_space<hbm>>) target(%dma_start3A_892 : memref<64xf32, #tpu.memory_space<vmem>>) target_semaphore(%arg15 : memref<!tpu.dma_semaphore, #tpu.memory_space<semaphore_mem>>)
      %slice3A_896 = vector.extract_strided_slice %get3A_760 {offsets = [9], sizes = [1], strides = [1]} : vector<16xi32> to vector<1xi32>
      %squeeze3A_897 = vector.extract %slice3A_896[0] : i32 from vector<1xi32>
      %dma_start3A_898 = arith.constant 9 : i32
      %dma_start3A_899 = arith.constant 0 : i32
      %dma_start3A_900 = tpu.memref_slice %arg13[%dma_start3A_898, %dma_start3A_899] : memref<16x64xf32, #tpu.memory_space<vmem>> -> memref<1x64xf32, #tpu.memory_space<vmem>>
      %dma_start3A_901 = tpu.memref_squeeze %dma_start3A_900 : memref<1x64xf32, #tpu.memory_space<vmem>> -> memref<64xf32, #tpu.memory_space<vmem>>
      %dma_start3A_902 = arith.constant 0 : i32
      %dma_start3A_903 = tpu.memref_slice %arg2[%squeeze3A_897, %dma_start3A_902] : memref<1000000x64xf32, #tpu.memory_space<hbm>> -> memref<1x64xf32, #tpu.memory_space<hbm>>
      %dma_start3A_904 = tpu.memref_squeeze %dma_start3A_903 : memref<1x64xf32, #tpu.memory_space<hbm>> -> memref<64xf32, #tpu.memory_space<hbm>>
      %dma_start3A_905 = arith.constant 0 : i32
      %dma_start3A_906 = tpu.memref_slice %arg13[%dma_start3A_898, %dma_start3A_905] : memref<16x64xf32, #tpu.memory_space<vmem>> -> memref<1x64xf32, #tpu.memory_space<vmem>>
      %dma_start3A_907 = tpu.memref_squeeze %dma_start3A_906 : memref<1x64xf32, #tpu.memory_space<vmem>> -> memref<64xf32, #tpu.memory_space<vmem>>
      %dma_start3A_908 = arith.constant 0 : i32
      %dma_start3A_909 = tpu.memref_slice %arg2[%squeeze3A_897, %dma_start3A_908] : memref<1000000x64xf32, #tpu.memory_space<hbm>> -> memref<1x64xf32, #tpu.memory_space<hbm>>
      %dma_start3A_910 = tpu.memref_squeeze %dma_start3A_909 : memref<1x64xf32, #tpu.memory_space<hbm>> -> memref<64xf32, #tpu.memory_space<hbm>>
      tpu.enqueue_dma source(%dma_start3A_910 : memref<64xf32, #tpu.memory_space<hbm>>) target(%dma_start3A_907 : memref<64xf32, #tpu.memory_space<vmem>>) target_semaphore(%arg15 : memref<!tpu.dma_semaphore, #tpu.memory_space<semaphore_mem>>)
      %slice3A_911 = vector.extract_strided_slice %get3A_760 {offsets = [10], sizes = [1], strides = [1]} : vector<16xi32> to vector<1xi32>
      %squeeze3A_912 = vector.extract %slice3A_911[0] : i32 from vector<1xi32>
      %dma_start3A_913 = arith.constant 10 : i32
      %dma_start3A_914 = arith.constant 0 : i32
      %dma_start3A_915 = tpu.memref_slice %arg13[%dma_start3A_913, %dma_start3A_914] : memref<16x64xf32, #tpu.memory_space<vmem>> -> memref<1x64xf32, #tpu.memory_space<vmem>>
      %dma_start3A_916 = tpu.memref_squeeze %dma_start3A_915 : memref<1x64xf32, #tpu.memory_space<vmem>> -> memref<64xf32, #tpu.memory_space<vmem>>
      %dma_start3A_917 = arith.constant 0 : i32
      %dma_start3A_918 = tpu.memref_slice %arg2[%squeeze3A_912, %dma_start3A_917] : memref<1000000x64xf32, #tpu.memory_space<hbm>> -> memref<1x64xf32, #tpu.memory_space<hbm>>
      %dma_start3A_919 = tpu.memref_squeeze %dma_start3A_918 : memref<1x64xf32, #tpu.memory_space<hbm>> -> memref<64xf32, #tpu.memory_space<hbm>>
      %dma_start3A_920 = arith.constant 0 : i32
      %dma_start3A_921 = tpu.memref_slice %arg13[%dma_start3A_913, %dma_start3A_920] : memref<16x64xf32, #tpu.memory_space<vmem>> -> memref<1x64xf32, #tpu.memory_space<vmem>>
      %dma_start3A_922 = tpu.memref_squeeze %dma_start3A_921 : memref<1x64xf32, #tpu.memory_space<vmem>> -> memref<64xf32, #tpu.memory_space<vmem>>
      %dma_start3A_923 = arith.constant 0 : i32
      %dma_start3A_924 = tpu.memref_slice %arg2[%squeeze3A_912, %dma_start3A_923] : memref<1000000x64xf32, #tpu.memory_space<hbm>> -> memref<1x64xf32, #tpu.memory_space<hbm>>
      %dma_start3A_925 = tpu.memref_squeeze %dma_start3A_924 : memref<1x64xf32, #tpu.memory_space<hbm>> -> memref<64xf32, #tpu.memory_space<hbm>>
      tpu.enqueue_dma source(%dma_start3A_925 : memref<64xf32, #tpu.memory_space<hbm>>) target(%dma_start3A_922 : memref<64xf32, #tpu.memory_space<vmem>>) target_semaphore(%arg15 : memref<!tpu.dma_semaphore, #tpu.memory_space<semaphore_mem>>)
      %slice3A_926 = vector.extract_strided_slice %get3A_760 {offsets = [11], sizes = [1], strides = [1]} : vector<16xi32> to vector<1xi32>
      %squeeze3A_927 = vector.extract %slice3A_926[0] : i32 from vector<1xi32>
      %dma_start3A_928 = arith.constant 11 : i32
      %dma_start3A_929 = arith.constant 0 : i32
      %dma_start3A_930 = tpu.memref_slice %arg13[%dma_start3A_928, %dma_start3A_929] : memref<16x64xf32, #tpu.memory_space<vmem>> -> memref<1x64xf32, #tpu.memory_space<vmem>>
      %dma_start3A_931 = tpu.memref_squeeze %dma_start3A_930 : memref<1x64xf32, #tpu.memory_space<vmem>> -> memref<64xf32, #tpu.memory_space<vmem>>
      %dma_start3A_932 = arith.constant 0 : i32
      %dma_start3A_933 = tpu.memref_slice %arg2[%squeeze3A_927, %dma_start3A_932] : memref<1000000x64xf32, #tpu.memory_space<hbm>> -> memref<1x64xf32, #tpu.memory_space<hbm>>
      %dma_start3A_934 = tpu.memref_squeeze %dma_start3A_933 : memref<1x64xf32, #tpu.memory_space<hbm>> -> memref<64xf32, #tpu.memory_space<hbm>>
      %dma_start3A_935 = arith.constant 0 : i32
      %dma_start3A_936 = tpu.memref_slice %arg13[%dma_start3A_928, %dma_start3A_935] : memref<16x64xf32, #tpu.memory_space<vmem>> -> memref<1x64xf32, #tpu.memory_space<vmem>>
      %dma_start3A_937 = tpu.memref_squeeze %dma_start3A_936 : memref<1x64xf32, #tpu.memory_space<vmem>> -> memref<64xf32, #tpu.memory_space<vmem>>
      %dma_start3A_938 = arith.constant 0 : i32
      %dma_start3A_939 = tpu.memref_slice %arg2[%squeeze3A_927, %dma_start3A_938] : memref<1000000x64xf32, #tpu.memory_space<hbm>> -> memref<1x64xf32, #tpu.memory_space<hbm>>
      %dma_start3A_940 = tpu.memref_squeeze %dma_start3A_939 : memref<1x64xf32, #tpu.memory_space<hbm>> -> memref<64xf32, #tpu.memory_space<hbm>>
      tpu.enqueue_dma source(%dma_start3A_940 : memref<64xf32, #tpu.memory_space<hbm>>) target(%dma_start3A_937 : memref<64xf32, #tpu.memory_space<vmem>>) target_semaphore(%arg15 : memref<!tpu.dma_semaphore, #tpu.memory_space<semaphore_mem>>)
      %slice3A_941 = vector.extract_strided_slice %get3A_760 {offsets = [12], sizes = [1], strides = [1]} : vector<16xi32> to vector<1xi32>
      %squeeze3A_942 = vector.extract %slice3A_941[0] : i32 from vector<1xi32>
      %dma_start3A_943 = arith.constant 12 : i32
      %dma_start3A_944 = arith.constant 0 : i32
      %dma_start3A_945 = tpu.memref_slice %arg13[%dma_start3A_943, %dma_start3A_944] : memref<16x64xf32, #tpu.memory_space<vmem>> -> memref<1x64xf32, #tpu.memory_space<vmem>>
      %dma_start3A_946 = tpu.memref_squeeze %dma_start3A_945 : memref<1x64xf32, #tpu.memory_space<vmem>> -> memref<64xf32, #tpu.memory_space<vmem>>
      %dma_start3A_947 = arith.constant 0 : i32
      %dma_start3A_948 = tpu.memref_slice %arg2[%squeeze3A_942, %dma_start3A_947] : memref<1000000x64xf32, #tpu.memory_space<hbm>> -> memref<1x64xf32, #tpu.memory_space<hbm>>
      %dma_start3A_949 = tpu.memref_squeeze %dma_start3A_948 : memref<1x64xf32, #tpu.memory_space<hbm>> -> memref<64xf32, #tpu.memory_space<hbm>>
      %dma_start3A_950 = arith.constant 0 : i32
      %dma_start3A_951 = tpu.memref_slice %arg13[%dma_start3A_943, %dma_start3A_950] : memref<16x64xf32, #tpu.memory_space<vmem>> -> memref<1x64xf32, #tpu.memory_space<vmem>>
      %dma_start3A_952 = tpu.memref_squeeze %dma_start3A_951 : memref<1x64xf32, #tpu.memory_space<vmem>> -> memref<64xf32, #tpu.memory_space<vmem>>
      %dma_start3A_953 = arith.constant 0 : i32
      %dma_start3A_954 = tpu.memref_slice %arg2[%squeeze3A_942, %dma_start3A_953] : memref<1000000x64xf32, #tpu.memory_space<hbm>> -> memref<1x64xf32, #tpu.memory_space<hbm>>
      %dma_start3A_955 = tpu.memref_squeeze %dma_start3A_954 : memref<1x64xf32, #tpu.memory_space<hbm>> -> memref<64xf32, #tpu.memory_space<hbm>>
      tpu.enqueue_dma source(%dma_start3A_955 : memref<64xf32, #tpu.memory_space<hbm>>) target(%dma_start3A_952 : memref<64xf32, #tpu.memory_space<vmem>>) target_semaphore(%arg15 : memref<!tpu.dma_semaphore, #tpu.memory_space<semaphore_mem>>)
      %slice3A_956 = vector.extract_strided_slice %get3A_760 {offsets = [13], sizes = [1], strides = [1]} : vector<16xi32> to vector<1xi32>
      %squeeze3A_957 = vector.extract %slice3A_956[0] : i32 from vector<1xi32>
      %dma_start3A_958 = arith.constant 13 : i32
      %dma_start3A_959 = arith.constant 0 : i32
      %dma_start3A_960 = tpu.memref_slice %arg13[%dma_start3A_958, %dma_start3A_959] : memref<16x64xf32, #tpu.memory_space<vmem>> -> memref<1x64xf32, #tpu.memory_space<vmem>>
      %dma_start3A_961 = tpu.memref_squeeze %dma_start3A_960 : memref<1x64xf32, #tpu.memory_space<vmem>> -> memref<64xf32, #tpu.memory_space<vmem>>
      %dma_start3A_962 = arith.constant 0 : i32
      %dma_start3A_963 = tpu.memref_slice %arg2[%squeeze3A_957, %dma_start3A_962] : memref<1000000x64xf32, #tpu.memory_space<hbm>> -> memref<1x64xf32, #tpu.memory_space<hbm>>
      %dma_start3A_964 = tpu.memref_squeeze %dma_start3A_963 : memref<1x64xf32, #tpu.memory_space<hbm>> -> memref<64xf32, #tpu.memory_space<hbm>>
      %dma_start3A_965 = arith.constant 0 : i32
      %dma_start3A_966 = tpu.memref_slice %arg13[%dma_start3A_958, %dma_start3A_965] : memref<16x64xf32, #tpu.memory_space<vmem>> -> memref<1x64xf32, #tpu.memory_space<vmem>>
      %dma_start3A_967 = tpu.memref_squeeze %dma_start3A_966 : memref<1x64xf32, #tpu.memory_space<vmem>> -> memref<64xf32, #tpu.memory_space<vmem>>
      %dma_start3A_968 = arith.constant 0 : i32
      %dma_start3A_969 = tpu.memref_slice %arg2[%squeeze3A_957, %dma_start3A_968] : memref<1000000x64xf32, #tpu.memory_space<hbm>> -> memref<1x64xf32, #tpu.memory_space<hbm>>
      %dma_start3A_970 = tpu.memref_squeeze %dma_start3A_969 : memref<1x64xf32, #tpu.memory_space<hbm>> -> memref<64xf32, #tpu.memory_space<hbm>>
      tpu.enqueue_dma source(%dma_start3A_970 : memref<64xf32, #tpu.memory_space<hbm>>) target(%dma_start3A_967 : memref<64xf32, #tpu.memory_space<vmem>>) target_semaphore(%arg15 : memref<!tpu.dma_semaphore, #tpu.memory_space<semaphore_mem>>)
      %slice3A_971 = vector.extract_strided_slice %get3A_760 {offsets = [14], sizes = [1], strides = [1]} : vector<16xi32> to vector<1xi32>
      %squeeze3A_972 = vector.extract %slice3A_971[0] : i32 from vector<1xi32>
      %dma_start3A_973 = arith.constant 14 : i32
      %dma_start3A_974 = arith.constant 0 : i32
      %dma_start3A_975 = tpu.memref_slice %arg13[%dma_start3A_973, %dma_start3A_974] : memref<16x64xf32, #tpu.memory_space<vmem>> -> memref<1x64xf32, #tpu.memory_space<vmem>>
      %dma_start3A_976 = tpu.memref_squeeze %dma_start3A_975 : memref<1x64xf32, #tpu.memory_space<vmem>> -> memref<64xf32, #tpu.memory_space<vmem>>
      %dma_start3A_977 = arith.constant 0 : i32
      %dma_start3A_978 = tpu.memref_slice %arg2[%squeeze3A_972, %dma_start3A_977] : memref<1000000x64xf32, #tpu.memory_space<hbm>> -> memref<1x64xf32, #tpu.memory_space<hbm>>
      %dma_start3A_979 = tpu.memref_squeeze %dma_start3A_978 : memref<1x64xf32, #tpu.memory_space<hbm>> -> memref<64xf32, #tpu.memory_space<hbm>>
      %dma_start3A_980 = arith.constant 0 : i32
      %dma_start3A_981 = tpu.memref_slice %arg13[%dma_start3A_973, %dma_start3A_980] : memref<16x64xf32, #tpu.memory_space<vmem>> -> memref<1x64xf32, #tpu.memory_space<vmem>>
      %dma_start3A_982 = tpu.memref_squeeze %dma_start3A_981 : memref<1x64xf32, #tpu.memory_space<vmem>> -> memref<64xf32, #tpu.memory_space<vmem>>
      %dma_start3A_983 = arith.constant 0 : i32
      %dma_start3A_984 = tpu.memref_slice %arg2[%squeeze3A_972, %dma_start3A_983] : memref<1000000x64xf32, #tpu.memory_space<hbm>> -> memref<1x64xf32, #tpu.memory_space<hbm>>
      %dma_start3A_985 = tpu.memref_squeeze %dma_start3A_984 : memref<1x64xf32, #tpu.memory_space<hbm>> -> memref<64xf32, #tpu.memory_space<hbm>>
      tpu.enqueue_dma source(%dma_start3A_985 : memref<64xf32, #tpu.memory_space<hbm>>) target(%dma_start3A_982 : memref<64xf32, #tpu.memory_space<vmem>>) target_semaphore(%arg15 : memref<!tpu.dma_semaphore, #tpu.memory_space<semaphore_mem>>)
      %slice3A_986 = vector.extract_strided_slice %get3A_760 {offsets = [15], sizes = [1], strides = [1]} : vector<16xi32> to vector<1xi32>
      %squeeze3A_987 = vector.extract %slice3A_986[0] : i32 from vector<1xi32>
      %dma_start3A_988 = arith.constant 15 : i32
      %dma_start3A_989 = arith.constant 0 : i32
      %dma_start3A_990 = tpu.memref_slice %arg13[%dma_start3A_988, %dma_start3A_989] : memref<16x64xf32, #tpu.memory_space<vmem>> -> memref<1x64xf32, #tpu.memory_space<vmem>>
      %dma_start3A_991 = tpu.memref_squeeze %dma_start3A_990 : memref<1x64xf32, #tpu.memory_space<vmem>> -> memref<64xf32, #tpu.memory_space<vmem>>
      %dma_start3A_992 = arith.constant 0 : i32
      %dma_start3A_993 = tpu.memref_slice %arg2[%squeeze3A_987, %dma_start3A_992] : memref<1000000x64xf32, #tpu.memory_space<hbm>> -> memref<1x64xf32, #tpu.memory_space<hbm>>
      %dma_start3A_994 = tpu.memref_squeeze %dma_start3A_993 : memref<1x64xf32, #tpu.memory_space<hbm>> -> memref<64xf32, #tpu.memory_space<hbm>>
      %dma_start3A_995 = arith.constant 0 : i32
      %dma_start3A_996 = tpu.memref_slice %arg13[%dma_start3A_988, %dma_start3A_995] : memref<16x64xf32, #tpu.memory_space<vmem>> -> memref<1x64xf32, #tpu.memory_space<vmem>>
      %dma_start3A_997 = tpu.memref_squeeze %dma_start3A_996 : memref<1x64xf32, #tpu.memory_space<vmem>> -> memref<64xf32, #tpu.memory_space<vmem>>
      %dma_start3A_998 = arith.constant 0 : i32
      %dma_start3A_999 = tpu.memref_slice %arg2[%squeeze3A_987, %dma_start3A_998] : memref<1000000x64xf32, #tpu.memory_space<hbm>> -> memref<1x64xf32, #tpu.memory_space<hbm>>
      %dma_start3A_1000 = tpu.memref_squeeze %dma_start3A_999 : memref<1x64xf32, #tpu.memory_space<hbm>> -> memref<64xf32, #tpu.memory_space<hbm>>
      tpu.enqueue_dma source(%dma_start3A_1000 : memref<64xf32, #tpu.memory_space<hbm>>) target(%dma_start3A_997 : memref<64xf32, #tpu.memory_space<vmem>>) target_semaphore(%arg15 : memref<!tpu.dma_semaphore, #tpu.memory_space<semaphore_mem>>)
      %dma_wait3A = arith.constant 0 : i32
      %dma_wait3A_1001 = arith.constant 0 : i32
      %dma_wait3A_1002 = tpu.memref_slice %arg2[%dma_wait3A, %dma_wait3A_1001] : memref<1000000x64xf32, #tpu.memory_space<hbm>> -> memref<16x64xf32, #tpu.memory_space<hbm>>
      %dma_wait3A_1003 = arith.constant 0 : i32
      %dma_wait3A_1004 = arith.constant 0 : i32
      %dma_wait3A_1005 = tpu.memref_slice %arg2[%dma_wait3A_1003, %dma_wait3A_1004] : memref<1000000x64xf32, #tpu.memory_space<hbm>> -> memref<16x64xf32, #tpu.memory_space<hbm>>
      tpu.wait_dma2 semaphore(%arg14 : memref<!tpu.dma_semaphore, #tpu.memory_space<semaphore_mem>>) src(%dma_wait3A_1005 : memref<16x64xf32, #tpu.memory_space<hbm>>) dst(%arg12 : memref<16x64xf32, #tpu.memory_space<vmem>>)
      %mul3A_1006 = arith.constant 32 : i32
      %mul3A_1007 = arith.muli %add3A_752, %mul3A_1006 : i32
      %add3A_1008 = arith.addi %mul3A_2, %mul3A_1007 : i32
      %dma_start3A_1009 = arith.constant 0 : i32
      %dma_start3A_1010 = tpu.memref_slice %arg8[%add3A_1008, %dma_start3A_1009] : memref<16384x64xf32, #tpu.memory_space<hbm>> -> memref<16x64xf32, #tpu.memory_space<hbm>>
      %dma_start3A_1011 = arith.constant 0 : i32
      %dma_start3A_1012 = tpu.memref_slice %arg8[%add3A_1008, %dma_start3A_1011] : memref<16384x64xf32, #tpu.memory_space<hbm>> -> memref<16x64xf32, #tpu.memory_space<hbm>>
      tpu.enqueue_dma source(%arg12 : memref<16x64xf32, #tpu.memory_space<vmem>>) target(%dma_start3A_1012 : memref<16x64xf32, #tpu.memory_space<hbm>>) target_semaphore(%arg16 : memref<!tpu.dma_semaphore, #tpu.memory_space<semaphore_mem>>)
      %lt3A = arith.constant 15 : i32
      %lt3A_1013 = arith.cmpi slt, %add3A_752, %lt3A : i32
      %convert_element_type3A = arith.extui %lt3A_1013 : i1 to i32
      %cond3A = arith.constant 0 : i32
      %cond3A_1014 = arith.cmpi ne, %convert_element_type3A, %cond3A : i32
      scf.if %cond3A_1014 {
        %mul3A_1038 = arith.constant 2 : i32
        %mul3A_1039 = arith.muli %mul3A_1038, %add3A_752 : i32
        %add3A_1040 = arith.constant 2 : i32
        %add3A_1041 = arith.addi %mul3A_1039, %add3A_1040 : i32
        %get3A_1042 = arith.index_cast %add3A_1041 : i32 to index
        %get3A_1043 = arith.constant 0 : index
        %get3A_1044 = tpu.vector_load %arg11[%get3A_1042, %get3A_1043] {strides = array<i32>} : memref<32x16xi32, #tpu.memory_space<vmem>>, vector<1x16xi32>,
        %get3A_1045 = vector.shape_cast %get3A_1044 : vector<1x16xi32> to vector<16xi32>
        %slice3A_1046 = vector.extract_strided_slice %get3A_1045 {offsets = [0], sizes = [1], strides = [1]} : vector<16xi32> to vector<1xi32>
        %squeeze3A_1047 = vector.extract %slice3A_1046[0] : i32 from vector<1xi32>
        %dma_start3A_1048 = arith.constant 0 : i32
        %dma_start3A_1049 = arith.constant 0 : i32
        %dma_start3A_1050 = tpu.memref_slice %arg12[%dma_start3A_1048, %dma_start3A_1049] : memref<16x64xf32, #tpu.memory_space<vmem>> -> memref<1x64xf32, #tpu.memory_space<vmem>>
        %dma_start3A_1051 = tpu.memref_squeeze %dma_start3A_1050 : memref<1x64xf32, #tpu.memory_space<vmem>> -> memref<64xf32, #tpu.memory_space<vmem>>
        %dma_start3A_1052 = arith.constant 0 : i32
        %dma_start3A_1053 = tpu.memref_slice %arg2[%squeeze3A_1047, %dma_start3A_1052] : memref<1000000x64xf32, #tpu.memory_space<hbm>> -> memref<1x64xf32, #tpu.memory_space<hbm>>
        %dma_start3A_1054 = tpu.memref_squeeze %dma_start3A_1053 : memref<1x64xf32, #tpu.memory_space<hbm>> -> memref<64xf32, #tpu.memory_space<hbm>>
        %dma_start3A_1055 = arith.constant 0 : i32
        %dma_start3A_1056 = tpu.memref_slice %arg12[%dma_start3A_1048, %dma_start3A_1055] : memref<16x64xf32, #tpu.memory_space<vmem>> -> memref<1x64xf32, #tpu.memory_space<vmem>>
        %dma_start3A_1057 = tpu.memref_squeeze %dma_start3A_1056 : memref<1x64xf32, #tpu.memory_space<vmem>> -> memref<64xf32, #tpu.memory_space<vmem>>
        %dma_start3A_1058 = arith.constant 0 : i32
        %dma_start3A_1059 = tpu.memref_slice %arg2[%squeeze3A_1047, %dma_start3A_1058] : memref<1000000x64xf32, #tpu.memory_space<hbm>> -> memref<1x64xf32, #tpu.memory_space<hbm>>
        %dma_start3A_1060 = tpu.memref_squeeze %dma_start3A_1059 : memref<1x64xf32, #tpu.memory_space<hbm>> -> memref<64xf32, #tpu.memory_space<hbm>>
        tpu.enqueue_dma source(%dma_start3A_1060 : memref<64xf32, #tpu.memory_space<hbm>>) target(%dma_start3A_1057 : memref<64xf32, #tpu.memory_space<vmem>>) target_semaphore(%arg14 : memref<!tpu.dma_semaphore, #tpu.memory_space<semaphore_mem>>)
        %slice3A_1061 = vector.extract_strided_slice %get3A_1045 {offsets = [1], sizes = [1], strides = [1]} : vector<16xi32> to vector<1xi32>
        %squeeze3A_1062 = vector.extract %slice3A_1061[0] : i32 from vector<1xi32>
        %dma_start3A_1063 = arith.constant 1 : i32
        %dma_start3A_1064 = arith.constant 0 : i32
        %dma_start3A_1065 = tpu.memref_slice %arg12[%dma_start3A_1063, %dma_start3A_1064] : memref<16x64xf32, #tpu.memory_space<vmem>> -> memref<1x64xf32, #tpu.memory_space<vmem>>
        %dma_start3A_1066 = tpu.memref_squeeze %dma_start3A_1065 : memref<1x64xf32, #tpu.memory_space<vmem>> -> memref<64xf32, #tpu.memory_space<vmem>>
        %dma_start3A_1067 = arith.constant 0 : i32
        %dma_start3A_1068 = tpu.memref_slice %arg2[%squeeze3A_1062, %dma_start3A_1067] : memref<1000000x64xf32, #tpu.memory_space<hbm>> -> memref<1x64xf32, #tpu.memory_space<hbm>>
        %dma_start3A_1069 = tpu.memref_squeeze %dma_start3A_1068 : memref<1x64xf32, #tpu.memory_space<hbm>> -> memref<64xf32, #tpu.memory_space<hbm>>
        %dma_start3A_1070 = arith.constant 0 : i32
        %dma_start3A_1071 = tpu.memref_slice %arg12[%dma_start3A_1063, %dma_start3A_1070] : memref<16x64xf32, #tpu.memory_space<vmem>> -> memref<1x64xf32, #tpu.memory_space<vmem>>
        %dma_start3A_1072 = tpu.memref_squeeze %dma_start3A_1071 : memref<1x64xf32, #tpu.memory_space<vmem>> -> memref<64xf32, #tpu.memory_space<vmem>>
        %dma_start3A_1073 = arith.constant 0 : i32
        %dma_start3A_1074 = tpu.memref_slice %arg2[%squeeze3A_1062, %dma_start3A_1073] : memref<1000000x64xf32, #tpu.memory_space<hbm>> -> memref<1x64xf32, #tpu.memory_space<hbm>>
        %dma_start3A_1075 = tpu.memref_squeeze %dma_start3A_1074 : memref<1x64xf32, #tpu.memory_space<hbm>> -> memref<64xf32, #tpu.memory_space<hbm>>
        tpu.enqueue_dma source(%dma_start3A_1075 : memref<64xf32, #tpu.memory_space<hbm>>) target(%dma_start3A_1072 : memref<64xf32, #tpu.memory_space<vmem>>) target_semaphore(%arg14 : memref<!tpu.dma_semaphore, #tpu.memory_space<semaphore_mem>>)
        %slice3A_1076 = vector.extract_strided_slice %get3A_1045 {offsets = [2], sizes = [1], strides = [1]} : vector<16xi32> to vector<1xi32>
        %squeeze3A_1077 = vector.extract %slice3A_1076[0] : i32 from vector<1xi32>
        %dma_start3A_1078 = arith.constant 2 : i32
        %dma_start3A_1079 = arith.constant 0 : i32
        %dma_start3A_1080 = tpu.memref_slice %arg12[%dma_start3A_1078, %dma_start3A_1079] : memref<16x64xf32, #tpu.memory_space<vmem>> -> memref<1x64xf32, #tpu.memory_space<vmem>>
        %dma_start3A_1081 = tpu.memref_squeeze %dma_start3A_1080 : memref<1x64xf32, #tpu.memory_space<vmem>> -> memref<64xf32, #tpu.memory_space<vmem>>
        %dma_start3A_1082 = arith.constant 0 : i32
        %dma_start3A_1083 = tpu.memref_slice %arg2[%squeeze3A_1077, %dma_start3A_1082] : memref<1000000x64xf32, #tpu.memory_space<hbm>> -> memref<1x64xf32, #tpu.memory_space<hbm>>
        %dma_start3A_1084 = tpu.memref_squeeze %dma_start3A_1083 : memref<1x64xf32, #tpu.memory_space<hbm>> -> memref<64xf32, #tpu.memory_space<hbm>>
        %dma_start3A_1085 = arith.constant 0 : i32
        %dma_start3A_1086 = tpu.memref_slice %arg12[%dma_start3A_1078, %dma_start3A_1085] : memref<16x64xf32, #tpu.memory_space<vmem>> -> memref<1x64xf32, #tpu.memory_space<vmem>>
        %dma_start3A_1087 = tpu.memref_squeeze %dma_start3A_1086 : memref<1x64xf32, #tpu.memory_space<vmem>> -> memref<64xf32, #tpu.memory_space<vmem>>
        %dma_start3A_1088 = arith.constant 0 : i32
        %dma_start3A_1089 = tpu.memref_slice %arg2[%squeeze3A_1077, %dma_start3A_1088] : memref<1000000x64xf32, #tpu.memory_space<hbm>> -> memref<1x64xf32, #tpu.memory_space<hbm>>
        %dma_start3A_1090 = tpu.memref_squeeze %dma_start3A_1089 : memref<1x64xf32, #tpu.memory_space<hbm>> -> memref<64xf32, #tpu.memory_space<hbm>>
        tpu.enqueue_dma source(%dma_start3A_1090 : memref<64xf32, #tpu.memory_space<hbm>>) target(%dma_start3A_1087 : memref<64xf32, #tpu.memory_space<vmem>>) target_semaphore(%arg14 : memref<!tpu.dma_semaphore, #tpu.memory_space<semaphore_mem>>)
        %slice3A_1091 = vector.extract_strided_slice %get3A_1045 {offsets = [3], sizes = [1], strides = [1]} : vector<16xi32> to vector<1xi32>
        %squeeze3A_1092 = vector.extract %slice3A_1091[0] : i32 from vector<1xi32>
        %dma_start3A_1093 = arith.constant 3 : i32
        %dma_start3A_1094 = arith.constant 0 : i32
        %dma_start3A_1095 = tpu.memref_slice %arg12[%dma_start3A_1093, %dma_start3A_1094] : memref<16x64xf32, #tpu.memory_space<vmem>> -> memref<1x64xf32, #tpu.memory_space<vmem>>
        %dma_start3A_1096 = tpu.memref_squeeze %dma_start3A_1095 : memref<1x64xf32, #tpu.memory_space<vmem>> -> memref<64xf32, #tpu.memory_space<vmem>>
        %dma_start3A_1097 = arith.constant 0 : i32
        %dma_start3A_1098 = tpu.memref_slice %arg2[%squeeze3A_1092, %dma_start3A_1097] : memref<1000000x64xf32, #tpu.memory_space<hbm>> -> memref<1x64xf32, #tpu.memory_space<hbm>>
        %dma_start3A_1099 = tpu.memref_squeeze %dma_start3A_1098 : memref<1x64xf32, #tpu.memory_space<hbm>> -> memref<64xf32, #tpu.memory_space<hbm>>
        %dma_start3A_1100 = arith.constant 0 : i32
        %dma_start3A_1101 = tpu.memref_slice %arg12[%dma_start3A_1093, %dma_start3A_1100] : memref<16x64xf32, #tpu.memory_space<vmem>> -> memref<1x64xf32, #tpu.memory_space<vmem>>
        %dma_start3A_1102 = tpu.memref_squeeze %dma_start3A_1101 : memref<1x64xf32, #tpu.memory_space<vmem>> -> memref<64xf32, #tpu.memory_space<vmem>>
        %dma_start3A_1103 = arith.constant 0 : i32
        %dma_start3A_1104 = tpu.memref_slice %arg2[%squeeze3A_1092, %dma_start3A_1103] : memref<1000000x64xf32, #tpu.memory_space<hbm>> -> memref<1x64xf32, #tpu.memory_space<hbm>>
        %dma_start3A_1105 = tpu.memref_squeeze %dma_start3A_1104 : memref<1x64xf32, #tpu.memory_space<hbm>> -> memref<64xf32, #tpu.memory_space<hbm>>
        tpu.enqueue_dma source(%dma_start3A_1105 : memref<64xf32, #tpu.memory_space<hbm>>) target(%dma_start3A_1102 : memref<64xf32, #tpu.memory_space<vmem>>) target_semaphore(%arg14 : memref<!tpu.dma_semaphore, #tpu.memory_space<semaphore_mem>>)
        %slice3A_1106 = vector.extract_strided_slice %get3A_1045 {offsets = [4], sizes = [1], strides = [1]} : vector<16xi32> to vector<1xi32>
        %squeeze3A_1107 = vector.extract %slice3A_1106[0] : i32 from vector<1xi32>
        %dma_start3A_1108 = arith.constant 4 : i32
        %dma_start3A_1109 = arith.constant 0 : i32
        %dma_start3A_1110 = tpu.memref_slice %arg12[%dma_start3A_1108, %dma_start3A_1109] : memref<16x64xf32, #tpu.memory_space<vmem>> -> memref<1x64xf32, #tpu.memory_space<vmem>>
        %dma_start3A_1111 = tpu.memref_squeeze %dma_start3A_1110 : memref<1x64xf32, #tpu.memory_space<vmem>> -> memref<64xf32, #tpu.memory_space<vmem>>
        %dma_start3A_1112 = arith.constant 0 : i32
        %dma_start3A_1113 = tpu.memref_slice %arg2[%squeeze3A_1107, %dma_start3A_1112] : memref<1000000x64xf32, #tpu.memory_space<hbm>> -> memref<1x64xf32, #tpu.memory_space<hbm>>
        %dma_start3A_1114 = tpu.memref_squeeze %dma_start3A_1113 : memref<1x64xf32, #tpu.memory_space<hbm>> -> memref<64xf32, #tpu.memory_space<hbm>>
        %dma_start3A_1115 = arith.constant 0 : i32
        %dma_start3A_1116 = tpu.memref_slice %arg12[%dma_start3A_1108, %dma_start3A_1115] : memref<16x64xf32, #tpu.memory_space<vmem>> -> memref<1x64xf32, #tpu.memory_space<vmem>>
        %dma_start3A_1117 = tpu.memref_squeeze %dma_start3A_1116 : memref<1x64xf32, #tpu.memory_space<vmem>> -> memref<64xf32, #tpu.memory_space<vmem>>
        %dma_start3A_1118 = arith.constant 0 : i32
        %dma_start3A_1119 = tpu.memref_slice %arg2[%squeeze3A_1107, %dma_start3A_1118] : memref<1000000x64xf32, #tpu.memory_space<hbm>> -> memref<1x64xf32, #tpu.memory_space<hbm>>
        %dma_start3A_1120 = tpu.memref_squeeze %dma_start3A_1119 : memref<1x64xf32, #tpu.memory_space<hbm>> -> memref<64xf32, #tpu.memory_space<hbm>>
        tpu.enqueue_dma source(%dma_start3A_1120 : memref<64xf32, #tpu.memory_space<hbm>>) target(%dma_start3A_1117 : memref<64xf32, #tpu.memory_space<vmem>>) target_semaphore(%arg14 : memref<!tpu.dma_semaphore, #tpu.memory_space<semaphore_mem>>)
        %slice3A_1121 = vector.extract_strided_slice %get3A_1045 {offsets = [5], sizes = [1], strides = [1]} : vector<16xi32> to vector<1xi32>
        %squeeze3A_1122 = vector.extract %slice3A_1121[0] : i32 from vector<1xi32>
        %dma_start3A_1123 = arith.constant 5 : i32
        %dma_start3A_1124 = arith.constant 0 : i32
        %dma_start3A_1125 = tpu.memref_slice %arg12[%dma_start3A_1123, %dma_start3A_1124] : memref<16x64xf32, #tpu.memory_space<vmem>> -> memref<1x64xf32, #tpu.memory_space<vmem>>
        %dma_start3A_1126 = tpu.memref_squeeze %dma_start3A_1125 : memref<1x64xf32, #tpu.memory_space<vmem>> -> memref<64xf32, #tpu.memory_space<vmem>>
        %dma_start3A_1127 = arith.constant 0 : i32
        %dma_start3A_1128 = tpu.memref_slice %arg2[%squeeze3A_1122, %dma_start3A_1127] : memref<1000000x64xf32, #tpu.memory_space<hbm>> -> memref<1x64xf32, #tpu.memory_space<hbm>>
        %dma_start3A_1129 = tpu.memref_squeeze %dma_start3A_1128 : memref<1x64xf32, #tpu.memory_space<hbm>> -> memref<64xf32, #tpu.memory_space<hbm>>
        %dma_start3A_1130 = arith.constant 0 : i32
        %dma_start3A_1131 = tpu.memref_slice %arg12[%dma_start3A_1123, %dma_start3A_1130] : memref<16x64xf32, #tpu.memory_space<vmem>> -> memref<1x64xf32, #tpu.memory_space<vmem>>
        %dma_start3A_1132 = tpu.memref_squeeze %dma_start3A_1131 : memref<1x64xf32, #tpu.memory_space<vmem>> -> memref<64xf32, #tpu.memory_space<vmem>>
        %dma_start3A_1133 = arith.constant 0 : i32
        %dma_start3A_1134 = tpu.memref_slice %arg2[%squeeze3A_1122, %dma_start3A_1133] : memref<1000000x64xf32, #tpu.memory_space<hbm>> -> memref<1x64xf32, #tpu.memory_space<hbm>>
        %dma_start3A_1135 = tpu.memref_squeeze %dma_start3A_1134 : memref<1x64xf32, #tpu.memory_space<hbm>> -> memref<64xf32, #tpu.memory_space<hbm>>
        tpu.enqueue_dma source(%dma_start3A_1135 : memref<64xf32, #tpu.memory_space<hbm>>) target(%dma_start3A_1132 : memref<64xf32, #tpu.memory_space<vmem>>) target_semaphore(%arg14 : memref<!tpu.dma_semaphore, #tpu.memory_space<semaphore_mem>>)
        %slice3A_1136 = vector.extract_strided_slice %get3A_1045 {offsets = [6], sizes = [1], strides = [1]} : vector<16xi32> to vector<1xi32>
        %squeeze3A_1137 = vector.extract %slice3A_1136[0] : i32 from vector<1xi32>
        %dma_start3A_1138 = arith.constant 6 : i32
        %dma_start3A_1139 = arith.constant 0 : i32
        %dma_start3A_1140 = tpu.memref_slice %arg12[%dma_start3A_1138, %dma_start3A_1139] : memref<16x64xf32, #tpu.memory_space<vmem>> -> memref<1x64xf32, #tpu.memory_space<vmem>>
        %dma_start3A_1141 = tpu.memref_squeeze %dma_start3A_1140 : memref<1x64xf32, #tpu.memory_space<vmem>> -> memref<64xf32, #tpu.memory_space<vmem>>
        %dma_start3A_1142 = arith.constant 0 : i32
        %dma_start3A_1143 = tpu.memref_slice %arg2[%squeeze3A_1137, %dma_start3A_1142] : memref<1000000x64xf32, #tpu.memory_space<hbm>> -> memref<1x64xf32, #tpu.memory_space<hbm>>
        %dma_start3A_1144 = tpu.memref_squeeze %dma_start3A_1143 : memref<1x64xf32, #tpu.memory_space<hbm>> -> memref<64xf32, #tpu.memory_space<hbm>>
        %dma_start3A_1145 = arith.constant 0 : i32
        %dma_start3A_1146 = tpu.memref_slice %arg12[%dma_start3A_1138, %dma_start3A_1145] : memref<16x64xf32, #tpu.memory_space<vmem>> -> memref<1x64xf32, #tpu.memory_space<vmem>>
        %dma_start3A_1147 = tpu.memref_squeeze %dma_start3A_1146 : memref<1x64xf32, #tpu.memory_space<vmem>> -> memref<64xf32, #tpu.memory_space<vmem>>
        %dma_start3A_1148 = arith.constant 0 : i32
        %dma_start3A_1149 = tpu.memref_slice %arg2[%squeeze3A_1137, %dma_start3A_1148] : memref<1000000x64xf32, #tpu.memory_space<hbm>> -> memref<1x64xf32, #tpu.memory_space<hbm>>
        %dma_start3A_1150 = tpu.memref_squeeze %dma_start3A_1149 : memref<1x64xf32, #tpu.memory_space<hbm>> -> memref<64xf32, #tpu.memory_space<hbm>>
        tpu.enqueue_dma source(%dma_start3A_1150 : memref<64xf32, #tpu.memory_space<hbm>>) target(%dma_start3A_1147 : memref<64xf32, #tpu.memory_space<vmem>>) target_semaphore(%arg14 : memref<!tpu.dma_semaphore, #tpu.memory_space<semaphore_mem>>)
        %slice3A_1151 = vector.extract_strided_slice %get3A_1045 {offsets = [7], sizes = [1], strides = [1]} : vector<16xi32> to vector<1xi32>
        %squeeze3A_1152 = vector.extract %slice3A_1151[0] : i32 from vector<1xi32>
        %dma_start3A_1153 = arith.constant 7 : i32
        %dma_start3A_1154 = arith.constant 0 : i32
        %dma_start3A_1155 = tpu.memref_slice %arg12[%dma_start3A_1153, %dma_start3A_1154] : memref<16x64xf32, #tpu.memory_space<vmem>> -> memref<1x64xf32, #tpu.memory_space<vmem>>
        %dma_start3A_1156 = tpu.memref_squeeze %dma_start3A_1155 : memref<1x64xf32, #tpu.memory_space<vmem>> -> memref<64xf32, #tpu.memory_space<vmem>>
        %dma_start3A_1157 = arith.constant 0 : i32
        %dma_start3A_1158 = tpu.memref_slice %arg2[%squeeze3A_1152, %dma_start3A_1157] : memref<1000000x64xf32, #tpu.memory_space<hbm>> -> memref<1x64xf32, #tpu.memory_space<hbm>>
        %dma_start3A_1159 = tpu.memref_squeeze %dma_start3A_1158 : memref<1x64xf32, #tpu.memory_space<hbm>> -> memref<64xf32, #tpu.memory_space<hbm>>
        %dma_start3A_1160 = arith.constant 0 : i32
        %dma_start3A_1161 = tpu.memref_slice %arg12[%dma_start3A_1153, %dma_start3A_1160] : memref<16x64xf32, #tpu.memory_space<vmem>> -> memref<1x64xf32, #tpu.memory_space<vmem>>
        %dma_start3A_1162 = tpu.memref_squeeze %dma_start3A_1161 : memref<1x64xf32, #tpu.memory_space<vmem>> -> memref<64xf32, #tpu.memory_space<vmem>>
        %dma_start3A_1163 = arith.constant 0 : i32
        %dma_start3A_1164 = tpu.memref_slice %arg2[%squeeze3A_1152, %dma_start3A_1163] : memref<1000000x64xf32, #tpu.memory_space<hbm>> -> memref<1x64xf32, #tpu.memory_space<hbm>>
        %dma_start3A_1165 = tpu.memref_squeeze %dma_start3A_1164 : memref<1x64xf32, #tpu.memory_space<hbm>> -> memref<64xf32, #tpu.memory_space<hbm>>
        tpu.enqueue_dma source(%dma_start3A_1165 : memref<64xf32, #tpu.memory_space<hbm>>) target(%dma_start3A_1162 : memref<64xf32, #tpu.memory_space<vmem>>) target_semaphore(%arg14 : memref<!tpu.dma_semaphore, #tpu.memory_space<semaphore_mem>>)
        %slice3A_1166 = vector.extract_strided_slice %get3A_1045 {offsets = [8], sizes = [1], strides = [1]} : vector<16xi32> to vector<1xi32>
        %squeeze3A_1167 = vector.extract %slice3A_1166[0] : i32 from vector<1xi32>
        %dma_start3A_1168 = arith.constant 8 : i32
        %dma_start3A_1169 = arith.constant 0 : i32
        %dma_start3A_1170 = tpu.memref_slice %arg12[%dma_start3A_1168, %dma_start3A_1169] : memref<16x64xf32, #tpu.memory_space<vmem>> -> memref<1x64xf32, #tpu.memory_space<vmem>>
        %dma_start3A_1171 = tpu.memref_squeeze %dma_start3A_1170 : memref<1x64xf32, #tpu.memory_space<vmem>> -> memref<64xf32, #tpu.memory_space<vmem>>
        %dma_start3A_1172 = arith.constant 0 : i32
        %dma_start3A_1173 = tpu.memref_slice %arg2[%squeeze3A_1167, %dma_start3A_1172] : memref<1000000x64xf32, #tpu.memory_space<hbm>> -> memref<1x64xf32, #tpu.memory_space<hbm>>
        %dma_start3A_1174 = tpu.memref_squeeze %dma_start3A_1173 : memref<1x64xf32, #tpu.memory_space<hbm>> -> memref<64xf32, #tpu.memory_space<hbm>>
        %dma_start3A_1175 = arith.constant 0 : i32
        %dma_start3A_1176 = tpu.memref_slice %arg12[%dma_start3A_1168, %dma_start3A_1175] : memref<16x64xf32, #tpu.memory_space<vmem>> -> memref<1x64xf32, #tpu.memory_space<vmem>>
        %dma_start3A_1177 = tpu.memref_squeeze %dma_start3A_1176 : memref<1x64xf32, #tpu.memory_space<vmem>> -> memref<64xf32, #tpu.memory_space<vmem>>
        %dma_start3A_1178 = arith.constant 0 : i32
        %dma_start3A_1179 = tpu.memref_slice %arg2[%squeeze3A_1167, %dma_start3A_1178] : memref<1000000x64xf32, #tpu.memory_space<hbm>> -> memref<1x64xf32, #tpu.memory_space<hbm>>
        %dma_start3A_1180 = tpu.memref_squeeze %dma_start3A_1179 : memref<1x64xf32, #tpu.memory_space<hbm>> -> memref<64xf32, #tpu.memory_space<hbm>>
        tpu.enqueue_dma source(%dma_start3A_1180 : memref<64xf32, #tpu.memory_space<hbm>>) target(%dma_start3A_1177 : memref<64xf32, #tpu.memory_space<vmem>>) target_semaphore(%arg14 : memref<!tpu.dma_semaphore, #tpu.memory_space<semaphore_mem>>)
        %slice3A_1181 = vector.extract_strided_slice %get3A_1045 {offsets = [9], sizes = [1], strides = [1]} : vector<16xi32> to vector<1xi32>
        %squeeze3A_1182 = vector.extract %slice3A_1181[0] : i32 from vector<1xi32>
        %dma_start3A_1183 = arith.constant 9 : i32
        %dma_start3A_1184 = arith.constant 0 : i32
        %dma_start3A_1185 = tpu.memref_slice %arg12[%dma_start3A_1183, %dma_start3A_1184] : memref<16x64xf32, #tpu.memory_space<vmem>> -> memref<1x64xf32, #tpu.memory_space<vmem>>
        %dma_start3A_1186 = tpu.memref_squeeze %dma_start3A_1185 : memref<1x64xf32, #tpu.memory_space<vmem>> -> memref<64xf32, #tpu.memory_space<vmem>>
        %dma_start3A_1187 = arith.constant 0 : i32
        %dma_start3A_1188 = tpu.memref_slice %arg2[%squeeze3A_1182, %dma_start3A_1187] : memref<1000000x64xf32, #tpu.memory_space<hbm>> -> memref<1x64xf32, #tpu.memory_space<hbm>>
        %dma_start3A_1189 = tpu.memref_squeeze %dma_start3A_1188 : memref<1x64xf32, #tpu.memory_space<hbm>> -> memref<64xf32, #tpu.memory_space<hbm>>
        %dma_start3A_1190 = arith.constant 0 : i32
        %dma_start3A_1191 = tpu.memref_slice %arg12[%dma_start3A_1183, %dma_start3A_1190] : memref<16x64xf32, #tpu.memory_space<vmem>> -> memref<1x64xf32, #tpu.memory_space<vmem>>
        %dma_start3A_1192 = tpu.memref_squeeze %dma_start3A_1191 : memref<1x64xf32, #tpu.memory_space<vmem>> -> memref<64xf32, #tpu.memory_space<vmem>>
        %dma_start3A_1193 = arith.constant 0 : i32
        %dma_start3A_1194 = tpu.memref_slice %arg2[%squeeze3A_1182, %dma_start3A_1193] : memref<1000000x64xf32, #tpu.memory_space<hbm>> -> memref<1x64xf32, #tpu.memory_space<hbm>>
        %dma_start3A_1195 = tpu.memref_squeeze %dma_start3A_1194 : memref<1x64xf32, #tpu.memory_space<hbm>> -> memref<64xf32, #tpu.memory_space<hbm>>
        tpu.enqueue_dma source(%dma_start3A_1195 : memref<64xf32, #tpu.memory_space<hbm>>) target(%dma_start3A_1192 : memref<64xf32, #tpu.memory_space<vmem>>) target_semaphore(%arg14 : memref<!tpu.dma_semaphore, #tpu.memory_space<semaphore_mem>>)
        %slice3A_1196 = vector.extract_strided_slice %get3A_1045 {offsets = [10], sizes = [1], strides = [1]} : vector<16xi32> to vector<1xi32>
        %squeeze3A_1197 = vector.extract %slice3A_1196[0] : i32 from vector<1xi32>
        %dma_start3A_1198 = arith.constant 10 : i32
        %dma_start3A_1199 = arith.constant 0 : i32
        %dma_start3A_1200 = tpu.memref_slice %arg12[%dma_start3A_1198, %dma_start3A_1199] : memref<16x64xf32, #tpu.memory_space<vmem>> -> memref<1x64xf32, #tpu.memory_space<vmem>>
        %dma_start3A_1201 = tpu.memref_squeeze %dma_start3A_1200 : memref<1x64xf32, #tpu.memory_space<vmem>> -> memref<64xf32, #tpu.memory_space<vmem>>
        %dma_start3A_1202 = arith.constant 0 : i32
        %dma_start3A_1203 = tpu.memref_slice %arg2[%squeeze3A_1197, %dma_start3A_1202] : memref<1000000x64xf32, #tpu.memory_space<hbm>> -> memref<1x64xf32, #tpu.memory_space<hbm>>
        %dma_start3A_1204 = tpu.memref_squeeze %dma_start3A_1203 : memref<1x64xf32, #tpu.memory_space<hbm>> -> memref<64xf32, #tpu.memory_space<hbm>>
        %dma_start3A_1205 = arith.constant 0 : i32
        %dma_start3A_1206 = tpu.memref_slice %arg12[%dma_start3A_1198, %dma_start3A_1205] : memref<16x64xf32, #tpu.memory_space<vmem>> -> memref<1x64xf32, #tpu.memory_space<vmem>>
        %dma_start3A_1207 = tpu.memref_squeeze %dma_start3A_1206 : memref<1x64xf32, #tpu.memory_space<vmem>> -> memref<64xf32, #tpu.memory_space<vmem>>
        %dma_start3A_1208 = arith.constant 0 : i32
        %dma_start3A_1209 = tpu.memref_slice %arg2[%squeeze3A_1197, %dma_start3A_1208] : memref<1000000x64xf32, #tpu.memory_space<hbm>> -> memref<1x64xf32, #tpu.memory_space<hbm>>
        %dma_start3A_1210 = tpu.memref_squeeze %dma_start3A_1209 : memref<1x64xf32, #tpu.memory_space<hbm>> -> memref<64xf32, #tpu.memory_space<hbm>>
        tpu.enqueue_dma source(%dma_start3A_1210 : memref<64xf32, #tpu.memory_space<hbm>>) target(%dma_start3A_1207 : memref<64xf32, #tpu.memory_space<vmem>>) target_semaphore(%arg14 : memref<!tpu.dma_semaphore, #tpu.memory_space<semaphore_mem>>)
        %slice3A_1211 = vector.extract_strided_slice %get3A_1045 {offsets = [11], sizes = [1], strides = [1]} : vector<16xi32> to vector<1xi32>
        %squeeze3A_1212 = vector.extract %slice3A_1211[0] : i32 from vector<1xi32>
        %dma_start3A_1213 = arith.constant 11 : i32
        %dma_start3A_1214 = arith.constant 0 : i32
        %dma_start3A_1215 = tpu.memref_slice %arg12[%dma_start3A_1213, %dma_start3A_1214] : memref<16x64xf32, #tpu.memory_space<vmem>> -> memref<1x64xf32, #tpu.memory_space<vmem>>
        %dma_start3A_1216 = tpu.memref_squeeze %dma_start3A_1215 : memref<1x64xf32, #tpu.memory_space<vmem>> -> memref<64xf32, #tpu.memory_space<vmem>>
        %dma_start3A_1217 = arith.constant 0 : i32
        %dma_start3A_1218 = tpu.memref_slice %arg2[%squeeze3A_1212, %dma_start3A_1217] : memref<1000000x64xf32, #tpu.memory_space<hbm>> -> memref<1x64xf32, #tpu.memory_space<hbm>>
        %dma_start3A_1219 = tpu.memref_squeeze %dma_start3A_1218 : memref<1x64xf32, #tpu.memory_space<hbm>> -> memref<64xf32, #tpu.memory_space<hbm>>
        %dma_start3A_1220 = arith.constant 0 : i32
        %dma_start3A_1221 = tpu.memref_slice %arg12[%dma_start3A_1213, %dma_start3A_1220] : memref<16x64xf32, #tpu.memory_space<vmem>> -> memref<1x64xf32, #tpu.memory_space<vmem>>
        %dma_start3A_1222 = tpu.memref_squeeze %dma_start3A_1221 : memref<1x64xf32, #tpu.memory_space<vmem>> -> memref<64xf32, #tpu.memory_space<vmem>>
        %dma_start3A_1223 = arith.constant 0 : i32
        %dma_start3A_1224 = tpu.memref_slice %arg2[%squeeze3A_1212, %dma_start3A_1223] : memref<1000000x64xf32, #tpu.memory_space<hbm>> -> memref<1x64xf32, #tpu.memory_space<hbm>>
        %dma_start3A_1225 = tpu.memref_squeeze %dma_start3A_1224 : memref<1x64xf32, #tpu.memory_space<hbm>> -> memref<64xf32, #tpu.memory_space<hbm>>
        tpu.enqueue_dma source(%dma_start3A_1225 : memref<64xf32, #tpu.memory_space<hbm>>) target(%dma_start3A_1222 : memref<64xf32, #tpu.memory_space<vmem>>) target_semaphore(%arg14 : memref<!tpu.dma_semaphore, #tpu.memory_space<semaphore_mem>>)
        %slice3A_1226 = vector.extract_strided_slice %get3A_1045 {offsets = [12], sizes = [1], strides = [1]} : vector<16xi32> to vector<1xi32>
        %squeeze3A_1227 = vector.extract %slice3A_1226[0] : i32 from vector<1xi32>
        %dma_start3A_1228 = arith.constant 12 : i32
        %dma_start3A_1229 = arith.constant 0 : i32
        %dma_start3A_1230 = tpu.memref_slice %arg12[%dma_start3A_1228, %dma_start3A_1229] : memref<16x64xf32, #tpu.memory_space<vmem>> -> memref<1x64xf32, #tpu.memory_space<vmem>>
        %dma_start3A_1231 = tpu.memref_squeeze %dma_start3A_1230 : memref<1x64xf32, #tpu.memory_space<vmem>> -> memref<64xf32, #tpu.memory_space<vmem>>
        %dma_start3A_1232 = arith.constant 0 : i32
        %dma_start3A_1233 = tpu.memref_slice %arg2[%squeeze3A_1227, %dma_start3A_1232] : memref<1000000x64xf32, #tpu.memory_space<hbm>> -> memref<1x64xf32, #tpu.memory_space<hbm>>
        %dma_start3A_1234 = tpu.memref_squeeze %dma_start3A_1233 : memref<1x64xf32, #tpu.memory_space<hbm>> -> memref<64xf32, #tpu.memory_space<hbm>>
        %dma_start3A_1235 = arith.constant 0 : i32
        %dma_start3A_1236 = tpu.memref_slice %arg12[%dma_start3A_1228, %dma_start3A_1235] : memref<16x64xf32, #tpu.memory_space<vmem>> -> memref<1x64xf32, #tpu.memory_space<vmem>>
        %dma_start3A_1237 = tpu.memref_squeeze %dma_start3A_1236 : memref<1x64xf32, #tpu.memory_space<vmem>> -> memref<64xf32, #tpu.memory_space<vmem>>
        %dma_start3A_1238 = arith.constant 0 : i32
        %dma_start3A_1239 = tpu.memref_slice %arg2[%squeeze3A_1227, %dma_start3A_1238] : memref<1000000x64xf32, #tpu.memory_space<hbm>> -> memref<1x64xf32, #tpu.memory_space<hbm>>
        %dma_start3A_1240 = tpu.memref_squeeze %dma_start3A_1239 : memref<1x64xf32, #tpu.memory_space<hbm>> -> memref<64xf32, #tpu.memory_space<hbm>>
        tpu.enqueue_dma source(%dma_start3A_1240 : memref<64xf32, #tpu.memory_space<hbm>>) target(%dma_start3A_1237 : memref<64xf32, #tpu.memory_space<vmem>>) target_semaphore(%arg14 : memref<!tpu.dma_semaphore, #tpu.memory_space<semaphore_mem>>)
        %slice3A_1241 = vector.extract_strided_slice %get3A_1045 {offsets = [13], sizes = [1], strides = [1]} : vector<16xi32> to vector<1xi32>
        %squeeze3A_1242 = vector.extract %slice3A_1241[0] : i32 from vector<1xi32>
        %dma_start3A_1243 = arith.constant 13 : i32
        %dma_start3A_1244 = arith.constant 0 : i32
        %dma_start3A_1245 = tpu.memref_slice %arg12[%dma_start3A_1243, %dma_start3A_1244] : memref<16x64xf32, #tpu.memory_space<vmem>> -> memref<1x64xf32, #tpu.memory_space<vmem>>
        %dma_start3A_1246 = tpu.memref_squeeze %dma_start3A_1245 : memref<1x64xf32, #tpu.memory_space<vmem>> -> memref<64xf32, #tpu.memory_space<vmem>>
        %dma_start3A_1247 = arith.constant 0 : i32
        %dma_start3A_1248 = tpu.memref_slice %arg2[%squeeze3A_1242, %dma_start3A_1247] : memref<1000000x64xf32, #tpu.memory_space<hbm>> -> memref<1x64xf32, #tpu.memory_space<hbm>>
        %dma_start3A_1249 = tpu.memref_squeeze %dma_start3A_1248 : memref<1x64xf32, #tpu.memory_space<hbm>> -> memref<64xf32, #tpu.memory_space<hbm>>
        %dma_start3A_1250 = arith.constant 0 : i32
        %dma_start3A_1251 = tpu.memref_slice %arg12[%dma_start3A_1243, %dma_start3A_1250] : memref<16x64xf32, #tpu.memory_space<vmem>> -> memref<1x64xf32, #tpu.memory_space<vmem>>
        %dma_start3A_1252 = tpu.memref_squeeze %dma_start3A_1251 : memref<1x64xf32, #tpu.memory_space<vmem>> -> memref<64xf32, #tpu.memory_space<vmem>>
        %dma_start3A_1253 = arith.constant 0 : i32
        %dma_start3A_1254 = tpu.memref_slice %arg2[%squeeze3A_1242, %dma_start3A_1253] : memref<1000000x64xf32, #tpu.memory_space<hbm>> -> memref<1x64xf32, #tpu.memory_space<hbm>>
        %dma_start3A_1255 = tpu.memref_squeeze %dma_start3A_1254 : memref<1x64xf32, #tpu.memory_space<hbm>> -> memref<64xf32, #tpu.memory_space<hbm>>
        tpu.enqueue_dma source(%dma_start3A_1255 : memref<64xf32, #tpu.memory_space<hbm>>) target(%dma_start3A_1252 : memref<64xf32, #tpu.memory_space<vmem>>) target_semaphore(%arg14 : memref<!tpu.dma_semaphore, #tpu.memory_space<semaphore_mem>>)
        %slice3A_1256 = vector.extract_strided_slice %get3A_1045 {offsets = [14], sizes = [1], strides = [1]} : vector<16xi32> to vector<1xi32>
        %squeeze3A_1257 = vector.extract %slice3A_1256[0] : i32 from vector<1xi32>
        %dma_start3A_1258 = arith.constant 14 : i32
        %dma_start3A_1259 = arith.constant 0 : i32
        %dma_start3A_1260 = tpu.memref_slice %arg12[%dma_start3A_1258, %dma_start3A_1259] : memref<16x64xf32, #tpu.memory_space<vmem>> -> memref<1x64xf32, #tpu.memory_space<vmem>>
        %dma_start3A_1261 = tpu.memref_squeeze %dma_start3A_1260 : memref<1x64xf32, #tpu.memory_space<vmem>> -> memref<64xf32, #tpu.memory_space<vmem>>
        %dma_start3A_1262 = arith.constant 0 : i32
        %dma_start3A_1263 = tpu.memref_slice %arg2[%squeeze3A_1257, %dma_start3A_1262] : memref<1000000x64xf32, #tpu.memory_space<hbm>> -> memref<1x64xf32, #tpu.memory_space<hbm>>
        %dma_start3A_1264 = tpu.memref_squeeze %dma_start3A_1263 : memref<1x64xf32, #tpu.memory_space<hbm>> -> memref<64xf32, #tpu.memory_space<hbm>>
        %dma_start3A_1265 = arith.constant 0 : i32
        %dma_start3A_1266 = tpu.memref_slice %arg12[%dma_start3A_1258, %dma_start3A_1265] : memref<16x64xf32, #tpu.memory_space<vmem>> -> memref<1x64xf32, #tpu.memory_space<vmem>>
        %dma_start3A_1267 = tpu.memref_squeeze %dma_start3A_1266 : memref<1x64xf32, #tpu.memory_space<vmem>> -> memref<64xf32, #tpu.memory_space<vmem>>
        %dma_start3A_1268 = arith.constant 0 : i32
        %dma_start3A_1269 = tpu.memref_slice %arg2[%squeeze3A_1257, %dma_start3A_1268] : memref<1000000x64xf32, #tpu.memory_space<hbm>> -> memref<1x64xf32, #tpu.memory_space<hbm>>
        %dma_start3A_1270 = tpu.memref_squeeze %dma_start3A_1269 : memref<1x64xf32, #tpu.memory_space<hbm>> -> memref<64xf32, #tpu.memory_space<hbm>>
        tpu.enqueue_dma source(%dma_start3A_1270 : memref<64xf32, #tpu.memory_space<hbm>>) target(%dma_start3A_1267 : memref<64xf32, #tpu.memory_space<vmem>>) target_semaphore(%arg14 : memref<!tpu.dma_semaphore, #tpu.memory_space<semaphore_mem>>)
        %slice3A_1271 = vector.extract_strided_slice %get3A_1045 {offsets = [15], sizes = [1], strides = [1]} : vector<16xi32> to vector<1xi32>
        %squeeze3A_1272 = vector.extract %slice3A_1271[0] : i32 from vector<1xi32>
        %dma_start3A_1273 = arith.constant 15 : i32
        %dma_start3A_1274 = arith.constant 0 : i32
        %dma_start3A_1275 = tpu.memref_slice %arg12[%dma_start3A_1273, %dma_start3A_1274] : memref<16x64xf32, #tpu.memory_space<vmem>> -> memref<1x64xf32, #tpu.memory_space<vmem>>
        %dma_start3A_1276 = tpu.memref_squeeze %dma_start3A_1275 : memref<1x64xf32, #tpu.memory_space<vmem>> -> memref<64xf32, #tpu.memory_space<vmem>>
        %dma_start3A_1277 = arith.constant 0 : i32
        %dma_start3A_1278 = tpu.memref_slice %arg2[%squeeze3A_1272, %dma_start3A_1277] : memref<1000000x64xf32, #tpu.memory_space<hbm>> -> memref<1x64xf32, #tpu.memory_space<hbm>>
        %dma_start3A_1279 = tpu.memref_squeeze %dma_start3A_1278 : memref<1x64xf32, #tpu.memory_space<hbm>> -> memref<64xf32, #tpu.memory_space<hbm>>
        %dma_start3A_1280 = arith.constant 0 : i32
        %dma_start3A_1281 = tpu.memref_slice %arg12[%dma_start3A_1273, %dma_start3A_1280] : memref<16x64xf32, #tpu.memory_space<vmem>> -> memref<1x64xf32, #tpu.memory_space<vmem>>
        %dma_start3A_1282 = tpu.memref_squeeze %dma_start3A_1281 : memref<1x64xf32, #tpu.memory_space<vmem>> -> memref<64xf32, #tpu.memory_space<vmem>>
        %dma_start3A_1283 = arith.constant 0 : i32
        %dma_start3A_1284 = tpu.memref_slice %arg2[%squeeze3A_1272, %dma_start3A_1283] : memref<1000000x64xf32, #tpu.memory_space<hbm>> -> memref<1x64xf32, #tpu.memory_space<hbm>>
        %dma_start3A_1285 = tpu.memref_squeeze %dma_start3A_1284 : memref<1x64xf32, #tpu.memory_space<hbm>> -> memref<64xf32, #tpu.memory_space<hbm>>
        tpu.enqueue_dma source(%dma_start3A_1285 : memref<64xf32, #tpu.memory_space<hbm>>) target(%dma_start3A_1282 : memref<64xf32, #tpu.memory_space<vmem>>) target_semaphore(%arg14 : memref<!tpu.dma_semaphore, #tpu.memory_space<semaphore_mem>>)
      } else {
      }
      %dma_wait3A_1015 = arith.constant 0 : i32
      %dma_wait3A_1016 = arith.constant 0 : i32
      %dma_wait3A_1017 = tpu.memref_slice %arg2[%dma_wait3A_1015, %dma_wait3A_1016] : memref<1000000x64xf32, #tpu.memory_space<hbm>> -> memref<16x64xf32, #tpu.memory_space<hbm>>
      %dma_wait3A_1018 = arith.constant 0 : i32
      %dma_wait3A_1019 = arith.constant 0 : i32
      %dma_wait3A_1020 = tpu.memref_slice %arg2[%dma_wait3A_1018, %dma_wait3A_1019] : memref<1000000x64xf32, #tpu.memory_space<hbm>> -> memref<16x64xf32, #tpu.memory_space<hbm>>
      tpu.wait_dma2 semaphore(%arg15 : memref<!tpu.dma_semaphore, #tpu.memory_space<semaphore_mem>>) src(%dma_wait3A_1020 : memref<16x64xf32, #tpu.memory_space<hbm>>) dst(%arg13 : memref<16x64xf32, #tpu.memory_space<vmem>>)
      %mul3A_1021 = arith.constant 32 : i32
      %mul3A_1022 = arith.muli %add3A_752, %mul3A_1021 : i32
      %add3A_1023 = arith.addi %mul3A_2, %mul3A_1022 : i32
      %add3A_1024 = arith.constant 16 : i32
      %add3A_1025 = arith.addi %add3A_1023, %add3A_1024 : i32
      %dma_start3A_1026 = arith.constant 0 : i32
      %dma_start3A_1027 = tpu.memref_slice %arg8[%add3A_1025, %dma_start3A_1026] : memref<16384x64xf32, #tpu.memory_space<hbm>> -> memref<16x64xf32, #tpu.memory_space<hbm>>
      %dma_start3A_1028 = arith.constant 0 : i32
      %dma_start3A_1029 = tpu.memref_slice %arg8[%add3A_1025, %dma_start3A_1028] : memref<16384x64xf32, #tpu.memory_space<hbm>> -> memref<16x64xf32, #tpu.memory_space<hbm>>
      tpu.enqueue_dma source(%arg13 : memref<16x64xf32, #tpu.memory_space<vmem>>) target(%dma_start3A_1029 : memref<16x64xf32, #tpu.memory_space<hbm>>) target_semaphore(%arg17 : memref<!tpu.dma_semaphore, #tpu.memory_space<semaphore_mem>>)
      %dma_wait3A_1030 = arith.constant 0 : i32
      %dma_wait3A_1031 = tpu.memref_slice %arg8[%mul3A_2, %dma_wait3A_1030] : memref<16384x64xf32, #tpu.memory_space<hbm>> -> memref<16x64xf32, #tpu.memory_space<hbm>>
      %dma_wait3A_1032 = arith.constant 0 : i32
      %dma_wait3A_1033 = tpu.memref_slice %arg8[%mul3A_2, %dma_wait3A_1032] : memref<16384x64xf32, #tpu.memory_space<hbm>> -> memref<16x64xf32, #tpu.memory_space<hbm>>
      tpu.wait_dma2 semaphore(%arg16 : memref<!tpu.dma_semaphore, #tpu.memory_space<semaphore_mem>>) src(%arg12 : memref<16x64xf32, #tpu.memory_space<vmem>>) dst(%dma_wait3A_1033 : memref<16x64xf32, #tpu.memory_space<hbm>>)
      %dma_wait3A_1034 = arith.constant 0 : i32
      %dma_wait3A_1035 = tpu.memref_slice %arg8[%mul3A_2, %dma_wait3A_1034] : memref<16384x64xf32, #tpu.memory_space<hbm>> -> memref<16x64xf32, #tpu.memory_space<hbm>>
      %dma_wait3A_1036 = arith.constant 0 : i32
      %dma_wait3A_1037 = tpu.memref_slice %arg8[%mul3A_2, %dma_wait3A_1036] : memref<16384x64xf32, #tpu.memory_space<hbm>> -> memref<16x64xf32, #tpu.memory_space<hbm>>
      tpu.wait_dma2 semaphore(%arg17 : memref<!tpu.dma_semaphore, #tpu.memory_space<semaphore_mem>>) src(%arg13 : memref<16x64xf32, #tpu.memory_space<vmem>>) dst(%dma_wait3A_1037 : memref<16x64xf32, #tpu.memory_space<hbm>>)
    }
    %scan3A_747 = arith.constant 16 : i32
    return
  }
}

module attributes {stable_mosaic.version = 14 : i64} {
  func.func @_scan_body(%arg0: i32, %arg1: memref<25000x64xf32, #tpu.memory_space<vmem>>, %arg2: memref<1x1xf32, #tpu.memory_space<smem>>) attributes {dimension_semantics = [#tpu.dimension_semantics<arbitrary>], iteration_bounds = array<i64: 35>, scalar_prefetch = 0 : i64, scratch_operands = 0 : i64, tpu.core_type = #tpu.core_type<tc>, window_params = [{transform_indices = @transform_0, window_bounds = array<i64: 25000, 64>}, {transform_indices = @transform_1, window_bounds = array<i64: 1, 1>}]} {
    %get3A = arith.constant 0 : index
    %get3A_0 = arith.constant 0 : index
    %get3A_1 = vector.load %arg1[%get3A, %get3A_0] : memref<25000x64xf32, #tpu.memory_space<vmem>>, vector<25000x64xf32>
    %eq3A = arith.constant 0 : i32
    %eq3A_2 = arith.cmpi eq, %arg0, %eq3A : i32
    %convert_element_type3A = arith.extui %eq3A_2 : i1 to i32
    %cond3A = arith.constant 0 : i32
    %cond3A_3 = arith.cmpi ne, %convert_element_type3A, %cond3A : i32
    scf.if %cond3A_3 {
      %swap3A = arith.constant 0.000000e+00 : f32
      %swap3A_12 = arith.constant 0 : index
      %swap3A_13 = arith.constant 0 : index
      %swap3A_14 = memref.load %arg2[%swap3A_12, %swap3A_13] : memref<1x1xf32, #tpu.memory_space<smem>>
      memref.store %swap3A, %arg2[%swap3A_12, %swap3A_13] : memref<1x1xf32, #tpu.memory_space<smem>>
    } else {
    }
    %abs3A = math.absf %get3A_1 : vector<25000x64xf32>
    %reduce_max3A = vector.shape_cast %abs3A : vector<25000x64xf32> to vector<1x25000x64xf32>
    %reduce_max3A_4 = arith.constant dense<0xFF800000> : vector<1xf32>
    %reduce_max3A_5 = vector.multi_reduction <maximumf>, %reduce_max3A, %reduce_max3A_4 [1, 2] : vector<1x25000x64xf32> to vector<1xf32>
    %reduce_max3A_6 = vector.shape_cast %reduce_max3A_5 : vector<1xf32> to vector<1x1x1xf32>
    %reduce_max3A_7 = vector.extract %reduce_max3A_6[0, 0, 0] : f32 from vector<1x1x1xf32>
    %gt3A = arith.constant 1.250000e-01 : f32
    %gt3A_8 = arith.cmpf ogt, %reduce_max3A_7, %gt3A : f32
    %convert_element_type3A_9 = arith.extui %gt3A_8 : i1 to i32
    %cond3A_10 = arith.constant 0 : i32
    %cond3A_11 = arith.cmpi ne, %convert_element_type3A_9, %cond3A_10 : i32
    scf.if %cond3A_11 {
      %mul3A = arith.mulf %get3A_1, %get3A_1 : vector<25000x64xf32>
      %reduce_sum3A = arith.constant dense<0.000000e+00> : vector<25000xf32>
      %reduce_sum3A_12 = vector.multi_reduction <add>, %mul3A, %reduce_sum3A [1] : vector<25000x64xf32> to vector<25000xf32>
      %broadcast_in_dim3A = vector.shape_cast %reduce_sum3A_12 : vector<25000xf32> to vector<25000x1xf32>
      %get3A_13 = arith.constant 0 : index
      %get3A_14 = arith.constant 0 : index
      %get3A_15 = memref.load %arg2[%get3A_13, %get3A_14] : memref<1x1xf32, #tpu.memory_space<smem>>
      %sqrt3A = math.sqrt %broadcast_in_dim3A : vector<25000x1xf32>
      %sub3A = arith.constant 1.000000e+00 : f32
      %sub3A_16 = vector.broadcast %sub3A : f32 to vector<25000x1xf32>
      %sub3A_17 = arith.subf %sqrt3A, %sub3A_16 : vector<25000x1xf32>
      %max3A = arith.constant 0.000000e+00 : f32
      %max3A_18 = vector.broadcast %max3A : f32 to vector<25000x1xf32>
      %max3A_19 = arith.maximumf %sub3A_17, %max3A_18 : vector<25000x1xf32>
      %reduce_sum3A_20 = vector.shape_cast %max3A_19 : vector<25000x1xf32> to vector<1x25000x1xf32>
      %reduce_sum3A_21 = arith.constant dense<0.000000e+00> : vector<1xf32>
      %reduce_sum3A_22 = vector.multi_reduction <add>, %reduce_sum3A_20, %reduce_sum3A_21 [1, 2] : vector<1x25000x1xf32> to vector<1xf32>
      %reduce_sum3A_23 = vector.shape_cast %reduce_sum3A_22 : vector<1xf32> to vector<1x1x1xf32>
      %reduce_sum3A_24 = vector.extract %reduce_sum3A_23[0, 0, 0] : f32 from vector<1x1x1xf32>
      %add3A = arith.addf %get3A_15, %reduce_sum3A_24 : f32
      %swap3A = arith.constant 0 : index
      %swap3A_25 = arith.constant 0 : index
      %swap3A_26 = memref.load %arg2[%swap3A, %swap3A_25] : memref<1x1xf32, #tpu.memory_space<smem>>
      memref.store %add3A, %arg2[%swap3A, %swap3A_25] : memref<1x1xf32, #tpu.memory_space<smem>>
    } else {
    }
    return
  }
  func.func @transform_0(%arg0: i32) -> (i32, i32) {
    %add3A = arith.constant 4 : i32
    %add3A_0 = arith.addi %arg0, %add3A : i32
    %c0_i32 = arith.constant 0 : i32
    %c0_i32_1 = arith.constant 0 : i32
    return %add3A_0, %c0_i32 : i32, i32
  }
  func.func @transform_1(%arg0: i32) -> (i32, i32) {
    %c0_i32 = arith.constant 0 : i32
    %c0_i32_0 = arith.constant 0 : i32
    %c0_i32_1 = arith.constant 0 : i32
    return %c0_i32, %c0_i32_0 : i32, i32
  }
}

module attributes {stable_mosaic.version = 14 : i64} {
  func.func @_scan_body(%arg0: i32, %arg1: memref<25000x64xf32, #tpu.memory_space<vmem>>, %arg2: memref<1x1xf32, #tpu.memory_space<smem>>) attributes {dimension_semantics = [#tpu.dimension_semantics<arbitrary>], iteration_bounds = array<i64: 4>, scalar_prefetch = 0 : i64, scratch_operands = 0 : i64, tpu.core_type = #tpu.core_type<tc>, window_params = [{transform_indices = @transform_0, window_bounds = array<i64: 25000, 64>}, {transform_indices = @transform_1, window_bounds = array<i64: 1, 1>}]} {
    %get3A = arith.constant 0 : index
    %get3A_0 = arith.constant 0 : index
    %get3A_1 = vector.load %arg1[%get3A, %get3A_0] : memref<25000x64xf32, #tpu.memory_space<vmem>>, vector<25000x64xf32>
    %eq3A = arith.constant 0 : i32
    %eq3A_2 = arith.cmpi eq, %arg0, %eq3A : i32
    %convert_element_type3A = arith.extui %eq3A_2 : i1 to i32
    %cond3A = arith.constant 0 : i32
    %cond3A_3 = arith.cmpi ne, %convert_element_type3A, %cond3A : i32
    scf.if %cond3A_3 {
      %swap3A = arith.constant 0.000000e+00 : f32
      %swap3A_12 = arith.constant 0 : index
      %swap3A_13 = arith.constant 0 : index
      %swap3A_14 = memref.load %arg2[%swap3A_12, %swap3A_13] : memref<1x1xf32, #tpu.memory_space<smem>>
      memref.store %swap3A, %arg2[%swap3A_12, %swap3A_13] : memref<1x1xf32, #tpu.memory_space<smem>>
    } else {
    }
    %abs3A = math.absf %get3A_1 : vector<25000x64xf32>
    %reduce_max3A = vector.shape_cast %abs3A : vector<25000x64xf32> to vector<1x25000x64xf32>
    %reduce_max3A_4 = arith.constant dense<0xFF800000> : vector<1xf32>
    %reduce_max3A_5 = vector.multi_reduction <maximumf>, %reduce_max3A, %reduce_max3A_4 [1, 2] : vector<1x25000x64xf32> to vector<1xf32>
    %reduce_max3A_6 = vector.shape_cast %reduce_max3A_5 : vector<1xf32> to vector<1x1x1xf32>
    %reduce_max3A_7 = vector.extract %reduce_max3A_6[0, 0, 0] : f32 from vector<1x1x1xf32>
    %gt3A = arith.constant 1.250000e-01 : f32
    %gt3A_8 = arith.cmpf ogt, %reduce_max3A_7, %gt3A : f32
    %convert_element_type3A_9 = arith.extui %gt3A_8 : i1 to i32
    %cond3A_10 = arith.constant 0 : i32
    %cond3A_11 = arith.cmpi ne, %convert_element_type3A_9, %cond3A_10 : i32
    scf.if %cond3A_11 {
      %mul3A = arith.mulf %get3A_1, %get3A_1 : vector<25000x64xf32>
      %reduce_sum3A = arith.constant dense<0.000000e+00> : vector<25000xf32>
      %reduce_sum3A_12 = vector.multi_reduction <add>, %mul3A, %reduce_sum3A [1] : vector<25000x64xf32> to vector<25000xf32>
      %broadcast_in_dim3A = vector.shape_cast %reduce_sum3A_12 : vector<25000xf32> to vector<25000x1xf32>
      %get3A_13 = arith.constant 0 : index
      %get3A_14 = arith.constant 0 : index
      %get3A_15 = memref.load %arg2[%get3A_13, %get3A_14] : memref<1x1xf32, #tpu.memory_space<smem>>
      %sqrt3A = math.sqrt %broadcast_in_dim3A : vector<25000x1xf32>
      %sub3A = arith.constant 1.000000e+00 : f32
      %sub3A_16 = vector.broadcast %sub3A : f32 to vector<25000x1xf32>
      %sub3A_17 = arith.subf %sqrt3A, %sub3A_16 : vector<25000x1xf32>
      %max3A = arith.constant 0.000000e+00 : f32
      %max3A_18 = vector.broadcast %max3A : f32 to vector<25000x1xf32>
      %max3A_19 = arith.maximumf %sub3A_17, %max3A_18 : vector<25000x1xf32>
      %reduce_sum3A_20 = vector.shape_cast %max3A_19 : vector<25000x1xf32> to vector<1x25000x1xf32>
      %reduce_sum3A_21 = arith.constant dense<0.000000e+00> : vector<1xf32>
      %reduce_sum3A_22 = vector.multi_reduction <add>, %reduce_sum3A_20, %reduce_sum3A_21 [1, 2] : vector<1x25000x1xf32> to vector<1xf32>
      %reduce_sum3A_23 = vector.shape_cast %reduce_sum3A_22 : vector<1xf32> to vector<1x1x1xf32>
      %reduce_sum3A_24 = vector.extract %reduce_sum3A_23[0, 0, 0] : f32 from vector<1x1x1xf32>
      %add3A = arith.addf %get3A_15, %reduce_sum3A_24 : f32
      %swap3A = arith.constant 0 : index
      %swap3A_25 = arith.constant 0 : index
      %swap3A_26 = memref.load %arg2[%swap3A, %swap3A_25] : memref<1x1xf32, #tpu.memory_space<smem>>
      memref.store %add3A, %arg2[%swap3A, %swap3A_25] : memref<1x1xf32, #tpu.memory_space<smem>>
    } else {
    }
    return
  }
  func.func @transform_0(%arg0: i32) -> (i32, i32) {
    %add3A = arith.constant 0 : i32
    %add3A_0 = arith.addi %arg0, %add3A : i32
    %c0_i32 = arith.constant 0 : i32
    %c0_i32_1 = arith.constant 0 : i32
    return %add3A_0, %c0_i32 : i32, i32
  }
  func.func @transform_1(%arg0: i32) -> (i32, i32) {
    %c0_i32 = arith.constant 0 : i32
    %c0_i32_0 = arith.constant 0 : i32
    %c0_i32_1 = arith.constant 0 : i32
    return %c0_i32, %c0_i32_0 : i32, i32
  }
}

module attributes {stable_mosaic.version = 14 : i64} {
  func.func @_finish_body(%arg0: i32, %arg1: memref<2048x64xf32, #tpu.memory_space<vmem>>, %arg2: memref<2048x64xf32, #tpu.memory_space<vmem>>, %arg3: memref<2048x64xf32, #tpu.memory_space<vmem>>, %arg4: memref<2048x1xi32, #tpu.memory_space<vmem>>, %arg5: memref<1000x64xf32, #tpu.memory_space<vmem>>, %arg6: memref<1000x64xf32, #tpu.memory_space<vmem>>, %arg7: memref<1x1xf32, #tpu.memory_space<smem>>, %arg8: memref<1x1xf32, #tpu.memory_space<smem>>, %arg9: memref<1x1xf32, #tpu.memory_space<smem>>, %arg10: memref<1xf32, #tpu.memory_space<smem>>) attributes {dimension_semantics = [#tpu.dimension_semantics<arbitrary>], iteration_bounds = array<i64: 8>, scalar_prefetch = 0 : i64, scratch_operands = 1 : i64, tpu.core_type = #tpu.core_type<tc>, window_params = [{transform_indices = @transform_0, window_bounds = array<i64: 2048, 64>}, {transform_indices = @transform_1, window_bounds = array<i64: 2048, 64>}, {transform_indices = @transform_2, window_bounds = array<i64: 2048, 64>}, {transform_indices = @transform_3, window_bounds = array<i64: 2048, 1>}, {pipeline_mode = #tpu.pipeline_mode<synchronous>, transform_indices = @transform_4, window_bounds = array<i64: 1000, 64>}, {pipeline_mode = #tpu.pipeline_mode<synchronous>, transform_indices = @transform_5, window_bounds = array<i64: 1000, 64>}, {transform_indices = @transform_6, window_bounds = array<i64: 1, 1>}, {transform_indices = @transform_7, window_bounds = array<i64: 1, 1>}, {transform_indices = @transform_8, window_bounds = array<i64: 1, 1>}]} {
    %get3A = arith.constant 0 : index
    %get3A_0 = arith.constant 0 : index
    %get3A_1 = vector.load %arg4[%get3A, %get3A_0] : memref<2048x1xi32, #tpu.memory_space<vmem>>, vector<2048x1xi32>
    %iota3A = tpu.iota {dimensions = array<i32: 1>} : vector<2048x1000xi32>
    %eq3A = vector.broadcast %get3A_1 : vector<2048x1xi32> to vector<2048x1000xi32>
    %eq3A_2 = arith.cmpi eq, %eq3A, %iota3A : vector<2048x1000xi32>
    %convert_element_type3A = arith.extui %eq3A_2 : vector<2048x1000xi1> to vector<2048x1000xi32>
    %convert_element_type3A_3 = arith.sitofp %convert_element_type3A : vector<2048x1000xi32> to vector<2048x1000xf32>
    %get3A_4 = arith.constant 0 : index
    %get3A_5 = arith.constant 0 : index
    %get3A_6 = vector.load %arg5[%get3A_4, %get3A_5] : memref<1000x64xf32, #tpu.memory_space<vmem>>, vector<1000x64xf32>
    %dot_general3A = arith.constant dense<0.000000e+00> : vector<2048x64xf32>
    %dot_general3A_7 = tpu.matmul %convert_element_type3A_3, %get3A_6, %dot_general3A {dimension_numbers = #tpu.dot_dimension_numbers<[1], [0], [0], [1], [0, 0, 1, 1], [], []>, transpose_lhs_hint = false} : vector<2048x1000xf32>, vector<1000x64xf32>, vector<2048x64xf32> -> vector<2048x64xf32>
    %get3A_8 = arith.constant 0 : index
    %get3A_9 = arith.constant 0 : index
    %get3A_10 = vector.load %arg6[%get3A_8, %get3A_9] : memref<1000x64xf32, #tpu.memory_space<vmem>>, vector<1000x64xf32>
    %dot_general3A_11 = arith.constant dense<0.000000e+00> : vector<2048x64xf32>
    %dot_general3A_12 = tpu.matmul %convert_element_type3A_3, %get3A_10, %dot_general3A_11 {dimension_numbers = #tpu.dot_dimension_numbers<[1], [0], [0], [1], [0, 0, 1, 1], [], []>, transpose_lhs_hint = false} : vector<2048x1000xf32>, vector<1000x64xf32>, vector<2048x64xf32> -> vector<2048x64xf32>
    %mul3A = arith.mulf %dot_general3A_12, %dot_general3A_12 : vector<2048x64xf32>
    %reduce_sum3A = arith.constant dense<0.000000e+00> : vector<2048xf32>
    %reduce_sum3A_13 = vector.multi_reduction <add>, %mul3A, %reduce_sum3A [1] : vector<2048x64xf32> to vector<2048xf32>
    %broadcast_in_dim3A = vector.shape_cast %reduce_sum3A_13 : vector<2048xf32> to vector<2048x1xf32>
    %max3A = arith.constant 1.000000e-24 : f32
    %max3A_14 = vector.broadcast %max3A : f32 to vector<2048x1xf32>
    %max3A_15 = arith.maximumf %broadcast_in_dim3A, %max3A_14 : vector<2048x1xf32>
    %get3A_16 = arith.constant 0 : index
    %get3A_17 = arith.constant 0 : index
    %get3A_18 = vector.load %arg1[%get3A_16, %get3A_17] : memref<2048x64xf32, #tpu.memory_space<vmem>>, vector<2048x64xf32>
    %get3A_19 = arith.constant 0 : index
    %get3A_20 = arith.constant 0 : index
    %get3A_21 = vector.load %arg2[%get3A_19, %get3A_20] : memref<2048x64xf32, #tpu.memory_space<vmem>>, vector<2048x64xf32>
    %get3A_22 = arith.constant 0 : index
    %get3A_23 = arith.constant 0 : index
    %get3A_24 = vector.load %arg3[%get3A_22, %get3A_23] : memref<2048x64xf32, #tpu.memory_space<vmem>>, vector<2048x64xf32>
    %mul3A_25 = arith.mulf %dot_general3A_12, %get3A_18 : vector<2048x64xf32>
    %reduce_sum3A_26 = arith.constant dense<0.000000e+00> : vector<2048xf32>
    %reduce_sum3A_27 = vector.multi_reduction <add>, %mul3A_25, %reduce_sum3A_26 [1] : vector<2048x64xf32> to vector<2048xf32>
    %broadcast_in_dim3A_28 = vector.shape_cast %reduce_sum3A_27 : vector<2048xf32> to vector<2048x1xf32>
    %div3A = arith.divf %broadcast_in_dim3A_28, %max3A_15 : vector<2048x1xf32>
    %mul3A_29 = vector.broadcast %div3A : vector<2048x1xf32> to vector<2048x64xf32>
    %mul3A_30 = arith.mulf %mul3A_29, %dot_general3A_12 : vector<2048x64xf32>
    %sub3A = arith.subf %get3A_18, %mul3A_30 : vector<2048x64xf32>
    %mul3A_31 = arith.mulf %dot_general3A_12, %get3A_21 : vector<2048x64xf32>
    %reduce_sum3A_32 = arith.constant dense<0.000000e+00> : vector<2048xf32>
    %reduce_sum3A_33 = vector.multi_reduction <add>, %mul3A_31, %reduce_sum3A_32 [1] : vector<2048x64xf32> to vector<2048xf32>
    %broadcast_in_dim3A_34 = vector.shape_cast %reduce_sum3A_33 : vector<2048xf32> to vector<2048x1xf32>
    %div3A_35 = arith.divf %broadcast_in_dim3A_34, %max3A_15 : vector<2048x1xf32>
    %mul3A_36 = vector.broadcast %div3A_35 : vector<2048x1xf32> to vector<2048x64xf32>
    %mul3A_37 = arith.mulf %mul3A_36, %dot_general3A_12 : vector<2048x64xf32>
    %sub3A_38 = arith.subf %get3A_21, %mul3A_37 : vector<2048x64xf32>
    %mul3A_39 = arith.mulf %dot_general3A_12, %get3A_24 : vector<2048x64xf32>
    %reduce_sum3A_40 = arith.constant dense<0.000000e+00> : vector<2048xf32>
    %reduce_sum3A_41 = vector.multi_reduction <add>, %mul3A_39, %reduce_sum3A_40 [1] : vector<2048x64xf32> to vector<2048xf32>
    %broadcast_in_dim3A_42 = vector.shape_cast %reduce_sum3A_41 : vector<2048xf32> to vector<2048x1xf32>
    %div3A_43 = arith.divf %broadcast_in_dim3A_42, %max3A_15 : vector<2048x1xf32>
    %mul3A_44 = vector.broadcast %div3A_43 : vector<2048x1xf32> to vector<2048x64xf32>
    %mul3A_45 = arith.mulf %mul3A_44, %dot_general3A_12 : vector<2048x64xf32>
    %sub3A_46 = arith.subf %get3A_24, %mul3A_45 : vector<2048x64xf32>
    %add3A = arith.addf %sub3A, %dot_general3A_7 : vector<2048x64xf32>
    %sub3A_47 = arith.subf %add3A, %sub3A_38 : vector<2048x64xf32>
    %add3A_48 = arith.addf %sub3A, %dot_general3A_7 : vector<2048x64xf32>
    %sub3A_49 = arith.subf %add3A_48, %sub3A_46 : vector<2048x64xf32>
    %mul3A_50 = arith.mulf %sub3A_47, %sub3A_47 : vector<2048x64xf32>
    %reduce_sum3A_51 = arith.constant dense<0.000000e+00> : vector<2048xf32>
    %reduce_sum3A_52 = vector.multi_reduction <add>, %mul3A_50, %reduce_sum3A_51 [1] : vector<2048x64xf32> to vector<2048xf32>
    %broadcast_in_dim3A_53 = vector.shape_cast %reduce_sum3A_52 : vector<2048xf32> to vector<2048x1xf32>
    %sqrt3A = math.sqrt %broadcast_in_dim3A_53 : vector<2048x1xf32>
    %mul3A_54 = arith.mulf %sub3A_49, %sub3A_49 : vector<2048x64xf32>
    %reduce_sum3A_55 = arith.constant dense<0.000000e+00> : vector<2048xf32>
    %reduce_sum3A_56 = vector.multi_reduction <add>, %mul3A_54, %reduce_sum3A_55 [1] : vector<2048x64xf32> to vector<2048xf32>
    %broadcast_in_dim3A_57 = vector.shape_cast %reduce_sum3A_56 : vector<2048xf32> to vector<2048x1xf32>
    %sqrt3A_58 = math.sqrt %broadcast_in_dim3A_57 : vector<2048x1xf32>
    %sub3A_59 = arith.subf %sqrt3A, %sqrt3A_58 : vector<2048x1xf32>
    %add3A_60 = arith.constant 1.000000e+00 : f32
    %add3A_61 = vector.broadcast %add3A_60 : f32 to vector<2048x1xf32>
    %add3A_62 = arith.addf %sub3A_59, %add3A_61 : vector<2048x1xf32>
    %max3A_63 = arith.constant 0.000000e+00 : f32
    %max3A_64 = vector.broadcast %max3A_63 : f32 to vector<2048x1xf32>
    %max3A_65 = arith.maximumf %add3A_62, %max3A_64 : vector<2048x1xf32>
    %reduce_sum3A_66 = vector.shape_cast %max3A_65 : vector<2048x1xf32> to vector<1x2048x1xf32>
    %reduce_sum3A_67 = arith.constant dense<0.000000e+00> : vector<1xf32>
    %reduce_sum3A_68 = vector.multi_reduction <add>, %reduce_sum3A_66, %reduce_sum3A_67 [1, 2] : vector<1x2048x1xf32> to vector<1xf32>
    %reduce_sum3A_69 = vector.shape_cast %reduce_sum3A_68 : vector<1xf32> to vector<1x1x1xf32>
    %reduce_sum3A_70 = vector.extract %reduce_sum3A_69[0, 0, 0] : f32 from vector<1x1x1xf32>
    %eq3A_71 = arith.constant 0 : i32
    %eq3A_72 = arith.cmpi eq, %arg0, %eq3A_71 : i32
    %convert_element_type3A_73 = arith.extui %eq3A_72 : i1 to i32
    %cond3A = arith.constant 0 : i32
    %cond3A_74 = arith.cmpi ne, %convert_element_type3A_73, %cond3A : i32
    scf.if %cond3A_74 {
      %swap3A = arith.constant 0 : index
      %swap3A_84 = memref.load %arg10[%swap3A] : memref<1xf32, #tpu.memory_space<smem>>
      memref.store %reduce_sum3A_70, %arg10[%swap3A] : memref<1xf32, #tpu.memory_space<smem>>
    } else {
    }
    %ne3A = arith.constant 0 : i32
    %ne3A_75 = arith.cmpi ne, %arg0, %ne3A : i32
    %convert_element_type3A_76 = arith.extui %ne3A_75 : i1 to i32
    %cond3A_77 = arith.constant 0 : i32
    %cond3A_78 = arith.cmpi ne, %convert_element_type3A_76, %cond3A_77 : i32
    scf.if %cond3A_78 {
      %get3A_84 = arith.constant 0 : index
      %get3A_85 = memref.load %arg10[%get3A_84] : memref<1xf32, #tpu.memory_space<smem>>
      %add3A_86 = arith.addf %get3A_85, %reduce_sum3A_70 : f32
      %swap3A = arith.constant 0 : index
      %swap3A_87 = memref.load %arg10[%swap3A] : memref<1xf32, #tpu.memory_space<smem>>
      memref.store %add3A_86, %arg10[%swap3A] : memref<1xf32, #tpu.memory_space<smem>>
    } else {
    }
    %eq3A_79 = arith.constant 7 : i32
    %eq3A_80 = arith.cmpi eq, %arg0, %eq3A_79 : i32
    %convert_element_type3A_81 = arith.extui %eq3A_80 : i1 to i32
    %cond3A_82 = arith.constant 0 : i32
    %cond3A_83 = arith.cmpi ne, %convert_element_type3A_81, %cond3A_82 : i32
    scf.if %cond3A_83 {
      %get3A_84 = arith.constant 0 : index
      %get3A_85 = arith.constant 0 : index
      %get3A_86 = vector.load %arg5[%get3A_84, %get3A_85] : memref<1000x64xf32, #tpu.memory_space<vmem>>, vector<1000x64xf32>
      %get3A_87 = arith.constant 0 : index
      %get3A_88 = arith.constant 0 : index
      %get3A_89 = vector.load %arg6[%get3A_87, %get3A_88] : memref<1000x64xf32, #tpu.memory_space<vmem>>, vector<1000x64xf32>
      %mul3A_90 = arith.mulf %get3A_86, %get3A_89 : vector<1000x64xf32>
      %reduce_sum3A_91 = arith.constant dense<0.000000e+00> : vector<1000xf32>
      %reduce_sum3A_92 = vector.multi_reduction <add>, %mul3A_90, %reduce_sum3A_91 [1] : vector<1000x64xf32> to vector<1000xf32>
      %broadcast_in_dim3A_93 = vector.shape_cast %reduce_sum3A_92 : vector<1000xf32> to vector<1000x1xf32>
      %mul3A_94 = arith.mulf %get3A_86, %get3A_86 : vector<1000x64xf32>
      %reduce_sum3A_95 = arith.constant dense<0.000000e+00> : vector<1000xf32>
      %reduce_sum3A_96 = vector.multi_reduction <add>, %mul3A_94, %reduce_sum3A_95 [1] : vector<1000x64xf32> to vector<1000xf32>
      %broadcast_in_dim3A_97 = vector.shape_cast %reduce_sum3A_96 : vector<1000xf32> to vector<1000x1xf32>
      %sqrt3A_98 = math.sqrt %broadcast_in_dim3A_97 : vector<1000x1xf32>
      %div3A_99 = arith.divf %broadcast_in_dim3A_93, %sqrt3A_98 : vector<1000x1xf32>
      %sub3A_100 = arith.constant 9.99999997E-7 : f32
      %sub3A_101 = vector.broadcast %sub3A_100 : f32 to vector<1000x1xf32>
      %sub3A_102 = arith.subf %div3A_99, %sub3A_101 : vector<1000x1xf32>
      %max3A_103 = arith.constant 0.000000e+00 : f32
      %max3A_104 = vector.broadcast %max3A_103 : f32 to vector<1000x1xf32>
      %max3A_105 = arith.maximumf %sub3A_102, %max3A_104 : vector<1000x1xf32>
      %reduce_sum3A_106 = vector.shape_cast %max3A_105 : vector<1000x1xf32> to vector<1x1000x1xf32>
      %reduce_sum3A_107 = arith.constant dense<0.000000e+00> : vector<1xf32>
      %reduce_sum3A_108 = vector.multi_reduction <add>, %reduce_sum3A_106, %reduce_sum3A_107 [1, 2] : vector<1x1000x1xf32> to vector<1xf32>
      %reduce_sum3A_109 = vector.shape_cast %reduce_sum3A_108 : vector<1xf32> to vector<1x1x1xf32>
      %reduce_sum3A_110 = vector.extract %reduce_sum3A_109[0, 0, 0] : f32 from vector<1x1x1xf32>
      %mul3A_111 = arith.constant 1.000000e-03 : f32
      %mul3A_112 = arith.mulf %reduce_sum3A_110, %mul3A_111 : f32
      %get3A_113 = arith.constant 0 : index
      %get3A_114 = memref.load %arg10[%get3A_113] : memref<1xf32, #tpu.memory_space<smem>>
      %mul3A_115 = arith.constant 6.10351563E-5 : f32
      %mul3A_116 = arith.mulf %get3A_114, %mul3A_115 : f32
      %get3A_117 = arith.constant 0 : index
      %get3A_118 = arith.constant 0 : index
      %get3A_119 = memref.load %arg7[%get3A_117, %get3A_118] : memref<1x1xf32, #tpu.memory_space<smem>>
      %get3A_120 = arith.constant 0 : index
      %get3A_121 = arith.constant 0 : index
      %get3A_122 = memref.load %arg8[%get3A_120, %get3A_121] : memref<1x1xf32, #tpu.memory_space<smem>>
      %add3A_123 = arith.addf %get3A_119, %get3A_122 : f32
      %mul3A_124 = arith.constant 9.99999997E-7 : f32
      %mul3A_125 = arith.mulf %add3A_123, %mul3A_124 : f32
      %add3A_126 = arith.addf %mul3A_125, %mul3A_112 : f32
      %mul3A_127 = arith.constant 1.000000e+00 : f32
      %mul3A_128 = arith.mulf %mul3A_127, %add3A_126 : f32
      %add3A_129 = arith.addf %mul3A_116, %mul3A_128 : f32
      %swap3A = arith.constant 0 : index
      %swap3A_130 = arith.constant 0 : index
      %swap3A_131 = memref.load %arg9[%swap3A, %swap3A_130] : memref<1x1xf32, #tpu.memory_space<smem>>
      memref.store %add3A_129, %arg9[%swap3A, %swap3A_130] : memref<1x1xf32, #tpu.memory_space<smem>>
    } else {
    }
    return
  }
  func.func @transform_0(%arg0: i32) -> (i32, i32) {
    %c0_i32 = arith.constant 0 : i32
    %c0_i32_0 = arith.constant 0 : i32
    return %arg0, %c0_i32 : i32, i32
  }
  func.func @transform_1(%arg0: i32) -> (i32, i32) {
    %c0_i32 = arith.constant 0 : i32
    %c0_i32_0 = arith.constant 0 : i32
    return %arg0, %c0_i32 : i32, i32
  }
  func.func @transform_2(%arg0: i32) -> (i32, i32) {
    %c0_i32 = arith.constant 0 : i32
    %c0_i32_0 = arith.constant 0 : i32
    return %arg0, %c0_i32 : i32, i32
  }
  func.func @transform_3(%arg0: i32) -> (i32, i32) {
    %c0_i32 = arith.constant 0 : i32
    %c0_i32_0 = arith.constant 0 : i32
    return %arg0, %c0_i32 : i32, i32
  }
  func.func @transform_4(%arg0: i32) -> (i32, i32) {
    %c0_i32 = arith.constant 0 : i32
    %c0_i32_0 = arith.constant 0 : i32
    %c0_i32_1 = arith.constant 0 : i32
    return %c0_i32, %c0_i32_0 : i32, i32
  }
  func.func @transform_5(%arg0: i32) -> (i32, i32) {
    %c0_i32 = arith.constant 0 : i32
    %c0_i32_0 = arith.constant 0 : i32
    %c0_i32_1 = arith.constant 0 : i32
    return %c0_i32, %c0_i32_0 : i32, i32
  }
  func.func @transform_6(%arg0: i32) -> (i32, i32) {
    %c0_i32 = arith.constant 0 : i32
    %c0_i32_0 = arith.constant 0 : i32
    %c0_i32_1 = arith.constant 0 : i32
    return %c0_i32, %c0_i32_0 : i32, i32
  }
  func.func @transform_7(%arg0: i32) -> (i32, i32) {
    %c0_i32 = arith.constant 0 : i32
    %c0_i32_0 = arith.constant 0 : i32
    %c0_i32_1 = arith.constant 0 : i32
    return %c0_i32, %c0_i32_0 : i32, i32
  }
  func.func @transform_8(%arg0: i32) -> (i32, i32) {
    %c0_i32 = arith.constant 0 : i32
    %c0_i32_0 = arith.constant 0 : i32
    %c0_i32_1 = arith.constant 0 : i32
    return %c0_i32, %c0_i32_0 : i32, i32
  }
}

</mosaic_0001>

<sc_bundles>
// kernel: kernel.6.cloned.1.call-start
scs
__scs_entry_jumppad:
0x0: {  	(pc) =	sbr.rel $0x88, $3  }
0x1: {  	(tag) =	ssettag $0x0;
	lr =	simm.s32 $0x1  }
0x2: {  	[smem:$0x3F9A] =	sst lr;
	_ =	strace $0xD0000000  }
0x3: {  	_ = 	snop  }
0x4: {  	_ = 	snop  }
0x5: {  	_ = 	snop  }
0x6: {  	_ = 	snop  }
0x7: {  	_ = 	snop  }
__scs_overlays_trampoline_lowered:
0x8: {  	[smem:$0x3FA9] =	sst s0  }
0x9: {  	[smem:$0x3FAA] =	sst s1  }
0xa: {  	[smem:$0x3FAB] =	sst s2  }
0xb: {  	[smem:$0x3FAC] =	sst s3  }
0xc: {  	[smem:$0x3FAD] =	sst s4  }
0xd: {  	[smem:$0x3FAE] =	sst s5  }
0xe: {  	[smem:$0x3FAF] =	sst s6  }
0xf: {  	[smem:$0x3FB0] =	sst s7  }
0x10: {  	[smem:$0x3FB1] =	sst s8  }
0x11: {  	[smem:$0x3FB2] =	sst s9;
	s0 =	simm.s32 @!p0 $0x0  }
0x12: {  	s1 =	sld [smem:$0x3F98];
	s0 =	simm.s32 @p0 $0x1  }
0x13: {  	[smem:$0x3FB3] =	sst s0;
	s0 =	simm.s32 @!p1 $0x0  }
0x14: {  	s2 =	sld [smem:$0x3F97];
	s0 =	simm.s32 @p1 $0x1  }
0x15: {  	[smem:$0x3FB4] =	sst s0;
	s0 =	simm.s32 @!p2 $0x0  }
0x16: {  	s3 =	sld [smem:$0x3FDB];
	s0 =	simm.s32 @p2 $0x1  }
0x17: {  	s4 =	simm.s32 $0x1BF5;
	[smem:$0x3FB6] =	sst s0  }
0x18: {  	s0 =	sld [smem:$0x3F99];
	_ =	swait.ge [sflag:s4], $0x0  }
0x19: {  	s7 =	sld [smem:$0x3F9A]  }
0x1a: {  	s8 =	sadd.s32 $0xFFFFE003, lr  }
0x1b: {  	s9 =	sadd.s32 $0xFFFFFEF7, lr;
	s5 =	simm.s32 $0xFFFFFFFF;
	p2 =	slt.u32 s8, $0xFFFFF086  }
0x1c: {  	p1 =	slt.u32 s9, $0xF7A;
	s5 =	simm.s32 @!p2 $0x0  }
0x1d: {  	s5 =	simm.s32 @p1 $0x1;
	p0 =	seq.s32 s7, s2  }
0x1e: {  	s7 =	smul.u32 @!p0 $0xF7A, s2;
	p2 =	seq.s32 @!p0 s5, $0x0  }
0x1f: {  	s9 =	smul.u32 $0xF7A, s1;
	s8 =	simm.s32 @!p0 $0x1BF5;
	p2 =	por !p2, p0  }
0x20: {  	[sflag:s8] =	ssyncset.s32 @!p0 $0xFFFFF086;
	s6 =	sadd.s32 @!p0 s3, s7;
	s7 =	simm.s32 @!p0 $0x108  }
0x21: {  	s3 =	sadd.s32 s3, s9;
	s6 =	sadd.s32 @!p0 $0x88, s6;
	s7 =	simm.s32 @p2 $0x1082  }
0x22: {  	[simem:s7], [sflag:s8] =	dma.local @!p0 [hbm:s6], $0xF7A  }
0x23: {  	s9 =	sor.u32 $0xD0000000, s2;
	s6 =	simm.s32 $0x108;
	_ =	swait.ge @!p0 [sflag:s8], $0x0  }
0x24: {  	s3 =	sadd.s32 $0x88, s3;
	s6 =	simm.s32 @!p1 $0x1082;
	[sflag:s4] =	ssyncset.s32 $0xFFFFF086  }
0x25: {  	[simem:s6], [sflag:s4] =	dma.local [hbm:s3], $0xF7A  }
0x26: {  	[smem:$0x3F9A] =	sst s1;
	(tag) =	ssettag s2;
	_ =	strace s9  }
0x27: {  	s1 =	sld [smem:$0x3FAA]  }
0x28: {  	s2 =	sld [smem:$0x3FAB]  }
0x29: {  	s4 =	sld [smem:$0x3FAD]  }
0x2a: {  	p0 =	seq.s32 s5, $0x0;
	s5 =	sld [smem:$0x3FAE]  }
0x2b: {  	s6 =	sld [smem:$0x3FAF]  }
0x2c: {  	s7 =	sld [smem:$0x3FB0]  }
0x2d: {  	s3 =	simm.s32 $0x108;
	s8 =	sld [smem:$0x3FB1]  }
0x2e: {  	s3 =	simm.s32 @!p0 $0x1082;
	s9 =	sld [smem:$0x3FB2]  }
0x2f: {  	lr =	sadd.s32 s0, s3;
	s0 =	sld [smem:$0x3FA9]  }
0x30: {  	s3 =	sld [smem:$0x3FAC]  }
0x31: {  	[smem:$0x3FB5] =	sst s10  }
0x32: {  	s10 =	sld [smem:$0x3FB3];
	_ =	sdelay $0x3  }
0x33: {  	p0 =	seq.s32 s10, $0x1;
	s10 =	sld [smem:$0x3FB5];
	_ =	sdelay $0x3  }
0x34: {  	[smem:$0x3FB5] =	sst s10  }
0x35: {  	s10 =	sld [smem:$0x3FB4];
	_ =	sdelay $0x3  }
0x36: {  	p1 =	seq.s32 s10, $0x1;
	s10 =	sld [smem:$0x3FB5];
	_ =	sdelay $0x3  }
0x37: {  	[smem:$0x3FB5] =	sst s10  }
0x38: {  	s10 =	sld [smem:$0x3FB6]  }
0x39: {  	_ = 	snop;
	(pc) =	sbr.ind lr, $3  }
0x3a: {  	_ = 	snop  }
0x3b: {  	_ = 	snop  }
0x3c: {  	p2 =	seq.s32 s10, $0x1;
	s10 =	sld [smem:$0x3FB5]  }
0x3d: {  	_ =	shalt  }
0x3e: {  	_ =	shalt  }
0x3f: {  	_ =	shalt  }
0x40: {  	_ =	shalt  }
0x41: {  	_ =	shalt  }
0x42: {  	_ =	shalt  }
0x43: {  	_ =	shalt  }
0x44: {  	_ =	shalt  }
0x45: {  	_ =	shalt  }
0x46: {  	_ =	shalt  }
0x47: {  	_ =	shalt  }
0x48: {  	_ =	shalt  }
0x49: {  	_ =	shalt  }
0x4a: {  	_ =	shalt  }
0x4b: {  	_ =	shalt  }
0x4c: {  	_ =	shalt  }
0x4d: {  	_ =	shalt  }
0x4e: {  	_ =	shalt  }
0x4f: {  	_ =	shalt  }
0x50: {  	_ =	shalt  }
0x51: {  	_ =	shalt  }
0x52: {  	_ =	shalt  }
0x53: {  	_ =	shalt  }
0x54: {  	_ =	shalt  }
0x55: {  	_ =	shalt  }
0x56: {  	_ =	shalt  }
0x57: {  	_ =	shalt  }
0x58: {  	_ =	shalt  }
0x59: {  	_ =	shalt  }
0x5a: {  	_ =	shalt  }
0x5b: {  	_ =	shalt  }
0x5c: {  	_ =	shalt  }
0x5d: {  	_ =	shalt  }
0x5e: {  	_ =	shalt  }
0x5f: {  	_ =	shalt  }
0x60: {  	_ =	shalt  }
0x61: {  	_ =	shalt  }
0x62: {  	_ =	shalt  }
0x63: {  	_ =	shalt  }
0x64: {  	_ =	shalt  }
0x65: {  	_ =	shalt  }
0x66: {  	_ =	shalt  }
0x67: {  	_ =	shalt  }
0x68: {  	_ =	shalt  }
0x69: {  	_ =	shalt  }
0x6a: {  	_ =	shalt  }
0x6b: {  	_ =	shalt  }
0x6c: {  	_ =	shalt  }
0x6d: {  	_ =	shalt  }
0x6e: {  	_ =	shalt  }
0x6f: {  	_ =	shalt  }
0x70: {  	_ =	shalt  }
0x71: {  	_ =	shalt  }
0x72: {  	_ =	shalt  }
0x73: {  	_ =	shalt  }
0x74: {  	_ =	shalt  }
0x75: {  	_ =	shalt  }
0x76: {  	_ =	shalt  }
0x77: {  	_ =	shalt  }
0x78: {  	_ =	shalt  }
0x79: {  	_ =	shalt  }
0x7a: {  	_ =	shalt  }
0x7b: {  	_ =	shalt  }
0x7c: {  	_ =	shalt  }
0x7d: {  	_ =	shalt  }
0x7e: {  	_ =	shalt  }
0x7f: {  	_ =	shalt  }
0x80: {  	_ =	shalt  }
0x81: {  	_ =	shalt  }
0x82: {  	_ =	shalt  }
0x83: {  	_ =	shalt  }
0x84: {  	_ =	shalt  }
0x85: {  	_ =	shalt  }
0x86: {  	_ =	shalt  }
0x87: {  	_ =	shalt  }
.Lfunc_end0:
.L_simem_size_0:
called_computation_lowered:
.L_overlay_start_0:
0x88: {  	s2 =	sld [smem:$0x3FD9]  }
0x89: {  	s3 =	sld [smem:$0x3FFE];
	_ =	sdelay $0x1  }
0x8a: {  	s1 =	srdreg.scid  }
0x8b: {  	s0 =	sand.u32 $0x1, s1  }
0x8c: {  	s16 =	sshll.u32 s0, $0xA;
	s2 =	sadd.s32 s3, s2  }
0x8d: {  	s2 =	sadd.s32 s2, s16  }
0x8e: {  	[smem:$0x3FC1] =	sst s2  }
0x8f: {  	_ = 	snop  }
0x90: {  	(tm) =	ssettm $0x1  }
0x91: {  	s17 =	sld [smem:$0x3FFB];
	_ =	sdelay $0x3  }
0x92: {  	_ =	strace s17  }
0x93: {  	s2 =	sld [smem:$0x3FFC];
	_ =	sdelay $0x3  }
0x94: {  	_ =	strace s2  }
0x95: {  	s2 =	sld [smem:$0x3FFD];
	_ =	sdelay $0x3  }
0x96: {  	_ =	strace s2  }
0x97: {  	_ =	strace $0x8FFFFFFF  }
0x98: {  	s18 =	sld [smem:$0x3FDB];
	_ =	sdelay $0x1  }
0x99: {  	s19 =	simm.s32 $_scs_section_size  }
0x9a: {  	s4 =	simm.s32 $_size__tile_overlayer_lowered;
	s5 =	simm.s32 $_tile_overlayer_lowered  }
0x9b: {  	s22 =	simm.s32 $0x1BFF;
	s21 =	sshll.u32 s5, $0x1;
	s2 =	sadd.s32 s19, s18  }
0x9c: {  	s6 =	simm.s32 $0x0;
	s20 =	sshll.u32 s4, $0x1;
	s4 =	sadd.s32 s21, s2  }
0x9d: {  	[timem:s6], [sflag:s22] =	dma.local [hbm:s4], s20  }
0x9e: {  	_ =	swait.ge [sflag:s22], s20  }
0x9f: {  	s3 =	ssub.s32 $0x0, s20;
	[sflag:s22] =	ssyncset.done $0x0  }
0xa0: {  	[sflag:s22] =	ssyncadd.s32 s3;
	_ =	sdelay $0x1  }
0xa1: {  	s23 =	simm.s32 $0x1B8B  }
0xa2: {  	_ =	swait.ge [sflag:s23], $0x1  }
0xa3: {  	[sflag:s23] =	ssyncset.done $0x0  }
0xa4: {  	s25 =	simm.s32 $0x1B8E;
	s24 =	sld [smem:$0x3FFE];
	[sflag:s23] =	ssyncadd.s32 $0xFFFFFFFF  }
0xa5: {  	s26 =	simm.s32 $execute0_lowered;
	[smem:$0x3FD2] =	sst s25  }
0xa6: {  	s4 =	sshll.u32 s26, $0x1;
	_ =	strace $0x80000046;
	[dreg:$0x1] =	wrdreg $0xFFFFFFFF  }
0xa7: {  	s28 =	simm.s32 $_size_execute0_lowered;
	s2 =	sadd.s32 s2, s4;
	[dreg:$0x0] =	wrdreg $0x0  }
0xa8: {  	s4 =	sshll.u32 s28, $0x1;
	[dreg:$0x2] =	wrdreg s2  }
0xa9: {  	[dreg:$0x3] =	wrdreg s4  }
0xaa: {  	[dreg:$0x4] =	wrdreg $0xC0  }
0xab: {  	_ =	task [dreg:s6], $0x5FFFF  }
0xac: {  	[dreg:$0x1] =	wrdreg $0xFFFFFFFF  }
0xad: {  	[dreg:$0x0] =	wrdreg $0x60  }
0xae: {  	[dreg:$0x2] =	wrdreg s24  }
0xaf: {  	[dreg:$0x3] =	wrdreg $0x9  }
0xb0: {  	_ =	task.clear_ibuf [dreg:s6], $0x4FFFF;
	_ =	strace $0x90000046  }
0xb1: {  	s29 =	simm.s32 $0x9;
	_ =	strace $0x80000048  }
0xb2: {  	_ =	swait.ge [sflag:s29], $0x1  }
0xb3: {  	[sflag:s29] =	ssyncadd.s32 $0xFFFFFFFF  }
0xb4: {  	_ =	strace $0x90000048  }
0xb5: {  	_ =	sfence  }
0xb6: {  	s30 =	sld [smem:$0x0];
	_ =	sdelay $0x2  }
0xb7: {  	s31 =	sshll.u32 s1, $0xD;
	s1 =	sshrl.u32 s1, $0x2  }
0xb8: {  	s3 =	sand.u32 $0x4000, s31;
	s1 =	sadd.s32 s1, s30  }
0xb9: {  	s0 =	sor.u32 s3, s0;
	s1 =	sshll.u32 s1, $0x11  }
0xba: {  	s0 =	sor.u32 s1, s0  }
0xbb: {  	s0 =	sadd.s32 $0x8F2B, s0  }
0xbc: {  	[sflag:s0] =	ssyncadd.remote.s32 $0x1  }
0xbd: {  	_ =	sfence.sel $0xFFFF  }
0xbe: {  	[dreg:$0x0] =	wrdreg $0xFFFFFFFF;
	(pc) =	sbr.abs _section_cstart, $3  }
0xbf: {  	[dreg:$0x1] =	wrdreg $0xFFFFFFFF  }
0xc0: {  	_ =	task.clear_ibuf [dreg:s6], $0x2FFFF;
	_ =	strace $0x9FFFFFFF  }
0xc1: {  	(tm) =	ssettm $0x7FFFFFFF  }
tec
execute0_lowered:
.L_overlay_start_1:
0x0: {  	(tag) =	ssettag $0x1  }
0x1: {  	s0 =	rddreg [dreg:$0x0];
	s2 =	simm.s32 $0x0  }
0x2: {  	s1 =	srdreg.scid;
	s6 =	stileid.u32;
	s14 =	simm.s32 $0x3000  }
0x3: {  	s31 =	simm.s32 $0x3800;
	s12 =	simm.s32 $0x3980;
	s13 =	simm.s32 $0x3A00  }
0x4: {  	s11 =	simm.s32 $0x3C80;
	s15 =	simm.s32 $0x3D00;
	s16 =	simm.s32 $0x3D80  }
0x5: {  	s17 =	simm.s32 $0x3E00;
	s18 =	simm.s32 $0x3E80;
	s19 =	simm.s32 $0x3F00  }
0x6: {  	s20 =	simm.s32 $0x3F80;
	s21 =	simm.s32 $0x1;
	s22 =	simm.s32 $0x2  }
0x7: {  	s23 =	simm.s32 $0x3;
	s24 =	simm.s32 $0x4;
	[smem:$0x7FF] =	sst s2  }
0x8: {  	s1 =	sand.u32 $0x1, s1;
	s4 =	sshll.u32 s6, $0xA;
	s3 =	sadd.s32 $0x1600, s0  }
0x9: {  	s6 =	sshll.u32 s6, $0xE;
	_ =	strace $0x80000047;
	s5 =	sshll.u32 s1, $0x9  }
0xa: {  	s25 =	ssub.s32 $0x2, s1;
	s1 =	sshll.u32 s1, $0xD;
	s4 =	sor.u32 s5, s4  }
0xb: {  	s7 =	sshrl.u32 s25, $0x1;
	s4 =	sadd.s32 s4, s0;
	s0 =	sadd.s32 s6, s0  }
0xc: {  	s5 =	ssub.s32 s25, s7;
	s6 =	simm.s32 $0x3B80;
	s7 =	simm.s32 $0x3C00  }
0xd: {  	s26 =	sadd.s32 $0xF43A00, s4;
	s28 =	sadd.s32 $0xF47A00, s4;
	s0 =	sadd.s32 s1, s0  }
.Ltmp0:
0xe: {  	s29 =	sadd.s32 $0xF4BA00, s4;
	[dreg:$0x2] =	wrdreg s26;
	(pc) =	sbr.rel .LBB2_1-.Ltmp0, $4  }
0xf: {  	s30 =	smax.u32 s5, $0x1;
	s1 =	simm.s32 $0x3900;
	[dreg:$0x3] =	wrdreg s28  }
0x10: {  	s4 =	simm.s32 $0x3A80;
	s5 =	simm.s32 $0x3B00;
	[dreg:$0x4] =	wrdreg s29  }
0x11: {  	[dreg:$0x5] =	wrdreg s30;
	s8 =	sadd.s32 $0xF4FA00, s0;
	s9 =	sadd.s32 $0xF8FA00, s0  }
0x12: {  	s10 =	sadd.s32 $0xFCFA00, s0;
	s0 =	simm.s32 $0x3880;
	s26 =	simm.s32 $0x0  }
.LBB2_13:
0x13: {  	s26 =	rddreg [dreg:$0x6]  }
0x14: {  	s25 =	rddreg [dreg:$0x5];
	s26 =	sadd.s32 $0x1, s26  }
0x15: {  	p0 =	sne.s32 s26, s25  }
.Ltmp1:
0x16: {  	_ = 	snop;
	(pc) =	sbr.rel @!p0 .LBB2_14-.Ltmp1, $1  }
0x17: {  	_ =	sdelay $0x3  }
.LBB2_1:
0x18: {  	[dreg:$0x6] =	wrdreg s26  }
0x19: {  	s25 =	rddreg [dreg:$0x2];
	s26 =	simm.s32 $0x5  }
0x1a: {  	[tilespmem:s2], [sflag:$0x5] =	stream.linear.gather [hbm4b:s25+s2], $0x1000, $0x38;
	[tilespmem:$0x4000] =	vst v63  }
0x1b: {  	_ =	swait.ge [sflag:s26], $0x1000  }
0x1c: {  	[sflag:s26] =	ssyncset.done $0x0  }
0x1d: {  	s28 =	simm.s32 $0x1000;
	s30 =	rddreg [dreg:$0x3];
	[sflag:s26] =	ssyncadd.s32 $0xFFFFF000  }
0x1e: {  	[tilespmem:s28], [sflag:$0x5] =	stream.linear.gather [hbm4b:s30+s2], $0x1000, $0x38;
	[tilespmem:$0x4000] =	vst v63  }
0x1f: {  	_ =	swait.ge [sflag:s26], $0x1000  }
0x20: {  	[sflag:s26] =	ssyncset.done $0x0  }
0x21: {  	s30 =	simm.s32 $0x2000;
	s29 =	rddreg [dreg:$0x4];
	[sflag:s26] =	ssyncadd.s32 $0xFFFFF000  }
0x22: {  	[tilespmem:s30], [sflag:$0x5] =	stream.linear.gather [hbm4b:s29+s2], $0x1000, $0x38;
	[tilespmem:$0x4000] =	vst v63  }
0x23: {  	_ =	swait.ge [sflag:s26], $0x1000  }
0x24: {  	[sflag:s26] =	ssyncset.done $0x0  }
0x25: {  	[sflag:s26] =	ssyncadd.s32 $0xFFFFF000  }
0x26: {  	v0 =	vld [tilespmem:$0x0];
	_ =	sdelay $0x4  }
0x27: {  	v0 =	vshll.u32 v0, $0x4  }
0x28: {  	(v2sf) =	vpush v0, $0x0  }
0x29: {  	(v2sf) =	vpush v0, $0x1;
	_ =	sdelay $0x5  }
0x2a: {  	(v2sf) =	vpush v0, $0x2;
	_ =	sdelay $0x1  }
0x2b: {  	(v2sf) =	vpush v0, $0x3;
	_ =	sdelay $0x5  }
0x2c: {  	s28 =	spop (v2sf);
	(v2sf) =	vpush v0, $0x4  }
0x2d: {  	s29 =	spop (v2sf);
	(v2sf) =	vpush v0, $0x5;
	_ =	sdelay $0x4  }
0x2e: {  	s25 =	sand.u32 $0x1FFFFFF0, s28  }
0x2f: {  	s25 =	sadd.s32 s3, s25;
	s26 =	spop (v2sf);
	(v2sf) =	vpush v0, $0x6  }
0x30: {  	[tilespmem:s14], [sflag:$0x1] =	stream.linear.gather [hbm4b:s25+s2], $0x80, $0x38;
	[tilespmem:$0x4000] =	vst v63  }
0x31: {  	s25 =	sand.u32 $0x1FFFFFF0, s29;
	s29 =	spop (v2sf);
	(v2sf) =	vpush v0, $0x7  }
0x32: {  	s30 =	simm.s32 $0x3080;
	s25 =	sadd.s32 s3, s25  }
0x33: {  	[tilespmem:s30], [sflag:$0x1] =	stream.linear.gather [hbm4b:s25+s2], $0x80, $0x38;
	[tilespmem:$0x4000] =	vst v63  }
0x34: {  	s25 =	sand.u32 $0x1FFFFFF0, s26  }
0x35: {  	s28 =	simm.s32 $0x3100;
	s25 =	sadd.s32 s3, s25  }
0x36: {  	[tilespmem:s28], [sflag:$0x1] =	stream.linear.gather [hbm4b:s25+s2], $0x80, $0x38;
	[tilespmem:$0x4000] =	vst v63  }
0x37: {  	s25 =	sand.u32 $0x1FFFFFF0, s29;
	s26 =	spop (v2sf);
	(v2sf) =	vpush v0, $0x8  }
0x38: {  	s30 =	simm.s32 $0x3180;
	s25 =	sadd.s32 s3, s25;
	s29 =	spop (v2sf);
	(v2sf) =	vpush v0, $0x9  }
0x39: {  	[tilespmem:s30], [sflag:$0x1] =	stream.linear.gather [hbm4b:s25+s2], $0x80, $0x38;
	[tilespmem:$0x4000] =	vst v63  }
0x3a: {  	s25 =	sand.u32 $0x1FFFFFF0, s26  }
0x3b: {  	s28 =	simm.s32 $0x3200;
	s25 =	sadd.s32 s3, s25  }
0x3c: {  	[tilespmem:s28], [sflag:$0x1] =	stream.linear.gather [hbm4b:s25+s2], $0x80, $0x38;
	[tilespmem:$0x4000] =	vst v63  }
0x3d: {  	(v2sf) =	vpush v0, $0xA;
	s25 =	sand.u32 $0x1FFFFFF0, s29  }
0x3e: {  	s30 =	simm.s32 $0x3280;
	s26 =	spop (v2sf);
	s25 =	sadd.s32 s3, s25  }
0x3f: {  	(v2sf) =	vpush v0, $0xB;
	[tilespmem:s30], [sflag:$0x1] =	stream.linear.gather [hbm4b:s25+s2], $0x80, $0x38;
	[tilespmem:$0x4000] =	vst v63  }
0x40: {  	s29 =	spop (v2sf);
	(v2sf) =	vpush v0, $0xC;
	s25 =	sand.u32 $0x1FFFFFF0, s26  }
0x41: {  	s28 =	simm.s32 $0x3300;
	s25 =	sadd.s32 s3, s25  }
0x42: {  	[tilespmem:s28], [sflag:$0x1] =	stream.linear.gather [hbm4b:s25+s2], $0x80, $0x38;
	[tilespmem:$0x4000] =	vst v63  }
0x43: {  	s25 =	sand.u32 $0x1FFFFFF0, s29  }
0x44: {  	s30 =	simm.s32 $0x3380;
	s25 =	sadd.s32 s3, s25  }
0x45: {  	[tilespmem:s30], [sflag:$0x1] =	stream.linear.gather [hbm4b:s25+s2], $0x80, $0x38;
	[tilespmem:$0x4000] =	vst v63  }
0x46: {  	s26 =	spop (v2sf);
	(v2sf) =	vpush v0, $0xD  }
0x47: {  	s29 =	spop (v2sf);
	(v2sf) =	vpush v0, $0xE  }
0x48: {  	s25 =	sand.u32 $0x1FFFFFF0, s26  }
0x49: {  	s28 =	simm.s32 $0x3400;
	s25 =	sadd.s32 s3, s25  }
0x4a: {  	[tilespmem:s28], [sflag:$0x1] =	stream.linear.gather [hbm4b:s25+s2], $0x80, $0x38;
	[tilespmem:$0x4000] =	vst v63  }
0x4b: {  	s25 =	sand.u32 $0x1FFFFFF0, s29  }
0x4c: {  	s30 =	simm.s32 $0x3480;
	s28 =	spop (v2sf);
	(v2sf) =	vpush v0, $0xF;
	s25 =	sadd.s32 s3, s25  }
0x4d: {  	[tilespmem:s30], [sflag:$0x1] =	stream.linear.gather [hbm4b:s25+s2], $0x80, $0x38;
	[tilespmem:$0x4000] =	vst v63  }
0x4e: {  	s29 =	spop (v2sf);
	s25 =	sand.u32 $0x1FFFFFF0, s28;
	s30 =	simm.s32 $0x3500  }
0x4f: {  	s28 =	sand.u32 $0x1FFFFFF0, s29;
	s29 =	spop (v2sf);
	s25 =	sadd.s32 s3, s25  }
0x50: {  	[tilespmem:s30], [sflag:$0x1] =	stream.linear.gather [hbm4b:s25+s2], $0x80, $0x38;
	[tilespmem:$0x4000] =	vst v63  }
0x51: {  	s25 =	sadd.s32 s3, s28;
	s30 =	simm.s32 $0x3580;
	s28 =	sand.u32 $0x1FFFFFF0, s29  }
0x52: {  	[tilespmem:s30], [sflag:$0x1] =	stream.linear.gather [hbm4b:s25+s2], $0x80, $0x38;
	[tilespmem:$0x4000] =	vst v63  }
0x53: {  	s25 =	sadd.s32 s3, s28;
	s30 =	simm.s32 $0x3600  }
0x54: {  	[tilespmem:s30], [sflag:$0x1] =	stream.linear.gather [hbm4b:s25+s2], $0x80, $0x38;
	[tilespmem:$0x4000] =	vst v63  }
0x55: {  	s29 =	spop (v2sf)  }
0x56: {  	s28 =	sand.u32 $0x1FFFFFF0, s29;
	s29 =	spop (v2sf)  }
0x57: {  	s30 =	simm.s32 $0x3680;
	s25 =	sadd.s32 s3, s28;
	s26 =	sand.u32 $0x1FFFFFF0, s29  }
0x58: {  	[tilespmem:s30], [sflag:$0x1] =	stream.linear.gather [hbm4b:s25+s2], $0x80, $0x38;
	[tilespmem:$0x4000] =	vst v63  }
0x59: {  	s28 =	simm.s32 $0x3700;
	s25 =	sadd.s32 s3, s26  }
0x5a: {  	[tilespmem:s28], [sflag:$0x1] =	stream.linear.gather [hbm4b:s25+s2], $0x80, $0x38;
	[tilespmem:$0x4000] =	vst v63  }
.Ltmp2:
0x5b: {  	s29 =	spop (v2sf);
	(pc) =	sbr.rel .LBB2_2-.Ltmp2, $4  }
0x5c: {  	s25 =	sand.u32 $0x1FFFFFF0, s29  }
0x5d: {  	s30 =	simm.s32 $0x3780;
	s25 =	sadd.s32 s3, s25  }
0x5e: {  	[tilespmem:s30], [sflag:$0x1] =	stream.linear.gather [hbm4b:s25+s2], $0x80, $0x38;
	[tilespmem:$0x4000] =	vst v63  }
0x5f: {  	s26 =	simm.s32 $0x0;
	s25 =	simm.s32 $0x100  }
.LBB2_4:
0x60: {  	_ =	swait.ge [sflag:s22], $0x800  }
0x61: {  	[sflag:s22] =	ssyncset.done $0x0  }
0x62: {  	s28 =	sadd.s32 $0x100, s28;
	s26 =	sadd.s32 $0x200, s26;
	[sflag:s22] =	ssyncadd.s32 $0xFFFFF800  }
0x63: {  	[hbm4b:s28+s2] =	stream.linear.scatter [tilespmem:s31], [sflag:$0x4], $0x800, $0x38;
	[tilespmem:$0x4000] =	vst v63  }
0x64: {  	p0 =	sne.s32 s26, $0x2000;
	_ =	swait.ge [sflag:s23], $0x800  }
.Ltmp3:
0x65: {  	[sflag:s23] =	ssyncset.done $0x0;
	(pc) =	sbr.rel @!p0 .LBB2_5-.Ltmp3, $4  }
0x66: {  	[sflag:s23] =	ssyncadd.s32 $0xFFFFF800  }
0x67: {  	_ =	swait.ge [sflag:s24], $0x800  }
0x68: {  	[sflag:s24] =	ssyncset.done $0x0  }
0x69: {  	s25 =	sadd.s32 $0x100, s25;
	[sflag:s24] =	ssyncadd.s32 $0xFFFFF800  }
.LBB2_2:
0x6a: {  	v0 =	vld [tilespmem:s25+$0xFFFFFF80];
	_ =	sdelay $0x4  }
0x6b: {  	v0 =	vshll.u32 v0, $0x4  }
0x6c: {  	(v2sf) =	vpush v0, $0x0;
	_ =	sdelay $0x3  }
0x6d: {  	(v2sf) =	vpush v0, $0x1;
	_ =	sdelay $0x3  }
0x6e: {  	(v2sf) =	vpush v0, $0x2;
	_ =	sdelay $0x3  }
0x6f: {  	(v2sf) =	vpush v0, $0x3;
	_ =	sdelay $0x2  }
0x70: {  	s28 =	spop (v2sf)  }
0x71: {  	(v2sf) =	vpush v0, $0x4;
	s28 =	sand.u32 $0x1FFFFFF0, s28  }
0x72: {  	s28 =	sadd.s32 s3, s28  }
0x73: {  	[tilespmem:s31], [sflag:$0x2] =	stream.linear.gather [hbm4b:s28+s2], $0x80, $0x38;
	[tilespmem:$0x4000] =	vst v63  }
0x74: {  	s28 =	spop (v2sf)  }
0x75: {  	(v2sf) =	vpush v0, $0x5;
	s28 =	sand.u32 $0x1FFFFFF0, s28  }
0x76: {  	s28 =	sadd.s32 s3, s28  }
0x77: {  	[tilespmem:s0], [sflag:$0x2] =	stream.linear.gather [hbm4b:s28+s2], $0x80, $0x38;
	[tilespmem:$0x4000] =	vst v63  }
0x78: {  	s28 =	spop (v2sf)  }
0x79: {  	(v2sf) =	vpush v0, $0x6;
	s28 =	sand.u32 $0x1FFFFFF0, s28  }
0x7a: {  	s28 =	sadd.s32 s3, s28  }
0x7b: {  	[tilespmem:s1], [sflag:$0x2] =	stream.linear.gather [hbm4b:s28+s2], $0x80, $0x38;
	[tilespmem:$0x4000] =	vst v63  }
0x7c: {  	s28 =	spop (v2sf)  }
0x7d: {  	(v2sf) =	vpush v0, $0x7;
	s28 =	sand.u32 $0x1FFFFFF0, s28  }
0x7e: {  	s28 =	sadd.s32 s3, s28  }
0x7f: {  	[tilespmem:s12], [sflag:$0x2] =	stream.linear.gather [hbm4b:s28+s2], $0x80, $0x38;
	[tilespmem:$0x4000] =	vst v63  }
0x80: {  	s28 =	spop (v2sf)  }
0x81: {  	(v2sf) =	vpush v0, $0x8;
	s28 =	sand.u32 $0x1FFFFFF0, s28  }
0x82: {  	s28 =	sadd.s32 s3, s28  }
0x83: {  	[tilespmem:s13], [sflag:$0x2] =	stream.linear.gather [hbm4b:s28+s2], $0x80, $0x38;
	[tilespmem:$0x4000] =	vst v63  }
0x84: {  	s28 =	spop (v2sf)  }
0x85: {  	(v2sf) =	vpush v0, $0x9;
	s28 =	sand.u32 $0x1FFFFFF0, s28  }
0x86: {  	s28 =	sadd.s32 s3, s28  }
0x87: {  	[tilespmem:s4], [sflag:$0x2] =	stream.linear.gather [hbm4b:s28+s2], $0x80, $0x38;
	[tilespmem:$0x4000] =	vst v63  }
0x88: {  	s28 =	spop (v2sf)  }
0x89: {  	(v2sf) =	vpush v0, $0xA;
	s28 =	sand.u32 $0x1FFFFFF0, s28  }
0x8a: {  	s28 =	sadd.s32 s3, s28  }
0x8b: {  	[tilespmem:s5], [sflag:$0x2] =	stream.linear.gather [hbm4b:s28+s2], $0x80, $0x38;
	[tilespmem:$0x4000] =	vst v63  }
0x8c: {  	s28 =	spop (v2sf)  }
0x8d: {  	(v2sf) =	vpush v0, $0xB;
	s28 =	sand.u32 $0x1FFFFFF0, s28  }
0x8e: {  	s28 =	sadd.s32 s3, s28  }
0x8f: {  	[tilespmem:s6], [sflag:$0x2] =	stream.linear.gather [hbm4b:s28+s2], $0x80, $0x38;
	[tilespmem:$0x4000] =	vst v63  }
0x90: {  	s28 =	spop (v2sf)  }
0x91: {  	(v2sf) =	vpush v0, $0xC;
	s28 =	sand.u32 $0x1FFFFFF0, s28  }
0x92: {  	s28 =	sadd.s32 s3, s28  }
0x93: {  	[tilespmem:s7], [sflag:$0x2] =	stream.linear.gather [hbm4b:s28+s2], $0x80, $0x38;
	[tilespmem:$0x4000] =	vst v63  }
0x94: {  	s28 =	spop (v2sf)  }
0x95: {  	(v2sf) =	vpush v0, $0xD;
	s28 =	sand.u32 $0x1FFFFFF0, s28  }
0x96: {  	s28 =	sadd.s32 s3, s28  }
0x97: {  	[tilespmem:s11], [sflag:$0x2] =	stream.linear.gather [hbm4b:s28+s2], $0x80, $0x38;
	[tilespmem:$0x4000] =	vst v63  }
0x98: {  	s28 =	spop (v2sf)  }
0x99: {  	(v2sf) =	vpush v0, $0xE;
	s28 =	sand.u32 $0x1FFFFFF0, s28  }
0x9a: {  	s28 =	sadd.s32 s3, s28  }
0x9b: {  	[tilespmem:s15], [sflag:$0x2] =	stream.linear.gather [hbm4b:s28+s2], $0x80, $0x38;
	[tilespmem:$0x4000] =	vst v63  }
0x9c: {  	s28 =	spop (v2sf)  }
0x9d: {  	(v2sf) =	vpush v0, $0xF;
	s28 =	sand.u32 $0x1FFFFFF0, s28  }
0x9e: {  	s28 =	sadd.s32 s3, s28  }
0x9f: {  	[tilespmem:s16], [sflag:$0x2] =	stream.linear.gather [hbm4b:s28+s2], $0x80, $0x38;
	[tilespmem:$0x4000] =	vst v63  }
0xa0: {  	s28 =	spop (v2sf)  }
0xa1: {  	s28 =	sand.u32 $0x1FFFFFF0, s28  }
0xa2: {  	s28 =	sadd.s32 s3, s28  }
0xa3: {  	[tilespmem:s17], [sflag:$0x2] =	stream.linear.gather [hbm4b:s28+s2], $0x80, $0x38;
	[tilespmem:$0x4000] =	vst v63  }
0xa4: {  	s28 =	spop (v2sf)  }
0xa5: {  	s28 =	sand.u32 $0x1FFFFFF0, s28  }
0xa6: {  	s28 =	sadd.s32 s3, s28  }
0xa7: {  	[tilespmem:s18], [sflag:$0x2] =	stream.linear.gather [hbm4b:s28+s2], $0x80, $0x38;
	[tilespmem:$0x4000] =	vst v63  }
0xa8: {  	s28 =	spop (v2sf)  }
0xa9: {  	s28 =	sand.u32 $0x1FFFFFF0, s28  }
0xaa: {  	s28 =	sadd.s32 s3, s28  }
0xab: {  	[tilespmem:s19], [sflag:$0x2] =	stream.linear.gather [hbm4b:s28+s2], $0x80, $0x38;
	[tilespmem:$0x4000] =	vst v63  }
0xac: {  	s28 =	spop (v2sf)  }
0xad: {  	s28 =	sand.u32 $0x1FFFFFF0, s28  }
0xae: {  	p0 =	seq.s32 s26, $0x1E00;
	s28 =	sadd.s32 s3, s28  }
0xaf: {  	[tilespmem:s20], [sflag:$0x2] =	stream.linear.gather [hbm4b:s28+s2], $0x80, $0x38;
	[tilespmem:$0x4000] =	vst v63  }
.Ltmp4:
0xb0: {  	_ = 	snop;
	(pc) =	sbr.rel @p0 .LBB2_4-.Ltmp4, $4  }
0xb1: {  	_ =	swait.ge [sflag:s21], $0x800  }
0xb2: {  	[sflag:s21] =	ssyncset.done $0x0  }
0xb3: {  	s28 =	sadd.s32 s26, s8;
	[sflag:s21] =	ssyncadd.s32 $0xFFFFF800  }
0xb4: {  	[hbm4b:s28+s2] =	stream.linear.scatter [tilespmem:s14], [sflag:$0x3], $0x800, $0x38;
	[tilespmem:$0x4000] =	vst v63  }
0xb5: {  	v0 =	vld [tilespmem:s25+$0x0];
	_ =	sdelay $0x4  }
0xb6: {  	v0 =	vshll.u32 v0, $0x4  }
0xb7: {  	(v2sf) =	vpush v0, $0x0;
	_ =	sdelay $0x1  }
0xb8: {  	(v2sf) =	vpush v0, $0x1;
	_ =	sdelay $0x4  }
0xb9: {  	(v2sf) =	vpush v0, $0x2;
	_ =	sdelay $0x3  }
0xba: {  	(v2sf) =	vpush v0, $0x3;
	_ =	sdelay $0x3  }
0xbb: {  	s29 =	spop (v2sf);
	(v2sf) =	vpush v0, $0x4  }
0xbc: {  	s29 =	sand.u32 $0x1FFFFFF0, s29  }
0xbd: {  	s30 =	spop (v2sf);
	s29 =	sadd.s32 s3, s29  }
0xbe: {  	[tilespmem:s14], [sflag:$0x1] =	stream.linear.gather [hbm4b:s29+s2], $0x80, $0x38;
	[tilespmem:$0x4000] =	vst v63  }
0xbf: {  	(v2sf) =	vpush v0, $0x5;
	s29 =	sand.u32 $0x1FFFFFF0, s30  }
0xc0: {  	s30 =	simm.s32 $0x3080;
	s29 =	sadd.s32 s3, s29  }
0xc1: {  	[tilespmem:s30], [sflag:$0x1] =	stream.linear.gather [hbm4b:s29+s2], $0x80, $0x38;
	[tilespmem:$0x4000] =	vst v63  }
0xc2: {  	s30 =	spop (v2sf)  }
0xc3: {  	(v2sf) =	vpush v0, $0x6;
	s29 =	sand.u32 $0x1FFFFFF0, s30  }
0xc4: {  	s30 =	simm.s32 $0x3100;
	s29 =	sadd.s32 s3, s29  }
0xc5: {  	[tilespmem:s30], [sflag:$0x1] =	stream.linear.gather [hbm4b:s29+s2], $0x80, $0x38;
	[tilespmem:$0x4000] =	vst v63  }
0xc6: {  	s30 =	spop (v2sf)  }
0xc7: {  	(v2sf) =	vpush v0, $0x7;
	s29 =	sand.u32 $0x1FFFFFF0, s30  }
0xc8: {  	s30 =	simm.s32 $0x3180;
	s29 =	sadd.s32 s3, s29  }
0xc9: {  	[tilespmem:s30], [sflag:$0x1] =	stream.linear.gather [hbm4b:s29+s2], $0x80, $0x38;
	[tilespmem:$0x4000] =	vst v63  }
0xca: {  	s30 =	spop (v2sf)  }
0xcb: {  	(v2sf) =	vpush v0, $0x8;
	s29 =	sand.u32 $0x1FFFFFF0, s30  }
0xcc: {  	s30 =	simm.s32 $0x3200;
	s29 =	sadd.s32 s3, s29  }
0xcd: {  	[tilespmem:s30], [sflag:$0x1] =	stream.linear.gather [hbm4b:s29+s2], $0x80, $0x38;
	[tilespmem:$0x4000] =	vst v63  }
0xce: {  	s30 =	spop (v2sf)  }
0xcf: {  	(v2sf) =	vpush v0, $0x9;
	s29 =	sand.u32 $0x1FFFFFF0, s30  }
0xd0: {  	s30 =	simm.s32 $0x3280;
	s29 =	sadd.s32 s3, s29  }
0xd1: {  	[tilespmem:s30], [sflag:$0x1] =	stream.linear.gather [hbm4b:s29+s2], $0x80, $0x38;
	[tilespmem:$0x4000] =	vst v63  }
0xd2: {  	s30 =	spop (v2sf)  }
0xd3: {  	(v2sf) =	vpush v0, $0xA;
	s29 =	sand.u32 $0x1FFFFFF0, s30  }
0xd4: {  	s30 =	simm.s32 $0x3300;
	s29 =	sadd.s32 s3, s29  }
0xd5: {  	[tilespmem:s30], [sflag:$0x1] =	stream.linear.gather [hbm4b:s29+s2], $0x80, $0x38;
	[tilespmem:$0x4000] =	vst v63  }
0xd6: {  	s30 =	spop (v2sf)  }
0xd7: {  	(v2sf) =	vpush v0, $0xB;
	s29 =	sand.u32 $0x1FFFFFF0, s30  }
0xd8: {  	s30 =	simm.s32 $0x3380;
	s29 =	sadd.s32 s3, s29  }
0xd9: {  	[tilespmem:s30], [sflag:$0x1] =	stream.linear.gather [hbm4b:s29+s2], $0x80, $0x38;
	[tilespmem:$0x4000] =	vst v63  }
0xda: {  	s30 =	spop (v2sf)  }
0xdb: {  	(v2sf) =	vpush v0, $0xC;
	s29 =	sand.u32 $0x1FFFFFF0, s30  }
0xdc: {  	s30 =	simm.s32 $0x3400;
	s29 =	sadd.s32 s3, s29  }
0xdd: {  	[tilespmem:s30], [sflag:$0x1] =	stream.linear.gather [hbm4b:s29+s2], $0x80, $0x38;
	[tilespmem:$0x4000] =	vst v63  }
0xde: {  	s30 =	spop (v2sf)  }
0xdf: {  	(v2sf) =	vpush v0, $0xD;
	s29 =	sand.u32 $0x1FFFFFF0, s30  }
0xe0: {  	s30 =	simm.s32 $0x3480;
	s29 =	sadd.s32 s3, s29  }
0xe1: {  	[tilespmem:s30], [sflag:$0x1] =	stream.linear.gather [hbm4b:s29+s2], $0x80, $0x38;
	[tilespmem:$0x4000] =	vst v63  }
0xe2: {  	s30 =	spop (v2sf)  }
0xe3: {  	(v2sf) =	vpush v0, $0xE;
	s29 =	sand.u32 $0x1FFFFFF0, s30  }
0xe4: {  	s30 =	simm.s32 $0x3500;
	s29 =	sadd.s32 s3, s29  }
0xe5: {  	[tilespmem:s30], [sflag:$0x1] =	stream.linear.gather [hbm4b:s29+s2], $0x80, $0x38;
	[tilespmem:$0x4000] =	vst v63  }
0xe6: {  	s30 =	spop (v2sf)  }
0xe7: {  	s29 =	sand.u32 $0x1FFFFFF0, s30  }
0xe8: {  	(v2sf) =	vpush v0, $0xF;
	s30 =	simm.s32 $0x3580;
	s29 =	sadd.s32 s3, s29  }
0xe9: {  	[tilespmem:s30], [sflag:$0x1] =	stream.linear.gather [hbm4b:s29+s2], $0x80, $0x38;
	[tilespmem:$0x4000] =	vst v63  }
0xea: {  	s30 =	spop (v2sf)  }
0xeb: {  	s29 =	sand.u32 $0x1FFFFFF0, s30  }
0xec: {  	s30 =	simm.s32 $0x3600;
	s29 =	sadd.s32 s3, s29  }
0xed: {  	[tilespmem:s30], [sflag:$0x1] =	stream.linear.gather [hbm4b:s29+s2], $0x80, $0x38;
	[tilespmem:$0x4000] =	vst v63  }
0xee: {  	s30 =	spop (v2sf)  }
0xef: {  	s29 =	sand.u32 $0x1FFFFFF0, s30  }
0xf0: {  	s30 =	simm.s32 $0x3680;
	s29 =	sadd.s32 s3, s29  }
0xf1: {  	[tilespmem:s30], [sflag:$0x1] =	stream.linear.gather [hbm4b:s29+s2], $0x80, $0x38;
	[tilespmem:$0x4000] =	vst v63  }
0xf2: {  	s30 =	spop (v2sf)  }
0xf3: {  	s29 =	sand.u32 $0x1FFFFFF0, s30  }
0xf4: {  	s30 =	simm.s32 $0x3700;
	s29 =	sadd.s32 s3, s29  }
0xf5: {  	[tilespmem:s30], [sflag:$0x1] =	stream.linear.gather [hbm4b:s29+s2], $0x80, $0x38;
	[tilespmem:$0x4000] =	vst v63  }
.Ltmp5:
0xf6: {  	_ = 	snop;
	(pc) =	sbr.rel .LBB2_4-.Ltmp5, $4  }
0xf7: {  	s30 =	spop (v2sf)  }
0xf8: {  	s29 =	sand.u32 $0x1FFFFFF0, s30  }
0xf9: {  	s30 =	simm.s32 $0x3780;
	s29 =	sadd.s32 s3, s29  }
0xfa: {  	[tilespmem:s30], [sflag:$0x1] =	stream.linear.gather [hbm4b:s29+s2], $0x80, $0x38;
	[tilespmem:$0x4000] =	vst v63  }
.LBB2_5:
0xfb: {  	v0 =	vld [tilespmem:$0x1000];
	_ =	sdelay $0x4  }
0xfc: {  	v0 =	vshll.u32 v0, $0x4  }
0xfd: {  	(v2sf) =	vpush v0, $0x0;
	_ =	sdelay $0x1  }
0xfe: {  	(v2sf) =	vpush v0, $0x1;
	_ =	sdelay $0x2  }
0xff: {  	(v2sf) =	vpush v0, $0x2;
	_ =	sdelay $0x4  }
0x100: {  	(v2sf) =	vpush v0, $0x3;
	_ =	sdelay $0x4  }
0x101: {  	s25 =	spop (v2sf);
	(v2sf) =	vpush v0, $0x4;
	_ =	sdelay $0x1  }
0x102: {  	s28 =	spop (v2sf);
	(v2sf) =	vpush v0, $0x5;
	_ =	sdelay $0x1  }
0x103: {  	s25 =	sand.u32 $0x1FFFFFF0, s25  }
0x104: {  	s26 =	sadd.s32 s3, s25;
	s25 =	simm.s32 $0x0;
	s29 =	spop (v2sf);
	(v2sf) =	vpush v0, $0x6  }
0x105: {  	[tilespmem:s14], [sflag:$0x1] =	stream.linear.gather [hbm4b:s26+s25], $0x80, $0x38;
	[tilespmem:$0x4000] =	vst v63  }
0x106: {  	s26 =	sand.u32 $0x1FFFFFF0, s28  }
0x107: {  	s28 =	simm.s32 $0x3080;
	s26 =	sadd.s32 s3, s26  }
0x108: {  	[tilespmem:s28], [sflag:$0x1] =	stream.linear.gather [hbm4b:s26+s25], $0x80, $0x38;
	[tilespmem:$0x4000] =	vst v63  }
0x109: {  	s26 =	sand.u32 $0x1FFFFFF0, s29;
	s29 =	spop (v2sf);
	(v2sf) =	vpush v0, $0x7;
	_ =	sdelay $0x1  }
0x10a: {  	s30 =	simm.s32 $0x3100;
	s26 =	sadd.s32 s3, s26  }
0x10b: {  	[tilespmem:s30], [sflag:$0x1] =	stream.linear.gather [hbm4b:s26+s25], $0x80, $0x38;
	[tilespmem:$0x4000] =	vst v63  }
0x10c: {  	s26 =	sand.u32 $0x1FFFFFF0, s29  }
0x10d: {  	s30 =	simm.s32 $0x3180;
	s26 =	sadd.s32 s3, s26;
	s29 =	spop (v2sf);
	(v2sf) =	vpush v0, $0x8  }
0x10e: {  	[tilespmem:s30], [sflag:$0x1] =	stream.linear.gather [hbm4b:s26+s25], $0x80, $0x38;
	[tilespmem:$0x4000] =	vst v63  }
0x10f: {  	s26 =	sand.u32 $0x1FFFFFF0, s29;
	s29 =	spop (v2sf);
	(v2sf) =	vpush v0, $0x9  }
0x110: {  	s30 =	simm.s32 $0x3200;
	s26 =	sadd.s32 s3, s26  }
0x111: {  	[tilespmem:s30], [sflag:$0x1] =	stream.linear.gather [hbm4b:s26+s25], $0x80, $0x38;
	[tilespmem:$0x4000] =	vst v63  }
0x112: {  	s26 =	sand.u32 $0x1FFFFFF0, s29;
	s29 =	spop (v2sf);
	(v2sf) =	vpush v0, $0xA;
	_ =	sdelay $0x2  }
0x113: {  	s30 =	simm.s32 $0x3280;
	s26 =	sadd.s32 s3, s26  }
0x114: {  	[tilespmem:s30], [sflag:$0x1] =	stream.linear.gather [hbm4b:s26+s25], $0x80, $0x38;
	[tilespmem:$0x4000] =	vst v63  }
0x115: {  	s26 =	sand.u32 $0x1FFFFFF0, s29;
	s29 =	spop (v2sf);
	(v2sf) =	vpush v0, $0xB;
	_ =	sdelay $0x1  }
0x116: {  	s30 =	simm.s32 $0x3300;
	s26 =	sadd.s32 s3, s26  }
0x117: {  	[tilespmem:s30], [sflag:$0x1] =	stream.linear.gather [hbm4b:s26+s25], $0x80, $0x38;
	[tilespmem:$0x4000] =	vst v63  }
0x118: {  	s26 =	sand.u32 $0x1FFFFFF0, s29  }
0x119: {  	s30 =	simm.s32 $0x3380;
	s26 =	sadd.s32 s3, s26;
	s29 =	spop (v2sf);
	(v2sf) =	vpush v0, $0xC  }
0x11a: {  	[tilespmem:s30], [sflag:$0x1] =	stream.linear.gather [hbm4b:s26+s25], $0x80, $0x38;
	[tilespmem:$0x4000] =	vst v63  }
0x11b: {  	s26 =	sand.u32 $0x1FFFFFF0, s29;
	s29 =	spop (v2sf);
	(v2sf) =	vpush v0, $0xD  }
0x11c: {  	s30 =	simm.s32 $0x3400;
	s26 =	sadd.s32 s3, s26  }
0x11d: {  	[tilespmem:s30], [sflag:$0x1] =	stream.linear.gather [hbm4b:s26+s25], $0x80, $0x38;
	[tilespmem:$0x4000] =	vst v63  }
0x11e: {  	s26 =	sand.u32 $0x1FFFFFF0, s29;
	s29 =	spop (v2sf);
	(v2sf) =	vpush v0, $0xE;
	_ =	sdelay $0x1  }
0x11f: {  	s30 =	simm.s32 $0x3480;
	s26 =	sadd.s32 s3, s26  }
0x120: {  	[tilespmem:s30], [sflag:$0x1] =	stream.linear.gather [hbm4b:s26+s25], $0x80, $0x38;
	[tilespmem:$0x4000] =	vst v63  }
0x121: {  	s26 =	sand.u32 $0x1FFFFFF0, s29  }
0x122: {  	s30 =	simm.s32 $0x3500;
	s29 =	spop (v2sf);
	(v2sf) =	vpush v0, $0xF;
	s26 =	sadd.s32 s3, s26  }
0x123: {  	[tilespmem:s30], [sflag:$0x1] =	stream.linear.gather [hbm4b:s26+s25], $0x80, $0x38;
	[tilespmem:$0x4000] =	vst v63  }
0x124: {  	s26 =	sand.u32 $0x1FFFFFF0, s29  }
0x125: {  	s30 =	simm.s32 $0x3580;
	s26 =	sadd.s32 s3, s26  }
0x126: {  	[tilespmem:s30], [sflag:$0x1] =	stream.linear.gather [hbm4b:s26+s25], $0x80, $0x38;
	[tilespmem:$0x4000] =	vst v63  }
0x127: {  	s29 =	spop (v2sf)  }
0x128: {  	s26 =	sand.u32 $0x1FFFFFF0, s29  }
0x129: {  	s30 =	simm.s32 $0x3600;
	s29 =	spop (v2sf);
	s26 =	sadd.s32 s3, s26  }
0x12a: {  	[tilespmem:s30], [sflag:$0x1] =	stream.linear.gather [hbm4b:s26+s25], $0x80, $0x38;
	[tilespmem:$0x4000] =	vst v63  }
0x12b: {  	s26 =	sand.u32 $0x1FFFFFF0, s29  }
0x12c: {  	s30 =	simm.s32 $0x3680;
	s29 =	spop (v2sf);
	s26 =	sadd.s32 s3, s26  }
0x12d: {  	[tilespmem:s30], [sflag:$0x1] =	stream.linear.gather [hbm4b:s26+s25], $0x80, $0x38;
	[tilespmem:$0x4000] =	vst v63  }
0x12e: {  	s26 =	sand.u32 $0x1FFFFFF0, s29  }
0x12f: {  	s30 =	simm.s32 $0x3700;
	s26 =	sadd.s32 s3, s26  }
0x130: {  	[tilespmem:s30], [sflag:$0x1] =	stream.linear.gather [hbm4b:s26+s25], $0x80, $0x38;
	[tilespmem:$0x4000] =	vst v63  }
.Ltmp6:
0x131: {  	s29 =	spop (v2sf);
	(pc) =	sbr.rel .LBB2_6-.Ltmp6, $4  }
0x132: {  	s26 =	sand.u32 $0x1FFFFFF0, s29  }
0x133: {  	s30 =	simm.s32 $0x3780;
	s26 =	sadd.s32 s3, s26  }
0x134: {  	[tilespmem:s30], [sflag:$0x1] =	stream.linear.gather [hbm4b:s26+s25], $0x80, $0x38;
	[tilespmem:$0x4000] =	vst v63  }
0x135: {  	s26 =	simm.s32 $0x1100  }
.LBB2_8:
0x136: {  	_ =	swait.ge [sflag:s22], $0x800  }
0x137: {  	[sflag:s22] =	ssyncset.done $0x0  }
0x138: {  	s28 =	sadd.s32 $0x100, s28;
	s25 =	sadd.s32 $0x200, s25;
	[sflag:s22] =	ssyncadd.s32 $0xFFFFF800  }
0x139: {  	[hbm4b:s28+s2] =	stream.linear.scatter [tilespmem:s31], [sflag:$0x4], $0x800, $0x38;
	[tilespmem:$0x4000] =	vst v63  }
0x13a: {  	p0 =	sne.s32 s25, $0x2000;
	_ =	swait.ge [sflag:s23], $0x800  }
.Ltmp7:
0x13b: {  	[sflag:s23] =	ssyncset.done $0x0;
	(pc) =	sbr.rel @!p0 .LBB2_9-.Ltmp7, $4  }
0x13c: {  	[sflag:s23] =	ssyncadd.s32 $0xFFFFF800  }
0x13d: {  	_ =	swait.ge [sflag:s24], $0x800  }
0x13e: {  	[sflag:s24] =	ssyncset.done $0x0  }
0x13f: {  	s26 =	sadd.s32 $0x100, s26;
	[sflag:s24] =	ssyncadd.s32 $0xFFFFF800  }
.LBB2_6:
0x140: {  	v0 =	vld [tilespmem:s26+$0xFFFFFF80];
	_ =	sdelay $0x4  }
0x141: {  	v0 =	vshll.u32 v0, $0x4  }
0x142: {  	(v2sf) =	vpush v0, $0x0;
	_ =	sdelay $0x3  }
0x143: {  	(v2sf) =	vpush v0, $0x1;
	_ =	sdelay $0x3  }
0x144: {  	(v2sf) =	vpush v0, $0x2;
	_ =	sdelay $0x3  }
0x145: {  	(v2sf) =	vpush v0, $0x3;
	_ =	sdelay $0x2  }
0x146: {  	s28 =	spop (v2sf)  }
0x147: {  	(v2sf) =	vpush v0, $0x4;
	s28 =	sand.u32 $0x1FFFFFF0, s28  }
0x148: {  	s28 =	sadd.s32 s3, s28  }
0x149: {  	[tilespmem:s31], [sflag:$0x2] =	stream.linear.gather [hbm4b:s28+s2], $0x80, $0x38;
	[tilespmem:$0x4000] =	vst v63  }
0x14a: {  	s28 =	spop (v2sf)  }
0x14b: {  	(v2sf) =	vpush v0, $0x5;
	s28 =	sand.u32 $0x1FFFFFF0, s28  }
0x14c: {  	s28 =	sadd.s32 s3, s28  }
0x14d: {  	[tilespmem:s0], [sflag:$0x2] =	stream.linear.gather [hbm4b:s28+s2], $0x80, $0x38;
	[tilespmem:$0x4000] =	vst v63  }
0x14e: {  	s28 =	spop (v2sf)  }
0x14f: {  	(v2sf) =	vpush v0, $0x6;
	s28 =	sand.u32 $0x1FFFFFF0, s28  }
0x150: {  	s28 =	sadd.s32 s3, s28  }
0x151: {  	[tilespmem:s1], [sflag:$0x2] =	stream.linear.gather [hbm4b:s28+s2], $0x80, $0x38;
	[tilespmem:$0x4000] =	vst v63  }
0x152: {  	s28 =	spop (v2sf)  }
0x153: {  	(v2sf) =	vpush v0, $0x7;
	s28 =	sand.u32 $0x1FFFFFF0, s28  }
0x154: {  	s28 =	sadd.s32 s3, s28  }
0x155: {  	[tilespmem:s12], [sflag:$0x2] =	stream.linear.gather [hbm4b:s28+s2], $0x80, $0x38;
	[tilespmem:$0x4000] =	vst v63  }
0x156: {  	s28 =	spop (v2sf)  }
0x157: {  	(v2sf) =	vpush v0, $0x8;
	s28 =	sand.u32 $0x1FFFFFF0, s28  }
0x158: {  	s28 =	sadd.s32 s3, s28  }
0x159: {  	[tilespmem:s13], [sflag:$0x2] =	stream.linear.gather [hbm4b:s28+s2], $0x80, $0x38;
	[tilespmem:$0x4000] =	vst v63  }
0x15a: {  	s28 =	spop (v2sf)  }
0x15b: {  	(v2sf) =	vpush v0, $0x9;
	s28 =	sand.u32 $0x1FFFFFF0, s28  }
0x15c: {  	s28 =	sadd.s32 s3, s28  }
0x15d: {  	[tilespmem:s4], [sflag:$0x2] =	stream.linear.gather [hbm4b:s28+s2], $0x80, $0x38;
	[tilespmem:$0x4000] =	vst v63  }
0x15e: {  	s28 =	spop (v2sf)  }
0x15f: {  	(v2sf) =	vpush v0, $0xA;
	s28 =	sand.u32 $0x1FFFFFF0, s28  }
0x160: {  	s28 =	sadd.s32 s3, s28  }
0x161: {  	[tilespmem:s5], [sflag:$0x2] =	stream.linear.gather [hbm4b:s28+s2], $0x80, $0x38;
	[tilespmem:$0x4000] =	vst v63  }
0x162: {  	s28 =	spop (v2sf)  }
0x163: {  	(v2sf) =	vpush v0, $0xB;
	s28 =	sand.u32 $0x1FFFFFF0, s28  }
0x164: {  	s28 =	sadd.s32 s3, s28  }
0x165: {  	[tilespmem:s6], [sflag:$0x2] =	stream.linear.gather [hbm4b:s28+s2], $0x80, $0x38;
	[tilespmem:$0x4000] =	vst v63  }
0x166: {  	s28 =	spop (v2sf)  }
0x167: {  	(v2sf) =	vpush v0, $0xC;
	s28 =	sand.u32 $0x1FFFFFF0, s28  }
0x168: {  	s28 =	sadd.s32 s3, s28  }
0x169: {  	[tilespmem:s7], [sflag:$0x2] =	stream.linear.gather [hbm4b:s28+s2], $0x80, $0x38;
	[tilespmem:$0x4000] =	vst v63  }
0x16a: {  	s28 =	spop (v2sf)  }
0x16b: {  	(v2sf) =	vpush v0, $0xD;
	s28 =	sand.u32 $0x1FFFFFF0, s28  }
0x16c: {  	s28 =	sadd.s32 s3, s28  }
0x16d: {  	[tilespmem:s11], [sflag:$0x2] =	stream.linear.gather [hbm4b:s28+s2], $0x80, $0x38;
	[tilespmem:$0x4000] =	vst v63  }
0x16e: {  	s28 =	spop (v2sf)  }
0x16f: {  	(v2sf) =	vpush v0, $0xE;
	s28 =	sand.u32 $0x1FFFFFF0, s28  }
0x170: {  	s28 =	sadd.s32 s3, s28  }
0x171: {  	[tilespmem:s15], [sflag:$0x2] =	stream.linear.gather [hbm4b:s28+s2], $0x80, $0x38;
	[tilespmem:$0x4000] =	vst v63  }
0x172: {  	s28 =	spop (v2sf)  }
0x173: {  	(v2sf) =	vpush v0, $0xF;
	s28 =	sand.u32 $0x1FFFFFF0, s28  }
0x174: {  	s28 =	sadd.s32 s3, s28  }
0x175: {  	[tilespmem:s16], [sflag:$0x2] =	stream.linear.gather [hbm4b:s28+s2], $0x80, $0x38;
	[tilespmem:$0x4000] =	vst v63  }
0x176: {  	s28 =	spop (v2sf)  }
0x177: {  	s28 =	sand.u32 $0x1FFFFFF0, s28  }
0x178: {  	s28 =	sadd.s32 s3, s28  }
0x179: {  	[tilespmem:s17], [sflag:$0x2] =	stream.linear.gather [hbm4b:s28+s2], $0x80, $0x38;
	[tilespmem:$0x4000] =	vst v63  }
0x17a: {  	s28 =	spop (v2sf)  }
0x17b: {  	s28 =	sand.u32 $0x1FFFFFF0, s28  }
0x17c: {  	s28 =	sadd.s32 s3, s28  }
0x17d: {  	[tilespmem:s18], [sflag:$0x2] =	stream.linear.gather [hbm4b:s28+s2], $0x80, $0x38;
	[tilespmem:$0x4000] =	vst v63  }
0x17e: {  	s28 =	spop (v2sf)  }
0x17f: {  	s28 =	sand.u32 $0x1FFFFFF0, s28  }
0x180: {  	s28 =	sadd.s32 s3, s28  }
0x181: {  	[tilespmem:s19], [sflag:$0x2] =	stream.linear.gather [hbm4b:s28+s2], $0x80, $0x38;
	[tilespmem:$0x4000] =	vst v63  }
0x182: {  	s28 =	spop (v2sf)  }
0x183: {  	s28 =	sand.u32 $0x1FFFFFF0, s28  }
0x184: {  	p0 =	seq.s32 s25, $0x1E00;
	s28 =	sadd.s32 s3, s28  }
0x185: {  	[tilespmem:s20], [sflag:$0x2] =	stream.linear.gather [hbm4b:s28+s2], $0x80, $0x38;
	[tilespmem:$0x4000] =	vst v63  }
.Ltmp8:
0x186: {  	_ = 	snop;
	(pc) =	sbr.rel @p0 .LBB2_8-.Ltmp8, $4  }
0x187: {  	_ =	swait.ge [sflag:s21], $0x800  }
0x188: {  	[sflag:s21] =	ssyncset.done $0x0  }
0x189: {  	s28 =	sadd.s32 s25, s9;
	[sflag:s21] =	ssyncadd.s32 $0xFFFFF800  }
0x18a: {  	[hbm4b:s28+s2] =	stream.linear.scatter [tilespmem:s14], [sflag:$0x3], $0x800, $0x38;
	[tilespmem:$0x4000] =	vst v63  }
0x18b: {  	v0 =	vld [tilespmem:s26+$0x0];
	_ =	sdelay $0x4  }
0x18c: {  	v0 =	vshll.u32 v0, $0x4  }
0x18d: {  	(v2sf) =	vpush v0, $0x0;
	_ =	sdelay $0x1  }
0x18e: {  	(v2sf) =	vpush v0, $0x1;
	_ =	sdelay $0x4  }
0x18f: {  	(v2sf) =	vpush v0, $0x2;
	_ =	sdelay $0x3  }
0x190: {  	(v2sf) =	vpush v0, $0x3;
	_ =	sdelay $0x3  }
0x191: {  	s29 =	spop (v2sf);
	(v2sf) =	vpush v0, $0x4  }
0x192: {  	s29 =	sand.u32 $0x1FFFFFF0, s29  }
0x193: {  	s30 =	spop (v2sf);
	s29 =	sadd.s32 s3, s29  }
0x194: {  	[tilespmem:s14], [sflag:$0x1] =	stream.linear.gather [hbm4b:s29+s2], $0x80, $0x38;
	[tilespmem:$0x4000] =	vst v63  }
0x195: {  	(v2sf) =	vpush v0, $0x5;
	s29 =	sand.u32 $0x1FFFFFF0, s30  }
0x196: {  	s30 =	simm.s32 $0x3080;
	s29 =	sadd.s32 s3, s29  }
0x197: {  	[tilespmem:s30], [sflag:$0x1] =	stream.linear.gather [hbm4b:s29+s2], $0x80, $0x38;
	[tilespmem:$0x4000] =	vst v63  }
0x198: {  	s30 =	spop (v2sf)  }
0x199: {  	(v2sf) =	vpush v0, $0x6;
	s29 =	sand.u32 $0x1FFFFFF0, s30  }
0x19a: {  	s30 =	simm.s32 $0x3100;
	s29 =	sadd.s32 s3, s29  }
0x19b: {  	[tilespmem:s30], [sflag:$0x1] =	stream.linear.gather [hbm4b:s29+s2], $0x80, $0x38;
	[tilespmem:$0x4000] =	vst v63  }
0x19c: {  	s30 =	spop (v2sf)  }
0x19d: {  	(v2sf) =	vpush v0, $0x7;
	s29 =	sand.u32 $0x1FFFFFF0, s30  }
0x19e: {  	s30 =	simm.s32 $0x3180;
	s29 =	sadd.s32 s3, s29  }
0x19f: {  	[tilespmem:s30], [sflag:$0x1] =	stream.linear.gather [hbm4b:s29+s2], $0x80, $0x38;
	[tilespmem:$0x4000] =	vst v63  }
0x1a0: {  	s30 =	spop (v2sf)  }
0x1a1: {  	(v2sf) =	vpush v0, $0x8;
	s29 =	sand.u32 $0x1FFFFFF0, s30  }
0x1a2: {  	s30 =	simm.s32 $0x3200;
	s29 =	sadd.s32 s3, s29  }
0x1a3: {  	[tilespmem:s30], [sflag:$0x1] =	stream.linear.gather [hbm4b:s29+s2], $0x80, $0x38;
	[tilespmem:$0x4000] =	vst v63  }
0x1a4: {  	s30 =	spop (v2sf)  }
0x1a5: {  	(v2sf) =	vpush v0, $0x9;
	s29 =	sand.u32 $0x1FFFFFF0, s30  }
0x1a6: {  	s30 =	simm.s32 $0x3280;
	s29 =	sadd.s32 s3, s29  }
0x1a7: {  	[tilespmem:s30], [sflag:$0x1] =	stream.linear.gather [hbm4b:s29+s2], $0x80, $0x38;
	[tilespmem:$0x4000] =	vst v63  }
0x1a8: {  	s30 =	spop (v2sf)  }
0x1a9: {  	(v2sf) =	vpush v0, $0xA;
	s29 =	sand.u32 $0x1FFFFFF0, s30  }
0x1aa: {  	s30 =	simm.s32 $0x3300;
	s29 =	sadd.s32 s3, s29  }
0x1ab: {  	[tilespmem:s30], [sflag:$0x1] =	stream.linear.gather [hbm4b:s29+s2], $0x80, $0x38;
	[tilespmem:$0x4000] =	vst v63  }
0x1ac: {  	s30 =	spop (v2sf)  }
0x1ad: {  	(v2sf) =	vpush v0, $0xB;
	s29 =	sand.u32 $0x1FFFFFF0, s30  }
0x1ae: {  	s30 =	simm.s32 $0x3380;
	s29 =	sadd.s32 s3, s29  }
0x1af: {  	[tilespmem:s30], [sflag:$0x1] =	stream.linear.gather [hbm4b:s29+s2], $0x80, $0x38;
	[tilespmem:$0x4000] =	vst v63  }
0x1b0: {  	s30 =	spop (v2sf)  }
0x1b1: {  	(v2sf) =	vpush v0, $0xC;
	s29 =	sand.u32 $0x1FFFFFF0, s30  }
0x1b2: {  	s30 =	simm.s32 $0x3400;
	s29 =	sadd.s32 s3, s29  }
0x1b3: {  	[tilespmem:s30], [sflag:$0x1] =	stream.linear.gather [hbm4b:s29+s2], $0x80, $0x38;
	[tilespmem:$0x4000] =	vst v63  }
0x1b4: {  	s30 =	spop (v2sf)  }
0x1b5: {  	(v2sf) =	vpush v0, $0xD;
	s29 =	sand.u32 $0x1FFFFFF0, s30  }
0x1b6: {  	s30 =	simm.s32 $0x3480;
	s29 =	sadd.s32 s3, s29  }
0x1b7: {  	[tilespmem:s30], [sflag:$0x1] =	stream.linear.gather [hbm4b:s29+s2], $0x80, $0x38;
	[tilespmem:$0x4000] =	vst v63  }
0x1b8: {  	s30 =	spop (v2sf)  }
0x1b9: {  	(v2sf) =	vpush v0, $0xE;
	s29 =	sand.u32 $0x1FFFFFF0, s30  }
0x1ba: {  	s30 =	simm.s32 $0x3500;
	s29 =	sadd.s32 s3, s29  }
0x1bb: {  	[tilespmem:s30], [sflag:$0x1] =	stream.linear.gather [hbm4b:s29+s2], $0x80, $0x38;
	[tilespmem:$0x4000] =	vst v63  }
0x1bc: {  	s30 =	spop (v2sf)  }
0x1bd: {  	s29 =	sand.u32 $0x1FFFFFF0, s30  }
0x1be: {  	(v2sf) =	vpush v0, $0xF;
	s30 =	simm.s32 $0x3580;
	s29 =	sadd.s32 s3, s29  }
0x1bf: {  	[tilespmem:s30], [sflag:$0x1] =	stream.linear.gather [hbm4b:s29+s2], $0x80, $0x38;
	[tilespmem:$0x4000] =	vst v63  }
0x1c0: {  	s30 =	spop (v2sf)  }
0x1c1: {  	s29 =	sand.u32 $0x1FFFFFF0, s30  }
0x1c2: {  	s30 =	simm.s32 $0x3600;
	s29 =	sadd.s32 s3, s29  }
0x1c3: {  	[tilespmem:s30], [sflag:$0x1] =	stream.linear.gather [hbm4b:s29+s2], $0x80, $0x38;
	[tilespmem:$0x4000] =	vst v63  }
0x1c4: {  	s30 =	spop (v2sf)  }
0x1c5: {  	s29 =	sand.u32 $0x1FFFFFF0, s30  }
0x1c6: {  	s30 =	simm.s32 $0x3680;
	s29 =	sadd.s32 s3, s29  }
0x1c7: {  	[tilespmem:s30], [sflag:$0x1] =	stream.linear.gather [hbm4b:s29+s2], $0x80, $0x38;
	[tilespmem:$0x4000] =	vst v63  }
0x1c8: {  	s30 =	spop (v2sf)  }
0x1c9: {  	s29 =	sand.u32 $0x1FFFFFF0, s30  }
0x1ca: {  	s30 =	simm.s32 $0x3700;
	s29 =	sadd.s32 s3, s29  }
0x1cb: {  	[tilespmem:s30], [sflag:$0x1] =	stream.linear.gather [hbm4b:s29+s2], $0x80, $0x38;
	[tilespmem:$0x4000] =	vst v63  }
.Ltmp9:
0x1cc: {  	_ = 	snop;
	(pc) =	sbr.rel .LBB2_8-.Ltmp9, $4  }
0x1cd: {  	s30 =	spop (v2sf)  }
0x1ce: {  	s29 =	sand.u32 $0x1FFFFFF0, s30  }
0x1cf: {  	s30 =	simm.s32 $0x3780;
	s29 =	sadd.s32 s3, s29  }
0x1d0: {  	[tilespmem:s30], [sflag:$0x1] =	stream.linear.gather [hbm4b:s29+s2], $0x80, $0x38;
	[tilespmem:$0x4000] =	vst v63  }
.LBB2_9:
0x1d1: {  	v0 =	vld [tilespmem:$0x2000];
	_ =	sdelay $0x4  }
0x1d2: {  	v0 =	vshll.u32 v0, $0x4  }
0x1d3: {  	(v2sf) =	vpush v0, $0x0;
	_ =	sdelay $0x1  }
0x1d4: {  	(v2sf) =	vpush v0, $0x1;
	_ =	sdelay $0x2  }
0x1d5: {  	(v2sf) =	vpush v0, $0x2;
	_ =	sdelay $0x4  }
0x1d6: {  	(v2sf) =	vpush v0, $0x3;
	_ =	sdelay $0x4  }
0x1d7: {  	s25 =	spop (v2sf);
	(v2sf) =	vpush v0, $0x4;
	_ =	sdelay $0x1  }
0x1d8: {  	s28 =	spop (v2sf);
	(v2sf) =	vpush v0, $0x5;
	_ =	sdelay $0x1  }
0x1d9: {  	s25 =	sand.u32 $0x1FFFFFF0, s25  }
0x1da: {  	s26 =	sadd.s32 s3, s25;
	s25 =	simm.s32 $0x0;
	s29 =	spop (v2sf);
	(v2sf) =	vpush v0, $0x6  }
0x1db: {  	[tilespmem:s14], [sflag:$0x1] =	stream.linear.gather [hbm4b:s26+s25], $0x80, $0x38;
	[tilespmem:$0x4000] =	vst v63  }
0x1dc: {  	s26 =	sand.u32 $0x1FFFFFF0, s28  }
0x1dd: {  	s28 =	simm.s32 $0x3080;
	s26 =	sadd.s32 s3, s26  }
0x1de: {  	[tilespmem:s28], [sflag:$0x1] =	stream.linear.gather [hbm4b:s26+s25], $0x80, $0x38;
	[tilespmem:$0x4000] =	vst v63  }
0x1df: {  	s26 =	sand.u32 $0x1FFFFFF0, s29;
	s29 =	spop (v2sf);
	(v2sf) =	vpush v0, $0x7;
	_ =	sdelay $0x1  }
0x1e0: {  	s30 =	simm.s32 $0x3100;
	s26 =	sadd.s32 s3, s26  }
0x1e1: {  	[tilespmem:s30], [sflag:$0x1] =	stream.linear.gather [hbm4b:s26+s25], $0x80, $0x38;
	[tilespmem:$0x4000] =	vst v63  }
0x1e2: {  	s26 =	sand.u32 $0x1FFFFFF0, s29  }
0x1e3: {  	s30 =	simm.s32 $0x3180;
	s26 =	sadd.s32 s3, s26;
	s29 =	spop (v2sf);
	(v2sf) =	vpush v0, $0x8  }
0x1e4: {  	[tilespmem:s30], [sflag:$0x1] =	stream.linear.gather [hbm4b:s26+s25], $0x80, $0x38;
	[tilespmem:$0x4000] =	vst v63  }
0x1e5: {  	s26 =	sand.u32 $0x1FFFFFF0, s29;
	s29 =	spop (v2sf);
	(v2sf) =	vpush v0, $0x9  }
0x1e6: {  	s30 =	simm.s32 $0x3200;
	s26 =	sadd.s32 s3, s26  }
0x1e7: {  	[tilespmem:s30], [sflag:$0x1] =	stream.linear.gather [hbm4b:s26+s25], $0x80, $0x38;
	[tilespmem:$0x4000] =	vst v63  }
0x1e8: {  	s26 =	sand.u32 $0x1FFFFFF0, s29;
	s29 =	spop (v2sf);
	(v2sf) =	vpush v0, $0xA;
	_ =	sdelay $0x2  }
0x1e9: {  	s30 =	simm.s32 $0x3280;
	s26 =	sadd.s32 s3, s26  }
0x1ea: {  	[tilespmem:s30], [sflag:$0x1] =	stream.linear.gather [hbm4b:s26+s25], $0x80, $0x38;
	[tilespmem:$0x4000] =	vst v63  }
0x1eb: {  	s26 =	sand.u32 $0x1FFFFFF0, s29;
	s29 =	spop (v2sf);
	(v2sf) =	vpush v0, $0xB;
	_ =	sdelay $0x1  }
0x1ec: {  	s30 =	simm.s32 $0x3300;
	s26 =	sadd.s32 s3, s26  }
0x1ed: {  	[tilespmem:s30], [sflag:$0x1] =	stream.linear.gather [hbm4b:s26+s25], $0x80, $0x38;
	[tilespmem:$0x4000] =	vst v63  }
0x1ee: {  	s26 =	sand.u32 $0x1FFFFFF0, s29  }
0x1ef: {  	s30 =	simm.s32 $0x3380;
	s26 =	sadd.s32 s3, s26;
	s29 =	spop (v2sf);
	(v2sf) =	vpush v0, $0xC  }
0x1f0: {  	[tilespmem:s30], [sflag:$0x1] =	stream.linear.gather [hbm4b:s26+s25], $0x80, $0x38;
	[tilespmem:$0x4000] =	vst v63  }
0x1f1: {  	s26 =	sand.u32 $0x1FFFFFF0, s29;
	s29 =	spop (v2sf);
	(v2sf) =	vpush v0, $0xD  }
0x1f2: {  	s30 =	simm.s32 $0x3400;
	s26 =	sadd.s32 s3, s26  }
0x1f3: {  	[tilespmem:s30], [sflag:$0x1] =	stream.linear.gather [hbm4b:s26+s25], $0x80, $0x38;
	[tilespmem:$0x4000] =	vst v63  }
0x1f4: {  	s26 =	sand.u32 $0x1FFFFFF0, s29;
	s29 =	spop (v2sf);
	(v2sf) =	vpush v0, $0xE;
	_ =	sdelay $0x1  }
0x1f5: {  	s30 =	simm.s32 $0x3480;
	s26 =	sadd.s32 s3, s26  }
0x1f6: {  	[tilespmem:s30], [sflag:$0x1] =	stream.linear.gather [hbm4b:s26+s25], $0x80, $0x38;
	[tilespmem:$0x4000] =	vst v63  }
0x1f7: {  	s26 =	sand.u32 $0x1FFFFFF0, s29  }
0x1f8: {  	s30 =	simm.s32 $0x3500;
	s29 =	spop (v2sf);
	(v2sf) =	vpush v0, $0xF;
	s26 =	sadd.s32 s3, s26  }
0x1f9: {  	[tilespmem:s30], [sflag:$0x1] =	stream.linear.gather [hbm4b:s26+s25], $0x80, $0x38;
	[tilespmem:$0x4000] =	vst v63  }
0x1fa: {  	s26 =	sand.u32 $0x1FFFFFF0, s29  }
0x1fb: {  	s30 =	simm.s32 $0x3580;
	s26 =	sadd.s32 s3, s26  }
0x1fc: {  	[tilespmem:s30], [sflag:$0x1] =	stream.linear.gather [hbm4b:s26+s25], $0x80, $0x38;
	[tilespmem:$0x4000] =	vst v63  }
0x1fd: {  	s29 =	spop (v2sf)  }
0x1fe: {  	s26 =	sand.u32 $0x1FFFFFF0, s29  }
0x1ff: {  	s30 =	simm.s32 $0x3600;
	s29 =	spop (v2sf);
	s26 =	sadd.s32 s3, s26  }
0x200: {  	[tilespmem:s30], [sflag:$0x1] =	stream.linear.gather [hbm4b:s26+s25], $0x80, $0x38;
	[tilespmem:$0x4000] =	vst v63  }
0x201: {  	s26 =	sand.u32 $0x1FFFFFF0, s29  }
0x202: {  	s30 =	simm.s32 $0x3680;
	s29 =	spop (v2sf);
	s26 =	sadd.s32 s3, s26  }
0x203: {  	[tilespmem:s30], [sflag:$0x1] =	stream.linear.gather [hbm4b:s26+s25], $0x80, $0x38;
	[tilespmem:$0x4000] =	vst v63  }
0x204: {  	s26 =	sand.u32 $0x1FFFFFF0, s29  }
0x205: {  	s30 =	simm.s32 $0x3700;
	s26 =	sadd.s32 s3, s26  }
0x206: {  	[tilespmem:s30], [sflag:$0x1] =	stream.linear.gather [hbm4b:s26+s25], $0x80, $0x38;
	[tilespmem:$0x4000] =	vst v63  }
.Ltmp10:
0x207: {  	s29 =	spop (v2sf);
	(pc) =	sbr.rel .LBB2_10-.Ltmp10, $4  }
0x208: {  	s26 =	sand.u32 $0x1FFFFFF0, s29  }
0x209: {  	s30 =	simm.s32 $0x3780;
	s26 =	sadd.s32 s3, s26  }
0x20a: {  	[tilespmem:s30], [sflag:$0x1] =	stream.linear.gather [hbm4b:s26+s25], $0x80, $0x38;
	[tilespmem:$0x4000] =	vst v63  }
0x20b: {  	s26 =	simm.s32 $0x2100  }
.LBB2_12:
0x20c: {  	_ =	swait.ge [sflag:s22], $0x800  }
0x20d: {  	[sflag:s22] =	ssyncset.done $0x0  }
0x20e: {  	s28 =	sadd.s32 $0x100, s28;
	s25 =	sadd.s32 $0x200, s25;
	[sflag:s22] =	ssyncadd.s32 $0xFFFFF800  }
0x20f: {  	[hbm4b:s28+s2] =	stream.linear.scatter [tilespmem:s31], [sflag:$0x4], $0x800, $0x38;
	[tilespmem:$0x4000] =	vst v63  }
0x210: {  	p0 =	sne.s32 s25, $0x2000;
	_ =	swait.ge [sflag:s23], $0x800  }
.Ltmp11:
0x211: {  	[sflag:s23] =	ssyncset.done $0x0;
	(pc) =	sbr.rel @!p0 .LBB2_13-.Ltmp11, $4  }
0x212: {  	[sflag:s23] =	ssyncadd.s32 $0xFFFFF800  }
0x213: {  	_ =	swait.ge [sflag:s24], $0x800  }
0x214: {  	[sflag:s24] =	ssyncset.done $0x0  }
0x215: {  	s26 =	sadd.s32 $0x100, s26;
	[sflag:s24] =	ssyncadd.s32 $0xFFFFF800  }
.LBB2_10:
0x216: {  	v0 =	vld [tilespmem:s26+$0xFFFFFF80];
	_ =	sdelay $0x4  }
0x217: {  	v0 =	vshll.u32 v0, $0x4  }
0x218: {  	(v2sf) =	vpush v0, $0x0;
	_ =	sdelay $0x3  }
0x219: {  	(v2sf) =	vpush v0, $0x1;
	_ =	sdelay $0x3  }
0x21a: {  	(v2sf) =	vpush v0, $0x2;
	_ =	sdelay $0x3  }
0x21b: {  	(v2sf) =	vpush v0, $0x3;
	_ =	sdelay $0x2  }
0x21c: {  	s28 =	spop (v2sf)  }
0x21d: {  	(v2sf) =	vpush v0, $0x4;
	s28 =	sand.u32 $0x1FFFFFF0, s28  }
0x21e: {  	s28 =	sadd.s32 s3, s28  }
0x21f: {  	[tilespmem:s31], [sflag:$0x2] =	stream.linear.gather [hbm4b:s28+s2], $0x80, $0x38;
	[tilespmem:$0x4000] =	vst v63  }
0x220: {  	s28 =	spop (v2sf)  }
0x221: {  	(v2sf) =	vpush v0, $0x5;
	s28 =	sand.u32 $0x1FFFFFF0, s28  }
0x222: {  	s28 =	sadd.s32 s3, s28  }
0x223: {  	[tilespmem:s0], [sflag:$0x2] =	stream.linear.gather [hbm4b:s28+s2], $0x80, $0x38;
	[tilespmem:$0x4000] =	vst v63  }
0x224: {  	s28 =	spop (v2sf)  }
0x225: {  	(v2sf) =	vpush v0, $0x6;
	s28 =	sand.u32 $0x1FFFFFF0, s28  }
0x226: {  	s28 =	sadd.s32 s3, s28  }
0x227: {  	[tilespmem:s1], [sflag:$0x2] =	stream.linear.gather [hbm4b:s28+s2], $0x80, $0x38;
	[tilespmem:$0x4000] =	vst v63  }
0x228: {  	s28 =	spop (v2sf)  }
0x229: {  	(v2sf) =	vpush v0, $0x7;
	s28 =	sand.u32 $0x1FFFFFF0, s28  }
0x22a: {  	s28 =	sadd.s32 s3, s28  }
0x22b: {  	[tilespmem:s12], [sflag:$0x2] =	stream.linear.gather [hbm4b:s28+s2], $0x80, $0x38;
	[tilespmem:$0x4000] =	vst v63  }
0x22c: {  	s28 =	spop (v2sf)  }
0x22d: {  	(v2sf) =	vpush v0, $0x8;
	s28 =	sand.u32 $0x1FFFFFF0, s28  }
0x22e: {  	s28 =	sadd.s32 s3, s28  }
0x22f: {  	[tilespmem:s13], [sflag:$0x2] =	stream.linear.gather [hbm4b:s28+s2], $0x80, $0x38;
	[tilespmem:$0x4000] =	vst v63  }
0x230: {  	s28 =	spop (v2sf)  }
0x231: {  	(v2sf) =	vpush v0, $0x9;
	s28 =	sand.u32 $0x1FFFFFF0, s28  }
0x232: {  	s28 =	sadd.s32 s3, s28  }
0x233: {  	[tilespmem:s4], [sflag:$0x2] =	stream.linear.gather [hbm4b:s28+s2], $0x80, $0x38;
	[tilespmem:$0x4000] =	vst v63  }
0x234: {  	s28 =	spop (v2sf)  }
0x235: {  	(v2sf) =	vpush v0, $0xA;
	s28 =	sand.u32 $0x1FFFFFF0, s28  }
0x236: {  	s28 =	sadd.s32 s3, s28  }
0x237: {  	[tilespmem:s5], [sflag:$0x2] =	stream.linear.gather [hbm4b:s28+s2], $0x80, $0x38;
	[tilespmem:$0x4000] =	vst v63  }
0x238: {  	s28 =	spop (v2sf)  }
0x239: {  	(v2sf) =	vpush v0, $0xB;
	s28 =	sand.u32 $0x1FFFFFF0, s28  }
0x23a: {  	s28 =	sadd.s32 s3, s28  }
0x23b: {  	[tilespmem:s6], [sflag:$0x2] =	stream.linear.gather [hbm4b:s28+s2], $0x80, $0x38;
	[tilespmem:$0x4000] =	vst v63  }
0x23c: {  	s28 =	spop (v2sf)  }
0x23d: {  	(v2sf) =	vpush v0, $0xC;
	s28 =	sand.u32 $0x1FFFFFF0, s28  }
0x23e: {  	s28 =	sadd.s32 s3, s28  }
0x23f: {  	[tilespmem:s7], [sflag:$0x2] =	stream.linear.gather [hbm4b:s28+s2], $0x80, $0x38;
	[tilespmem:$0x4000] =	vst v63  }
0x240: {  	s28 =	spop (v2sf)  }
0x241: {  	(v2sf) =	vpush v0, $0xD;
	s28 =	sand.u32 $0x1FFFFFF0, s28  }
0x242: {  	s28 =	sadd.s32 s3, s28  }
0x243: {  	[tilespmem:s11], [sflag:$0x2] =	stream.linear.gather [hbm4b:s28+s2], $0x80, $0x38;
	[tilespmem:$0x4000] =	vst v63  }
0x244: {  	s28 =	spop (v2sf)  }
0x245: {  	(v2sf) =	vpush v0, $0xE;
	s28 =	sand.u32 $0x1FFFFFF0, s28  }
0x246: {  	s28 =	sadd.s32 s3, s28  }
0x247: {  	[tilespmem:s15], [sflag:$0x2] =	stream.linear.gather [hbm4b:s28+s2], $0x80, $0x38;
	[tilespmem:$0x4000] =	vst v63  }
0x248: {  	s28 =	spop (v2sf)  }
0x249: {  	(v2sf) =	vpush v0, $0xF;
	s28 =	sand.u32 $0x1FFFFFF0, s28  }
0x24a: {  	s28 =	sadd.s32 s3, s28  }
0x24b: {  	[tilespmem:s16], [sflag:$0x2] =	stream.linear.gather [hbm4b:s28+s2], $0x80, $0x38;
	[tilespmem:$0x4000] =	vst v63  }
0x24c: {  	s28 =	spop (v2sf)  }
0x24d: {  	s28 =	sand.u32 $0x1FFFFFF0, s28  }
0x24e: {  	s28 =	sadd.s32 s3, s28  }
0x24f: {  	[tilespmem:s17], [sflag:$0x2] =	stream.linear.gather [hbm4b:s28+s2], $0x80, $0x38;
	[tilespmem:$0x4000] =	vst v63  }
0x250: {  	s28 =	spop (v2sf)  }
0x251: {  	s28 =	sand.u32 $0x1FFFFFF0, s28  }
0x252: {  	s28 =	sadd.s32 s3, s28  }
0x253: {  	[tilespmem:s18], [sflag:$0x2] =	stream.linear.gather [hbm4b:s28+s2], $0x80, $0x38;
	[tilespmem:$0x4000] =	vst v63  }
0x254: {  	s28 =	spop (v2sf)  }
0x255: {  	s28 =	sand.u32 $0x1FFFFFF0, s28  }
0x256: {  	s28 =	sadd.s32 s3, s28  }
0x257: {  	[tilespmem:s19], [sflag:$0x2] =	stream.linear.gather [hbm4b:s28+s2], $0x80, $0x38;
	[tilespmem:$0x4000] =	vst v63  }
0x258: {  	s28 =	spop (v2sf)  }
0x259: {  	s28 =	sand.u32 $0x1FFFFFF0, s28  }
0x25a: {  	p0 =	seq.s32 s25, $0x1E00;
	s28 =	sadd.s32 s3, s28  }
0x25b: {  	[tilespmem:s20], [sflag:$0x2] =	stream.linear.gather [hbm4b:s28+s2], $0x80, $0x38;
	[tilespmem:$0x4000] =	vst v63  }
.Ltmp12:
0x25c: {  	_ = 	snop;
	(pc) =	sbr.rel @p0 .LBB2_12-.Ltmp12, $4  }
0x25d: {  	_ =	swait.ge [sflag:s21], $0x800  }
0x25e: {  	[sflag:s21] =	ssyncset.done $0x0  }
0x25f: {  	s28 =	sadd.s32 s25, s10;
	[sflag:s21] =	ssyncadd.s32 $0xFFFFF800  }
0x260: {  	[hbm4b:s28+s2] =	stream.linear.scatter [tilespmem:s14], [sflag:$0x3], $0x800, $0x38;
	[tilespmem:$0x4000] =	vst v63  }
0x261: {  	v0 =	vld [tilespmem:s26+$0x0];
	_ =	sdelay $0x4  }
0x262: {  	v0 =	vshll.u32 v0, $0x4  }
0x263: {  	(v2sf) =	vpush v0, $0x0;
	_ =	sdelay $0x1  }
0x264: {  	(v2sf) =	vpush v0, $0x1;
	_ =	sdelay $0x4  }
0x265: {  	(v2sf) =	vpush v0, $0x2;
	_ =	sdelay $0x3  }
0x266: {  	(v2sf) =	vpush v0, $0x3;
	_ =	sdelay $0x3  }
0x267: {  	s29 =	spop (v2sf);
	(v2sf) =	vpush v0, $0x4  }
0x268: {  	s29 =	sand.u32 $0x1FFFFFF0, s29  }
0x269: {  	s30 =	spop (v2sf);
	s29 =	sadd.s32 s3, s29  }
0x26a: {  	[tilespmem:s14], [sflag:$0x1] =	stream.linear.gather [hbm4b:s29+s2], $0x80, $0x38;
	[tilespmem:$0x4000] =	vst v63  }
0x26b: {  	(v2sf) =	vpush v0, $0x5;
	s29 =	sand.u32 $0x1FFFFFF0, s30  }
0x26c: {  	s30 =	simm.s32 $0x3080;
	s29 =	sadd.s32 s3, s29  }
0x26d: {  	[tilespmem:s30], [sflag:$0x1] =	stream.linear.gather [hbm4b:s29+s2], $0x80, $0x38;
	[tilespmem:$0x4000] =	vst v63  }
0x26e: {  	s30 =	spop (v2sf)  }
0x26f: {  	(v2sf) =	vpush v0, $0x6;
	s29 =	sand.u32 $0x1FFFFFF0, s30  }
0x270: {  	s30 =	simm.s32 $0x3100;
	s29 =	sadd.s32 s3, s29  }
0x271: {  	[tilespmem:s30], [sflag:$0x1] =	stream.linear.gather [hbm4b:s29+s2], $0x80, $0x38;
	[tilespmem:$0x4000] =	vst v63  }
0x272: {  	s30 =	spop (v2sf)  }
0x273: {  	(v2sf) =	vpush v0, $0x7;
	s29 =	sand.u32 $0x1FFFFFF0, s30  }
0x274: {  	s30 =	simm.s32 $0x3180;
	s29 =	sadd.s32 s3, s29  }
0x275: {  	[tilespmem:s30], [sflag:$0x1] =	stream.linear.gather [hbm4b:s29+s2], $0x80, $0x38;
	[tilespmem:$0x4000] =	vst v63  }
0x276: {  	s30 =	spop (v2sf)  }
0x277: {  	(v2sf) =	vpush v0, $0x8;
	s29 =	sand.u32 $0x1FFFFFF0, s30  }
0x278: {  	s30 =	simm.s32 $0x3200;
	s29 =	sadd.s32 s3, s29  }
0x279: {  	[tilespmem:s30], [sflag:$0x1] =	stream.linear.gather [hbm4b:s29+s2], $0x80, $0x38;
	[tilespmem:$0x4000] =	vst v63  }
0x27a: {  	s30 =	spop (v2sf)  }
0x27b: {  	(v2sf) =	vpush v0, $0x9;
	s29 =	sand.u32 $0x1FFFFFF0, s30  }
0x27c: {  	s30 =	simm.s32 $0x3280;
	s29 =	sadd.s32 s3, s29  }
0x27d: {  	[tilespmem:s30], [sflag:$0x1] =	stream.linear.gather [hbm4b:s29+s2], $0x80, $0x38;
	[tilespmem:$0x4000] =	vst v63  }
0x27e: {  	s30 =	spop (v2sf)  }
0x27f: {  	(v2sf) =	vpush v0, $0xA;
	s29 =	sand.u32 $0x1FFFFFF0, s30  }
0x280: {  	s30 =	simm.s32 $0x3300;
	s29 =	sadd.s32 s3, s29  }
0x281: {  	[tilespmem:s30], [sflag:$0x1] =	stream.linear.gather [hbm4b:s29+s2], $0x80, $0x38;
	[tilespmem:$0x4000] =	vst v63  }
0x282: {  	s30 =	spop (v2sf)  }
0x283: {  	(v2sf) =	vpush v0, $0xB;
	s29 =	sand.u32 $0x1FFFFFF0, s30  }
0x284: {  	s30 =	simm.s32 $0x3380;
	s29 =	sadd.s32 s3, s29  }
0x285: {  	[tilespmem:s30], [sflag:$0x1] =	stream.linear.gather [hbm4b:s29+s2], $0x80, $0x38;
	[tilespmem:$0x4000] =	vst v63  }
0x286: {  	s30 =	spop (v2sf)  }
0x287: {  	(v2sf) =	vpush v0, $0xC;
	s29 =	sand.u32 $0x1FFFFFF0, s30  }
0x288: {  	s30 =	simm.s32 $0x3400;
	s29 =	sadd.s32 s3, s29  }
0x289: {  	[tilespmem:s30], [sflag:$0x1] =	stream.linear.gather [hbm4b:s29+s2], $0x80, $0x38;
	[tilespmem:$0x4000] =	vst v63  }
0x28a: {  	s30 =	spop (v2sf)  }
0x28b: {  	(v2sf) =	vpush v0, $0xD;
	s29 =	sand.u32 $0x1FFFFFF0, s30  }
0x28c: {  	s30 =	simm.s32 $0x3480;
	s29 =	sadd.s32 s3, s29  }
0x28d: {  	[tilespmem:s30], [sflag:$0x1] =	stream.linear.gather [hbm4b:s29+s2], $0x80, $0x38;
	[tilespmem:$0x4000] =	vst v63  }
0x28e: {  	s30 =	spop (v2sf)  }
0x28f: {  	(v2sf) =	vpush v0, $0xE;
	s29 =	sand.u32 $0x1FFFFFF0, s30  }
0x290: {  	s30 =	simm.s32 $0x3500;
	s29 =	sadd.s32 s3, s29  }
0x291: {  	[tilespmem:s30], [sflag:$0x1] =	stream.linear.gather [hbm4b:s29+s2], $0x80, $0x38;
	[tilespmem:$0x4000] =	vst v63  }
0x292: {  	s30 =	spop (v2sf)  }
0x293: {  	s29 =	sand.u32 $0x1FFFFFF0, s30  }
0x294: {  	(v2sf) =	vpush v0, $0xF;
	s30 =	simm.s32 $0x3580;
	s29 =	sadd.s32 s3, s29  }
0x295: {  	[tilespmem:s30], [sflag:$0x1] =	stream.linear.gather [hbm4b:s29+s2], $0x80, $0x38;
	[tilespmem:$0x4000] =	vst v63  }
0x296: {  	s30 =	spop (v2sf)  }
0x297: {  	s29 =	sand.u32 $0x1FFFFFF0, s30  }
0x298: {  	s30 =	simm.s32 $0x3600;
	s29 =	sadd.s32 s3, s29  }
0x299: {  	[tilespmem:s30], [sflag:$0x1] =	stream.linear.gather [hbm4b:s29+s2], $0x80, $0x38;
	[tilespmem:$0x4000] =	vst v63  }
0x29a: {  	s30 =	spop (v2sf)  }
0x29b: {  	s29 =	sand.u32 $0x1FFFFFF0, s30  }
0x29c: {  	s30 =	simm.s32 $0x3680;
	s29 =	sadd.s32 s3, s29  }
0x29d: {  	[tilespmem:s30], [sflag:$0x1] =	stream.linear.gather [hbm4b:s29+s2], $0x80, $0x38;
	[tilespmem:$0x4000] =	vst v63  }
0x29e: {  	s30 =	spop (v2sf)  }
0x29f: {  	s29 =	sand.u32 $0x1FFFFFF0, s30  }
0x2a0: {  	s30 =	simm.s32 $0x3700;
	s29 =	sadd.s32 s3, s29  }
0x2a1: {  	[tilespmem:s30], [sflag:$0x1] =	stream.linear.gather [hbm4b:s29+s2], $0x80, $0x38;
	[tilespmem:$0x4000] =	vst v63  }
.Ltmp13:
0x2a2: {  	_ = 	snop;
	(pc) =	sbr.rel .LBB2_12-.Ltmp13, $4  }
0x2a3: {  	s30 =	spop (v2sf)  }
0x2a4: {  	s29 =	sand.u32 $0x1FFFFFF0, s30  }
0x2a5: {  	s30 =	simm.s32 $0x3780;
	s29 =	sadd.s32 s3, s29  }
0x2a6: {  	[tilespmem:s30], [sflag:$0x1] =	stream.linear.gather [hbm4b:s29+s2], $0x80, $0x38;
	[tilespmem:$0x4000] =	vst v63  }
.LBB2_14:
0x2a7: {  	_ =	sfence.sel $0x180000  }
0x2a8: {  	[bflag:$0x0] =	sbarrier.arrive $0xFFFF  }
0x2a9: {  	_ =	strace $0x90000047  }
0x2aa: {  	s0 =	stileid.u32;
	[bflag:$0x2] =	sbarrier.arrive $0xFFFF  }
0x2ab: {  	p0 =	sne.s32 s0, $0x0;
	s0 =	rddreg [dreg:$0x1]  }
0x2ac: {  	s0 =	sadd.s32 @!p0 $0x100000, s0  }
0x2ad: {  	[sflag:s0] =	ssyncadd.tile.s32 @!p0 $0x1;
	_ =	shalt  }
.Lfunc_end2:
_tile_overlayer_lowered:
.L_overlay_start_2:
0x2ae: {  	(tag) =	ssettag $0x2  }
0x2af: {  	s0 =	rddreg [dreg:$0x0];
	s2 =	stileid.u32  }
0x2b0: {  	s1 =	rddreg [dreg:$0x1];
	p0 =	sne.s32 s2, $0x0  }
0x2b1: {  	s3 =	rddreg [dreg:$0x2];
	[bflag:$0x3] =	sbarrier.arrive $0xFFFF;
	s2 =	simm.s32 @!p0 $0x1C05  }
0x2b2: {  	[timem:s3], [sflag:s2] =	dma.local @!p0 [hbm:s0], s1  }
0x2b3: {  	s0 =	simm.s32 @!p0 $0x5  }
0x2b4: {  	_ =	swait.ge @!p0 [sflag:s0], s1  }
0x2b5: {  	s1 =	ssub.s32 @!p0 $0x0, s1;
	[sflag:s0] =	ssyncset.done @!p0 $0x0  }
0x2b6: {  	[sflag:s0] =	ssyncadd.s32 @!p0 s1  }
0x2b7: {  	[bflag:$0x3] =	sbarrier.arrive $0xFFFF  }
0x2b8: {  	_ =	shalt  }

</sc_bundles>
